<compile_context>
chip_gen: v7x
topology: tpu7x:2x2x1
jax: 0.10.2.dev20260603
libtpu: 0.0.44.dev20260713+nightly
codegen_flags: <defaults>
</compile_context>

<pallas_src>
import functools

import jax
import jax.numpy as jnp
from jax import lax
from jax.experimental import pallas as pl
from jax.experimental.pallas import tpu as pltpu
from jax.experimental.pallas import tpu_sc as plsc

VOCAB = 1000000
D = 64
SEQ = 200
BATCH = 4096

NC = 2
NS = 16
NW = NC * NS

SPW = BATCH // NW
NBUF = 4
LANES = 16
H0 = 104
H1 = SEQ - H0

_mesh = plsc.VectorSubcoreMesh(core_axis_name="c", subcore_axis_name="s")


@functools.partial(
    pl.kernel,
    mesh=_mesh,
    compiler_params=pltpu.CompilerParams(use_tc_tiling_on_sc=False),
    out_type=jax.ShapeDtypeStruct((BATCH, SEQ, 2 * D), jnp.float32),
    scratch_types=[
        pltpu.VMEM((SPW, SEQ), jnp.int32),
        pltpu.VMEM((SEQ, D), jnp.float32),
        pltpu.VMEM((NBUF, SEQ, D), jnp.float32),
        pltpu.SemaphoreType.DMA((NBUF,)),
        pltpu.SemaphoreType.DMA((NBUF,)),
    ],
)
def _emb_kernel(table_hbm, idx_hbm, pos_hbm, out_hbm,
                idx_v, pos_v, rows_v, gsem, osem):
    wid = lax.axis_index("s") * NC + lax.axis_index("c")
    seq0 = wid * SPW

    pltpu.make_async_copy(
        idx_hbm.at[pl.ds(seq0, SPW)], idx_v, gsem.at[0]).start()
    pltpu.make_async_copy(
        pos_hbm.at[pl.ds(0, SEQ)], pos_v, osem.at[0]).start()
    pltpu.make_async_copy(
        idx_hbm.at[pl.ds(seq0, SPW)], idx_v, gsem.at[0]).wait()
    pltpu.make_async_copy(
        pos_hbm.at[pl.ds(0, SEQ)], pos_v, osem.at[0]).wait()

    def start_gather(j, b):
        pltpu.make_async_copy(
            table_hbm.at[idx_v.at[j, pl.ds(0, H0)]],
            rows_v.at[b, pl.ds(0, H0)], gsem.at[b]).start()
        pltpu.make_async_copy(
            table_hbm.at[idx_v.at[j, pl.ds(H0, H1)]],
            rows_v.at[b, pl.ds(H0, H1)], gsem.at[b]).start()

    def wait_gather(j, b):
        pltpu.make_async_copy(
            table_hbm.at[idx_v.at[j, pl.ds(0, H0)]],
            rows_v.at[b, pl.ds(0, H0)], gsem.at[b]).wait()
        pltpu.make_async_copy(
            table_hbm.at[idx_v.at[j, pl.ds(H0, H1)]],
            rows_v.at[b, pl.ds(H0, H1)], gsem.at[b]).wait()

    def start_out(j, b):
        pltpu.make_async_copy(
            rows_v.at[b], out_hbm.at[seq0 + j, slice(None), pl.ds(0, D)],
            osem.at[b]).start()

    def wait_out(j, b):
        pltpu.make_async_copy(
            rows_v.at[b], out_hbm.at[seq0 + j, slice(None), pl.ds(0, D)],
            osem.at[b]).wait()

    def add_pos(b):
        def row_body(r, carry):
            for c in range(D // LANES):
                sl = pl.ds(c * LANES, LANES)
                plsc.addupdate(rows_v.at[b, r, sl], pos_v[r, sl])
            return carry

        lax.fori_loop(0, SEQ, row_body, 0, unroll=4)

    def step(j, b, first_round):
        wait_gather(j, b)
        add_pos(b)
        start_out(j, b)
        pb = (b - 1) % NBUF
        if first_round:
            if b != 0:
                wait_out(j - 1, pb)
            start_gather(j + NBUF - 1, pb)
        else:
            @pl.when(j + NBUF - 1 < SPW)
            def _():
                wait_out(j - 1, pb)
                start_gather(j + NBUF - 1, pb)

    for b in range(NBUF - 1):
        start_gather(b, b)

    for b in range(NBUF):
        step(b, b, first_round=True)

    def outer(g, carry):
        for b in range(NBUF):
            step(g * NBUF + b, b, first_round=False)
        return carry

    lax.fori_loop(1, SPW // NBUF, outer, 0)

    for b in range(NBUF):
        wait_out(SPW - NBUF + b, b)


def kernel(encoded_words, embed_weight, pos_emb_weight):
    out = _emb_kernel(embed_weight,
                      encoded_words.astype(jnp.int32),
                      pos_emb_weight)
    return out[:, :, :D]

# --- scband reference (transcript-rebuilt; emitter-appended) ---
"""Pipeline reference for scband-embeddings-82523501626047 (READ-ONLY COPY).

The authoritative reference and input builder live on the scoring server;
editing this copy changes nothing except your own understanding.
"""

import jax, jax.numpy as jnp
import numpy as np

VOCAB_SIZE = 1000000
EMB_DIM = 64
MAX_POS = 512
BATCH = 4096
SEQ_LEN = 200


def setup_inputs(seed: int = 0) -> dict:
    key = jax.random.key(seed)
    k1, k2, k3 = jax.random.split(key, 3)
    encoded_words = jax.random.randint(k1, (BATCH, SEQ_LEN), 0, VOCAB_SIZE, dtype=jnp.int64 if jax.config.jax_enable_x64 else jnp.int32)
    embed_weight = jax.random.normal(k2, (VOCAB_SIZE, EMB_DIM), dtype=jnp.float32)
    pos_emb_weight = jax.random.normal(k3, (MAX_POS, EMB_DIM), dtype=jnp.float32)
    return {
        "encoded_words": encoded_words,
        "embed_weight": embed_weight,
        "pos_emb_weight": pos_emb_weight,
    }


def reference(encoded_words, embed_weight, pos_emb_weight):
    # max_len = encoded_words.size(1)
    max_len = encoded_words.shape[1]
    # pos = arange(max_len), expanded to encoded_words' shape
    pos = jnp.arange(max_len, dtype=encoded_words.dtype)
    pos = jnp.broadcast_to(pos[None, :], encoded_words.shape)
    # embedding lookups (gather) + add
    word_emb = jnp.take(embed_weight, encoded_words, axis=0)
    position_emb = jnp.take(pos_emb_weight, pos, axis=0)
    embedding = word_emb + position_emb
    return embedding

if __name__ == "__main__":
    import jax
    _d = setup_inputs()
    print(jax.jit(kernel)(*tuple(_d.values())))

</pallas_src>

<mosaic_0001>
#map = affine_map<(d0, d1) -> (0, 0)>
#map1 = affine_map<(d0, d1) -> (0, 0, 0)>
module attributes {stable_mosaic.version = 14 : i64} {
  func.func @_emb_kernel(%arg0: i32, %arg1: i32, %arg2: memref<1000000x64xf32, #tpu.memory_space<hbm>>, %arg3: memref<4096x200xi32, #tpu.memory_space<hbm>>, %arg4: memref<512x64xf32, #tpu.memory_space<hbm>>, %arg5: memref<4096x200x128xf32, #tpu.memory_space<hbm>>, %arg6: memref<128x200xi32, #tpu.memory_space<vmem>>, %arg7: memref<200x64xf32, #tpu.memory_space<vmem>>, %arg8: memref<4x200x64xf32, #tpu.memory_space<vmem>>, %arg9: memref<4x!tpu.dma_semaphore, #tpu.memory_space<semaphore_mem>>, %arg10: memref<4x!tpu.dma_semaphore, #tpu.memory_space<semaphore_mem>>) attributes {dimension_semantics = [#tpu.dimension_semantics<core_parallel>, #tpu.dimension_semantics<subcore_parallel>], iteration_bounds = array<i64: 2, 16>, scalar_prefetch = 0 : i64, scratch_operands = 5 : i64, tpu.core_type = #tpu.core_type<sc_vector_subcore>, window_params = [{transform_indices = #map}, {transform_indices = #map}, {transform_indices = #map}, {transform_indices = #map1}]} {
    %mul3A = arith.constant 2 : i32
    %mul3A_0 = arith.muli %arg1, %mul3A : i32
    %add3A = arith.addi %mul3A_0, %arg0 : i32
    %mul3A_1 = arith.constant 128 : i32
    %mul3A_2 = arith.muli %add3A, %mul3A_1 : i32
    %dma_start3A = arith.constant 0 : i32
    %dma_start3A_3 = arith.constant 0 : i32
    %dma_start3A_4 = tpu.memref_slice %arg3[%mul3A_2, %dma_start3A_3] : memref<4096x200xi32, #tpu.memory_space<hbm>> -> memref<128x200xi32, #tpu.memory_space<hbm>>
    %dma_start3A_5 = tpu.memref_slice %arg9[%dma_start3A] : memref<4x!tpu.dma_semaphore, #tpu.memory_space<semaphore_mem>> -> memref<1x!tpu.dma_semaphore, #tpu.memory_space<semaphore_mem>>
    %dma_start3A_6 = tpu.memref_squeeze %dma_start3A_5 : memref<1x!tpu.dma_semaphore, #tpu.memory_space<semaphore_mem>> -> memref<!tpu.dma_semaphore, #tpu.memory_space<semaphore_mem>>
    %dma_start3A_7 = arith.constant 0 : i32
    %dma_start3A_8 = tpu.memref_slice %arg3[%mul3A_2, %dma_start3A_7] : memref<4096x200xi32, #tpu.memory_space<hbm>> -> memref<128x200xi32, #tpu.memory_space<hbm>>
    tpu.enqueue_dma source(%dma_start3A_8 : memref<128x200xi32, #tpu.memory_space<hbm>>) target(%arg6 : memref<128x200xi32, #tpu.memory_space<vmem>>) target_semaphore(%dma_start3A_6 : memref<!tpu.dma_semaphore, #tpu.memory_space<semaphore_mem>>)
    %dma_start3A_9 = arith.constant 0 : i32
    %dma_start3A_10 = arith.constant 0 : i32
    %dma_start3A_11 = arith.constant 0 : i32
    %dma_start3A_12 = tpu.memref_slice %arg4[%dma_start3A_10, %dma_start3A_11] : memref<512x64xf32, #tpu.memory_space<hbm>> -> memref<200x64xf32, #tpu.memory_space<hbm>>
    %dma_start3A_13 = tpu.memref_slice %arg10[%dma_start3A_9] : memref<4x!tpu.dma_semaphore, #tpu.memory_space<semaphore_mem>> -> memref<1x!tpu.dma_semaphore, #tpu.memory_space<semaphore_mem>>
    %dma_start3A_14 = tpu.memref_squeeze %dma_start3A_13 : memref<1x!tpu.dma_semaphore, #tpu.memory_space<semaphore_mem>> -> memref<!tpu.dma_semaphore, #tpu.memory_space<semaphore_mem>>
    %dma_start3A_15 = arith.constant 0 : i32
    %dma_start3A_16 = arith.constant 0 : i32
    %dma_start3A_17 = tpu.memref_slice %arg4[%dma_start3A_15, %dma_start3A_16] : memref<512x64xf32, #tpu.memory_space<hbm>> -> memref<200x64xf32, #tpu.memory_space<hbm>>
    tpu.enqueue_dma source(%dma_start3A_17 : memref<200x64xf32, #tpu.memory_space<hbm>>) target(%arg7 : memref<200x64xf32, #tpu.memory_space<vmem>>) target_semaphore(%dma_start3A_14 : memref<!tpu.dma_semaphore, #tpu.memory_space<semaphore_mem>>)
    %dma_wait3A = arith.constant 0 : i32
    %dma_wait3A_18 = arith.constant 0 : i32
    %dma_wait3A_19 = tpu.memref_slice %arg3[%mul3A_2, %dma_wait3A_18] : memref<4096x200xi32, #tpu.memory_space<hbm>> -> memref<128x200xi32, #tpu.memory_space<hbm>>
    %dma_wait3A_20 = tpu.memref_slice %arg9[%dma_wait3A] : memref<4x!tpu.dma_semaphore, #tpu.memory_space<semaphore_mem>> -> memref<1x!tpu.dma_semaphore, #tpu.memory_space<semaphore_mem>>
    %dma_wait3A_21 = tpu.memref_squeeze %dma_wait3A_20 : memref<1x!tpu.dma_semaphore, #tpu.memory_space<semaphore_mem>> -> memref<!tpu.dma_semaphore, #tpu.memory_space<semaphore_mem>>
    %dma_wait3A_22 = arith.constant 0 : i32
    %dma_wait3A_23 = tpu.memref_slice %arg3[%mul3A_2, %dma_wait3A_22] : memref<4096x200xi32, #tpu.memory_space<hbm>> -> memref<128x200xi32, #tpu.memory_space<hbm>>
    tpu.wait_dma2 semaphore(%dma_wait3A_21 : memref<!tpu.dma_semaphore, #tpu.memory_space<semaphore_mem>>) src(%dma_wait3A_23 : memref<128x200xi32, #tpu.memory_space<hbm>>) dst(%arg6 : memref<128x200xi32, #tpu.memory_space<vmem>>)
    %dma_wait3A_24 = arith.constant 0 : i32
    %dma_wait3A_25 = arith.constant 0 : i32
    %dma_wait3A_26 = arith.constant 0 : i32
    %dma_wait3A_27 = tpu.memref_slice %arg4[%dma_wait3A_25, %dma_wait3A_26] : memref<512x64xf32, #tpu.memory_space<hbm>> -> memref<200x64xf32, #tpu.memory_space<hbm>>
    %dma_wait3A_28 = tpu.memref_slice %arg10[%dma_wait3A_24] : memref<4x!tpu.dma_semaphore, #tpu.memory_space<semaphore_mem>> -> memref<1x!tpu.dma_semaphore, #tpu.memory_space<semaphore_mem>>
    %dma_wait3A_29 = tpu.memref_squeeze %dma_wait3A_28 : memref<1x!tpu.dma_semaphore, #tpu.memory_space<semaphore_mem>> -> memref<!tpu.dma_semaphore, #tpu.memory_space<semaphore_mem>>
    %dma_wait3A_30 = arith.constant 0 : i32
    %dma_wait3A_31 = arith.constant 0 : i32
    %dma_wait3A_32 = tpu.memref_slice %arg4[%dma_wait3A_30, %dma_wait3A_31] : memref<512x64xf32, #tpu.memory_space<hbm>> -> memref<200x64xf32, #tpu.memory_space<hbm>>
    tpu.wait_dma2 semaphore(%dma_wait3A_29 : memref<!tpu.dma_semaphore, #tpu.memory_space<semaphore_mem>>) src(%dma_wait3A_32 : memref<200x64xf32, #tpu.memory_space<hbm>>) dst(%arg7 : memref<200x64xf32, #tpu.memory_space<vmem>>)
    %dma_start3A_33 = arith.constant 0 : i32
    %dma_start3A_34 = arith.constant 0 : i32
    %dma_start3A_35 = arith.constant 0 : i32
    %dma_start3A_36 = arith.constant 0 : i32
    %dma_start3A_37 = arith.constant 0 : i32
    %dma_start3A_38 = tpu.memref_slice %arg8[%dma_start3A_34, %dma_start3A_36, %dma_start3A_37] : memref<4x200x64xf32, #tpu.memory_space<vmem>> -> memref<1x104x64xf32, #tpu.memory_space<vmem>>
    %dma_start3A_39 = tpu.memref_squeeze %dma_start3A_38 : memref<1x104x64xf32, #tpu.memory_space<vmem>> -> memref<104x64xf32, #tpu.memory_space<vmem>>
    %dma_start3A_40 = arith.constant 0 : i32
    %dma_start3A_41 = tpu.memref_slice %arg6[%dma_start3A_33, %dma_start3A_40] : memref<128x200xi32, #tpu.memory_space<vmem>> -> memref<1x104xi32, #tpu.memory_space<vmem>>
    %dma_start3A_42 = tpu.memref_squeeze %dma_start3A_41 : memref<1x104xi32, #tpu.memory_space<vmem>> -> memref<104xi32, #tpu.memory_space<vmem>>
    %dma_start3A_43 = arith.constant 0 : i32
    %dma_start3A_44 = arith.constant 0 : i32
    %dma_start3A_45 = tpu.memref_slice %arg2[%dma_start3A_43, %dma_start3A_44] : memref<1000000x64xf32, #tpu.memory_space<hbm>> -> memref<1000000x64xf32, #tpu.memory_space<hbm>>
    %dma_start3A_46 = tpu.memref_slice %arg9[%dma_start3A_35] : memref<4x!tpu.dma_semaphore, #tpu.memory_space<semaphore_mem>> -> memref<1x!tpu.dma_semaphore, #tpu.memory_space<semaphore_mem>>
    %dma_start3A_47 = tpu.memref_squeeze %dma_start3A_46 : memref<1x!tpu.dma_semaphore, #tpu.memory_space<semaphore_mem>> -> memref<!tpu.dma_semaphore, #tpu.memory_space<semaphore_mem>>
    tpu.enqueue_indirect_dma source(%dma_start3A_45 : memref<1000000x64xf32, #tpu.memory_space<hbm>>) target(%dma_start3A_39 : memref<104x64xf32, #tpu.memory_space<vmem>>) offsets(%dma_start3A_42 : memref<104xi32, #tpu.memory_space<vmem>>) semaphore(%dma_start3A_47 : memref<!tpu.dma_semaphore, #tpu.memory_space<semaphore_mem>>)
    %dma_start3A_48 = arith.constant 0 : i32
    %dma_start3A_49 = arith.constant 0 : i32
    %dma_start3A_50 = arith.constant 0 : i32
    %dma_start3A_51 = arith.constant 104 : i32
    %dma_start3A_52 = arith.constant 0 : i32
    %dma_start3A_53 = tpu.memref_slice %arg8[%dma_start3A_49, %dma_start3A_51, %dma_start3A_52] : memref<4x200x64xf32, #tpu.memory_space<vmem>> -> memref<1x96x64xf32, #tpu.memory_space<vmem>>
    %dma_start3A_54 = tpu.memref_squeeze %dma_start3A_53 : memref<1x96x64xf32, #tpu.memory_space<vmem>> -> memref<96x64xf32, #tpu.memory_space<vmem>>
    %dma_start3A_55 = arith.constant 104 : i32
    %dma_start3A_56 = tpu.memref_slice %arg6[%dma_start3A_48, %dma_start3A_55] : memref<128x200xi32, #tpu.memory_space<vmem>> -> memref<1x96xi32, #tpu.memory_space<vmem>>
    %dma_start3A_57 = tpu.memref_squeeze %dma_start3A_56 : memref<1x96xi32, #tpu.memory_space<vmem>> -> memref<96xi32, #tpu.memory_space<vmem>>
    %dma_start3A_58 = arith.constant 0 : i32
    %dma_start3A_59 = arith.constant 0 : i32
    %dma_start3A_60 = tpu.memref_slice %arg2[%dma_start3A_58, %dma_start3A_59] : memref<1000000x64xf32, #tpu.memory_space<hbm>> -> memref<1000000x64xf32, #tpu.memory_space<hbm>>
    %dma_start3A_61 = tpu.memref_slice %arg9[%dma_start3A_50] : memref<4x!tpu.dma_semaphore, #tpu.memory_space<semaphore_mem>> -> memref<1x!tpu.dma_semaphore, #tpu.memory_space<semaphore_mem>>
    %dma_start3A_62 = tpu.memref_squeeze %dma_start3A_61 : memref<1x!tpu.dma_semaphore, #tpu.memory_space<semaphore_mem>> -> memref<!tpu.dma_semaphore, #tpu.memory_space<semaphore_mem>>
    tpu.enqueue_indirect_dma source(%dma_start3A_60 : memref<1000000x64xf32, #tpu.memory_space<hbm>>) target(%dma_start3A_54 : memref<96x64xf32, #tpu.memory_space<vmem>>) offsets(%dma_start3A_57 : memref<96xi32, #tpu.memory_space<vmem>>) semaphore(%dma_start3A_62 : memref<!tpu.dma_semaphore, #tpu.memory_space<semaphore_mem>>)
    %dma_start3A_63 = arith.constant 1 : i32
    %dma_start3A_64 = arith.constant 1 : i32
    %dma_start3A_65 = arith.constant 1 : i32
    %dma_start3A_66 = arith.constant 0 : i32
    %dma_start3A_67 = arith.constant 0 : i32
    %dma_start3A_68 = tpu.memref_slice %arg8[%dma_start3A_64, %dma_start3A_66, %dma_start3A_67] : memref<4x200x64xf32, #tpu.memory_space<vmem>> -> memref<1x104x64xf32, #tpu.memory_space<vmem>>
    %dma_start3A_69 = tpu.memref_squeeze %dma_start3A_68 : memref<1x104x64xf32, #tpu.memory_space<vmem>> -> memref<104x64xf32, #tpu.memory_space<vmem>>
    %dma_start3A_70 = arith.constant 0 : i32
    %dma_start3A_71 = tpu.memref_slice %arg6[%dma_start3A_63, %dma_start3A_70] : memref<128x200xi32, #tpu.memory_space<vmem>> -> memref<1x104xi32, #tpu.memory_space<vmem>>
    %dma_start3A_72 = tpu.memref_squeeze %dma_start3A_71 : memref<1x104xi32, #tpu.memory_space<vmem>> -> memref<104xi32, #tpu.memory_space<vmem>>
    %dma_start3A_73 = arith.constant 0 : i32
    %dma_start3A_74 = arith.constant 0 : i32
    %dma_start3A_75 = tpu.memref_slice %arg2[%dma_start3A_73, %dma_start3A_74] : memref<1000000x64xf32, #tpu.memory_space<hbm>> -> memref<1000000x64xf32, #tpu.memory_space<hbm>>
    %dma_start3A_76 = tpu.memref_slice %arg9[%dma_start3A_65] : memref<4x!tpu.dma_semaphore, #tpu.memory_space<semaphore_mem>> -> memref<1x!tpu.dma_semaphore, #tpu.memory_space<semaphore_mem>>
    %dma_start3A_77 = tpu.memref_squeeze %dma_start3A_76 : memref<1x!tpu.dma_semaphore, #tpu.memory_space<semaphore_mem>> -> memref<!tpu.dma_semaphore, #tpu.memory_space<semaphore_mem>>
    tpu.enqueue_indirect_dma source(%dma_start3A_75 : memref<1000000x64xf32, #tpu.memory_space<hbm>>) target(%dma_start3A_69 : memref<104x64xf32, #tpu.memory_space<vmem>>) offsets(%dma_start3A_72 : memref<104xi32, #tpu.memory_space<vmem>>) semaphore(%dma_start3A_77 : memref<!tpu.dma_semaphore, #tpu.memory_space<semaphore_mem>>)
    %dma_start3A_78 = arith.constant 1 : i32
    %dma_start3A_79 = arith.constant 1 : i32
    %dma_start3A_80 = arith.constant 1 : i32
    %dma_start3A_81 = arith.constant 104 : i32
    %dma_start3A_82 = arith.constant 0 : i32
    %dma_start3A_83 = tpu.memref_slice %arg8[%dma_start3A_79, %dma_start3A_81, %dma_start3A_82] : memref<4x200x64xf32, #tpu.memory_space<vmem>> -> memref<1x96x64xf32, #tpu.memory_space<vmem>>
    %dma_start3A_84 = tpu.memref_squeeze %dma_start3A_83 : memref<1x96x64xf32, #tpu.memory_space<vmem>> -> memref<96x64xf32, #tpu.memory_space<vmem>>
    %dma_start3A_85 = arith.constant 104 : i32
    %dma_start3A_86 = tpu.memref_slice %arg6[%dma_start3A_78, %dma_start3A_85] : memref<128x200xi32, #tpu.memory_space<vmem>> -> memref<1x96xi32, #tpu.memory_space<vmem>>
    %dma_start3A_87 = tpu.memref_squeeze %dma_start3A_86 : memref<1x96xi32, #tpu.memory_space<vmem>> -> memref<96xi32, #tpu.memory_space<vmem>>
    %dma_start3A_88 = arith.constant 0 : i32
    %dma_start3A_89 = arith.constant 0 : i32
    %dma_start3A_90 = tpu.memref_slice %arg2[%dma_start3A_88, %dma_start3A_89] : memref<1000000x64xf32, #tpu.memory_space<hbm>> -> memref<1000000x64xf32, #tpu.memory_space<hbm>>
    %dma_start3A_91 = tpu.memref_slice %arg9[%dma_start3A_80] : memref<4x!tpu.dma_semaphore, #tpu.memory_space<semaphore_mem>> -> memref<1x!tpu.dma_semaphore, #tpu.memory_space<semaphore_mem>>
    %dma_start3A_92 = tpu.memref_squeeze %dma_start3A_91 : memref<1x!tpu.dma_semaphore, #tpu.memory_space<semaphore_mem>> -> memref<!tpu.dma_semaphore, #tpu.memory_space<semaphore_mem>>
    tpu.enqueue_indirect_dma source(%dma_start3A_90 : memref<1000000x64xf32, #tpu.memory_space<hbm>>) target(%dma_start3A_84 : memref<96x64xf32, #tpu.memory_space<vmem>>) offsets(%dma_start3A_87 : memref<96xi32, #tpu.memory_space<vmem>>) semaphore(%dma_start3A_92 : memref<!tpu.dma_semaphore, #tpu.memory_space<semaphore_mem>>)
    %dma_start3A_93 = arith.constant 2 : i32
    %dma_start3A_94 = arith.constant 2 : i32
    %dma_start3A_95 = arith.constant 2 : i32
    %dma_start3A_96 = arith.constant 0 : i32
    %dma_start3A_97 = arith.constant 0 : i32
    %dma_start3A_98 = tpu.memref_slice %arg8[%dma_start3A_94, %dma_start3A_96, %dma_start3A_97] : memref<4x200x64xf32, #tpu.memory_space<vmem>> -> memref<1x104x64xf32, #tpu.memory_space<vmem>>
    %dma_start3A_99 = tpu.memref_squeeze %dma_start3A_98 : memref<1x104x64xf32, #tpu.memory_space<vmem>> -> memref<104x64xf32, #tpu.memory_space<vmem>>
    %dma_start3A_100 = arith.constant 0 : i32
    %dma_start3A_101 = tpu.memref_slice %arg6[%dma_start3A_93, %dma_start3A_100] : memref<128x200xi32, #tpu.memory_space<vmem>> -> memref<1x104xi32, #tpu.memory_space<vmem>>
    %dma_start3A_102 = tpu.memref_squeeze %dma_start3A_101 : memref<1x104xi32, #tpu.memory_space<vmem>> -> memref<104xi32, #tpu.memory_space<vmem>>
    %dma_start3A_103 = arith.constant 0 : i32
    %dma_start3A_104 = arith.constant 0 : i32
    %dma_start3A_105 = tpu.memref_slice %arg2[%dma_start3A_103, %dma_start3A_104] : memref<1000000x64xf32, #tpu.memory_space<hbm>> -> memref<1000000x64xf32, #tpu.memory_space<hbm>>
    %dma_start3A_106 = tpu.memref_slice %arg9[%dma_start3A_95] : memref<4x!tpu.dma_semaphore, #tpu.memory_space<semaphore_mem>> -> memref<1x!tpu.dma_semaphore, #tpu.memory_space<semaphore_mem>>
    %dma_start3A_107 = tpu.memref_squeeze %dma_start3A_106 : memref<1x!tpu.dma_semaphore, #tpu.memory_space<semaphore_mem>> -> memref<!tpu.dma_semaphore, #tpu.memory_space<semaphore_mem>>
    tpu.enqueue_indirect_dma source(%dma_start3A_105 : memref<1000000x64xf32, #tpu.memory_space<hbm>>) target(%dma_start3A_99 : memref<104x64xf32, #tpu.memory_space<vmem>>) offsets(%dma_start3A_102 : memref<104xi32, #tpu.memory_space<vmem>>) semaphore(%dma_start3A_107 : memref<!tpu.dma_semaphore, #tpu.memory_space<semaphore_mem>>)
    %dma_start3A_108 = arith.constant 2 : i32
    %dma_start3A_109 = arith.constant 2 : i32
    %dma_start3A_110 = arith.constant 2 : i32
    %dma_start3A_111 = arith.constant 104 : i32
    %dma_start3A_112 = arith.constant 0 : i32
    %dma_start3A_113 = tpu.memref_slice %arg8[%dma_start3A_109, %dma_start3A_111, %dma_start3A_112] : memref<4x200x64xf32, #tpu.memory_space<vmem>> -> memref<1x96x64xf32, #tpu.memory_space<vmem>>
    %dma_start3A_114 = tpu.memref_squeeze %dma_start3A_113 : memref<1x96x64xf32, #tpu.memory_space<vmem>> -> memref<96x64xf32, #tpu.memory_space<vmem>>
    %dma_start3A_115 = arith.constant 104 : i32
    %dma_start3A_116 = tpu.memref_slice %arg6[%dma_start3A_108, %dma_start3A_115] : memref<128x200xi32, #tpu.memory_space<vmem>> -> memref<1x96xi32, #tpu.memory_space<vmem>>
    %dma_start3A_117 = tpu.memref_squeeze %dma_start3A_116 : memref<1x96xi32, #tpu.memory_space<vmem>> -> memref<96xi32, #tpu.memory_space<vmem>>
    %dma_start3A_118 = arith.constant 0 : i32
    %dma_start3A_119 = arith.constant 0 : i32
    %dma_start3A_120 = tpu.memref_slice %arg2[%dma_start3A_118, %dma_start3A_119] : memref<1000000x64xf32, #tpu.memory_space<hbm>> -> memref<1000000x64xf32, #tpu.memory_space<hbm>>
    %dma_start3A_121 = tpu.memref_slice %arg9[%dma_start3A_110] : memref<4x!tpu.dma_semaphore, #tpu.memory_space<semaphore_mem>> -> memref<1x!tpu.dma_semaphore, #tpu.memory_space<semaphore_mem>>
    %dma_start3A_122 = tpu.memref_squeeze %dma_start3A_121 : memref<1x!tpu.dma_semaphore, #tpu.memory_space<semaphore_mem>> -> memref<!tpu.dma_semaphore, #tpu.memory_space<semaphore_mem>>
    tpu.enqueue_indirect_dma source(%dma_start3A_120 : memref<1000000x64xf32, #tpu.memory_space<hbm>>) target(%dma_start3A_114 : memref<96x64xf32, #tpu.memory_space<vmem>>) offsets(%dma_start3A_117 : memref<96xi32, #tpu.memory_space<vmem>>) semaphore(%dma_start3A_122 : memref<!tpu.dma_semaphore, #tpu.memory_space<semaphore_mem>>)
    %dma_wait3A_123 = arith.constant 0 : i32
    %dma_wait3A_124 = arith.constant 0 : i32
    %dma_wait3A_125 = arith.constant 0 : i32
    %dma_wait3A_126 = arith.constant 0 : i32
    %dma_wait3A_127 = arith.constant 0 : i32
    %dma_wait3A_128 = tpu.memref_slice %arg8[%dma_wait3A_124, %dma_wait3A_126, %dma_wait3A_127] : memref<4x200x64xf32, #tpu.memory_space<vmem>> -> memref<1x104x64xf32, #tpu.memory_space<vmem>>
    %dma_wait3A_129 = tpu.memref_squeeze %dma_wait3A_128 : memref<1x104x64xf32, #tpu.memory_space<vmem>> -> memref<104x64xf32, #tpu.memory_space<vmem>>
    %dma_wait3A_130 = arith.constant 0 : i32
    %dma_wait3A_131 = tpu.memref_slice %arg6[%dma_wait3A_123, %dma_wait3A_130] : memref<128x200xi32, #tpu.memory_space<vmem>> -> memref<1x104xi32, #tpu.memory_space<vmem>>
    %dma_wait3A_132 = tpu.memref_squeeze %dma_wait3A_131 : memref<1x104xi32, #tpu.memory_space<vmem>> -> memref<104xi32, #tpu.memory_space<vmem>>
    %dma_wait3A_133 = arith.constant 0 : i32
    %dma_wait3A_134 = arith.constant 0 : i32
    %dma_wait3A_135 = tpu.memref_slice %arg2[%dma_wait3A_133, %dma_wait3A_134] : memref<1000000x64xf32, #tpu.memory_space<hbm>> -> memref<1000000x64xf32, #tpu.memory_space<hbm>>
    %dma_wait3A_136 = tpu.memref_slice %arg9[%dma_wait3A_125] : memref<4x!tpu.dma_semaphore, #tpu.memory_space<semaphore_mem>> -> memref<1x!tpu.dma_semaphore, #tpu.memory_space<semaphore_mem>>
    %dma_wait3A_137 = tpu.memref_squeeze %dma_wait3A_136 : memref<1x!tpu.dma_semaphore, #tpu.memory_space<semaphore_mem>> -> memref<!tpu.dma_semaphore, #tpu.memory_space<semaphore_mem>>
    tpu.wait_indirect_dma semaphore(%dma_wait3A_137 : memref<!tpu.dma_semaphore, #tpu.memory_space<semaphore_mem>>) src(%dma_wait3A_135 : memref<1000000x64xf32, #tpu.memory_space<hbm>>) dst(%dma_wait3A_129 : memref<104x64xf32, #tpu.memory_space<vmem>>)
    %dma_wait3A_138 = arith.constant 0 : i32
    %dma_wait3A_139 = arith.constant 0 : i32
    %dma_wait3A_140 = arith.constant 0 : i32
    %dma_wait3A_141 = arith.constant 104 : i32
    %dma_wait3A_142 = arith.constant 0 : i32
    %dma_wait3A_143 = tpu.memref_slice %arg8[%dma_wait3A_139, %dma_wait3A_141, %dma_wait3A_142] : memref<4x200x64xf32, #tpu.memory_space<vmem>> -> memref<1x96x64xf32, #tpu.memory_space<vmem>>
    %dma_wait3A_144 = tpu.memref_squeeze %dma_wait3A_143 : memref<1x96x64xf32, #tpu.memory_space<vmem>> -> memref<96x64xf32, #tpu.memory_space<vmem>>
    %dma_wait3A_145 = arith.constant 104 : i32
    %dma_wait3A_146 = tpu.memref_slice %arg6[%dma_wait3A_138, %dma_wait3A_145] : memref<128x200xi32, #tpu.memory_space<vmem>> -> memref<1x96xi32, #tpu.memory_space<vmem>>
    %dma_wait3A_147 = tpu.memref_squeeze %dma_wait3A_146 : memref<1x96xi32, #tpu.memory_space<vmem>> -> memref<96xi32, #tpu.memory_space<vmem>>
    %dma_wait3A_148 = arith.constant 0 : i32
    %dma_wait3A_149 = arith.constant 0 : i32
    %dma_wait3A_150 = tpu.memref_slice %arg2[%dma_wait3A_148, %dma_wait3A_149] : memref<1000000x64xf32, #tpu.memory_space<hbm>> -> memref<1000000x64xf32, #tpu.memory_space<hbm>>
    %dma_wait3A_151 = tpu.memref_slice %arg9[%dma_wait3A_140] : memref<4x!tpu.dma_semaphore, #tpu.memory_space<semaphore_mem>> -> memref<1x!tpu.dma_semaphore, #tpu.memory_space<semaphore_mem>>
    %dma_wait3A_152 = tpu.memref_squeeze %dma_wait3A_151 : memref<1x!tpu.dma_semaphore, #tpu.memory_space<semaphore_mem>> -> memref<!tpu.dma_semaphore, #tpu.memory_space<semaphore_mem>>
    tpu.wait_indirect_dma semaphore(%dma_wait3A_152 : memref<!tpu.dma_semaphore, #tpu.memory_space<semaphore_mem>>) src(%dma_wait3A_150 : memref<1000000x64xf32, #tpu.memory_space<hbm>>) dst(%dma_wait3A_144 : memref<96x64xf32, #tpu.memory_space<vmem>>)
    %scan3A = arith.constant 0 : i32
    %scan3A_153 = arith.constant 0 : i32
    %scan3A_154 = arith.constant 200 : i32
    %scan3A_155 = arith.addi %scan3A_153, %scan3A_154 : i32
    %scan3A_156 = arith.constant 4 : i32
    scf.for %scan3A_634 = %scan3A_153 to %scan3A_155 step %scan3A_156  : i32 {
      %get3A = arith.index_cast %scan3A_634 : i32 to index
      %get3A_635 = arith.constant 0 : index
      %get3A_636 = tpu.vector_load %arg7[%get3A, %get3A_635] {strides = array<i32>} : memref<200x64xf32, #tpu.memory_space<vmem>>, vector<1x16xf32>,
      %get3A_637 = vector.shape_cast %get3A_636 : vector<1x16xf32> to vector<16xf32>
      %swap3A = arith.constant 0 : i32
      %swap3A_638 = arith.index_cast %swap3A : i32 to index
      %swap3A_639 = arith.index_cast %scan3A_634 : i32 to index
      %swap3A_640 = arith.constant 0 : index
      %swap3A_641 = tpu.vector_load %arg8[%swap3A_638, %swap3A_639, %swap3A_640] {strides = array<i32>} : memref<4x200x64xf32, #tpu.memory_space<vmem>>, vector<1x1x16xf32>,
      %swap3A_642 = vector.shape_cast %swap3A_641 : vector<1x1x16xf32> to vector<16xf32>
      %swap3A_643 = vector.shape_cast %get3A_637 : vector<16xf32> to vector<1x1x16xf32>
      tpu.vector_store %arg8[%swap3A_638, %swap3A_639, %swap3A_640], %swap3A_643 {add = true, strides = array<i32>} : memref<4x200x64xf32, #tpu.memory_space<vmem>>, vector<1x1x16xf32>,
      %get3A_644 = arith.index_cast %scan3A_634 : i32 to index
      %get3A_645 = arith.constant 16 : index
      %get3A_646 = tpu.vector_load %arg7[%get3A_644, %get3A_645] {strides = array<i32>} : memref<200x64xf32, #tpu.memory_space<vmem>>, vector<1x16xf32>,
      %get3A_647 = vector.shape_cast %get3A_646 : vector<1x16xf32> to vector<16xf32>
      %swap3A_648 = arith.constant 0 : i32
      %swap3A_649 = arith.index_cast %swap3A_648 : i32 to index
      %swap3A_650 = arith.index_cast %scan3A_634 : i32 to index
      %swap3A_651 = arith.constant 16 : index
      %swap3A_652 = tpu.vector_load %arg8[%swap3A_649, %swap3A_650, %swap3A_651] {strides = array<i32>} : memref<4x200x64xf32, #tpu.memory_space<vmem>>, vector<1x1x16xf32>,
      %swap3A_653 = vector.shape_cast %swap3A_652 : vector<1x1x16xf32> to vector<16xf32>
      %swap3A_654 = vector.shape_cast %get3A_647 : vector<16xf32> to vector<1x1x16xf32>
      tpu.vector_store %arg8[%swap3A_649, %swap3A_650, %swap3A_651], %swap3A_654 {add = true, strides = array<i32>} : memref<4x200x64xf32, #tpu.memory_space<vmem>>, vector<1x1x16xf32>,
      %get3A_655 = arith.index_cast %scan3A_634 : i32 to index
      %get3A_656 = arith.constant 32 : index
      %get3A_657 = tpu.vector_load %arg7[%get3A_655, %get3A_656] {strides = array<i32>} : memref<200x64xf32, #tpu.memory_space<vmem>>, vector<1x16xf32>,
      %get3A_658 = vector.shape_cast %get3A_657 : vector<1x16xf32> to vector<16xf32>
      %swap3A_659 = arith.constant 0 : i32
      %swap3A_660 = arith.index_cast %swap3A_659 : i32 to index
      %swap3A_661 = arith.index_cast %scan3A_634 : i32 to index
      %swap3A_662 = arith.constant 32 : index
      %swap3A_663 = tpu.vector_load %arg8[%swap3A_660, %swap3A_661, %swap3A_662] {strides = array<i32>} : memref<4x200x64xf32, #tpu.memory_space<vmem>>, vector<1x1x16xf32>,
      %swap3A_664 = vector.shape_cast %swap3A_663 : vector<1x1x16xf32> to vector<16xf32>
      %swap3A_665 = vector.shape_cast %get3A_658 : vector<16xf32> to vector<1x1x16xf32>
      tpu.vector_store %arg8[%swap3A_660, %swap3A_661, %swap3A_662], %swap3A_665 {add = true, strides = array<i32>} : memref<4x200x64xf32, #tpu.memory_space<vmem>>, vector<1x1x16xf32>,
      %get3A_666 = arith.index_cast %scan3A_634 : i32 to index
      %get3A_667 = arith.constant 48 : index
      %get3A_668 = tpu.vector_load %arg7[%get3A_666, %get3A_667] {strides = array<i32>} : memref<200x64xf32, #tpu.memory_space<vmem>>, vector<1x16xf32>,
      %get3A_669 = vector.shape_cast %get3A_668 : vector<1x16xf32> to vector<16xf32>
      %swap3A_670 = arith.constant 0 : i32
      %swap3A_671 = arith.index_cast %swap3A_670 : i32 to index
      %swap3A_672 = arith.index_cast %scan3A_634 : i32 to index
      %swap3A_673 = arith.constant 48 : index
      %swap3A_674 = tpu.vector_load %arg8[%swap3A_671, %swap3A_672, %swap3A_673] {strides = array<i32>} : memref<4x200x64xf32, #tpu.memory_space<vmem>>, vector<1x1x16xf32>,
      %swap3A_675 = vector.shape_cast %swap3A_674 : vector<1x1x16xf32> to vector<16xf32>
      %swap3A_676 = vector.shape_cast %get3A_669 : vector<16xf32> to vector<1x1x16xf32>
      tpu.vector_store %arg8[%swap3A_671, %swap3A_672, %swap3A_673], %swap3A_676 {add = true, strides = array<i32>} : memref<4x200x64xf32, #tpu.memory_space<vmem>>, vector<1x1x16xf32>,
      %scan3A_677 = arith.constant 1 : i32
      %scan3A_678 = arith.addi %scan3A_634, %scan3A_677 : i32
      %get3A_679 = arith.index_cast %scan3A_678 : i32 to index
      %get3A_680 = arith.constant 0 : index
      %get3A_681 = tpu.vector_load %arg7[%get3A_679, %get3A_680] {strides = array<i32>} : memref<200x64xf32, #tpu.memory_space<vmem>>, vector<1x16xf32>,
      %get3A_682 = vector.shape_cast %get3A_681 : vector<1x16xf32> to vector<16xf32>
      %swap3A_683 = arith.constant 0 : i32
      %swap3A_684 = arith.index_cast %swap3A_683 : i32 to index
      %swap3A_685 = arith.index_cast %scan3A_678 : i32 to index
      %swap3A_686 = arith.constant 0 : index
      %swap3A_687 = tpu.vector_load %arg8[%swap3A_684, %swap3A_685, %swap3A_686] {strides = array<i32>} : memref<4x200x64xf32, #tpu.memory_space<vmem>>, vector<1x1x16xf32>,
      %swap3A_688 = vector.shape_cast %swap3A_687 : vector<1x1x16xf32> to vector<16xf32>
      %swap3A_689 = vector.shape_cast %get3A_682 : vector<16xf32> to vector<1x1x16xf32>
      tpu.vector_store %arg8[%swap3A_684, %swap3A_685, %swap3A_686], %swap3A_689 {add = true, strides = array<i32>} : memref<4x200x64xf32, #tpu.memory_space<vmem>>, vector<1x1x16xf32>,
      %get3A_690 = arith.index_cast %scan3A_678 : i32 to index
      %get3A_691 = arith.constant 16 : index
      %get3A_692 = tpu.vector_load %arg7[%get3A_690, %get3A_691] {strides = array<i32>} : memref<200x64xf32, #tpu.memory_space<vmem>>, vector<1x16xf32>,
      %get3A_693 = vector.shape_cast %get3A_692 : vector<1x16xf32> to vector<16xf32>
      %swap3A_694 = arith.constant 0 : i32
      %swap3A_695 = arith.index_cast %swap3A_694 : i32 to index
      %swap3A_696 = arith.index_cast %scan3A_678 : i32 to index
      %swap3A_697 = arith.constant 16 : index
      %swap3A_698 = tpu.vector_load %arg8[%swap3A_695, %swap3A_696, %swap3A_697] {strides = array<i32>} : memref<4x200x64xf32, #tpu.memory_space<vmem>>, vector<1x1x16xf32>,
      %swap3A_699 = vector.shape_cast %swap3A_698 : vector<1x1x16xf32> to vector<16xf32>
      %swap3A_700 = vector.shape_cast %get3A_693 : vector<16xf32> to vector<1x1x16xf32>
      tpu.vector_store %arg8[%swap3A_695, %swap3A_696, %swap3A_697], %swap3A_700 {add = true, strides = array<i32>} : memref<4x200x64xf32, #tpu.memory_space<vmem>>, vector<1x1x16xf32>,
      %get3A_701 = arith.index_cast %scan3A_678 : i32 to index
      %get3A_702 = arith.constant 32 : index
      %get3A_703 = tpu.vector_load %arg7[%get3A_701, %get3A_702] {strides = array<i32>} : memref<200x64xf32, #tpu.memory_space<vmem>>, vector<1x16xf32>,
      %get3A_704 = vector.shape_cast %get3A_703 : vector<1x16xf32> to vector<16xf32>
      %swap3A_705 = arith.constant 0 : i32
      %swap3A_706 = arith.index_cast %swap3A_705 : i32 to index
      %swap3A_707 = arith.index_cast %scan3A_678 : i32 to index
      %swap3A_708 = arith.constant 32 : index
      %swap3A_709 = tpu.vector_load %arg8[%swap3A_706, %swap3A_707, %swap3A_708] {strides = array<i32>} : memref<4x200x64xf32, #tpu.memory_space<vmem>>, vector<1x1x16xf32>,
      %swap3A_710 = vector.shape_cast %swap3A_709 : vector<1x1x16xf32> to vector<16xf32>
      %swap3A_711 = vector.shape_cast %get3A_704 : vector<16xf32> to vector<1x1x16xf32>
      tpu.vector_store %arg8[%swap3A_706, %swap3A_707, %swap3A_708], %swap3A_711 {add = true, strides = array<i32>} : memref<4x200x64xf32, #tpu.memory_space<vmem>>, vector<1x1x16xf32>,
      %get3A_712 = arith.index_cast %scan3A_678 : i32 to index
      %get3A_713 = arith.constant 48 : index
      %get3A_714 = tpu.vector_load %arg7[%get3A_712, %get3A_713] {strides = array<i32>} : memref<200x64xf32, #tpu.memory_space<vmem>>, vector<1x16xf32>,
      %get3A_715 = vector.shape_cast %get3A_714 : vector<1x16xf32> to vector<16xf32>
      %swap3A_716 = arith.constant 0 : i32
      %swap3A_717 = arith.index_cast %swap3A_716 : i32 to index
      %swap3A_718 = arith.index_cast %scan3A_678 : i32 to index
      %swap3A_719 = arith.constant 48 : index
      %swap3A_720 = tpu.vector_load %arg8[%swap3A_717, %swap3A_718, %swap3A_719] {strides = array<i32>} : memref<4x200x64xf32, #tpu.memory_space<vmem>>, vector<1x1x16xf32>,
      %swap3A_721 = vector.shape_cast %swap3A_720 : vector<1x1x16xf32> to vector<16xf32>
      %swap3A_722 = vector.shape_cast %get3A_715 : vector<16xf32> to vector<1x1x16xf32>
      tpu.vector_store %arg8[%swap3A_717, %swap3A_718, %swap3A_719], %swap3A_722 {add = true, strides = array<i32>} : memref<4x200x64xf32, #tpu.memory_space<vmem>>, vector<1x1x16xf32>,
      %scan3A_723 = arith.constant 2 : i32
      %scan3A_724 = arith.addi %scan3A_634, %scan3A_723 : i32
      %get3A_725 = arith.index_cast %scan3A_724 : i32 to index
      %get3A_726 = arith.constant 0 : index
      %get3A_727 = tpu.vector_load %arg7[%get3A_725, %get3A_726] {strides = array<i32>} : memref<200x64xf32, #tpu.memory_space<vmem>>, vector<1x16xf32>,
      %get3A_728 = vector.shape_cast %get3A_727 : vector<1x16xf32> to vector<16xf32>
      %swap3A_729 = arith.constant 0 : i32
      %swap3A_730 = arith.index_cast %swap3A_729 : i32 to index
      %swap3A_731 = arith.index_cast %scan3A_724 : i32 to index
      %swap3A_732 = arith.constant 0 : index
      %swap3A_733 = tpu.vector_load %arg8[%swap3A_730, %swap3A_731, %swap3A_732] {strides = array<i32>} : memref<4x200x64xf32, #tpu.memory_space<vmem>>, vector<1x1x16xf32>,
      %swap3A_734 = vector.shape_cast %swap3A_733 : vector<1x1x16xf32> to vector<16xf32>
      %swap3A_735 = vector.shape_cast %get3A_728 : vector<16xf32> to vector<1x1x16xf32>
      tpu.vector_store %arg8[%swap3A_730, %swap3A_731, %swap3A_732], %swap3A_735 {add = true, strides = array<i32>} : memref<4x200x64xf32, #tpu.memory_space<vmem>>, vector<1x1x16xf32>,
      %get3A_736 = arith.index_cast %scan3A_724 : i32 to index
      %get3A_737 = arith.constant 16 : index
      %get3A_738 = tpu.vector_load %arg7[%get3A_736, %get3A_737] {strides = array<i32>} : memref<200x64xf32, #tpu.memory_space<vmem>>, vector<1x16xf32>,
      %get3A_739 = vector.shape_cast %get3A_738 : vector<1x16xf32> to vector<16xf32>
      %swap3A_740 = arith.constant 0 : i32
      %swap3A_741 = arith.index_cast %swap3A_740 : i32 to index
      %swap3A_742 = arith.index_cast %scan3A_724 : i32 to index
      %swap3A_743 = arith.constant 16 : index
      %swap3A_744 = tpu.vector_load %arg8[%swap3A_741, %swap3A_742, %swap3A_743] {strides = array<i32>} : memref<4x200x64xf32, #tpu.memory_space<vmem>>, vector<1x1x16xf32>,
      %swap3A_745 = vector.shape_cast %swap3A_744 : vector<1x1x16xf32> to vector<16xf32>
      %swap3A_746 = vector.shape_cast %get3A_739 : vector<16xf32> to vector<1x1x16xf32>
      tpu.vector_store %arg8[%swap3A_741, %swap3A_742, %swap3A_743], %swap3A_746 {add = true, strides = array<i32>} : memref<4x200x64xf32, #tpu.memory_space<vmem>>, vector<1x1x16xf32>,
      %get3A_747 = arith.index_cast %scan3A_724 : i32 to index
      %get3A_748 = arith.constant 32 : index
      %get3A_749 = tpu.vector_load %arg7[%get3A_747, %get3A_748] {strides = array<i32>} : memref<200x64xf32, #tpu.memory_space<vmem>>, vector<1x16xf32>,
      %get3A_750 = vector.shape_cast %get3A_749 : vector<1x16xf32> to vector<16xf32>
      %swap3A_751 = arith.constant 0 : i32
      %swap3A_752 = arith.index_cast %swap3A_751 : i32 to index
      %swap3A_753 = arith.index_cast %scan3A_724 : i32 to index
      %swap3A_754 = arith.constant 32 : index
      %swap3A_755 = tpu.vector_load %arg8[%swap3A_752, %swap3A_753, %swap3A_754] {strides = array<i32>} : memref<4x200x64xf32, #tpu.memory_space<vmem>>, vector<1x1x16xf32>,
      %swap3A_756 = vector.shape_cast %swap3A_755 : vector<1x1x16xf32> to vector<16xf32>
      %swap3A_757 = vector.shape_cast %get3A_750 : vector<16xf32> to vector<1x1x16xf32>
      tpu.vector_store %arg8[%swap3A_752, %swap3A_753, %swap3A_754], %swap3A_757 {add = true, strides = array<i32>} : memref<4x200x64xf32, #tpu.memory_space<vmem>>, vector<1x1x16xf32>,
      %get3A_758 = arith.index_cast %scan3A_724 : i32 to index
      %get3A_759 = arith.constant 48 : index
      %get3A_760 = tpu.vector_load %arg7[%get3A_758, %get3A_759] {strides = array<i32>} : memref<200x64xf32, #tpu.memory_space<vmem>>, vector<1x16xf32>,
      %get3A_761 = vector.shape_cast %get3A_760 : vector<1x16xf32> to vector<16xf32>
      %swap3A_762 = arith.constant 0 : i32
      %swap3A_763 = arith.index_cast %swap3A_762 : i32 to index
      %swap3A_764 = arith.index_cast %scan3A_724 : i32 to index
      %swap3A_765 = arith.constant 48 : index
      %swap3A_766 = tpu.vector_load %arg8[%swap3A_763, %swap3A_764, %swap3A_765] {strides = array<i32>} : memref<4x200x64xf32, #tpu.memory_space<vmem>>, vector<1x1x16xf32>,
      %swap3A_767 = vector.shape_cast %swap3A_766 : vector<1x1x16xf32> to vector<16xf32>
      %swap3A_768 = vector.shape_cast %get3A_761 : vector<16xf32> to vector<1x1x16xf32>
      tpu.vector_store %arg8[%swap3A_763, %swap3A_764, %swap3A_765], %swap3A_768 {add = true, strides = array<i32>} : memref<4x200x64xf32, #tpu.memory_space<vmem>>, vector<1x1x16xf32>,
      %scan3A_769 = arith.constant 3 : i32
      %scan3A_770 = arith.addi %scan3A_634, %scan3A_769 : i32
      %get3A_771 = arith.index_cast %scan3A_770 : i32 to index
      %get3A_772 = arith.constant 0 : index
      %get3A_773 = tpu.vector_load %arg7[%get3A_771, %get3A_772] {strides = array<i32>} : memref<200x64xf32, #tpu.memory_space<vmem>>, vector<1x16xf32>,
      %get3A_774 = vector.shape_cast %get3A_773 : vector<1x16xf32> to vector<16xf32>
      %swap3A_775 = arith.constant 0 : i32
      %swap3A_776 = arith.index_cast %swap3A_775 : i32 to index
      %swap3A_777 = arith.index_cast %scan3A_770 : i32 to index
      %swap3A_778 = arith.constant 0 : index
      %swap3A_779 = tpu.vector_load %arg8[%swap3A_776, %swap3A_777, %swap3A_778] {strides = array<i32>} : memref<4x200x64xf32, #tpu.memory_space<vmem>>, vector<1x1x16xf32>,
      %swap3A_780 = vector.shape_cast %swap3A_779 : vector<1x1x16xf32> to vector<16xf32>
      %swap3A_781 = vector.shape_cast %get3A_774 : vector<16xf32> to vector<1x1x16xf32>
      tpu.vector_store %arg8[%swap3A_776, %swap3A_777, %swap3A_778], %swap3A_781 {add = true, strides = array<i32>} : memref<4x200x64xf32, #tpu.memory_space<vmem>>, vector<1x1x16xf32>,
      %get3A_782 = arith.index_cast %scan3A_770 : i32 to index
      %get3A_783 = arith.constant 16 : index
      %get3A_784 = tpu.vector_load %arg7[%get3A_782, %get3A_783] {strides = array<i32>} : memref<200x64xf32, #tpu.memory_space<vmem>>, vector<1x16xf32>,
      %get3A_785 = vector.shape_cast %get3A_784 : vector<1x16xf32> to vector<16xf32>
      %swap3A_786 = arith.constant 0 : i32
      %swap3A_787 = arith.index_cast %swap3A_786 : i32 to index
      %swap3A_788 = arith.index_cast %scan3A_770 : i32 to index
      %swap3A_789 = arith.constant 16 : index
      %swap3A_790 = tpu.vector_load %arg8[%swap3A_787, %swap3A_788, %swap3A_789] {strides = array<i32>} : memref<4x200x64xf32, #tpu.memory_space<vmem>>, vector<1x1x16xf32>,
      %swap3A_791 = vector.shape_cast %swap3A_790 : vector<1x1x16xf32> to vector<16xf32>
      %swap3A_792 = vector.shape_cast %get3A_785 : vector<16xf32> to vector<1x1x16xf32>
      tpu.vector_store %arg8[%swap3A_787, %swap3A_788, %swap3A_789], %swap3A_792 {add = true, strides = array<i32>} : memref<4x200x64xf32, #tpu.memory_space<vmem>>, vector<1x1x16xf32>,
      %get3A_793 = arith.index_cast %scan3A_770 : i32 to index
      %get3A_794 = arith.constant 32 : index
      %get3A_795 = tpu.vector_load %arg7[%get3A_793, %get3A_794] {strides = array<i32>} : memref<200x64xf32, #tpu.memory_space<vmem>>, vector<1x16xf32>,
      %get3A_796 = vector.shape_cast %get3A_795 : vector<1x16xf32> to vector<16xf32>
      %swap3A_797 = arith.constant 0 : i32
      %swap3A_798 = arith.index_cast %swap3A_797 : i32 to index
      %swap3A_799 = arith.index_cast %scan3A_770 : i32 to index
      %swap3A_800 = arith.constant 32 : index
      %swap3A_801 = tpu.vector_load %arg8[%swap3A_798, %swap3A_799, %swap3A_800] {strides = array<i32>} : memref<4x200x64xf32, #tpu.memory_space<vmem>>, vector<1x1x16xf32>,
      %swap3A_802 = vector.shape_cast %swap3A_801 : vector<1x1x16xf32> to vector<16xf32>
      %swap3A_803 = vector.shape_cast %get3A_796 : vector<16xf32> to vector<1x1x16xf32>
      tpu.vector_store %arg8[%swap3A_798, %swap3A_799, %swap3A_800], %swap3A_803 {add = true, strides = array<i32>} : memref<4x200x64xf32, #tpu.memory_space<vmem>>, vector<1x1x16xf32>,
      %get3A_804 = arith.index_cast %scan3A_770 : i32 to index
      %get3A_805 = arith.constant 48 : index
      %get3A_806 = tpu.vector_load %arg7[%get3A_804, %get3A_805] {strides = array<i32>} : memref<200x64xf32, #tpu.memory_space<vmem>>, vector<1x16xf32>,
      %get3A_807 = vector.shape_cast %get3A_806 : vector<1x16xf32> to vector<16xf32>
      %swap3A_808 = arith.constant 0 : i32
      %swap3A_809 = arith.index_cast %swap3A_808 : i32 to index
      %swap3A_810 = arith.index_cast %scan3A_770 : i32 to index
      %swap3A_811 = arith.constant 48 : index
      %swap3A_812 = tpu.vector_load %arg8[%swap3A_809, %swap3A_810, %swap3A_811] {strides = array<i32>} : memref<4x200x64xf32, #tpu.memory_space<vmem>>, vector<1x1x16xf32>,
      %swap3A_813 = vector.shape_cast %swap3A_812 : vector<1x1x16xf32> to vector<16xf32>
      %swap3A_814 = vector.shape_cast %get3A_807 : vector<16xf32> to vector<1x1x16xf32>
      tpu.vector_store %arg8[%swap3A_809, %swap3A_810, %swap3A_811], %swap3A_814 {add = true, strides = array<i32>} : memref<4x200x64xf32, #tpu.memory_space<vmem>>, vector<1x1x16xf32>,
    }
    %scan3A_157 = arith.constant 200 : i32
    %add3A_158 = arith.constant 0 : i32
    %add3A_159 = arith.addi %mul3A_2, %add3A_158 : i32
    %dma_start3A_160 = arith.constant 0 : i32
    %dma_start3A_161 = arith.constant 0 : i32
    %dma_start3A_162 = arith.constant 0 : i32
    %dma_start3A_163 = arith.constant 0 : i32
    %dma_start3A_164 = tpu.memref_slice %arg8[%dma_start3A_160, %dma_start3A_162, %dma_start3A_163] : memref<4x200x64xf32, #tpu.memory_space<vmem>> -> memref<1x200x64xf32, #tpu.memory_space<vmem>>
    %dma_start3A_165 = tpu.memref_squeeze %dma_start3A_164 : memref<1x200x64xf32, #tpu.memory_space<vmem>> -> memref<200x64xf32, #tpu.memory_space<vmem>>
    %dma_start3A_166 = arith.constant 0 : i32
    %dma_start3A_167 = arith.constant 0 : i32
    %dma_start3A_168 = tpu.memref_slice %arg5[%add3A_159, %dma_start3A_166, %dma_start3A_167] : memref<4096x200x128xf32, #tpu.memory_space<hbm>> -> memref<1x200x64xf32, #tpu.memory_space<hbm>>
    %dma_start3A_169 = tpu.memref_squeeze %dma_start3A_168 : memref<1x200x64xf32, #tpu.memory_space<hbm>> -> memref<200x64xf32, #tpu.memory_space<hbm>>
    %dma_start3A_170 = tpu.memref_slice %arg10[%dma_start3A_161] : memref<4x!tpu.dma_semaphore, #tpu.memory_space<semaphore_mem>> -> memref<1x!tpu.dma_semaphore, #tpu.memory_space<semaphore_mem>>
    %dma_start3A_171 = tpu.memref_squeeze %dma_start3A_170 : memref<1x!tpu.dma_semaphore, #tpu.memory_space<semaphore_mem>> -> memref<!tpu.dma_semaphore, #tpu.memory_space<semaphore_mem>>
    %dma_start3A_172 = arith.constant 0 : i32
    %dma_start3A_173 = arith.constant 0 : i32
    %dma_start3A_174 = tpu.memref_slice %arg5[%add3A_159, %dma_start3A_172, %dma_start3A_173] : memref<4096x200x128xf32, #tpu.memory_space<hbm>> -> memref<1x200x64xf32, #tpu.memory_space<hbm>>
    %dma_start3A_175 = tpu.memref_squeeze %dma_start3A_174 : memref<1x200x64xf32, #tpu.memory_space<hbm>> -> memref<200x64xf32, #tpu.memory_space<hbm>>
    %dma_start3A_176 = arith.constant 0 : i32
    %dma_start3A_177 = arith.constant 0 : i32
    %dma_start3A_178 = tpu.memref_slice %arg8[%dma_start3A_160, %dma_start3A_176, %dma_start3A_177] : memref<4x200x64xf32, #tpu.memory_space<vmem>> -> memref<1x200x64xf32, #tpu.memory_space<vmem>>
    %dma_start3A_179 = tpu.memref_squeeze %dma_start3A_178 : memref<1x200x64xf32, #tpu.memory_space<vmem>> -> memref<200x64xf32, #tpu.memory_space<vmem>>
    tpu.enqueue_dma source(%dma_start3A_179 : memref<200x64xf32, #tpu.memory_space<vmem>>) target(%dma_start3A_175 : memref<200x64xf32, #tpu.memory_space<hbm>>) target_semaphore(%dma_start3A_171 : memref<!tpu.dma_semaphore, #tpu.memory_space<semaphore_mem>>)
    %dma_start3A_180 = arith.constant 3 : i32
    %dma_start3A_181 = arith.constant 3 : i32
    %dma_start3A_182 = arith.constant 3 : i32
    %dma_start3A_183 = arith.constant 0 : i32
    %dma_start3A_184 = arith.constant 0 : i32
    %dma_start3A_185 = tpu.memref_slice %arg8[%dma_start3A_181, %dma_start3A_183, %dma_start3A_184] : memref<4x200x64xf32, #tpu.memory_space<vmem>> -> memref<1x104x64xf32, #tpu.memory_space<vmem>>
    %dma_start3A_186 = tpu.memref_squeeze %dma_start3A_185 : memref<1x104x64xf32, #tpu.memory_space<vmem>> -> memref<104x64xf32, #tpu.memory_space<vmem>>
    %dma_start3A_187 = arith.constant 0 : i32
    %dma_start3A_188 = tpu.memref_slice %arg6[%dma_start3A_180, %dma_start3A_187] : memref<128x200xi32, #tpu.memory_space<vmem>> -> memref<1x104xi32, #tpu.memory_space<vmem>>
    %dma_start3A_189 = tpu.memref_squeeze %dma_start3A_188 : memref<1x104xi32, #tpu.memory_space<vmem>> -> memref<104xi32, #tpu.memory_space<vmem>>
    %dma_start3A_190 = arith.constant 0 : i32
    %dma_start3A_191 = arith.constant 0 : i32
    %dma_start3A_192 = tpu.memref_slice %arg2[%dma_start3A_190, %dma_start3A_191] : memref<1000000x64xf32, #tpu.memory_space<hbm>> -> memref<1000000x64xf32, #tpu.memory_space<hbm>>
    %dma_start3A_193 = tpu.memref_slice %arg9[%dma_start3A_182] : memref<4x!tpu.dma_semaphore, #tpu.memory_space<semaphore_mem>> -> memref<1x!tpu.dma_semaphore, #tpu.memory_space<semaphore_mem>>
    %dma_start3A_194 = tpu.memref_squeeze %dma_start3A_193 : memref<1x!tpu.dma_semaphore, #tpu.memory_space<semaphore_mem>> -> memref<!tpu.dma_semaphore, #tpu.memory_space<semaphore_mem>>
    tpu.enqueue_indirect_dma source(%dma_start3A_192 : memref<1000000x64xf32, #tpu.memory_space<hbm>>) target(%dma_start3A_186 : memref<104x64xf32, #tpu.memory_space<vmem>>) offsets(%dma_start3A_189 : memref<104xi32, #tpu.memory_space<vmem>>) semaphore(%dma_start3A_194 : memref<!tpu.dma_semaphore, #tpu.memory_space<semaphore_mem>>)
    %dma_start3A_195 = arith.constant 3 : i32
    %dma_start3A_196 = arith.constant 3 : i32
    %dma_start3A_197 = arith.constant 3 : i32
    %dma_start3A_198 = arith.constant 104 : i32
    %dma_start3A_199 = arith.constant 0 : i32
    %dma_start3A_200 = tpu.memref_slice %arg8[%dma_start3A_196, %dma_start3A_198, %dma_start3A_199] : memref<4x200x64xf32, #tpu.memory_space<vmem>> -> memref<1x96x64xf32, #tpu.memory_space<vmem>>
    %dma_start3A_201 = tpu.memref_squeeze %dma_start3A_200 : memref<1x96x64xf32, #tpu.memory_space<vmem>> -> memref<96x64xf32, #tpu.memory_space<vmem>>
    %dma_start3A_202 = arith.constant 104 : i32
    %dma_start3A_203 = tpu.memref_slice %arg6[%dma_start3A_195, %dma_start3A_202] : memref<128x200xi32, #tpu.memory_space<vmem>> -> memref<1x96xi32, #tpu.memory_space<vmem>>
    %dma_start3A_204 = tpu.memref_squeeze %dma_start3A_203 : memref<1x96xi32, #tpu.memory_space<vmem>> -> memref<96xi32, #tpu.memory_space<vmem>>
    %dma_start3A_205 = arith.constant 0 : i32
    %dma_start3A_206 = arith.constant 0 : i32
    %dma_start3A_207 = tpu.memref_slice %arg2[%dma_start3A_205, %dma_start3A_206] : memref<1000000x64xf32, #tpu.memory_space<hbm>> -> memref<1000000x64xf32, #tpu.memory_space<hbm>>
    %dma_start3A_208 = tpu.memref_slice %arg9[%dma_start3A_197] : memref<4x!tpu.dma_semaphore, #tpu.memory_space<semaphore_mem>> -> memref<1x!tpu.dma_semaphore, #tpu.memory_space<semaphore_mem>>
    %dma_start3A_209 = tpu.memref_squeeze %dma_start3A_208 : memref<1x!tpu.dma_semaphore, #tpu.memory_space<semaphore_mem>> -> memref<!tpu.dma_semaphore, #tpu.memory_space<semaphore_mem>>
    tpu.enqueue_indirect_dma source(%dma_start3A_207 : memref<1000000x64xf32, #tpu.memory_space<hbm>>) target(%dma_start3A_201 : memref<96x64xf32, #tpu.memory_space<vmem>>) offsets(%dma_start3A_204 : memref<96xi32, #tpu.memory_space<vmem>>) semaphore(%dma_start3A_209 : memref<!tpu.dma_semaphore, #tpu.memory_space<semaphore_mem>>)
    %dma_wait3A_210 = arith.constant 1 : i32
    %dma_wait3A_211 = arith.constant 1 : i32
    %dma_wait3A_212 = arith.constant 1 : i32
    %dma_wait3A_213 = arith.constant 0 : i32
    %dma_wait3A_214 = arith.constant 0 : i32
    %dma_wait3A_215 = tpu.memref_slice %arg8[%dma_wait3A_211, %dma_wait3A_213, %dma_wait3A_214] : memref<4x200x64xf32, #tpu.memory_space<vmem>> -> memref<1x104x64xf32, #tpu.memory_space<vmem>>
    %dma_wait3A_216 = tpu.memref_squeeze %dma_wait3A_215 : memref<1x104x64xf32, #tpu.memory_space<vmem>> -> memref<104x64xf32, #tpu.memory_space<vmem>>
    %dma_wait3A_217 = arith.constant 0 : i32
    %dma_wait3A_218 = tpu.memref_slice %arg6[%dma_wait3A_210, %dma_wait3A_217] : memref<128x200xi32, #tpu.memory_space<vmem>> -> memref<1x104xi32, #tpu.memory_space<vmem>>
    %dma_wait3A_219 = tpu.memref_squeeze %dma_wait3A_218 : memref<1x104xi32, #tpu.memory_space<vmem>> -> memref<104xi32, #tpu.memory_space<vmem>>
    %dma_wait3A_220 = arith.constant 0 : i32
    %dma_wait3A_221 = arith.constant 0 : i32
    %dma_wait3A_222 = tpu.memref_slice %arg2[%dma_wait3A_220, %dma_wait3A_221] : memref<1000000x64xf32, #tpu.memory_space<hbm>> -> memref<1000000x64xf32, #tpu.memory_space<hbm>>
    %dma_wait3A_223 = tpu.memref_slice %arg9[%dma_wait3A_212] : memref<4x!tpu.dma_semaphore, #tpu.memory_space<semaphore_mem>> -> memref<1x!tpu.dma_semaphore, #tpu.memory_space<semaphore_mem>>
    %dma_wait3A_224 = tpu.memref_squeeze %dma_wait3A_223 : memref<1x!tpu.dma_semaphore, #tpu.memory_space<semaphore_mem>> -> memref<!tpu.dma_semaphore, #tpu.memory_space<semaphore_mem>>
    tpu.wait_indirect_dma semaphore(%dma_wait3A_224 : memref<!tpu.dma_semaphore, #tpu.memory_space<semaphore_mem>>) src(%dma_wait3A_222 : memref<1000000x64xf32, #tpu.memory_space<hbm>>) dst(%dma_wait3A_216 : memref<104x64xf32, #tpu.memory_space<vmem>>)
    %dma_wait3A_225 = arith.constant 1 : i32
    %dma_wait3A_226 = arith.constant 1 : i32
    %dma_wait3A_227 = arith.constant 1 : i32
    %dma_wait3A_228 = arith.constant 104 : i32
    %dma_wait3A_229 = arith.constant 0 : i32
    %dma_wait3A_230 = tpu.memref_slice %arg8[%dma_wait3A_226, %dma_wait3A_228, %dma_wait3A_229] : memref<4x200x64xf32, #tpu.memory_space<vmem>> -> memref<1x96x64xf32, #tpu.memory_space<vmem>>
    %dma_wait3A_231 = tpu.memref_squeeze %dma_wait3A_230 : memref<1x96x64xf32, #tpu.memory_space<vmem>> -> memref<96x64xf32, #tpu.memory_space<vmem>>
    %dma_wait3A_232 = arith.constant 104 : i32
    %dma_wait3A_233 = tpu.memref_slice %arg6[%dma_wait3A_225, %dma_wait3A_232] : memref<128x200xi32, #tpu.memory_space<vmem>> -> memref<1x96xi32, #tpu.memory_space<vmem>>
    %dma_wait3A_234 = tpu.memref_squeeze %dma_wait3A_233 : memref<1x96xi32, #tpu.memory_space<vmem>> -> memref<96xi32, #tpu.memory_space<vmem>>
    %dma_wait3A_235 = arith.constant 0 : i32
    %dma_wait3A_236 = arith.constant 0 : i32
    %dma_wait3A_237 = tpu.memref_slice %arg2[%dma_wait3A_235, %dma_wait3A_236] : memref<1000000x64xf32, #tpu.memory_space<hbm>> -> memref<1000000x64xf32, #tpu.memory_space<hbm>>
    %dma_wait3A_238 = tpu.memref_slice %arg9[%dma_wait3A_227] : memref<4x!tpu.dma_semaphore, #tpu.memory_space<semaphore_mem>> -> memref<1x!tpu.dma_semaphore, #tpu.memory_space<semaphore_mem>>
    %dma_wait3A_239 = tpu.memref_squeeze %dma_wait3A_238 : memref<1x!tpu.dma_semaphore, #tpu.memory_space<semaphore_mem>> -> memref<!tpu.dma_semaphore, #tpu.memory_space<semaphore_mem>>
    tpu.wait_indirect_dma semaphore(%dma_wait3A_239 : memref<!tpu.dma_semaphore, #tpu.memory_space<semaphore_mem>>) src(%dma_wait3A_237 : memref<1000000x64xf32, #tpu.memory_space<hbm>>) dst(%dma_wait3A_231 : memref<96x64xf32, #tpu.memory_space<vmem>>)
    %scan3A_240 = arith.constant 0 : i32
    %scan3A_241 = arith.constant 0 : i32
    %scan3A_242 = arith.constant 200 : i32
    %scan3A_243 = arith.addi %scan3A_241, %scan3A_242 : i32
    %scan3A_244 = arith.constant 4 : i32
    scf.for %scan3A_634 = %scan3A_241 to %scan3A_243 step %scan3A_244  : i32 {
      %get3A = arith.index_cast %scan3A_634 : i32 to index
      %get3A_635 = arith.constant 0 : index
      %get3A_636 = tpu.vector_load %arg7[%get3A, %get3A_635] {strides = array<i32>} : memref<200x64xf32, #tpu.memory_space<vmem>>, vector<1x16xf32>,
      %get3A_637 = vector.shape_cast %get3A_636 : vector<1x16xf32> to vector<16xf32>
      %swap3A = arith.constant 1 : i32
      %swap3A_638 = arith.index_cast %swap3A : i32 to index
      %swap3A_639 = arith.index_cast %scan3A_634 : i32 to index
      %swap3A_640 = arith.constant 0 : index
      %swap3A_641 = tpu.vector_load %arg8[%swap3A_638, %swap3A_639, %swap3A_640] {strides = array<i32>} : memref<4x200x64xf32, #tpu.memory_space<vmem>>, vector<1x1x16xf32>,
      %swap3A_642 = vector.shape_cast %swap3A_641 : vector<1x1x16xf32> to vector<16xf32>
      %swap3A_643 = vector.shape_cast %get3A_637 : vector<16xf32> to vector<1x1x16xf32>
      tpu.vector_store %arg8[%swap3A_638, %swap3A_639, %swap3A_640], %swap3A_643 {add = true, strides = array<i32>} : memref<4x200x64xf32, #tpu.memory_space<vmem>>, vector<1x1x16xf32>,
      %get3A_644 = arith.index_cast %scan3A_634 : i32 to index
      %get3A_645 = arith.constant 16 : index
      %get3A_646 = tpu.vector_load %arg7[%get3A_644, %get3A_645] {strides = array<i32>} : memref<200x64xf32, #tpu.memory_space<vmem>>, vector<1x16xf32>,
      %get3A_647 = vector.shape_cast %get3A_646 : vector<1x16xf32> to vector<16xf32>
      %swap3A_648 = arith.constant 1 : i32
      %swap3A_649 = arith.index_cast %swap3A_648 : i32 to index
      %swap3A_650 = arith.index_cast %scan3A_634 : i32 to index
      %swap3A_651 = arith.constant 16 : index
      %swap3A_652 = tpu.vector_load %arg8[%swap3A_649, %swap3A_650, %swap3A_651] {strides = array<i32>} : memref<4x200x64xf32, #tpu.memory_space<vmem>>, vector<1x1x16xf32>,
      %swap3A_653 = vector.shape_cast %swap3A_652 : vector<1x1x16xf32> to vector<16xf32>
      %swap3A_654 = vector.shape_cast %get3A_647 : vector<16xf32> to vector<1x1x16xf32>
      tpu.vector_store %arg8[%swap3A_649, %swap3A_650, %swap3A_651], %swap3A_654 {add = true, strides = array<i32>} : memref<4x200x64xf32, #tpu.memory_space<vmem>>, vector<1x1x16xf32>,
      %get3A_655 = arith.index_cast %scan3A_634 : i32 to index
      %get3A_656 = arith.constant 32 : index
      %get3A_657 = tpu.vector_load %arg7[%get3A_655, %get3A_656] {strides = array<i32>} : memref<200x64xf32, #tpu.memory_space<vmem>>, vector<1x16xf32>,
      %get3A_658 = vector.shape_cast %get3A_657 : vector<1x16xf32> to vector<16xf32>
      %swap3A_659 = arith.constant 1 : i32
      %swap3A_660 = arith.index_cast %swap3A_659 : i32 to index
      %swap3A_661 = arith.index_cast %scan3A_634 : i32 to index
      %swap3A_662 = arith.constant 32 : index
      %swap3A_663 = tpu.vector_load %arg8[%swap3A_660, %swap3A_661, %swap3A_662] {strides = array<i32>} : memref<4x200x64xf32, #tpu.memory_space<vmem>>, vector<1x1x16xf32>,
      %swap3A_664 = vector.shape_cast %swap3A_663 : vector<1x1x16xf32> to vector<16xf32>
      %swap3A_665 = vector.shape_cast %get3A_658 : vector<16xf32> to vector<1x1x16xf32>
      tpu.vector_store %arg8[%swap3A_660, %swap3A_661, %swap3A_662], %swap3A_665 {add = true, strides = array<i32>} : memref<4x200x64xf32, #tpu.memory_space<vmem>>, vector<1x1x16xf32>,
      %get3A_666 = arith.index_cast %scan3A_634 : i32 to index
      %get3A_667 = arith.constant 48 : index
      %get3A_668 = tpu.vector_load %arg7[%get3A_666, %get3A_667] {strides = array<i32>} : memref<200x64xf32, #tpu.memory_space<vmem>>, vector<1x16xf32>,
      %get3A_669 = vector.shape_cast %get3A_668 : vector<1x16xf32> to vector<16xf32>
      %swap3A_670 = arith.constant 1 : i32
      %swap3A_671 = arith.index_cast %swap3A_670 : i32 to index
      %swap3A_672 = arith.index_cast %scan3A_634 : i32 to index
      %swap3A_673 = arith.constant 48 : index
      %swap3A_674 = tpu.vector_load %arg8[%swap3A_671, %swap3A_672, %swap3A_673] {strides = array<i32>} : memref<4x200x64xf32, #tpu.memory_space<vmem>>, vector<1x1x16xf32>,
      %swap3A_675 = vector.shape_cast %swap3A_674 : vector<1x1x16xf32> to vector<16xf32>
      %swap3A_676 = vector.shape_cast %get3A_669 : vector<16xf32> to vector<1x1x16xf32>
      tpu.vector_store %arg8[%swap3A_671, %swap3A_672, %swap3A_673], %swap3A_676 {add = true, strides = array<i32>} : memref<4x200x64xf32, #tpu.memory_space<vmem>>, vector<1x1x16xf32>,
      %scan3A_677 = arith.constant 1 : i32
      %scan3A_678 = arith.addi %scan3A_634, %scan3A_677 : i32
      %get3A_679 = arith.index_cast %scan3A_678 : i32 to index
      %get3A_680 = arith.constant 0 : index
      %get3A_681 = tpu.vector_load %arg7[%get3A_679, %get3A_680] {strides = array<i32>} : memref<200x64xf32, #tpu.memory_space<vmem>>, vector<1x16xf32>,
      %get3A_682 = vector.shape_cast %get3A_681 : vector<1x16xf32> to vector<16xf32>
      %swap3A_683 = arith.constant 1 : i32
      %swap3A_684 = arith.index_cast %swap3A_683 : i32 to index
      %swap3A_685 = arith.index_cast %scan3A_678 : i32 to index
      %swap3A_686 = arith.constant 0 : index
      %swap3A_687 = tpu.vector_load %arg8[%swap3A_684, %swap3A_685, %swap3A_686] {strides = array<i32>} : memref<4x200x64xf32, #tpu.memory_space<vmem>>, vector<1x1x16xf32>,
      %swap3A_688 = vector.shape_cast %swap3A_687 : vector<1x1x16xf32> to vector<16xf32>
      %swap3A_689 = vector.shape_cast %get3A_682 : vector<16xf32> to vector<1x1x16xf32>
      tpu.vector_store %arg8[%swap3A_684, %swap3A_685, %swap3A_686], %swap3A_689 {add = true, strides = array<i32>} : memref<4x200x64xf32, #tpu.memory_space<vmem>>, vector<1x1x16xf32>,
      %get3A_690 = arith.index_cast %scan3A_678 : i32 to index
      %get3A_691 = arith.constant 16 : index
      %get3A_692 = tpu.vector_load %arg7[%get3A_690, %get3A_691] {strides = array<i32>} : memref<200x64xf32, #tpu.memory_space<vmem>>, vector<1x16xf32>,
      %get3A_693 = vector.shape_cast %get3A_692 : vector<1x16xf32> to vector<16xf32>
      %swap3A_694 = arith.constant 1 : i32
      %swap3A_695 = arith.index_cast %swap3A_694 : i32 to index
      %swap3A_696 = arith.index_cast %scan3A_678 : i32 to index
      %swap3A_697 = arith.constant 16 : index
      %swap3A_698 = tpu.vector_load %arg8[%swap3A_695, %swap3A_696, %swap3A_697] {strides = array<i32>} : memref<4x200x64xf32, #tpu.memory_space<vmem>>, vector<1x1x16xf32>,
      %swap3A_699 = vector.shape_cast %swap3A_698 : vector<1x1x16xf32> to vector<16xf32>
      %swap3A_700 = vector.shape_cast %get3A_693 : vector<16xf32> to vector<1x1x16xf32>
      tpu.vector_store %arg8[%swap3A_695, %swap3A_696, %swap3A_697], %swap3A_700 {add = true, strides = array<i32>} : memref<4x200x64xf32, #tpu.memory_space<vmem>>, vector<1x1x16xf32>,
      %get3A_701 = arith.index_cast %scan3A_678 : i32 to index
      %get3A_702 = arith.constant 32 : index
      %get3A_703 = tpu.vector_load %arg7[%get3A_701, %get3A_702] {strides = array<i32>} : memref<200x64xf32, #tpu.memory_space<vmem>>, vector<1x16xf32>,
      %get3A_704 = vector.shape_cast %get3A_703 : vector<1x16xf32> to vector<16xf32>
      %swap3A_705 = arith.constant 1 : i32
      %swap3A_706 = arith.index_cast %swap3A_705 : i32 to index
      %swap3A_707 = arith.index_cast %scan3A_678 : i32 to index
      %swap3A_708 = arith.constant 32 : index
      %swap3A_709 = tpu.vector_load %arg8[%swap3A_706, %swap3A_707, %swap3A_708] {strides = array<i32>} : memref<4x200x64xf32, #tpu.memory_space<vmem>>, vector<1x1x16xf32>,
      %swap3A_710 = vector.shape_cast %swap3A_709 : vector<1x1x16xf32> to vector<16xf32>
      %swap3A_711 = vector.shape_cast %get3A_704 : vector<16xf32> to vector<1x1x16xf32>
      tpu.vector_store %arg8[%swap3A_706, %swap3A_707, %swap3A_708], %swap3A_711 {add = true, strides = array<i32>} : memref<4x200x64xf32, #tpu.memory_space<vmem>>, vector<1x1x16xf32>,
      %get3A_712 = arith.index_cast %scan3A_678 : i32 to index
      %get3A_713 = arith.constant 48 : index
      %get3A_714 = tpu.vector_load %arg7[%get3A_712, %get3A_713] {strides = array<i32>} : memref<200x64xf32, #tpu.memory_space<vmem>>, vector<1x16xf32>,
      %get3A_715 = vector.shape_cast %get3A_714 : vector<1x16xf32> to vector<16xf32>
      %swap3A_716 = arith.constant 1 : i32
      %swap3A_717 = arith.index_cast %swap3A_716 : i32 to index
      %swap3A_718 = arith.index_cast %scan3A_678 : i32 to index
      %swap3A_719 = arith.constant 48 : index
      %swap3A_720 = tpu.vector_load %arg8[%swap3A_717, %swap3A_718, %swap3A_719] {strides = array<i32>} : memref<4x200x64xf32, #tpu.memory_space<vmem>>, vector<1x1x16xf32>,
      %swap3A_721 = vector.shape_cast %swap3A_720 : vector<1x1x16xf32> to vector<16xf32>
      %swap3A_722 = vector.shape_cast %get3A_715 : vector<16xf32> to vector<1x1x16xf32>
      tpu.vector_store %arg8[%swap3A_717, %swap3A_718, %swap3A_719], %swap3A_722 {add = true, strides = array<i32>} : memref<4x200x64xf32, #tpu.memory_space<vmem>>, vector<1x1x16xf32>,
      %scan3A_723 = arith.constant 2 : i32
      %scan3A_724 = arith.addi %scan3A_634, %scan3A_723 : i32
      %get3A_725 = arith.index_cast %scan3A_724 : i32 to index
      %get3A_726 = arith.constant 0 : index
      %get3A_727 = tpu.vector_load %arg7[%get3A_725, %get3A_726] {strides = array<i32>} : memref<200x64xf32, #tpu.memory_space<vmem>>, vector<1x16xf32>,
      %get3A_728 = vector.shape_cast %get3A_727 : vector<1x16xf32> to vector<16xf32>
      %swap3A_729 = arith.constant 1 : i32
      %swap3A_730 = arith.index_cast %swap3A_729 : i32 to index
      %swap3A_731 = arith.index_cast %scan3A_724 : i32 to index
      %swap3A_732 = arith.constant 0 : index
      %swap3A_733 = tpu.vector_load %arg8[%swap3A_730, %swap3A_731, %swap3A_732] {strides = array<i32>} : memref<4x200x64xf32, #tpu.memory_space<vmem>>, vector<1x1x16xf32>,
      %swap3A_734 = vector.shape_cast %swap3A_733 : vector<1x1x16xf32> to vector<16xf32>
      %swap3A_735 = vector.shape_cast %get3A_728 : vector<16xf32> to vector<1x1x16xf32>
      tpu.vector_store %arg8[%swap3A_730, %swap3A_731, %swap3A_732], %swap3A_735 {add = true, strides = array<i32>} : memref<4x200x64xf32, #tpu.memory_space<vmem>>, vector<1x1x16xf32>,
      %get3A_736 = arith.index_cast %scan3A_724 : i32 to index
      %get3A_737 = arith.constant 16 : index
      %get3A_738 = tpu.vector_load %arg7[%get3A_736, %get3A_737] {strides = array<i32>} : memref<200x64xf32, #tpu.memory_space<vmem>>, vector<1x16xf32>,
      %get3A_739 = vector.shape_cast %get3A_738 : vector<1x16xf32> to vector<16xf32>
      %swap3A_740 = arith.constant 1 : i32
      %swap3A_741 = arith.index_cast %swap3A_740 : i32 to index
      %swap3A_742 = arith.index_cast %scan3A_724 : i32 to index
      %swap3A_743 = arith.constant 16 : index
      %swap3A_744 = tpu.vector_load %arg8[%swap3A_741, %swap3A_742, %swap3A_743] {strides = array<i32>} : memref<4x200x64xf32, #tpu.memory_space<vmem>>, vector<1x1x16xf32>,
      %swap3A_745 = vector.shape_cast %swap3A_744 : vector<1x1x16xf32> to vector<16xf32>
      %swap3A_746 = vector.shape_cast %get3A_739 : vector<16xf32> to vector<1x1x16xf32>
      tpu.vector_store %arg8[%swap3A_741, %swap3A_742, %swap3A_743], %swap3A_746 {add = true, strides = array<i32>} : memref<4x200x64xf32, #tpu.memory_space<vmem>>, vector<1x1x16xf32>,
      %get3A_747 = arith.index_cast %scan3A_724 : i32 to index
      %get3A_748 = arith.constant 32 : index
      %get3A_749 = tpu.vector_load %arg7[%get3A_747, %get3A_748] {strides = array<i32>} : memref<200x64xf32, #tpu.memory_space<vmem>>, vector<1x16xf32>,
      %get3A_750 = vector.shape_cast %get3A_749 : vector<1x16xf32> to vector<16xf32>
      %swap3A_751 = arith.constant 1 : i32
      %swap3A_752 = arith.index_cast %swap3A_751 : i32 to index
      %swap3A_753 = arith.index_cast %scan3A_724 : i32 to index
      %swap3A_754 = arith.constant 32 : index
      %swap3A_755 = tpu.vector_load %arg8[%swap3A_752, %swap3A_753, %swap3A_754] {strides = array<i32>} : memref<4x200x64xf32, #tpu.memory_space<vmem>>, vector<1x1x16xf32>,
      %swap3A_756 = vector.shape_cast %swap3A_755 : vector<1x1x16xf32> to vector<16xf32>
      %swap3A_757 = vector.shape_cast %get3A_750 : vector<16xf32> to vector<1x1x16xf32>
      tpu.vector_store %arg8[%swap3A_752, %swap3A_753, %swap3A_754], %swap3A_757 {add = true, strides = array<i32>} : memref<4x200x64xf32, #tpu.memory_space<vmem>>, vector<1x1x16xf32>,
      %get3A_758 = arith.index_cast %scan3A_724 : i32 to index
      %get3A_759 = arith.constant 48 : index
      %get3A_760 = tpu.vector_load %arg7[%get3A_758, %get3A_759] {strides = array<i32>} : memref<200x64xf32, #tpu.memory_space<vmem>>, vector<1x16xf32>,
      %get3A_761 = vector.shape_cast %get3A_760 : vector<1x16xf32> to vector<16xf32>
      %swap3A_762 = arith.constant 1 : i32
      %swap3A_763 = arith.index_cast %swap3A_762 : i32 to index
      %swap3A_764 = arith.index_cast %scan3A_724 : i32 to index
      %swap3A_765 = arith.constant 48 : index
      %swap3A_766 = tpu.vector_load %arg8[%swap3A_763, %swap3A_764, %swap3A_765] {strides = array<i32>} : memref<4x200x64xf32, #tpu.memory_space<vmem>>, vector<1x1x16xf32>,
      %swap3A_767 = vector.shape_cast %swap3A_766 : vector<1x1x16xf32> to vector<16xf32>
      %swap3A_768 = vector.shape_cast %get3A_761 : vector<16xf32> to vector<1x1x16xf32>
      tpu.vector_store %arg8[%swap3A_763, %swap3A_764, %swap3A_765], %swap3A_768 {add = true, strides = array<i32>} : memref<4x200x64xf32, #tpu.memory_space<vmem>>, vector<1x1x16xf32>,
      %scan3A_769 = arith.constant 3 : i32
      %scan3A_770 = arith.addi %scan3A_634, %scan3A_769 : i32
      %get3A_771 = arith.index_cast %scan3A_770 : i32 to index
      %get3A_772 = arith.constant 0 : index
      %get3A_773 = tpu.vector_load %arg7[%get3A_771, %get3A_772] {strides = array<i32>} : memref<200x64xf32, #tpu.memory_space<vmem>>, vector<1x16xf32>,
      %get3A_774 = vector.shape_cast %get3A_773 : vector<1x16xf32> to vector<16xf32>
      %swap3A_775 = arith.constant 1 : i32
      %swap3A_776 = arith.index_cast %swap3A_775 : i32 to index
      %swap3A_777 = arith.index_cast %scan3A_770 : i32 to index
      %swap3A_778 = arith.constant 0 : index
      %swap3A_779 = tpu.vector_load %arg8[%swap3A_776, %swap3A_777, %swap3A_778] {strides = array<i32>} : memref<4x200x64xf32, #tpu.memory_space<vmem>>, vector<1x1x16xf32>,
      %swap3A_780 = vector.shape_cast %swap3A_779 : vector<1x1x16xf32> to vector<16xf32>
      %swap3A_781 = vector.shape_cast %get3A_774 : vector<16xf32> to vector<1x1x16xf32>
      tpu.vector_store %arg8[%swap3A_776, %swap3A_777, %swap3A_778], %swap3A_781 {add = true, strides = array<i32>} : memref<4x200x64xf32, #tpu.memory_space<vmem>>, vector<1x1x16xf32>,
      %get3A_782 = arith.index_cast %scan3A_770 : i32 to index
      %get3A_783 = arith.constant 16 : index
      %get3A_784 = tpu.vector_load %arg7[%get3A_782, %get3A_783] {strides = array<i32>} : memref<200x64xf32, #tpu.memory_space<vmem>>, vector<1x16xf32>,
      %get3A_785 = vector.shape_cast %get3A_784 : vector<1x16xf32> to vector<16xf32>
      %swap3A_786 = arith.constant 1 : i32
      %swap3A_787 = arith.index_cast %swap3A_786 : i32 to index
      %swap3A_788 = arith.index_cast %scan3A_770 : i32 to index
      %swap3A_789 = arith.constant 16 : index
      %swap3A_790 = tpu.vector_load %arg8[%swap3A_787, %swap3A_788, %swap3A_789] {strides = array<i32>} : memref<4x200x64xf32, #tpu.memory_space<vmem>>, vector<1x1x16xf32>,
      %swap3A_791 = vector.shape_cast %swap3A_790 : vector<1x1x16xf32> to vector<16xf32>
      %swap3A_792 = vector.shape_cast %get3A_785 : vector<16xf32> to vector<1x1x16xf32>
      tpu.vector_store %arg8[%swap3A_787, %swap3A_788, %swap3A_789], %swap3A_792 {add = true, strides = array<i32>} : memref<4x200x64xf32, #tpu.memory_space<vmem>>, vector<1x1x16xf32>,
      %get3A_793 = arith.index_cast %scan3A_770 : i32 to index
      %get3A_794 = arith.constant 32 : index
      %get3A_795 = tpu.vector_load %arg7[%get3A_793, %get3A_794] {strides = array<i32>} : memref<200x64xf32, #tpu.memory_space<vmem>>, vector<1x16xf32>,
      %get3A_796 = vector.shape_cast %get3A_795 : vector<1x16xf32> to vector<16xf32>
      %swap3A_797 = arith.constant 1 : i32
      %swap3A_798 = arith.index_cast %swap3A_797 : i32 to index
      %swap3A_799 = arith.index_cast %scan3A_770 : i32 to index
      %swap3A_800 = arith.constant 32 : index
      %swap3A_801 = tpu.vector_load %arg8[%swap3A_798, %swap3A_799, %swap3A_800] {strides = array<i32>} : memref<4x200x64xf32, #tpu.memory_space<vmem>>, vector<1x1x16xf32>,
      %swap3A_802 = vector.shape_cast %swap3A_801 : vector<1x1x16xf32> to vector<16xf32>
      %swap3A_803 = vector.shape_cast %get3A_796 : vector<16xf32> to vector<1x1x16xf32>
      tpu.vector_store %arg8[%swap3A_798, %swap3A_799, %swap3A_800], %swap3A_803 {add = true, strides = array<i32>} : memref<4x200x64xf32, #tpu.memory_space<vmem>>, vector<1x1x16xf32>,
      %get3A_804 = arith.index_cast %scan3A_770 : i32 to index
      %get3A_805 = arith.constant 48 : index
      %get3A_806 = tpu.vector_load %arg7[%get3A_804, %get3A_805] {strides = array<i32>} : memref<200x64xf32, #tpu.memory_space<vmem>>, vector<1x16xf32>,
      %get3A_807 = vector.shape_cast %get3A_806 : vector<1x16xf32> to vector<16xf32>
      %swap3A_808 = arith.constant 1 : i32
      %swap3A_809 = arith.index_cast %swap3A_808 : i32 to index
      %swap3A_810 = arith.index_cast %scan3A_770 : i32 to index
      %swap3A_811 = arith.constant 48 : index
      %swap3A_812 = tpu.vector_load %arg8[%swap3A_809, %swap3A_810, %swap3A_811] {strides = array<i32>} : memref<4x200x64xf32, #tpu.memory_space<vmem>>, vector<1x1x16xf32>,
      %swap3A_813 = vector.shape_cast %swap3A_812 : vector<1x1x16xf32> to vector<16xf32>
      %swap3A_814 = vector.shape_cast %get3A_807 : vector<16xf32> to vector<1x1x16xf32>
      tpu.vector_store %arg8[%swap3A_809, %swap3A_810, %swap3A_811], %swap3A_814 {add = true, strides = array<i32>} : memref<4x200x64xf32, #tpu.memory_space<vmem>>, vector<1x1x16xf32>,
    }
    %scan3A_245 = arith.constant 200 : i32
    %add3A_246 = arith.constant 1 : i32
    %add3A_247 = arith.addi %mul3A_2, %add3A_246 : i32
    %dma_start3A_248 = arith.constant 1 : i32
    %dma_start3A_249 = arith.constant 1 : i32
    %dma_start3A_250 = arith.constant 0 : i32
    %dma_start3A_251 = arith.constant 0 : i32
    %dma_start3A_252 = tpu.memref_slice %arg8[%dma_start3A_248, %dma_start3A_250, %dma_start3A_251] : memref<4x200x64xf32, #tpu.memory_space<vmem>> -> memref<1x200x64xf32, #tpu.memory_space<vmem>>
    %dma_start3A_253 = tpu.memref_squeeze %dma_start3A_252 : memref<1x200x64xf32, #tpu.memory_space<vmem>> -> memref<200x64xf32, #tpu.memory_space<vmem>>
    %dma_start3A_254 = arith.constant 0 : i32
    %dma_start3A_255 = arith.constant 0 : i32
    %dma_start3A_256 = tpu.memref_slice %arg5[%add3A_247, %dma_start3A_254, %dma_start3A_255] : memref<4096x200x128xf32, #tpu.memory_space<hbm>> -> memref<1x200x64xf32, #tpu.memory_space<hbm>>
    %dma_start3A_257 = tpu.memref_squeeze %dma_start3A_256 : memref<1x200x64xf32, #tpu.memory_space<hbm>> -> memref<200x64xf32, #tpu.memory_space<hbm>>
    %dma_start3A_258 = tpu.memref_slice %arg10[%dma_start3A_249] : memref<4x!tpu.dma_semaphore, #tpu.memory_space<semaphore_mem>> -> memref<1x!tpu.dma_semaphore, #tpu.memory_space<semaphore_mem>>
    %dma_start3A_259 = tpu.memref_squeeze %dma_start3A_258 : memref<1x!tpu.dma_semaphore, #tpu.memory_space<semaphore_mem>> -> memref<!tpu.dma_semaphore, #tpu.memory_space<semaphore_mem>>
    %dma_start3A_260 = arith.constant 0 : i32
    %dma_start3A_261 = arith.constant 0 : i32
    %dma_start3A_262 = tpu.memref_slice %arg5[%add3A_247, %dma_start3A_260, %dma_start3A_261] : memref<4096x200x128xf32, #tpu.memory_space<hbm>> -> memref<1x200x64xf32, #tpu.memory_space<hbm>>
    %dma_start3A_263 = tpu.memref_squeeze %dma_start3A_262 : memref<1x200x64xf32, #tpu.memory_space<hbm>> -> memref<200x64xf32, #tpu.memory_space<hbm>>
    %dma_start3A_264 = arith.constant 0 : i32
    %dma_start3A_265 = arith.constant 0 : i32
    %dma_start3A_266 = tpu.memref_slice %arg8[%dma_start3A_248, %dma_start3A_264, %dma_start3A_265] : memref<4x200x64xf32, #tpu.memory_space<vmem>> -> memref<1x200x64xf32, #tpu.memory_space<vmem>>
    %dma_start3A_267 = tpu.memref_squeeze %dma_start3A_266 : memref<1x200x64xf32, #tpu.memory_space<vmem>> -> memref<200x64xf32, #tpu.memory_space<vmem>>
    tpu.enqueue_dma source(%dma_start3A_267 : memref<200x64xf32, #tpu.memory_space<vmem>>) target(%dma_start3A_263 : memref<200x64xf32, #tpu.memory_space<hbm>>) target_semaphore(%dma_start3A_259 : memref<!tpu.dma_semaphore, #tpu.memory_space<semaphore_mem>>)
    %add3A_268 = arith.constant 0 : i32
    %add3A_269 = arith.addi %mul3A_2, %add3A_268 : i32
    %dma_wait3A_270 = arith.constant 0 : i32
    %dma_wait3A_271 = arith.constant 0 : i32
    %dma_wait3A_272 = arith.constant 0 : i32
    %dma_wait3A_273 = arith.constant 0 : i32
    %dma_wait3A_274 = tpu.memref_slice %arg8[%dma_wait3A_270, %dma_wait3A_272, %dma_wait3A_273] : memref<4x200x64xf32, #tpu.memory_space<vmem>> -> memref<1x200x64xf32, #tpu.memory_space<vmem>>
    %dma_wait3A_275 = tpu.memref_squeeze %dma_wait3A_274 : memref<1x200x64xf32, #tpu.memory_space<vmem>> -> memref<200x64xf32, #tpu.memory_space<vmem>>
    %dma_wait3A_276 = arith.constant 0 : i32
    %dma_wait3A_277 = arith.constant 0 : i32
    %dma_wait3A_278 = tpu.memref_slice %arg5[%add3A_269, %dma_wait3A_276, %dma_wait3A_277] : memref<4096x200x128xf32, #tpu.memory_space<hbm>> -> memref<1x200x64xf32, #tpu.memory_space<hbm>>
    %dma_wait3A_279 = tpu.memref_squeeze %dma_wait3A_278 : memref<1x200x64xf32, #tpu.memory_space<hbm>> -> memref<200x64xf32, #tpu.memory_space<hbm>>
    %dma_wait3A_280 = tpu.memref_slice %arg10[%dma_wait3A_271] : memref<4x!tpu.dma_semaphore, #tpu.memory_space<semaphore_mem>> -> memref<1x!tpu.dma_semaphore, #tpu.memory_space<semaphore_mem>>
    %dma_wait3A_281 = tpu.memref_squeeze %dma_wait3A_280 : memref<1x!tpu.dma_semaphore, #tpu.memory_space<semaphore_mem>> -> memref<!tpu.dma_semaphore, #tpu.memory_space<semaphore_mem>>
    %dma_wait3A_282 = arith.constant 0 : i32
    %dma_wait3A_283 = arith.constant 0 : i32
    %dma_wait3A_284 = tpu.memref_slice %arg5[%add3A_269, %dma_wait3A_282, %dma_wait3A_283] : memref<4096x200x128xf32, #tpu.memory_space<hbm>> -> memref<1x200x64xf32, #tpu.memory_space<hbm>>
    %dma_wait3A_285 = tpu.memref_squeeze %dma_wait3A_284 : memref<1x200x64xf32, #tpu.memory_space<hbm>> -> memref<200x64xf32, #tpu.memory_space<hbm>>
    %dma_wait3A_286 = arith.constant 0 : i32
    %dma_wait3A_287 = arith.constant 0 : i32
    %dma_wait3A_288 = tpu.memref_slice %arg8[%dma_wait3A_270, %dma_wait3A_286, %dma_wait3A_287] : memref<4x200x64xf32, #tpu.memory_space<vmem>> -> memref<1x200x64xf32, #tpu.memory_space<vmem>>
    %dma_wait3A_289 = tpu.memref_squeeze %dma_wait3A_288 : memref<1x200x64xf32, #tpu.memory_space<vmem>> -> memref<200x64xf32, #tpu.memory_space<vmem>>
    tpu.wait_dma2 semaphore(%dma_wait3A_281 : memref<!tpu.dma_semaphore, #tpu.memory_space<semaphore_mem>>) src(%dma_wait3A_289 : memref<200x64xf32, #tpu.memory_space<vmem>>) dst(%dma_wait3A_285 : memref<200x64xf32, #tpu.memory_space<hbm>>)
    %dma_start3A_290 = arith.constant 4 : i32
    %dma_start3A_291 = arith.constant 0 : i32
    %dma_start3A_292 = arith.constant 0 : i32
    %dma_start3A_293 = arith.constant 0 : i32
    %dma_start3A_294 = arith.constant 0 : i32
    %dma_start3A_295 = tpu.memref_slice %arg8[%dma_start3A_291, %dma_start3A_293, %dma_start3A_294] : memref<4x200x64xf32, #tpu.memory_space<vmem>> -> memref<1x104x64xf32, #tpu.memory_space<vmem>>
    %dma_start3A_296 = tpu.memref_squeeze %dma_start3A_295 : memref<1x104x64xf32, #tpu.memory_space<vmem>> -> memref<104x64xf32, #tpu.memory_space<vmem>>
    %dma_start3A_297 = arith.constant 0 : i32
    %dma_start3A_298 = tpu.memref_slice %arg6[%dma_start3A_290, %dma_start3A_297] : memref<128x200xi32, #tpu.memory_space<vmem>> -> memref<1x104xi32, #tpu.memory_space<vmem>>
    %dma_start3A_299 = tpu.memref_squeeze %dma_start3A_298 : memref<1x104xi32, #tpu.memory_space<vmem>> -> memref<104xi32, #tpu.memory_space<vmem>>
    %dma_start3A_300 = arith.constant 0 : i32
    %dma_start3A_301 = arith.constant 0 : i32
    %dma_start3A_302 = tpu.memref_slice %arg2[%dma_start3A_300, %dma_start3A_301] : memref<1000000x64xf32, #tpu.memory_space<hbm>> -> memref<1000000x64xf32, #tpu.memory_space<hbm>>
    %dma_start3A_303 = tpu.memref_slice %arg9[%dma_start3A_292] : memref<4x!tpu.dma_semaphore, #tpu.memory_space<semaphore_mem>> -> memref<1x!tpu.dma_semaphore, #tpu.memory_space<semaphore_mem>>
    %dma_start3A_304 = tpu.memref_squeeze %dma_start3A_303 : memref<1x!tpu.dma_semaphore, #tpu.memory_space<semaphore_mem>> -> memref<!tpu.dma_semaphore, #tpu.memory_space<semaphore_mem>>
    tpu.enqueue_indirect_dma source(%dma_start3A_302 : memref<1000000x64xf32, #tpu.memory_space<hbm>>) target(%dma_start3A_296 : memref<104x64xf32, #tpu.memory_space<vmem>>) offsets(%dma_start3A_299 : memref<104xi32, #tpu.memory_space<vmem>>) semaphore(%dma_start3A_304 : memref<!tpu.dma_semaphore, #tpu.memory_space<semaphore_mem>>)
    %dma_start3A_305 = arith.constant 4 : i32
    %dma_start3A_306 = arith.constant 0 : i32
    %dma_start3A_307 = arith.constant 0 : i32
    %dma_start3A_308 = arith.constant 104 : i32
    %dma_start3A_309 = arith.constant 0 : i32
    %dma_start3A_310 = tpu.memref_slice %arg8[%dma_start3A_306, %dma_start3A_308, %dma_start3A_309] : memref<4x200x64xf32, #tpu.memory_space<vmem>> -> memref<1x96x64xf32, #tpu.memory_space<vmem>>
    %dma_start3A_311 = tpu.memref_squeeze %dma_start3A_310 : memref<1x96x64xf32, #tpu.memory_space<vmem>> -> memref<96x64xf32, #tpu.memory_space<vmem>>
    %dma_start3A_312 = arith.constant 104 : i32
    %dma_start3A_313 = tpu.memref_slice %arg6[%dma_start3A_305, %dma_start3A_312] : memref<128x200xi32, #tpu.memory_space<vmem>> -> memref<1x96xi32, #tpu.memory_space<vmem>>
    %dma_start3A_314 = tpu.memref_squeeze %dma_start3A_313 : memref<1x96xi32, #tpu.memory_space<vmem>> -> memref<96xi32, #tpu.memory_space<vmem>>
    %dma_start3A_315 = arith.constant 0 : i32
    %dma_start3A_316 = arith.constant 0 : i32
    %dma_start3A_317 = tpu.memref_slice %arg2[%dma_start3A_315, %dma_start3A_316] : memref<1000000x64xf32, #tpu.memory_space<hbm>> -> memref<1000000x64xf32, #tpu.memory_space<hbm>>
    %dma_start3A_318 = tpu.memref_slice %arg9[%dma_start3A_307] : memref<4x!tpu.dma_semaphore, #tpu.memory_space<semaphore_mem>> -> memref<1x!tpu.dma_semaphore, #tpu.memory_space<semaphore_mem>>
    %dma_start3A_319 = tpu.memref_squeeze %dma_start3A_318 : memref<1x!tpu.dma_semaphore, #tpu.memory_space<semaphore_mem>> -> memref<!tpu.dma_semaphore, #tpu.memory_space<semaphore_mem>>
    tpu.enqueue_indirect_dma source(%dma_start3A_317 : memref<1000000x64xf32, #tpu.memory_space<hbm>>) target(%dma_start3A_311 : memref<96x64xf32, #tpu.memory_space<vmem>>) offsets(%dma_start3A_314 : memref<96xi32, #tpu.memory_space<vmem>>) semaphore(%dma_start3A_319 : memref<!tpu.dma_semaphore, #tpu.memory_space<semaphore_mem>>)
    %dma_wait3A_320 = arith.constant 2 : i32
    %dma_wait3A_321 = arith.constant 2 : i32
    %dma_wait3A_322 = arith.constant 2 : i32
    %dma_wait3A_323 = arith.constant 0 : i32
    %dma_wait3A_324 = arith.constant 0 : i32
    %dma_wait3A_325 = tpu.memref_slice %arg8[%dma_wait3A_321, %dma_wait3A_323, %dma_wait3A_324] : memref<4x200x64xf32, #tpu.memory_space<vmem>> -> memref<1x104x64xf32, #tpu.memory_space<vmem>>
    %dma_wait3A_326 = tpu.memref_squeeze %dma_wait3A_325 : memref<1x104x64xf32, #tpu.memory_space<vmem>> -> memref<104x64xf32, #tpu.memory_space<vmem>>
    %dma_wait3A_327 = arith.constant 0 : i32
    %dma_wait3A_328 = tpu.memref_slice %arg6[%dma_wait3A_320, %dma_wait3A_327] : memref<128x200xi32, #tpu.memory_space<vmem>> -> memref<1x104xi32, #tpu.memory_space<vmem>>
    %dma_wait3A_329 = tpu.memref_squeeze %dma_wait3A_328 : memref<1x104xi32, #tpu.memory_space<vmem>> -> memref<104xi32, #tpu.memory_space<vmem>>
    %dma_wait3A_330 = arith.constant 0 : i32
    %dma_wait3A_331 = arith.constant 0 : i32
    %dma_wait3A_332 = tpu.memref_slice %arg2[%dma_wait3A_330, %dma_wait3A_331] : memref<1000000x64xf32, #tpu.memory_space<hbm>> -> memref<1000000x64xf32, #tpu.memory_space<hbm>>
    %dma_wait3A_333 = tpu.memref_slice %arg9[%dma_wait3A_322] : memref<4x!tpu.dma_semaphore, #tpu.memory_space<semaphore_mem>> -> memref<1x!tpu.dma_semaphore, #tpu.memory_space<semaphore_mem>>
    %dma_wait3A_334 = tpu.memref_squeeze %dma_wait3A_333 : memref<1x!tpu.dma_semaphore, #tpu.memory_space<semaphore_mem>> -> memref<!tpu.dma_semaphore, #tpu.memory_space<semaphore_mem>>
    tpu.wait_indirect_dma semaphore(%dma_wait3A_334 : memref<!tpu.dma_semaphore, #tpu.memory_space<semaphore_mem>>) src(%dma_wait3A_332 : memref<1000000x64xf32, #tpu.memory_space<hbm>>) dst(%dma_wait3A_326 : memref<104x64xf32, #tpu.memory_space<vmem>>)
    %dma_wait3A_335 = arith.constant 2 : i32
    %dma_wait3A_336 = arith.constant 2 : i32
    %dma_wait3A_337 = arith.constant 2 : i32
    %dma_wait3A_338 = arith.constant 104 : i32
    %dma_wait3A_339 = arith.constant 0 : i32
    %dma_wait3A_340 = tpu.memref_slice %arg8[%dma_wait3A_336, %dma_wait3A_338, %dma_wait3A_339] : memref<4x200x64xf32, #tpu.memory_space<vmem>> -> memref<1x96x64xf32, #tpu.memory_space<vmem>>
    %dma_wait3A_341 = tpu.memref_squeeze %dma_wait3A_340 : memref<1x96x64xf32, #tpu.memory_space<vmem>> -> memref<96x64xf32, #tpu.memory_space<vmem>>
    %dma_wait3A_342 = arith.constant 104 : i32
    %dma_wait3A_343 = tpu.memref_slice %arg6[%dma_wait3A_335, %dma_wait3A_342] : memref<128x200xi32, #tpu.memory_space<vmem>> -> memref<1x96xi32, #tpu.memory_space<vmem>>
    %dma_wait3A_344 = tpu.memref_squeeze %dma_wait3A_343 : memref<1x96xi32, #tpu.memory_space<vmem>> -> memref<96xi32, #tpu.memory_space<vmem>>
    %dma_wait3A_345 = arith.constant 0 : i32
    %dma_wait3A_346 = arith.constant 0 : i32
    %dma_wait3A_347 = tpu.memref_slice %arg2[%dma_wait3A_345, %dma_wait3A_346] : memref<1000000x64xf32, #tpu.memory_space<hbm>> -> memref<1000000x64xf32, #tpu.memory_space<hbm>>
    %dma_wait3A_348 = tpu.memref_slice %arg9[%dma_wait3A_337] : memref<4x!tpu.dma_semaphore, #tpu.memory_space<semaphore_mem>> -> memref<1x!tpu.dma_semaphore, #tpu.memory_space<semaphore_mem>>
    %dma_wait3A_349 = tpu.memref_squeeze %dma_wait3A_348 : memref<1x!tpu.dma_semaphore, #tpu.memory_space<semaphore_mem>> -> memref<!tpu.dma_semaphore, #tpu.memory_space<semaphore_mem>>
    tpu.wait_indirect_dma semaphore(%dma_wait3A_349 : memref<!tpu.dma_semaphore, #tpu.memory_space<semaphore_mem>>) src(%dma_wait3A_347 : memref<1000000x64xf32, #tpu.memory_space<hbm>>) dst(%dma_wait3A_341 : memref<96x64xf32, #tpu.memory_space<vmem>>)
    %scan3A_350 = arith.constant 0 : i32
    %scan3A_351 = arith.constant 0 : i32
    %scan3A_352 = arith.constant 200 : i32
    %scan3A_353 = arith.addi %scan3A_351, %scan3A_352 : i32
    %scan3A_354 = arith.constant 4 : i32
    scf.for %scan3A_634 = %scan3A_351 to %scan3A_353 step %scan3A_354  : i32 {
      %get3A = arith.index_cast %scan3A_634 : i32 to index
      %get3A_635 = arith.constant 0 : index
      %get3A_636 = tpu.vector_load %arg7[%get3A, %get3A_635] {strides = array<i32>} : memref<200x64xf32, #tpu.memory_space<vmem>>, vector<1x16xf32>,
      %get3A_637 = vector.shape_cast %get3A_636 : vector<1x16xf32> to vector<16xf32>
      %swap3A = arith.constant 2 : i32
      %swap3A_638 = arith.index_cast %swap3A : i32 to index
      %swap3A_639 = arith.index_cast %scan3A_634 : i32 to index
      %swap3A_640 = arith.constant 0 : index
      %swap3A_641 = tpu.vector_load %arg8[%swap3A_638, %swap3A_639, %swap3A_640] {strides = array<i32>} : memref<4x200x64xf32, #tpu.memory_space<vmem>>, vector<1x1x16xf32>,
      %swap3A_642 = vector.shape_cast %swap3A_641 : vector<1x1x16xf32> to vector<16xf32>
      %swap3A_643 = vector.shape_cast %get3A_637 : vector<16xf32> to vector<1x1x16xf32>
      tpu.vector_store %arg8[%swap3A_638, %swap3A_639, %swap3A_640], %swap3A_643 {add = true, strides = array<i32>} : memref<4x200x64xf32, #tpu.memory_space<vmem>>, vector<1x1x16xf32>,
      %get3A_644 = arith.index_cast %scan3A_634 : i32 to index
      %get3A_645 = arith.constant 16 : index
      %get3A_646 = tpu.vector_load %arg7[%get3A_644, %get3A_645] {strides = array<i32>} : memref<200x64xf32, #tpu.memory_space<vmem>>, vector<1x16xf32>,
      %get3A_647 = vector.shape_cast %get3A_646 : vector<1x16xf32> to vector<16xf32>
      %swap3A_648 = arith.constant 2 : i32
      %swap3A_649 = arith.index_cast %swap3A_648 : i32 to index
      %swap3A_650 = arith.index_cast %scan3A_634 : i32 to index
      %swap3A_651 = arith.constant 16 : index
      %swap3A_652 = tpu.vector_load %arg8[%swap3A_649, %swap3A_650, %swap3A_651] {strides = array<i32>} : memref<4x200x64xf32, #tpu.memory_space<vmem>>, vector<1x1x16xf32>,
      %swap3A_653 = vector.shape_cast %swap3A_652 : vector<1x1x16xf32> to vector<16xf32>
      %swap3A_654 = vector.shape_cast %get3A_647 : vector<16xf32> to vector<1x1x16xf32>
      tpu.vector_store %arg8[%swap3A_649, %swap3A_650, %swap3A_651], %swap3A_654 {add = true, strides = array<i32>} : memref<4x200x64xf32, #tpu.memory_space<vmem>>, vector<1x1x16xf32>,
      %get3A_655 = arith.index_cast %scan3A_634 : i32 to index
      %get3A_656 = arith.constant 32 : index
      %get3A_657 = tpu.vector_load %arg7[%get3A_655, %get3A_656] {strides = array<i32>} : memref<200x64xf32, #tpu.memory_space<vmem>>, vector<1x16xf32>,
      %get3A_658 = vector.shape_cast %get3A_657 : vector<1x16xf32> to vector<16xf32>
      %swap3A_659 = arith.constant 2 : i32
      %swap3A_660 = arith.index_cast %swap3A_659 : i32 to index
      %swap3A_661 = arith.index_cast %scan3A_634 : i32 to index
      %swap3A_662 = arith.constant 32 : index
      %swap3A_663 = tpu.vector_load %arg8[%swap3A_660, %swap3A_661, %swap3A_662] {strides = array<i32>} : memref<4x200x64xf32, #tpu.memory_space<vmem>>, vector<1x1x16xf32>,
      %swap3A_664 = vector.shape_cast %swap3A_663 : vector<1x1x16xf32> to vector<16xf32>
      %swap3A_665 = vector.shape_cast %get3A_658 : vector<16xf32> to vector<1x1x16xf32>
      tpu.vector_store %arg8[%swap3A_660, %swap3A_661, %swap3A_662], %swap3A_665 {add = true, strides = array<i32>} : memref<4x200x64xf32, #tpu.memory_space<vmem>>, vector<1x1x16xf32>,
      %get3A_666 = arith.index_cast %scan3A_634 : i32 to index
      %get3A_667 = arith.constant 48 : index
      %get3A_668 = tpu.vector_load %arg7[%get3A_666, %get3A_667] {strides = array<i32>} : memref<200x64xf32, #tpu.memory_space<vmem>>, vector<1x16xf32>,
      %get3A_669 = vector.shape_cast %get3A_668 : vector<1x16xf32> to vector<16xf32>
      %swap3A_670 = arith.constant 2 : i32
      %swap3A_671 = arith.index_cast %swap3A_670 : i32 to index
      %swap3A_672 = arith.index_cast %scan3A_634 : i32 to index
      %swap3A_673 = arith.constant 48 : index
      %swap3A_674 = tpu.vector_load %arg8[%swap3A_671, %swap3A_672, %swap3A_673] {strides = array<i32>} : memref<4x200x64xf32, #tpu.memory_space<vmem>>, vector<1x1x16xf32>,
      %swap3A_675 = vector.shape_cast %swap3A_674 : vector<1x1x16xf32> to vector<16xf32>
      %swap3A_676 = vector.shape_cast %get3A_669 : vector<16xf32> to vector<1x1x16xf32>
      tpu.vector_store %arg8[%swap3A_671, %swap3A_672, %swap3A_673], %swap3A_676 {add = true, strides = array<i32>} : memref<4x200x64xf32, #tpu.memory_space<vmem>>, vector<1x1x16xf32>,
      %scan3A_677 = arith.constant 1 : i32
      %scan3A_678 = arith.addi %scan3A_634, %scan3A_677 : i32
      %get3A_679 = arith.index_cast %scan3A_678 : i32 to index
      %get3A_680 = arith.constant 0 : index
      %get3A_681 = tpu.vector_load %arg7[%get3A_679, %get3A_680] {strides = array<i32>} : memref<200x64xf32, #tpu.memory_space<vmem>>, vector<1x16xf32>,
      %get3A_682 = vector.shape_cast %get3A_681 : vector<1x16xf32> to vector<16xf32>
      %swap3A_683 = arith.constant 2 : i32
      %swap3A_684 = arith.index_cast %swap3A_683 : i32 to index
      %swap3A_685 = arith.index_cast %scan3A_678 : i32 to index
      %swap3A_686 = arith.constant 0 : index
      %swap3A_687 = tpu.vector_load %arg8[%swap3A_684, %swap3A_685, %swap3A_686] {strides = array<i32>} : memref<4x200x64xf32, #tpu.memory_space<vmem>>, vector<1x1x16xf32>,
      %swap3A_688 = vector.shape_cast %swap3A_687 : vector<1x1x16xf32> to vector<16xf32>
      %swap3A_689 = vector.shape_cast %get3A_682 : vector<16xf32> to vector<1x1x16xf32>
      tpu.vector_store %arg8[%swap3A_684, %swap3A_685, %swap3A_686], %swap3A_689 {add = true, strides = array<i32>} : memref<4x200x64xf32, #tpu.memory_space<vmem>>, vector<1x1x16xf32>,
      %get3A_690 = arith.index_cast %scan3A_678 : i32 to index
      %get3A_691 = arith.constant 16 : index
      %get3A_692 = tpu.vector_load %arg7[%get3A_690, %get3A_691] {strides = array<i32>} : memref<200x64xf32, #tpu.memory_space<vmem>>, vector<1x16xf32>,
      %get3A_693 = vector.shape_cast %get3A_692 : vector<1x16xf32> to vector<16xf32>
      %swap3A_694 = arith.constant 2 : i32
      %swap3A_695 = arith.index_cast %swap3A_694 : i32 to index
      %swap3A_696 = arith.index_cast %scan3A_678 : i32 to index
      %swap3A_697 = arith.constant 16 : index
      %swap3A_698 = tpu.vector_load %arg8[%swap3A_695, %swap3A_696, %swap3A_697] {strides = array<i32>} : memref<4x200x64xf32, #tpu.memory_space<vmem>>, vector<1x1x16xf32>,
      %swap3A_699 = vector.shape_cast %swap3A_698 : vector<1x1x16xf32> to vector<16xf32>
      %swap3A_700 = vector.shape_cast %get3A_693 : vector<16xf32> to vector<1x1x16xf32>
      tpu.vector_store %arg8[%swap3A_695, %swap3A_696, %swap3A_697], %swap3A_700 {add = true, strides = array<i32>} : memref<4x200x64xf32, #tpu.memory_space<vmem>>, vector<1x1x16xf32>,
      %get3A_701 = arith.index_cast %scan3A_678 : i32 to index
      %get3A_702 = arith.constant 32 : index
      %get3A_703 = tpu.vector_load %arg7[%get3A_701, %get3A_702] {strides = array<i32>} : memref<200x64xf32, #tpu.memory_space<vmem>>, vector<1x16xf32>,
      %get3A_704 = vector.shape_cast %get3A_703 : vector<1x16xf32> to vector<16xf32>
      %swap3A_705 = arith.constant 2 : i32
      %swap3A_706 = arith.index_cast %swap3A_705 : i32 to index
      %swap3A_707 = arith.index_cast %scan3A_678 : i32 to index
      %swap3A_708 = arith.constant 32 : index
      %swap3A_709 = tpu.vector_load %arg8[%swap3A_706, %swap3A_707, %swap3A_708] {strides = array<i32>} : memref<4x200x64xf32, #tpu.memory_space<vmem>>, vector<1x1x16xf32>,
      %swap3A_710 = vector.shape_cast %swap3A_709 : vector<1x1x16xf32> to vector<16xf32>
      %swap3A_711 = vector.shape_cast %get3A_704 : vector<16xf32> to vector<1x1x16xf32>
      tpu.vector_store %arg8[%swap3A_706, %swap3A_707, %swap3A_708], %swap3A_711 {add = true, strides = array<i32>} : memref<4x200x64xf32, #tpu.memory_space<vmem>>, vector<1x1x16xf32>,
      %get3A_712 = arith.index_cast %scan3A_678 : i32 to index
      %get3A_713 = arith.constant 48 : index
      %get3A_714 = tpu.vector_load %arg7[%get3A_712, %get3A_713] {strides = array<i32>} : memref<200x64xf32, #tpu.memory_space<vmem>>, vector<1x16xf32>,
      %get3A_715 = vector.shape_cast %get3A_714 : vector<1x16xf32> to vector<16xf32>
      %swap3A_716 = arith.constant 2 : i32
      %swap3A_717 = arith.index_cast %swap3A_716 : i32 to index
      %swap3A_718 = arith.index_cast %scan3A_678 : i32 to index
      %swap3A_719 = arith.constant 48 : index
      %swap3A_720 = tpu.vector_load %arg8[%swap3A_717, %swap3A_718, %swap3A_719] {strides = array<i32>} : memref<4x200x64xf32, #tpu.memory_space<vmem>>, vector<1x1x16xf32>,
      %swap3A_721 = vector.shape_cast %swap3A_720 : vector<1x1x16xf32> to vector<16xf32>
      %swap3A_722 = vector.shape_cast %get3A_715 : vector<16xf32> to vector<1x1x16xf32>
      tpu.vector_store %arg8[%swap3A_717, %swap3A_718, %swap3A_719], %swap3A_722 {add = true, strides = array<i32>} : memref<4x200x64xf32, #tpu.memory_space<vmem>>, vector<1x1x16xf32>,
      %scan3A_723 = arith.constant 2 : i32
      %scan3A_724 = arith.addi %scan3A_634, %scan3A_723 : i32
      %get3A_725 = arith.index_cast %scan3A_724 : i32 to index
      %get3A_726 = arith.constant 0 : index
      %get3A_727 = tpu.vector_load %arg7[%get3A_725, %get3A_726] {strides = array<i32>} : memref<200x64xf32, #tpu.memory_space<vmem>>, vector<1x16xf32>,
      %get3A_728 = vector.shape_cast %get3A_727 : vector<1x16xf32> to vector<16xf32>
      %swap3A_729 = arith.constant 2 : i32
      %swap3A_730 = arith.index_cast %swap3A_729 : i32 to index
      %swap3A_731 = arith.index_cast %scan3A_724 : i32 to index
      %swap3A_732 = arith.constant 0 : index
      %swap3A_733 = tpu.vector_load %arg8[%swap3A_730, %swap3A_731, %swap3A_732] {strides = array<i32>} : memref<4x200x64xf32, #tpu.memory_space<vmem>>, vector<1x1x16xf32>,
      %swap3A_734 = vector.shape_cast %swap3A_733 : vector<1x1x16xf32> to vector<16xf32>
      %swap3A_735 = vector.shape_cast %get3A_728 : vector<16xf32> to vector<1x1x16xf32>
      tpu.vector_store %arg8[%swap3A_730, %swap3A_731, %swap3A_732], %swap3A_735 {add = true, strides = array<i32>} : memref<4x200x64xf32, #tpu.memory_space<vmem>>, vector<1x1x16xf32>,
      %get3A_736 = arith.index_cast %scan3A_724 : i32 to index
      %get3A_737 = arith.constant 16 : index
      %get3A_738 = tpu.vector_load %arg7[%get3A_736, %get3A_737] {strides = array<i32>} : memref<200x64xf32, #tpu.memory_space<vmem>>, vector<1x16xf32>,
      %get3A_739 = vector.shape_cast %get3A_738 : vector<1x16xf32> to vector<16xf32>
      %swap3A_740 = arith.constant 2 : i32
      %swap3A_741 = arith.index_cast %swap3A_740 : i32 to index
      %swap3A_742 = arith.index_cast %scan3A_724 : i32 to index
      %swap3A_743 = arith.constant 16 : index
      %swap3A_744 = tpu.vector_load %arg8[%swap3A_741, %swap3A_742, %swap3A_743] {strides = array<i32>} : memref<4x200x64xf32, #tpu.memory_space<vmem>>, vector<1x1x16xf32>,
      %swap3A_745 = vector.shape_cast %swap3A_744 : vector<1x1x16xf32> to vector<16xf32>
      %swap3A_746 = vector.shape_cast %get3A_739 : vector<16xf32> to vector<1x1x16xf32>
      tpu.vector_store %arg8[%swap3A_741, %swap3A_742, %swap3A_743], %swap3A_746 {add = true, strides = array<i32>} : memref<4x200x64xf32, #tpu.memory_space<vmem>>, vector<1x1x16xf32>,
      %get3A_747 = arith.index_cast %scan3A_724 : i32 to index
      %get3A_748 = arith.constant 32 : index
      %get3A_749 = tpu.vector_load %arg7[%get3A_747, %get3A_748] {strides = array<i32>} : memref<200x64xf32, #tpu.memory_space<vmem>>, vector<1x16xf32>,
      %get3A_750 = vector.shape_cast %get3A_749 : vector<1x16xf32> to vector<16xf32>
      %swap3A_751 = arith.constant 2 : i32
      %swap3A_752 = arith.index_cast %swap3A_751 : i32 to index
      %swap3A_753 = arith.index_cast %scan3A_724 : i32 to index
      %swap3A_754 = arith.constant 32 : index
      %swap3A_755 = tpu.vector_load %arg8[%swap3A_752, %swap3A_753, %swap3A_754] {strides = array<i32>} : memref<4x200x64xf32, #tpu.memory_space<vmem>>, vector<1x1x16xf32>,
      %swap3A_756 = vector.shape_cast %swap3A_755 : vector<1x1x16xf32> to vector<16xf32>
      %swap3A_757 = vector.shape_cast %get3A_750 : vector<16xf32> to vector<1x1x16xf32>
      tpu.vector_store %arg8[%swap3A_752, %swap3A_753, %swap3A_754], %swap3A_757 {add = true, strides = array<i32>} : memref<4x200x64xf32, #tpu.memory_space<vmem>>, vector<1x1x16xf32>,
      %get3A_758 = arith.index_cast %scan3A_724 : i32 to index
      %get3A_759 = arith.constant 48 : index
      %get3A_760 = tpu.vector_load %arg7[%get3A_758, %get3A_759] {strides = array<i32>} : memref<200x64xf32, #tpu.memory_space<vmem>>, vector<1x16xf32>,
      %get3A_761 = vector.shape_cast %get3A_760 : vector<1x16xf32> to vector<16xf32>
      %swap3A_762 = arith.constant 2 : i32
      %swap3A_763 = arith.index_cast %swap3A_762 : i32 to index
      %swap3A_764 = arith.index_cast %scan3A_724 : i32 to index
      %swap3A_765 = arith.constant 48 : index
      %swap3A_766 = tpu.vector_load %arg8[%swap3A_763, %swap3A_764, %swap3A_765] {strides = array<i32>} : memref<4x200x64xf32, #tpu.memory_space<vmem>>, vector<1x1x16xf32>,
      %swap3A_767 = vector.shape_cast %swap3A_766 : vector<1x1x16xf32> to vector<16xf32>
      %swap3A_768 = vector.shape_cast %get3A_761 : vector<16xf32> to vector<1x1x16xf32>
      tpu.vector_store %arg8[%swap3A_763, %swap3A_764, %swap3A_765], %swap3A_768 {add = true, strides = array<i32>} : memref<4x200x64xf32, #tpu.memory_space<vmem>>, vector<1x1x16xf32>,
      %scan3A_769 = arith.constant 3 : i32
      %scan3A_770 = arith.addi %scan3A_634, %scan3A_769 : i32
      %get3A_771 = arith.index_cast %scan3A_770 : i32 to index
      %get3A_772 = arith.constant 0 : index
      %get3A_773 = tpu.vector_load %arg7[%get3A_771, %get3A_772] {strides = array<i32>} : memref<200x64xf32, #tpu.memory_space<vmem>>, vector<1x16xf32>,
      %get3A_774 = vector.shape_cast %get3A_773 : vector<1x16xf32> to vector<16xf32>
      %swap3A_775 = arith.constant 2 : i32
      %swap3A_776 = arith.index_cast %swap3A_775 : i32 to index
      %swap3A_777 = arith.index_cast %scan3A_770 : i32 to index
      %swap3A_778 = arith.constant 0 : index
      %swap3A_779 = tpu.vector_load %arg8[%swap3A_776, %swap3A_777, %swap3A_778] {strides = array<i32>} : memref<4x200x64xf32, #tpu.memory_space<vmem>>, vector<1x1x16xf32>,
      %swap3A_780 = vector.shape_cast %swap3A_779 : vector<1x1x16xf32> to vector<16xf32>
      %swap3A_781 = vector.shape_cast %get3A_774 : vector<16xf32> to vector<1x1x16xf32>
      tpu.vector_store %arg8[%swap3A_776, %swap3A_777, %swap3A_778], %swap3A_781 {add = true, strides = array<i32>} : memref<4x200x64xf32, #tpu.memory_space<vmem>>, vector<1x1x16xf32>,
      %get3A_782 = arith.index_cast %scan3A_770 : i32 to index
      %get3A_783 = arith.constant 16 : index
      %get3A_784 = tpu.vector_load %arg7[%get3A_782, %get3A_783] {strides = array<i32>} : memref<200x64xf32, #tpu.memory_space<vmem>>, vector<1x16xf32>,
      %get3A_785 = vector.shape_cast %get3A_784 : vector<1x16xf32> to vector<16xf32>
      %swap3A_786 = arith.constant 2 : i32
      %swap3A_787 = arith.index_cast %swap3A_786 : i32 to index
      %swap3A_788 = arith.index_cast %scan3A_770 : i32 to index
      %swap3A_789 = arith.constant 16 : index
      %swap3A_790 = tpu.vector_load %arg8[%swap3A_787, %swap3A_788, %swap3A_789] {strides = array<i32>} : memref<4x200x64xf32, #tpu.memory_space<vmem>>, vector<1x1x16xf32>,
      %swap3A_791 = vector.shape_cast %swap3A_790 : vector<1x1x16xf32> to vector<16xf32>
      %swap3A_792 = vector.shape_cast %get3A_785 : vector<16xf32> to vector<1x1x16xf32>
      tpu.vector_store %arg8[%swap3A_787, %swap3A_788, %swap3A_789], %swap3A_792 {add = true, strides = array<i32>} : memref<4x200x64xf32, #tpu.memory_space<vmem>>, vector<1x1x16xf32>,
      %get3A_793 = arith.index_cast %scan3A_770 : i32 to index
      %get3A_794 = arith.constant 32 : index
      %get3A_795 = tpu.vector_load %arg7[%get3A_793, %get3A_794] {strides = array<i32>} : memref<200x64xf32, #tpu.memory_space<vmem>>, vector<1x16xf32>,
      %get3A_796 = vector.shape_cast %get3A_795 : vector<1x16xf32> to vector<16xf32>
      %swap3A_797 = arith.constant 2 : i32
      %swap3A_798 = arith.index_cast %swap3A_797 : i32 to index
      %swap3A_799 = arith.index_cast %scan3A_770 : i32 to index
      %swap3A_800 = arith.constant 32 : index
      %swap3A_801 = tpu.vector_load %arg8[%swap3A_798, %swap3A_799, %swap3A_800] {strides = array<i32>} : memref<4x200x64xf32, #tpu.memory_space<vmem>>, vector<1x1x16xf32>,
      %swap3A_802 = vector.shape_cast %swap3A_801 : vector<1x1x16xf32> to vector<16xf32>
      %swap3A_803 = vector.shape_cast %get3A_796 : vector<16xf32> to vector<1x1x16xf32>
      tpu.vector_store %arg8[%swap3A_798, %swap3A_799, %swap3A_800], %swap3A_803 {add = true, strides = array<i32>} : memref<4x200x64xf32, #tpu.memory_space<vmem>>, vector<1x1x16xf32>,
      %get3A_804 = arith.index_cast %scan3A_770 : i32 to index
      %get3A_805 = arith.constant 48 : index
      %get3A_806 = tpu.vector_load %arg7[%get3A_804, %get3A_805] {strides = array<i32>} : memref<200x64xf32, #tpu.memory_space<vmem>>, vector<1x16xf32>,
      %get3A_807 = vector.shape_cast %get3A_806 : vector<1x16xf32> to vector<16xf32>
      %swap3A_808 = arith.constant 2 : i32
      %swap3A_809 = arith.index_cast %swap3A_808 : i32 to index
      %swap3A_810 = arith.index_cast %scan3A_770 : i32 to index
      %swap3A_811 = arith.constant 48 : index
      %swap3A_812 = tpu.vector_load %arg8[%swap3A_809, %swap3A_810, %swap3A_811] {strides = array<i32>} : memref<4x200x64xf32, #tpu.memory_space<vmem>>, vector<1x1x16xf32>,
      %swap3A_813 = vector.shape_cast %swap3A_812 : vector<1x1x16xf32> to vector<16xf32>
      %swap3A_814 = vector.shape_cast %get3A_807 : vector<16xf32> to vector<1x1x16xf32>
      tpu.vector_store %arg8[%swap3A_809, %swap3A_810, %swap3A_811], %swap3A_814 {add = true, strides = array<i32>} : memref<4x200x64xf32, #tpu.memory_space<vmem>>, vector<1x1x16xf32>,
    }
    %scan3A_355 = arith.constant 200 : i32
    %add3A_356 = arith.constant 2 : i32
    %add3A_357 = arith.addi %mul3A_2, %add3A_356 : i32
    %dma_start3A_358 = arith.constant 2 : i32
    %dma_start3A_359 = arith.constant 2 : i32
    %dma_start3A_360 = arith.constant 0 : i32
    %dma_start3A_361 = arith.constant 0 : i32
    %dma_start3A_362 = tpu.memref_slice %arg8[%dma_start3A_358, %dma_start3A_360, %dma_start3A_361] : memref<4x200x64xf32, #tpu.memory_space<vmem>> -> memref<1x200x64xf32, #tpu.memory_space<vmem>>
    %dma_start3A_363 = tpu.memref_squeeze %dma_start3A_362 : memref<1x200x64xf32, #tpu.memory_space<vmem>> -> memref<200x64xf32, #tpu.memory_space<vmem>>
    %dma_start3A_364 = arith.constant 0 : i32
    %dma_start3A_365 = arith.constant 0 : i32
    %dma_start3A_366 = tpu.memref_slice %arg5[%add3A_357, %dma_start3A_364, %dma_start3A_365] : memref<4096x200x128xf32, #tpu.memory_space<hbm>> -> memref<1x200x64xf32, #tpu.memory_space<hbm>>
    %dma_start3A_367 = tpu.memref_squeeze %dma_start3A_366 : memref<1x200x64xf32, #tpu.memory_space<hbm>> -> memref<200x64xf32, #tpu.memory_space<hbm>>
    %dma_start3A_368 = tpu.memref_slice %arg10[%dma_start3A_359] : memref<4x!tpu.dma_semaphore, #tpu.memory_space<semaphore_mem>> -> memref<1x!tpu.dma_semaphore, #tpu.memory_space<semaphore_mem>>
    %dma_start3A_369 = tpu.memref_squeeze %dma_start3A_368 : memref<1x!tpu.dma_semaphore, #tpu.memory_space<semaphore_mem>> -> memref<!tpu.dma_semaphore, #tpu.memory_space<semaphore_mem>>
    %dma_start3A_370 = arith.constant 0 : i32
    %dma_start3A_371 = arith.constant 0 : i32
    %dma_start3A_372 = tpu.memref_slice %arg5[%add3A_357, %dma_start3A_370, %dma_start3A_371] : memref<4096x200x128xf32, #tpu.memory_space<hbm>> -> memref<1x200x64xf32, #tpu.memory_space<hbm>>
    %dma_start3A_373 = tpu.memref_squeeze %dma_start3A_372 : memref<1x200x64xf32, #tpu.memory_space<hbm>> -> memref<200x64xf32, #tpu.memory_space<hbm>>
    %dma_start3A_374 = arith.constant 0 : i32
    %dma_start3A_375 = arith.constant 0 : i32
    %dma_start3A_376 = tpu.memref_slice %arg8[%dma_start3A_358, %dma_start3A_374, %dma_start3A_375] : memref<4x200x64xf32, #tpu.memory_space<vmem>> -> memref<1x200x64xf32, #tpu.memory_space<vmem>>
    %dma_start3A_377 = tpu.memref_squeeze %dma_start3A_376 : memref<1x200x64xf32, #tpu.memory_space<vmem>> -> memref<200x64xf32, #tpu.memory_space<vmem>>
    tpu.enqueue_dma source(%dma_start3A_377 : memref<200x64xf32, #tpu.memory_space<vmem>>) target(%dma_start3A_373 : memref<200x64xf32, #tpu.memory_space<hbm>>) target_semaphore(%dma_start3A_369 : memref<!tpu.dma_semaphore, #tpu.memory_space<semaphore_mem>>)
    %add3A_378 = arith.constant 1 : i32
    %add3A_379 = arith.addi %mul3A_2, %add3A_378 : i32
    %dma_wait3A_380 = arith.constant 1 : i32
    %dma_wait3A_381 = arith.constant 1 : i32
    %dma_wait3A_382 = arith.constant 0 : i32
    %dma_wait3A_383 = arith.constant 0 : i32
    %dma_wait3A_384 = tpu.memref_slice %arg8[%dma_wait3A_380, %dma_wait3A_382, %dma_wait3A_383] : memref<4x200x64xf32, #tpu.memory_space<vmem>> -> memref<1x200x64xf32, #tpu.memory_space<vmem>>
    %dma_wait3A_385 = tpu.memref_squeeze %dma_wait3A_384 : memref<1x200x64xf32, #tpu.memory_space<vmem>> -> memref<200x64xf32, #tpu.memory_space<vmem>>
    %dma_wait3A_386 = arith.constant 0 : i32
    %dma_wait3A_387 = arith.constant 0 : i32
    %dma_wait3A_388 = tpu.memref_slice %arg5[%add3A_379, %dma_wait3A_386, %dma_wait3A_387] : memref<4096x200x128xf32, #tpu.memory_space<hbm>> -> memref<1x200x64xf32, #tpu.memory_space<hbm>>
    %dma_wait3A_389 = tpu.memref_squeeze %dma_wait3A_388 : memref<1x200x64xf32, #tpu.memory_space<hbm>> -> memref<200x64xf32, #tpu.memory_space<hbm>>
    %dma_wait3A_390 = tpu.memref_slice %arg10[%dma_wait3A_381] : memref<4x!tpu.dma_semaphore, #tpu.memory_space<semaphore_mem>> -> memref<1x!tpu.dma_semaphore, #tpu.memory_space<semaphore_mem>>
    %dma_wait3A_391 = tpu.memref_squeeze %dma_wait3A_390 : memref<1x!tpu.dma_semaphore, #tpu.memory_space<semaphore_mem>> -> memref<!tpu.dma_semaphore, #tpu.memory_space<semaphore_mem>>
    %dma_wait3A_392 = arith.constant 0 : i32
    %dma_wait3A_393 = arith.constant 0 : i32
    %dma_wait3A_394 = tpu.memref_slice %arg5[%add3A_379, %dma_wait3A_392, %dma_wait3A_393] : memref<4096x200x128xf32, #tpu.memory_space<hbm>> -> memref<1x200x64xf32, #tpu.memory_space<hbm>>
    %dma_wait3A_395 = tpu.memref_squeeze %dma_wait3A_394 : memref<1x200x64xf32, #tpu.memory_space<hbm>> -> memref<200x64xf32, #tpu.memory_space<hbm>>
    %dma_wait3A_396 = arith.constant 0 : i32
    %dma_wait3A_397 = arith.constant 0 : i32
    %dma_wait3A_398 = tpu.memref_slice %arg8[%dma_wait3A_380, %dma_wait3A_396, %dma_wait3A_397] : memref<4x200x64xf32, #tpu.memory_space<vmem>> -> memref<1x200x64xf32, #tpu.memory_space<vmem>>
    %dma_wait3A_399 = tpu.memref_squeeze %dma_wait3A_398 : memref<1x200x64xf32, #tpu.memory_space<vmem>> -> memref<200x64xf32, #tpu.memory_space<vmem>>
    tpu.wait_dma2 semaphore(%dma_wait3A_391 : memref<!tpu.dma_semaphore, #tpu.memory_space<semaphore_mem>>) src(%dma_wait3A_399 : memref<200x64xf32, #tpu.memory_space<vmem>>) dst(%dma_wait3A_395 : memref<200x64xf32, #tpu.memory_space<hbm>>)
    %dma_start3A_400 = arith.constant 5 : i32
    %dma_start3A_401 = arith.constant 1 : i32
    %dma_start3A_402 = arith.constant 1 : i32
    %dma_start3A_403 = arith.constant 0 : i32
    %dma_start3A_404 = arith.constant 0 : i32
    %dma_start3A_405 = tpu.memref_slice %arg8[%dma_start3A_401, %dma_start3A_403, %dma_start3A_404] : memref<4x200x64xf32, #tpu.memory_space<vmem>> -> memref<1x104x64xf32, #tpu.memory_space<vmem>>
    %dma_start3A_406 = tpu.memref_squeeze %dma_start3A_405 : memref<1x104x64xf32, #tpu.memory_space<vmem>> -> memref<104x64xf32, #tpu.memory_space<vmem>>
    %dma_start3A_407 = arith.constant 0 : i32
    %dma_start3A_408 = tpu.memref_slice %arg6[%dma_start3A_400, %dma_start3A_407] : memref<128x200xi32, #tpu.memory_space<vmem>> -> memref<1x104xi32, #tpu.memory_space<vmem>>
    %dma_start3A_409 = tpu.memref_squeeze %dma_start3A_408 : memref<1x104xi32, #tpu.memory_space<vmem>> -> memref<104xi32, #tpu.memory_space<vmem>>
    %dma_start3A_410 = arith.constant 0 : i32
    %dma_start3A_411 = arith.constant 0 : i32
    %dma_start3A_412 = tpu.memref_slice %arg2[%dma_start3A_410, %dma_start3A_411] : memref<1000000x64xf32, #tpu.memory_space<hbm>> -> memref<1000000x64xf32, #tpu.memory_space<hbm>>
    %dma_start3A_413 = tpu.memref_slice %arg9[%dma_start3A_402] : memref<4x!tpu.dma_semaphore, #tpu.memory_space<semaphore_mem>> -> memref<1x!tpu.dma_semaphore, #tpu.memory_space<semaphore_mem>>
    %dma_start3A_414 = tpu.memref_squeeze %dma_start3A_413 : memref<1x!tpu.dma_semaphore, #tpu.memory_space<semaphore_mem>> -> memref<!tpu.dma_semaphore, #tpu.memory_space<semaphore_mem>>
    tpu.enqueue_indirect_dma source(%dma_start3A_412 : memref<1000000x64xf32, #tpu.memory_space<hbm>>) target(%dma_start3A_406 : memref<104x64xf32, #tpu.memory_space<vmem>>) offsets(%dma_start3A_409 : memref<104xi32, #tpu.memory_space<vmem>>) semaphore(%dma_start3A_414 : memref<!tpu.dma_semaphore, #tpu.memory_space<semaphore_mem>>)
    %dma_start3A_415 = arith.constant 5 : i32
    %dma_start3A_416 = arith.constant 1 : i32
    %dma_start3A_417 = arith.constant 1 : i32
    %dma_start3A_418 = arith.constant 104 : i32
    %dma_start3A_419 = arith.constant 0 : i32
    %dma_start3A_420 = tpu.memref_slice %arg8[%dma_start3A_416, %dma_start3A_418, %dma_start3A_419] : memref<4x200x64xf32, #tpu.memory_space<vmem>> -> memref<1x96x64xf32, #tpu.memory_space<vmem>>
    %dma_start3A_421 = tpu.memref_squeeze %dma_start3A_420 : memref<1x96x64xf32, #tpu.memory_space<vmem>> -> memref<96x64xf32, #tpu.memory_space<vmem>>
    %dma_start3A_422 = arith.constant 104 : i32
    %dma_start3A_423 = tpu.memref_slice %arg6[%dma_start3A_415, %dma_start3A_422] : memref<128x200xi32, #tpu.memory_space<vmem>> -> memref<1x96xi32, #tpu.memory_space<vmem>>
    %dma_start3A_424 = tpu.memref_squeeze %dma_start3A_423 : memref<1x96xi32, #tpu.memory_space<vmem>> -> memref<96xi32, #tpu.memory_space<vmem>>
    %dma_start3A_425 = arith.constant 0 : i32
    %dma_start3A_426 = arith.constant 0 : i32
    %dma_start3A_427 = tpu.memref_slice %arg2[%dma_start3A_425, %dma_start3A_426] : memref<1000000x64xf32, #tpu.memory_space<hbm>> -> memref<1000000x64xf32, #tpu.memory_space<hbm>>
    %dma_start3A_428 = tpu.memref_slice %arg9[%dma_start3A_417] : memref<4x!tpu.dma_semaphore, #tpu.memory_space<semaphore_mem>> -> memref<1x!tpu.dma_semaphore, #tpu.memory_space<semaphore_mem>>
    %dma_start3A_429 = tpu.memref_squeeze %dma_start3A_428 : memref<1x!tpu.dma_semaphore, #tpu.memory_space<semaphore_mem>> -> memref<!tpu.dma_semaphore, #tpu.memory_space<semaphore_mem>>
    tpu.enqueue_indirect_dma source(%dma_start3A_427 : memref<1000000x64xf32, #tpu.memory_space<hbm>>) target(%dma_start3A_421 : memref<96x64xf32, #tpu.memory_space<vmem>>) offsets(%dma_start3A_424 : memref<96xi32, #tpu.memory_space<vmem>>) semaphore(%dma_start3A_429 : memref<!tpu.dma_semaphore, #tpu.memory_space<semaphore_mem>>)
    %dma_wait3A_430 = arith.constant 3 : i32
    %dma_wait3A_431 = arith.constant 3 : i32
    %dma_wait3A_432 = arith.constant 3 : i32
    %dma_wait3A_433 = arith.constant 0 : i32
    %dma_wait3A_434 = arith.constant 0 : i32
    %dma_wait3A_435 = tpu.memref_slice %arg8[%dma_wait3A_431, %dma_wait3A_433, %dma_wait3A_434] : memref<4x200x64xf32, #tpu.memory_space<vmem>> -> memref<1x104x64xf32, #tpu.memory_space<vmem>>
    %dma_wait3A_436 = tpu.memref_squeeze %dma_wait3A_435 : memref<1x104x64xf32, #tpu.memory_space<vmem>> -> memref<104x64xf32, #tpu.memory_space<vmem>>
    %dma_wait3A_437 = arith.constant 0 : i32
    %dma_wait3A_438 = tpu.memref_slice %arg6[%dma_wait3A_430, %dma_wait3A_437] : memref<128x200xi32, #tpu.memory_space<vmem>> -> memref<1x104xi32, #tpu.memory_space<vmem>>
    %dma_wait3A_439 = tpu.memref_squeeze %dma_wait3A_438 : memref<1x104xi32, #tpu.memory_space<vmem>> -> memref<104xi32, #tpu.memory_space<vmem>>
    %dma_wait3A_440 = arith.constant 0 : i32
    %dma_wait3A_441 = arith.constant 0 : i32
    %dma_wait3A_442 = tpu.memref_slice %arg2[%dma_wait3A_440, %dma_wait3A_441] : memref<1000000x64xf32, #tpu.memory_space<hbm>> -> memref<1000000x64xf32, #tpu.memory_space<hbm>>
    %dma_wait3A_443 = tpu.memref_slice %arg9[%dma_wait3A_432] : memref<4x!tpu.dma_semaphore, #tpu.memory_space<semaphore_mem>> -> memref<1x!tpu.dma_semaphore, #tpu.memory_space<semaphore_mem>>
    %dma_wait3A_444 = tpu.memref_squeeze %dma_wait3A_443 : memref<1x!tpu.dma_semaphore, #tpu.memory_space<semaphore_mem>> -> memref<!tpu.dma_semaphore, #tpu.memory_space<semaphore_mem>>
    tpu.wait_indirect_dma semaphore(%dma_wait3A_444 : memref<!tpu.dma_semaphore, #tpu.memory_space<semaphore_mem>>) src(%dma_wait3A_442 : memref<1000000x64xf32, #tpu.memory_space<hbm>>) dst(%dma_wait3A_436 : memref<104x64xf32, #tpu.memory_space<vmem>>)
    %dma_wait3A_445 = arith.constant 3 : i32
    %dma_wait3A_446 = arith.constant 3 : i32
    %dma_wait3A_447 = arith.constant 3 : i32
    %dma_wait3A_448 = arith.constant 104 : i32
    %dma_wait3A_449 = arith.constant 0 : i32
    %dma_wait3A_450 = tpu.memref_slice %arg8[%dma_wait3A_446, %dma_wait3A_448, %dma_wait3A_449] : memref<4x200x64xf32, #tpu.memory_space<vmem>> -> memref<1x96x64xf32, #tpu.memory_space<vmem>>
    %dma_wait3A_451 = tpu.memref_squeeze %dma_wait3A_450 : memref<1x96x64xf32, #tpu.memory_space<vmem>> -> memref<96x64xf32, #tpu.memory_space<vmem>>
    %dma_wait3A_452 = arith.constant 104 : i32
    %dma_wait3A_453 = tpu.memref_slice %arg6[%dma_wait3A_445, %dma_wait3A_452] : memref<128x200xi32, #tpu.memory_space<vmem>> -> memref<1x96xi32, #tpu.memory_space<vmem>>
    %dma_wait3A_454 = tpu.memref_squeeze %dma_wait3A_453 : memref<1x96xi32, #tpu.memory_space<vmem>> -> memref<96xi32, #tpu.memory_space<vmem>>
    %dma_wait3A_455 = arith.constant 0 : i32
    %dma_wait3A_456 = arith.constant 0 : i32
    %dma_wait3A_457 = tpu.memref_slice %arg2[%dma_wait3A_455, %dma_wait3A_456] : memref<1000000x64xf32, #tpu.memory_space<hbm>> -> memref<1000000x64xf32, #tpu.memory_space<hbm>>
    %dma_wait3A_458 = tpu.memref_slice %arg9[%dma_wait3A_447] : memref<4x!tpu.dma_semaphore, #tpu.memory_space<semaphore_mem>> -> memref<1x!tpu.dma_semaphore, #tpu.memory_space<semaphore_mem>>
    %dma_wait3A_459 = tpu.memref_squeeze %dma_wait3A_458 : memref<1x!tpu.dma_semaphore, #tpu.memory_space<semaphore_mem>> -> memref<!tpu.dma_semaphore, #tpu.memory_space<semaphore_mem>>
    tpu.wait_indirect_dma semaphore(%dma_wait3A_459 : memref<!tpu.dma_semaphore, #tpu.memory_space<semaphore_mem>>) src(%dma_wait3A_457 : memref<1000000x64xf32, #tpu.memory_space<hbm>>) dst(%dma_wait3A_451 : memref<96x64xf32, #tpu.memory_space<vmem>>)
    %scan3A_460 = arith.constant 0 : i32
    %scan3A_461 = arith.constant 0 : i32
    %scan3A_462 = arith.constant 200 : i32
    %scan3A_463 = arith.addi %scan3A_461, %scan3A_462 : i32
    %scan3A_464 = arith.constant 4 : i32
    scf.for %scan3A_634 = %scan3A_461 to %scan3A_463 step %scan3A_464  : i32 {
      %get3A = arith.index_cast %scan3A_634 : i32 to index
      %get3A_635 = arith.constant 0 : index
      %get3A_636 = tpu.vector_load %arg7[%get3A, %get3A_635] {strides = array<i32>} : memref<200x64xf32, #tpu.memory_space<vmem>>, vector<1x16xf32>,
      %get3A_637 = vector.shape_cast %get3A_636 : vector<1x16xf32> to vector<16xf32>
      %swap3A = arith.constant 3 : i32
      %swap3A_638 = arith.index_cast %swap3A : i32 to index
      %swap3A_639 = arith.index_cast %scan3A_634 : i32 to index
      %swap3A_640 = arith.constant 0 : index
      %swap3A_641 = tpu.vector_load %arg8[%swap3A_638, %swap3A_639, %swap3A_640] {strides = array<i32>} : memref<4x200x64xf32, #tpu.memory_space<vmem>>, vector<1x1x16xf32>,
      %swap3A_642 = vector.shape_cast %swap3A_641 : vector<1x1x16xf32> to vector<16xf32>
      %swap3A_643 = vector.shape_cast %get3A_637 : vector<16xf32> to vector<1x1x16xf32>
      tpu.vector_store %arg8[%swap3A_638, %swap3A_639, %swap3A_640], %swap3A_643 {add = true, strides = array<i32>} : memref<4x200x64xf32, #tpu.memory_space<vmem>>, vector<1x1x16xf32>,
      %get3A_644 = arith.index_cast %scan3A_634 : i32 to index
      %get3A_645 = arith.constant 16 : index
      %get3A_646 = tpu.vector_load %arg7[%get3A_644, %get3A_645] {strides = array<i32>} : memref<200x64xf32, #tpu.memory_space<vmem>>, vector<1x16xf32>,
      %get3A_647 = vector.shape_cast %get3A_646 : vector<1x16xf32> to vector<16xf32>
      %swap3A_648 = arith.constant 3 : i32
      %swap3A_649 = arith.index_cast %swap3A_648 : i32 to index
      %swap3A_650 = arith.index_cast %scan3A_634 : i32 to index
      %swap3A_651 = arith.constant 16 : index
      %swap3A_652 = tpu.vector_load %arg8[%swap3A_649, %swap3A_650, %swap3A_651] {strides = array<i32>} : memref<4x200x64xf32, #tpu.memory_space<vmem>>, vector<1x1x16xf32>,
      %swap3A_653 = vector.shape_cast %swap3A_652 : vector<1x1x16xf32> to vector<16xf32>
      %swap3A_654 = vector.shape_cast %get3A_647 : vector<16xf32> to vector<1x1x16xf32>
      tpu.vector_store %arg8[%swap3A_649, %swap3A_650, %swap3A_651], %swap3A_654 {add = true, strides = array<i32>} : memref<4x200x64xf32, #tpu.memory_space<vmem>>, vector<1x1x16xf32>,
      %get3A_655 = arith.index_cast %scan3A_634 : i32 to index
      %get3A_656 = arith.constant 32 : index
      %get3A_657 = tpu.vector_load %arg7[%get3A_655, %get3A_656] {strides = array<i32>} : memref<200x64xf32, #tpu.memory_space<vmem>>, vector<1x16xf32>,
      %get3A_658 = vector.shape_cast %get3A_657 : vector<1x16xf32> to vector<16xf32>
      %swap3A_659 = arith.constant 3 : i32
      %swap3A_660 = arith.index_cast %swap3A_659 : i32 to index
      %swap3A_661 = arith.index_cast %scan3A_634 : i32 to index
      %swap3A_662 = arith.constant 32 : index
      %swap3A_663 = tpu.vector_load %arg8[%swap3A_660, %swap3A_661, %swap3A_662] {strides = array<i32>} : memref<4x200x64xf32, #tpu.memory_space<vmem>>, vector<1x1x16xf32>,
      %swap3A_664 = vector.shape_cast %swap3A_663 : vector<1x1x16xf32> to vector<16xf32>
      %swap3A_665 = vector.shape_cast %get3A_658 : vector<16xf32> to vector<1x1x16xf32>
      tpu.vector_store %arg8[%swap3A_660, %swap3A_661, %swap3A_662], %swap3A_665 {add = true, strides = array<i32>} : memref<4x200x64xf32, #tpu.memory_space<vmem>>, vector<1x1x16xf32>,
      %get3A_666 = arith.index_cast %scan3A_634 : i32 to index
      %get3A_667 = arith.constant 48 : index
      %get3A_668 = tpu.vector_load %arg7[%get3A_666, %get3A_667] {strides = array<i32>} : memref<200x64xf32, #tpu.memory_space<vmem>>, vector<1x16xf32>,
      %get3A_669 = vector.shape_cast %get3A_668 : vector<1x16xf32> to vector<16xf32>
      %swap3A_670 = arith.constant 3 : i32
      %swap3A_671 = arith.index_cast %swap3A_670 : i32 to index
      %swap3A_672 = arith.index_cast %scan3A_634 : i32 to index
      %swap3A_673 = arith.constant 48 : index
      %swap3A_674 = tpu.vector_load %arg8[%swap3A_671, %swap3A_672, %swap3A_673] {strides = array<i32>} : memref<4x200x64xf32, #tpu.memory_space<vmem>>, vector<1x1x16xf32>,
      %swap3A_675 = vector.shape_cast %swap3A_674 : vector<1x1x16xf32> to vector<16xf32>
      %swap3A_676 = vector.shape_cast %get3A_669 : vector<16xf32> to vector<1x1x16xf32>
      tpu.vector_store %arg8[%swap3A_671, %swap3A_672, %swap3A_673], %swap3A_676 {add = true, strides = array<i32>} : memref<4x200x64xf32, #tpu.memory_space<vmem>>, vector<1x1x16xf32>,
      %scan3A_677 = arith.constant 1 : i32
      %scan3A_678 = arith.addi %scan3A_634, %scan3A_677 : i32
      %get3A_679 = arith.index_cast %scan3A_678 : i32 to index
      %get3A_680 = arith.constant 0 : index
      %get3A_681 = tpu.vector_load %arg7[%get3A_679, %get3A_680] {strides = array<i32>} : memref<200x64xf32, #tpu.memory_space<vmem>>, vector<1x16xf32>,
      %get3A_682 = vector.shape_cast %get3A_681 : vector<1x16xf32> to vector<16xf32>
      %swap3A_683 = arith.constant 3 : i32
      %swap3A_684 = arith.index_cast %swap3A_683 : i32 to index
      %swap3A_685 = arith.index_cast %scan3A_678 : i32 to index
      %swap3A_686 = arith.constant 0 : index
      %swap3A_687 = tpu.vector_load %arg8[%swap3A_684, %swap3A_685, %swap3A_686] {strides = array<i32>} : memref<4x200x64xf32, #tpu.memory_space<vmem>>, vector<1x1x16xf32>,
      %swap3A_688 = vector.shape_cast %swap3A_687 : vector<1x1x16xf32> to vector<16xf32>
      %swap3A_689 = vector.shape_cast %get3A_682 : vector<16xf32> to vector<1x1x16xf32>
      tpu.vector_store %arg8[%swap3A_684, %swap3A_685, %swap3A_686], %swap3A_689 {add = true, strides = array<i32>} : memref<4x200x64xf32, #tpu.memory_space<vmem>>, vector<1x1x16xf32>,
      %get3A_690 = arith.index_cast %scan3A_678 : i32 to index
      %get3A_691 = arith.constant 16 : index
      %get3A_692 = tpu.vector_load %arg7[%get3A_690, %get3A_691] {strides = array<i32>} : memref<200x64xf32, #tpu.memory_space<vmem>>, vector<1x16xf32>,
      %get3A_693 = vector.shape_cast %get3A_692 : vector<1x16xf32> to vector<16xf32>
      %swap3A_694 = arith.constant 3 : i32
      %swap3A_695 = arith.index_cast %swap3A_694 : i32 to index
      %swap3A_696 = arith.index_cast %scan3A_678 : i32 to index
      %swap3A_697 = arith.constant 16 : index
      %swap3A_698 = tpu.vector_load %arg8[%swap3A_695, %swap3A_696, %swap3A_697] {strides = array<i32>} : memref<4x200x64xf32, #tpu.memory_space<vmem>>, vector<1x1x16xf32>,
      %swap3A_699 = vector.shape_cast %swap3A_698 : vector<1x1x16xf32> to vector<16xf32>
      %swap3A_700 = vector.shape_cast %get3A_693 : vector<16xf32> to vector<1x1x16xf32>
      tpu.vector_store %arg8[%swap3A_695, %swap3A_696, %swap3A_697], %swap3A_700 {add = true, strides = array<i32>} : memref<4x200x64xf32, #tpu.memory_space<vmem>>, vector<1x1x16xf32>,
      %get3A_701 = arith.index_cast %scan3A_678 : i32 to index
      %get3A_702 = arith.constant 32 : index
      %get3A_703 = tpu.vector_load %arg7[%get3A_701, %get3A_702] {strides = array<i32>} : memref<200x64xf32, #tpu.memory_space<vmem>>, vector<1x16xf32>,
      %get3A_704 = vector.shape_cast %get3A_703 : vector<1x16xf32> to vector<16xf32>
      %swap3A_705 = arith.constant 3 : i32
      %swap3A_706 = arith.index_cast %swap3A_705 : i32 to index
      %swap3A_707 = arith.index_cast %scan3A_678 : i32 to index
      %swap3A_708 = arith.constant 32 : index
      %swap3A_709 = tpu.vector_load %arg8[%swap3A_706, %swap3A_707, %swap3A_708] {strides = array<i32>} : memref<4x200x64xf32, #tpu.memory_space<vmem>>, vector<1x1x16xf32>,
      %swap3A_710 = vector.shape_cast %swap3A_709 : vector<1x1x16xf32> to vector<16xf32>
      %swap3A_711 = vector.shape_cast %get3A_704 : vector<16xf32> to vector<1x1x16xf32>
      tpu.vector_store %arg8[%swap3A_706, %swap3A_707, %swap3A_708], %swap3A_711 {add = true, strides = array<i32>} : memref<4x200x64xf32, #tpu.memory_space<vmem>>, vector<1x1x16xf32>,
      %get3A_712 = arith.index_cast %scan3A_678 : i32 to index
      %get3A_713 = arith.constant 48 : index
      %get3A_714 = tpu.vector_load %arg7[%get3A_712, %get3A_713] {strides = array<i32>} : memref<200x64xf32, #tpu.memory_space<vmem>>, vector<1x16xf32>,
      %get3A_715 = vector.shape_cast %get3A_714 : vector<1x16xf32> to vector<16xf32>
      %swap3A_716 = arith.constant 3 : i32
      %swap3A_717 = arith.index_cast %swap3A_716 : i32 to index
      %swap3A_718 = arith.index_cast %scan3A_678 : i32 to index
      %swap3A_719 = arith.constant 48 : index
      %swap3A_720 = tpu.vector_load %arg8[%swap3A_717, %swap3A_718, %swap3A_719] {strides = array<i32>} : memref<4x200x64xf32, #tpu.memory_space<vmem>>, vector<1x1x16xf32>,
      %swap3A_721 = vector.shape_cast %swap3A_720 : vector<1x1x16xf32> to vector<16xf32>
      %swap3A_722 = vector.shape_cast %get3A_715 : vector<16xf32> to vector<1x1x16xf32>
      tpu.vector_store %arg8[%swap3A_717, %swap3A_718, %swap3A_719], %swap3A_722 {add = true, strides = array<i32>} : memref<4x200x64xf32, #tpu.memory_space<vmem>>, vector<1x1x16xf32>,
      %scan3A_723 = arith.constant 2 : i32
      %scan3A_724 = arith.addi %scan3A_634, %scan3A_723 : i32
      %get3A_725 = arith.index_cast %scan3A_724 : i32 to index
      %get3A_726 = arith.constant 0 : index
      %get3A_727 = tpu.vector_load %arg7[%get3A_725, %get3A_726] {strides = array<i32>} : memref<200x64xf32, #tpu.memory_space<vmem>>, vector<1x16xf32>,
      %get3A_728 = vector.shape_cast %get3A_727 : vector<1x16xf32> to vector<16xf32>
      %swap3A_729 = arith.constant 3 : i32
      %swap3A_730 = arith.index_cast %swap3A_729 : i32 to index
      %swap3A_731 = arith.index_cast %scan3A_724 : i32 to index
      %swap3A_732 = arith.constant 0 : index
      %swap3A_733 = tpu.vector_load %arg8[%swap3A_730, %swap3A_731, %swap3A_732] {strides = array<i32>} : memref<4x200x64xf32, #tpu.memory_space<vmem>>, vector<1x1x16xf32>,
      %swap3A_734 = vector.shape_cast %swap3A_733 : vector<1x1x16xf32> to vector<16xf32>
      %swap3A_735 = vector.shape_cast %get3A_728 : vector<16xf32> to vector<1x1x16xf32>
      tpu.vector_store %arg8[%swap3A_730, %swap3A_731, %swap3A_732], %swap3A_735 {add = true, strides = array<i32>} : memref<4x200x64xf32, #tpu.memory_space<vmem>>, vector<1x1x16xf32>,
      %get3A_736 = arith.index_cast %scan3A_724 : i32 to index
      %get3A_737 = arith.constant 16 : index
      %get3A_738 = tpu.vector_load %arg7[%get3A_736, %get3A_737] {strides = array<i32>} : memref<200x64xf32, #tpu.memory_space<vmem>>, vector<1x16xf32>,
      %get3A_739 = vector.shape_cast %get3A_738 : vector<1x16xf32> to vector<16xf32>
      %swap3A_740 = arith.constant 3 : i32
      %swap3A_741 = arith.index_cast %swap3A_740 : i32 to index
      %swap3A_742 = arith.index_cast %scan3A_724 : i32 to index
      %swap3A_743 = arith.constant 16 : index
      %swap3A_744 = tpu.vector_load %arg8[%swap3A_741, %swap3A_742, %swap3A_743] {strides = array<i32>} : memref<4x200x64xf32, #tpu.memory_space<vmem>>, vector<1x1x16xf32>,
      %swap3A_745 = vector.shape_cast %swap3A_744 : vector<1x1x16xf32> to vector<16xf32>
      %swap3A_746 = vector.shape_cast %get3A_739 : vector<16xf32> to vector<1x1x16xf32>
      tpu.vector_store %arg8[%swap3A_741, %swap3A_742, %swap3A_743], %swap3A_746 {add = true, strides = array<i32>} : memref<4x200x64xf32, #tpu.memory_space<vmem>>, vector<1x1x16xf32>,
      %get3A_747 = arith.index_cast %scan3A_724 : i32 to index
      %get3A_748 = arith.constant 32 : index
      %get3A_749 = tpu.vector_load %arg7[%get3A_747, %get3A_748] {strides = array<i32>} : memref<200x64xf32, #tpu.memory_space<vmem>>, vector<1x16xf32>,
      %get3A_750 = vector.shape_cast %get3A_749 : vector<1x16xf32> to vector<16xf32>
      %swap3A_751 = arith.constant 3 : i32
      %swap3A_752 = arith.index_cast %swap3A_751 : i32 to index
      %swap3A_753 = arith.index_cast %scan3A_724 : i32 to index
      %swap3A_754 = arith.constant 32 : index
      %swap3A_755 = tpu.vector_load %arg8[%swap3A_752, %swap3A_753, %swap3A_754] {strides = array<i32>} : memref<4x200x64xf32, #tpu.memory_space<vmem>>, vector<1x1x16xf32>,
      %swap3A_756 = vector.shape_cast %swap3A_755 : vector<1x1x16xf32> to vector<16xf32>
      %swap3A_757 = vector.shape_cast %get3A_750 : vector<16xf32> to vector<1x1x16xf32>
      tpu.vector_store %arg8[%swap3A_752, %swap3A_753, %swap3A_754], %swap3A_757 {add = true, strides = array<i32>} : memref<4x200x64xf32, #tpu.memory_space<vmem>>, vector<1x1x16xf32>,
      %get3A_758 = arith.index_cast %scan3A_724 : i32 to index
      %get3A_759 = arith.constant 48 : index
      %get3A_760 = tpu.vector_load %arg7[%get3A_758, %get3A_759] {strides = array<i32>} : memref<200x64xf32, #tpu.memory_space<vmem>>, vector<1x16xf32>,
      %get3A_761 = vector.shape_cast %get3A_760 : vector<1x16xf32> to vector<16xf32>
      %swap3A_762 = arith.constant 3 : i32
      %swap3A_763 = arith.index_cast %swap3A_762 : i32 to index
      %swap3A_764 = arith.index_cast %scan3A_724 : i32 to index
      %swap3A_765 = arith.constant 48 : index
      %swap3A_766 = tpu.vector_load %arg8[%swap3A_763, %swap3A_764, %swap3A_765] {strides = array<i32>} : memref<4x200x64xf32, #tpu.memory_space<vmem>>, vector<1x1x16xf32>,
      %swap3A_767 = vector.shape_cast %swap3A_766 : vector<1x1x16xf32> to vector<16xf32>
      %swap3A_768 = vector.shape_cast %get3A_761 : vector<16xf32> to vector<1x1x16xf32>
      tpu.vector_store %arg8[%swap3A_763, %swap3A_764, %swap3A_765], %swap3A_768 {add = true, strides = array<i32>} : memref<4x200x64xf32, #tpu.memory_space<vmem>>, vector<1x1x16xf32>,
      %scan3A_769 = arith.constant 3 : i32
      %scan3A_770 = arith.addi %scan3A_634, %scan3A_769 : i32
      %get3A_771 = arith.index_cast %scan3A_770 : i32 to index
      %get3A_772 = arith.constant 0 : index
      %get3A_773 = tpu.vector_load %arg7[%get3A_771, %get3A_772] {strides = array<i32>} : memref<200x64xf32, #tpu.memory_space<vmem>>, vector<1x16xf32>,
      %get3A_774 = vector.shape_cast %get3A_773 : vector<1x16xf32> to vector<16xf32>
      %swap3A_775 = arith.constant 3 : i32
      %swap3A_776 = arith.index_cast %swap3A_775 : i32 to index
      %swap3A_777 = arith.index_cast %scan3A_770 : i32 to index
      %swap3A_778 = arith.constant 0 : index
      %swap3A_779 = tpu.vector_load %arg8[%swap3A_776, %swap3A_777, %swap3A_778] {strides = array<i32>} : memref<4x200x64xf32, #tpu.memory_space<vmem>>, vector<1x1x16xf32>,
      %swap3A_780 = vector.shape_cast %swap3A_779 : vector<1x1x16xf32> to vector<16xf32>
      %swap3A_781 = vector.shape_cast %get3A_774 : vector<16xf32> to vector<1x1x16xf32>
      tpu.vector_store %arg8[%swap3A_776, %swap3A_777, %swap3A_778], %swap3A_781 {add = true, strides = array<i32>} : memref<4x200x64xf32, #tpu.memory_space<vmem>>, vector<1x1x16xf32>,
      %get3A_782 = arith.index_cast %scan3A_770 : i32 to index
      %get3A_783 = arith.constant 16 : index
      %get3A_784 = tpu.vector_load %arg7[%get3A_782, %get3A_783] {strides = array<i32>} : memref<200x64xf32, #tpu.memory_space<vmem>>, vector<1x16xf32>,
      %get3A_785 = vector.shape_cast %get3A_784 : vector<1x16xf32> to vector<16xf32>
      %swap3A_786 = arith.constant 3 : i32
      %swap3A_787 = arith.index_cast %swap3A_786 : i32 to index
      %swap3A_788 = arith.index_cast %scan3A_770 : i32 to index
      %swap3A_789 = arith.constant 16 : index
      %swap3A_790 = tpu.vector_load %arg8[%swap3A_787, %swap3A_788, %swap3A_789] {strides = array<i32>} : memref<4x200x64xf32, #tpu.memory_space<vmem>>, vector<1x1x16xf32>,
      %swap3A_791 = vector.shape_cast %swap3A_790 : vector<1x1x16xf32> to vector<16xf32>
      %swap3A_792 = vector.shape_cast %get3A_785 : vector<16xf32> to vector<1x1x16xf32>
      tpu.vector_store %arg8[%swap3A_787, %swap3A_788, %swap3A_789], %swap3A_792 {add = true, strides = array<i32>} : memref<4x200x64xf32, #tpu.memory_space<vmem>>, vector<1x1x16xf32>,
      %get3A_793 = arith.index_cast %scan3A_770 : i32 to index
      %get3A_794 = arith.constant 32 : index
      %get3A_795 = tpu.vector_load %arg7[%get3A_793, %get3A_794] {strides = array<i32>} : memref<200x64xf32, #tpu.memory_space<vmem>>, vector<1x16xf32>,
      %get3A_796 = vector.shape_cast %get3A_795 : vector<1x16xf32> to vector<16xf32>
      %swap3A_797 = arith.constant 3 : i32
      %swap3A_798 = arith.index_cast %swap3A_797 : i32 to index
      %swap3A_799 = arith.index_cast %scan3A_770 : i32 to index
      %swap3A_800 = arith.constant 32 : index
      %swap3A_801 = tpu.vector_load %arg8[%swap3A_798, %swap3A_799, %swap3A_800] {strides = array<i32>} : memref<4x200x64xf32, #tpu.memory_space<vmem>>, vector<1x1x16xf32>,
      %swap3A_802 = vector.shape_cast %swap3A_801 : vector<1x1x16xf32> to vector<16xf32>
      %swap3A_803 = vector.shape_cast %get3A_796 : vector<16xf32> to vector<1x1x16xf32>
      tpu.vector_store %arg8[%swap3A_798, %swap3A_799, %swap3A_800], %swap3A_803 {add = true, strides = array<i32>} : memref<4x200x64xf32, #tpu.memory_space<vmem>>, vector<1x1x16xf32>,
      %get3A_804 = arith.index_cast %scan3A_770 : i32 to index
      %get3A_805 = arith.constant 48 : index
      %get3A_806 = tpu.vector_load %arg7[%get3A_804, %get3A_805] {strides = array<i32>} : memref<200x64xf32, #tpu.memory_space<vmem>>, vector<1x16xf32>,
      %get3A_807 = vector.shape_cast %get3A_806 : vector<1x16xf32> to vector<16xf32>
      %swap3A_808 = arith.constant 3 : i32
      %swap3A_809 = arith.index_cast %swap3A_808 : i32 to index
      %swap3A_810 = arith.index_cast %scan3A_770 : i32 to index
      %swap3A_811 = arith.constant 48 : index
      %swap3A_812 = tpu.vector_load %arg8[%swap3A_809, %swap3A_810, %swap3A_811] {strides = array<i32>} : memref<4x200x64xf32, #tpu.memory_space<vmem>>, vector<1x1x16xf32>,
      %swap3A_813 = vector.shape_cast %swap3A_812 : vector<1x1x16xf32> to vector<16xf32>
      %swap3A_814 = vector.shape_cast %get3A_807 : vector<16xf32> to vector<1x1x16xf32>
      tpu.vector_store %arg8[%swap3A_809, %swap3A_810, %swap3A_811], %swap3A_814 {add = true, strides = array<i32>} : memref<4x200x64xf32, #tpu.memory_space<vmem>>, vector<1x1x16xf32>,
    }
    %scan3A_465 = arith.constant 200 : i32
    %add3A_466 = arith.constant 3 : i32
    %add3A_467 = arith.addi %mul3A_2, %add3A_466 : i32
    %dma_start3A_468 = arith.constant 3 : i32
    %dma_start3A_469 = arith.constant 3 : i32
    %dma_start3A_470 = arith.constant 0 : i32
    %dma_start3A_471 = arith.constant 0 : i32
    %dma_start3A_472 = tpu.memref_slice %arg8[%dma_start3A_468, %dma_start3A_470, %dma_start3A_471] : memref<4x200x64xf32, #tpu.memory_space<vmem>> -> memref<1x200x64xf32, #tpu.memory_space<vmem>>
    %dma_start3A_473 = tpu.memref_squeeze %dma_start3A_472 : memref<1x200x64xf32, #tpu.memory_space<vmem>> -> memref<200x64xf32, #tpu.memory_space<vmem>>
    %dma_start3A_474 = arith.constant 0 : i32
    %dma_start3A_475 = arith.constant 0 : i32
    %dma_start3A_476 = tpu.memref_slice %arg5[%add3A_467, %dma_start3A_474, %dma_start3A_475] : memref<4096x200x128xf32, #tpu.memory_space<hbm>> -> memref<1x200x64xf32, #tpu.memory_space<hbm>>
    %dma_start3A_477 = tpu.memref_squeeze %dma_start3A_476 : memref<1x200x64xf32, #tpu.memory_space<hbm>> -> memref<200x64xf32, #tpu.memory_space<hbm>>
    %dma_start3A_478 = tpu.memref_slice %arg10[%dma_start3A_469] : memref<4x!tpu.dma_semaphore, #tpu.memory_space<semaphore_mem>> -> memref<1x!tpu.dma_semaphore, #tpu.memory_space<semaphore_mem>>
    %dma_start3A_479 = tpu.memref_squeeze %dma_start3A_478 : memref<1x!tpu.dma_semaphore, #tpu.memory_space<semaphore_mem>> -> memref<!tpu.dma_semaphore, #tpu.memory_space<semaphore_mem>>
    %dma_start3A_480 = arith.constant 0 : i32
    %dma_start3A_481 = arith.constant 0 : i32
    %dma_start3A_482 = tpu.memref_slice %arg5[%add3A_467, %dma_start3A_480, %dma_start3A_481] : memref<4096x200x128xf32, #tpu.memory_space<hbm>> -> memref<1x200x64xf32, #tpu.memory_space<hbm>>
    %dma_start3A_483 = tpu.memref_squeeze %dma_start3A_482 : memref<1x200x64xf32, #tpu.memory_space<hbm>> -> memref<200x64xf32, #tpu.memory_space<hbm>>
    %dma_start3A_484 = arith.constant 0 : i32
    %dma_start3A_485 = arith.constant 0 : i32
    %dma_start3A_486 = tpu.memref_slice %arg8[%dma_start3A_468, %dma_start3A_484, %dma_start3A_485] : memref<4x200x64xf32, #tpu.memory_space<vmem>> -> memref<1x200x64xf32, #tpu.memory_space<vmem>>
    %dma_start3A_487 = tpu.memref_squeeze %dma_start3A_486 : memref<1x200x64xf32, #tpu.memory_space<vmem>> -> memref<200x64xf32, #tpu.memory_space<vmem>>
    tpu.enqueue_dma source(%dma_start3A_487 : memref<200x64xf32, #tpu.memory_space<vmem>>) target(%dma_start3A_483 : memref<200x64xf32, #tpu.memory_space<hbm>>) target_semaphore(%dma_start3A_479 : memref<!tpu.dma_semaphore, #tpu.memory_space<semaphore_mem>>)
    %add3A_488 = arith.constant 2 : i32
    %add3A_489 = arith.addi %mul3A_2, %add3A_488 : i32
    %dma_wait3A_490 = arith.constant 2 : i32
    %dma_wait3A_491 = arith.constant 2 : i32
    %dma_wait3A_492 = arith.constant 0 : i32
    %dma_wait3A_493 = arith.constant 0 : i32
    %dma_wait3A_494 = tpu.memref_slice %arg8[%dma_wait3A_490, %dma_wait3A_492, %dma_wait3A_493] : memref<4x200x64xf32, #tpu.memory_space<vmem>> -> memref<1x200x64xf32, #tpu.memory_space<vmem>>
    %dma_wait3A_495 = tpu.memref_squeeze %dma_wait3A_494 : memref<1x200x64xf32, #tpu.memory_space<vmem>> -> memref<200x64xf32, #tpu.memory_space<vmem>>
    %dma_wait3A_496 = arith.constant 0 : i32
    %dma_wait3A_497 = arith.constant 0 : i32
    %dma_wait3A_498 = tpu.memref_slice %arg5[%add3A_489, %dma_wait3A_496, %dma_wait3A_497] : memref<4096x200x128xf32, #tpu.memory_space<hbm>> -> memref<1x200x64xf32, #tpu.memory_space<hbm>>
    %dma_wait3A_499 = tpu.memref_squeeze %dma_wait3A_498 : memref<1x200x64xf32, #tpu.memory_space<hbm>> -> memref<200x64xf32, #tpu.memory_space<hbm>>
    %dma_wait3A_500 = tpu.memref_slice %arg10[%dma_wait3A_491] : memref<4x!tpu.dma_semaphore, #tpu.memory_space<semaphore_mem>> -> memref<1x!tpu.dma_semaphore, #tpu.memory_space<semaphore_mem>>
    %dma_wait3A_501 = tpu.memref_squeeze %dma_wait3A_500 : memref<1x!tpu.dma_semaphore, #tpu.memory_space<semaphore_mem>> -> memref<!tpu.dma_semaphore, #tpu.memory_space<semaphore_mem>>
    %dma_wait3A_502 = arith.constant 0 : i32
    %dma_wait3A_503 = arith.constant 0 : i32
    %dma_wait3A_504 = tpu.memref_slice %arg5[%add3A_489, %dma_wait3A_502, %dma_wait3A_503] : memref<4096x200x128xf32, #tpu.memory_space<hbm>> -> memref<1x200x64xf32, #tpu.memory_space<hbm>>
    %dma_wait3A_505 = tpu.memref_squeeze %dma_wait3A_504 : memref<1x200x64xf32, #tpu.memory_space<hbm>> -> memref<200x64xf32, #tpu.memory_space<hbm>>
    %dma_wait3A_506 = arith.constant 0 : i32
    %dma_wait3A_507 = arith.constant 0 : i32
    %dma_wait3A_508 = tpu.memref_slice %arg8[%dma_wait3A_490, %dma_wait3A_506, %dma_wait3A_507] : memref<4x200x64xf32, #tpu.memory_space<vmem>> -> memref<1x200x64xf32, #tpu.memory_space<vmem>>
    %dma_wait3A_509 = tpu.memref_squeeze %dma_wait3A_508 : memref<1x200x64xf32, #tpu.memory_space<vmem>> -> memref<200x64xf32, #tpu.memory_space<vmem>>
    tpu.wait_dma2 semaphore(%dma_wait3A_501 : memref<!tpu.dma_semaphore, #tpu.memory_space<semaphore_mem>>) src(%dma_wait3A_509 : memref<200x64xf32, #tpu.memory_space<vmem>>) dst(%dma_wait3A_505 : memref<200x64xf32, #tpu.memory_space<hbm>>)
    %dma_start3A_510 = arith.constant 6 : i32
    %dma_start3A_511 = arith.constant 2 : i32
    %dma_start3A_512 = arith.constant 2 : i32
    %dma_start3A_513 = arith.constant 0 : i32
    %dma_start3A_514 = arith.constant 0 : i32
    %dma_start3A_515 = tpu.memref_slice %arg8[%dma_start3A_511, %dma_start3A_513, %dma_start3A_514] : memref<4x200x64xf32, #tpu.memory_space<vmem>> -> memref<1x104x64xf32, #tpu.memory_space<vmem>>
    %dma_start3A_516 = tpu.memref_squeeze %dma_start3A_515 : memref<1x104x64xf32, #tpu.memory_space<vmem>> -> memref<104x64xf32, #tpu.memory_space<vmem>>
    %dma_start3A_517 = arith.constant 0 : i32
    %dma_start3A_518 = tpu.memref_slice %arg6[%dma_start3A_510, %dma_start3A_517] : memref<128x200xi32, #tpu.memory_space<vmem>> -> memref<1x104xi32, #tpu.memory_space<vmem>>
    %dma_start3A_519 = tpu.memref_squeeze %dma_start3A_518 : memref<1x104xi32, #tpu.memory_space<vmem>> -> memref<104xi32, #tpu.memory_space<vmem>>
    %dma_start3A_520 = arith.constant 0 : i32
    %dma_start3A_521 = arith.constant 0 : i32
    %dma_start3A_522 = tpu.memref_slice %arg2[%dma_start3A_520, %dma_start3A_521] : memref<1000000x64xf32, #tpu.memory_space<hbm>> -> memref<1000000x64xf32, #tpu.memory_space<hbm>>
    %dma_start3A_523 = tpu.memref_slice %arg9[%dma_start3A_512] : memref<4x!tpu.dma_semaphore, #tpu.memory_space<semaphore_mem>> -> memref<1x!tpu.dma_semaphore, #tpu.memory_space<semaphore_mem>>
    %dma_start3A_524 = tpu.memref_squeeze %dma_start3A_523 : memref<1x!tpu.dma_semaphore, #tpu.memory_space<semaphore_mem>> -> memref<!tpu.dma_semaphore, #tpu.memory_space<semaphore_mem>>
    tpu.enqueue_indirect_dma source(%dma_start3A_522 : memref<1000000x64xf32, #tpu.memory_space<hbm>>) target(%dma_start3A_516 : memref<104x64xf32, #tpu.memory_space<vmem>>) offsets(%dma_start3A_519 : memref<104xi32, #tpu.memory_space<vmem>>) semaphore(%dma_start3A_524 : memref<!tpu.dma_semaphore, #tpu.memory_space<semaphore_mem>>)
    %dma_start3A_525 = arith.constant 6 : i32
    %dma_start3A_526 = arith.constant 2 : i32
    %dma_start3A_527 = arith.constant 2 : i32
    %dma_start3A_528 = arith.constant 104 : i32
    %dma_start3A_529 = arith.constant 0 : i32
    %dma_start3A_530 = tpu.memref_slice %arg8[%dma_start3A_526, %dma_start3A_528, %dma_start3A_529] : memref<4x200x64xf32, #tpu.memory_space<vmem>> -> memref<1x96x64xf32, #tpu.memory_space<vmem>>
    %dma_start3A_531 = tpu.memref_squeeze %dma_start3A_530 : memref<1x96x64xf32, #tpu.memory_space<vmem>> -> memref<96x64xf32, #tpu.memory_space<vmem>>
    %dma_start3A_532 = arith.constant 104 : i32
    %dma_start3A_533 = tpu.memref_slice %arg6[%dma_start3A_525, %dma_start3A_532] : memref<128x200xi32, #tpu.memory_space<vmem>> -> memref<1x96xi32, #tpu.memory_space<vmem>>
    %dma_start3A_534 = tpu.memref_squeeze %dma_start3A_533 : memref<1x96xi32, #tpu.memory_space<vmem>> -> memref<96xi32, #tpu.memory_space<vmem>>
    %dma_start3A_535 = arith.constant 0 : i32
    %dma_start3A_536 = arith.constant 0 : i32
    %dma_start3A_537 = tpu.memref_slice %arg2[%dma_start3A_535, %dma_start3A_536] : memref<1000000x64xf32, #tpu.memory_space<hbm>> -> memref<1000000x64xf32, #tpu.memory_space<hbm>>
    %dma_start3A_538 = tpu.memref_slice %arg9[%dma_start3A_527] : memref<4x!tpu.dma_semaphore, #tpu.memory_space<semaphore_mem>> -> memref<1x!tpu.dma_semaphore, #tpu.memory_space<semaphore_mem>>
    %dma_start3A_539 = tpu.memref_squeeze %dma_start3A_538 : memref<1x!tpu.dma_semaphore, #tpu.memory_space<semaphore_mem>> -> memref<!tpu.dma_semaphore, #tpu.memory_space<semaphore_mem>>
    tpu.enqueue_indirect_dma source(%dma_start3A_537 : memref<1000000x64xf32, #tpu.memory_space<hbm>>) target(%dma_start3A_531 : memref<96x64xf32, #tpu.memory_space<vmem>>) offsets(%dma_start3A_534 : memref<96xi32, #tpu.memory_space<vmem>>) semaphore(%dma_start3A_539 : memref<!tpu.dma_semaphore, #tpu.memory_space<semaphore_mem>>)
    %scan3A_540 = arith.constant 0 : i32
    %scan3A_541 = arith.constant 1 : i32
    %scan3A_542 = arith.constant 31 : i32
    %scan3A_543 = arith.addi %scan3A_541, %scan3A_542 : i32
    %scan3A_544 = arith.constant 1 : i32
    scf.for %scan3A_634 = %scan3A_541 to %scan3A_543 step %scan3A_544  : i32 {
      %mul3A_635 = arith.constant 4 : i32
      %mul3A_636 = arith.muli %scan3A_634, %mul3A_635 : i32
      %add3A_637 = arith.constant 0 : i32
      %add3A_638 = arith.addi %mul3A_636, %add3A_637 : i32
      %dma_wait3A_639 = arith.constant 0 : i32
      %dma_wait3A_640 = arith.constant 0 : i32
      %dma_wait3A_641 = arith.constant 0 : i32
      %dma_wait3A_642 = arith.constant 0 : i32
      %dma_wait3A_643 = tpu.memref_slice %arg8[%dma_wait3A_639, %dma_wait3A_641, %dma_wait3A_642] : memref<4x200x64xf32, #tpu.memory_space<vmem>> -> memref<1x104x64xf32, #tpu.memory_space<vmem>>
      %dma_wait3A_644 = tpu.memref_squeeze %dma_wait3A_643 : memref<1x104x64xf32, #tpu.memory_space<vmem>> -> memref<104x64xf32, #tpu.memory_space<vmem>>
      %dma_wait3A_645 = arith.constant 0 : i32
      %dma_wait3A_646 = tpu.memref_slice %arg6[%add3A_638, %dma_wait3A_645] : memref<128x200xi32, #tpu.memory_space<vmem>> -> memref<1x104xi32, #tpu.memory_space<vmem>>
      %dma_wait3A_647 = tpu.memref_squeeze %dma_wait3A_646 : memref<1x104xi32, #tpu.memory_space<vmem>> -> memref<104xi32, #tpu.memory_space<vmem>>
      %dma_wait3A_648 = arith.constant 0 : i32
      %dma_wait3A_649 = arith.constant 0 : i32
      %dma_wait3A_650 = tpu.memref_slice %arg2[%dma_wait3A_648, %dma_wait3A_649] : memref<1000000x64xf32, #tpu.memory_space<hbm>> -> memref<1000000x64xf32, #tpu.memory_space<hbm>>
      %dma_wait3A_651 = tpu.memref_slice %arg9[%dma_wait3A_640] : memref<4x!tpu.dma_semaphore, #tpu.memory_space<semaphore_mem>> -> memref<1x!tpu.dma_semaphore, #tpu.memory_space<semaphore_mem>>
      %dma_wait3A_652 = tpu.memref_squeeze %dma_wait3A_651 : memref<1x!tpu.dma_semaphore, #tpu.memory_space<semaphore_mem>> -> memref<!tpu.dma_semaphore, #tpu.memory_space<semaphore_mem>>
      tpu.wait_indirect_dma semaphore(%dma_wait3A_652 : memref<!tpu.dma_semaphore, #tpu.memory_space<semaphore_mem>>) src(%dma_wait3A_650 : memref<1000000x64xf32, #tpu.memory_space<hbm>>) dst(%dma_wait3A_644 : memref<104x64xf32, #tpu.memory_space<vmem>>)
      %dma_wait3A_653 = arith.constant 0 : i32
      %dma_wait3A_654 = arith.constant 0 : i32
      %dma_wait3A_655 = arith.constant 104 : i32
      %dma_wait3A_656 = arith.constant 0 : i32
      %dma_wait3A_657 = tpu.memref_slice %arg8[%dma_wait3A_653, %dma_wait3A_655, %dma_wait3A_656] : memref<4x200x64xf32, #tpu.memory_space<vmem>> -> memref<1x96x64xf32, #tpu.memory_space<vmem>>
      %dma_wait3A_658 = tpu.memref_squeeze %dma_wait3A_657 : memref<1x96x64xf32, #tpu.memory_space<vmem>> -> memref<96x64xf32, #tpu.memory_space<vmem>>
      %dma_wait3A_659 = arith.constant 104 : i32
      %dma_wait3A_660 = tpu.memref_slice %arg6[%add3A_638, %dma_wait3A_659] : memref<128x200xi32, #tpu.memory_space<vmem>> -> memref<1x96xi32, #tpu.memory_space<vmem>>
      %dma_wait3A_661 = tpu.memref_squeeze %dma_wait3A_660 : memref<1x96xi32, #tpu.memory_space<vmem>> -> memref<96xi32, #tpu.memory_space<vmem>>
      %dma_wait3A_662 = arith.constant 0 : i32
      %dma_wait3A_663 = arith.constant 0 : i32
      %dma_wait3A_664 = tpu.memref_slice %arg2[%dma_wait3A_662, %dma_wait3A_663] : memref<1000000x64xf32, #tpu.memory_space<hbm>> -> memref<1000000x64xf32, #tpu.memory_space<hbm>>
      %dma_wait3A_665 = tpu.memref_slice %arg9[%dma_wait3A_654] : memref<4x!tpu.dma_semaphore, #tpu.memory_space<semaphore_mem>> -> memref<1x!tpu.dma_semaphore, #tpu.memory_space<semaphore_mem>>
      %dma_wait3A_666 = tpu.memref_squeeze %dma_wait3A_665 : memref<1x!tpu.dma_semaphore, #tpu.memory_space<semaphore_mem>> -> memref<!tpu.dma_semaphore, #tpu.memory_space<semaphore_mem>>
      tpu.wait_indirect_dma semaphore(%dma_wait3A_666 : memref<!tpu.dma_semaphore, #tpu.memory_space<semaphore_mem>>) src(%dma_wait3A_664 : memref<1000000x64xf32, #tpu.memory_space<hbm>>) dst(%dma_wait3A_658 : memref<96x64xf32, #tpu.memory_space<vmem>>)
      %scan3A_667 = arith.constant 0 : i32
      %scan3A_668 = arith.constant 0 : i32
      %scan3A_669 = arith.constant 200 : i32
      %scan3A_670 = arith.addi %scan3A_668, %scan3A_669 : i32
      %scan3A_671 = arith.constant 4 : i32
      scf.for %scan3A_903 = %scan3A_668 to %scan3A_670 step %scan3A_671  : i32 {
        %get3A = arith.index_cast %scan3A_903 : i32 to index
        %get3A_904 = arith.constant 0 : index
        %get3A_905 = tpu.vector_load %arg7[%get3A, %get3A_904] {strides = array<i32>} : memref<200x64xf32, #tpu.memory_space<vmem>>, vector<1x16xf32>,
        %get3A_906 = vector.shape_cast %get3A_905 : vector<1x16xf32> to vector<16xf32>
        %swap3A = arith.constant 0 : i32
        %swap3A_907 = arith.index_cast %swap3A : i32 to index
        %swap3A_908 = arith.index_cast %scan3A_903 : i32 to index
        %swap3A_909 = arith.constant 0 : index
        %swap3A_910 = tpu.vector_load %arg8[%swap3A_907, %swap3A_908, %swap3A_909] {strides = array<i32>} : memref<4x200x64xf32, #tpu.memory_space<vmem>>, vector<1x1x16xf32>,
        %swap3A_911 = vector.shape_cast %swap3A_910 : vector<1x1x16xf32> to vector<16xf32>
        %swap3A_912 = vector.shape_cast %get3A_906 : vector<16xf32> to vector<1x1x16xf32>
        tpu.vector_store %arg8[%swap3A_907, %swap3A_908, %swap3A_909], %swap3A_912 {add = true, strides = array<i32>} : memref<4x200x64xf32, #tpu.memory_space<vmem>>, vector<1x1x16xf32>,
        %get3A_913 = arith.index_cast %scan3A_903 : i32 to index
        %get3A_914 = arith.constant 16 : index
        %get3A_915 = tpu.vector_load %arg7[%get3A_913, %get3A_914] {strides = array<i32>} : memref<200x64xf32, #tpu.memory_space<vmem>>, vector<1x16xf32>,
        %get3A_916 = vector.shape_cast %get3A_915 : vector<1x16xf32> to vector<16xf32>
        %swap3A_917 = arith.constant 0 : i32
        %swap3A_918 = arith.index_cast %swap3A_917 : i32 to index
        %swap3A_919 = arith.index_cast %scan3A_903 : i32 to index
        %swap3A_920 = arith.constant 16 : index
        %swap3A_921 = tpu.vector_load %arg8[%swap3A_918, %swap3A_919, %swap3A_920] {strides = array<i32>} : memref<4x200x64xf32, #tpu.memory_space<vmem>>, vector<1x1x16xf32>,
        %swap3A_922 = vector.shape_cast %swap3A_921 : vector<1x1x16xf32> to vector<16xf32>
        %swap3A_923 = vector.shape_cast %get3A_916 : vector<16xf32> to vector<1x1x16xf32>
        tpu.vector_store %arg8[%swap3A_918, %swap3A_919, %swap3A_920], %swap3A_923 {add = true, strides = array<i32>} : memref<4x200x64xf32, #tpu.memory_space<vmem>>, vector<1x1x16xf32>,
        %get3A_924 = arith.index_cast %scan3A_903 : i32 to index
        %get3A_925 = arith.constant 32 : index
        %get3A_926 = tpu.vector_load %arg7[%get3A_924, %get3A_925] {strides = array<i32>} : memref<200x64xf32, #tpu.memory_space<vmem>>, vector<1x16xf32>,
        %get3A_927 = vector.shape_cast %get3A_926 : vector<1x16xf32> to vector<16xf32>
        %swap3A_928 = arith.constant 0 : i32
        %swap3A_929 = arith.index_cast %swap3A_928 : i32 to index
        %swap3A_930 = arith.index_cast %scan3A_903 : i32 to index
        %swap3A_931 = arith.constant 32 : index
        %swap3A_932 = tpu.vector_load %arg8[%swap3A_929, %swap3A_930, %swap3A_931] {strides = array<i32>} : memref<4x200x64xf32, #tpu.memory_space<vmem>>, vector<1x1x16xf32>,
        %swap3A_933 = vector.shape_cast %swap3A_932 : vector<1x1x16xf32> to vector<16xf32>
        %swap3A_934 = vector.shape_cast %get3A_927 : vector<16xf32> to vector<1x1x16xf32>
        tpu.vector_store %arg8[%swap3A_929, %swap3A_930, %swap3A_931], %swap3A_934 {add = true, strides = array<i32>} : memref<4x200x64xf32, #tpu.memory_space<vmem>>, vector<1x1x16xf32>,
        %get3A_935 = arith.index_cast %scan3A_903 : i32 to index
        %get3A_936 = arith.constant 48 : index
        %get3A_937 = tpu.vector_load %arg7[%get3A_935, %get3A_936] {strides = array<i32>} : memref<200x64xf32, #tpu.memory_space<vmem>>, vector<1x16xf32>,
        %get3A_938 = vector.shape_cast %get3A_937 : vector<1x16xf32> to vector<16xf32>
        %swap3A_939 = arith.constant 0 : i32
        %swap3A_940 = arith.index_cast %swap3A_939 : i32 to index
        %swap3A_941 = arith.index_cast %scan3A_903 : i32 to index
        %swap3A_942 = arith.constant 48 : index
        %swap3A_943 = tpu.vector_load %arg8[%swap3A_940, %swap3A_941, %swap3A_942] {strides = array<i32>} : memref<4x200x64xf32, #tpu.memory_space<vmem>>, vector<1x1x16xf32>,
        %swap3A_944 = vector.shape_cast %swap3A_943 : vector<1x1x16xf32> to vector<16xf32>
        %swap3A_945 = vector.shape_cast %get3A_938 : vector<16xf32> to vector<1x1x16xf32>
        tpu.vector_store %arg8[%swap3A_940, %swap3A_941, %swap3A_942], %swap3A_945 {add = true, strides = array<i32>} : memref<4x200x64xf32, #tpu.memory_space<vmem>>, vector<1x1x16xf32>,
        %scan3A_946 = arith.constant 1 : i32
        %scan3A_947 = arith.addi %scan3A_903, %scan3A_946 : i32
        %get3A_948 = arith.index_cast %scan3A_947 : i32 to index
        %get3A_949 = arith.constant 0 : index
        %get3A_950 = tpu.vector_load %arg7[%get3A_948, %get3A_949] {strides = array<i32>} : memref<200x64xf32, #tpu.memory_space<vmem>>, vector<1x16xf32>,
        %get3A_951 = vector.shape_cast %get3A_950 : vector<1x16xf32> to vector<16xf32>
        %swap3A_952 = arith.constant 0 : i32
        %swap3A_953 = arith.index_cast %swap3A_952 : i32 to index
        %swap3A_954 = arith.index_cast %scan3A_947 : i32 to index
        %swap3A_955 = arith.constant 0 : index
        %swap3A_956 = tpu.vector_load %arg8[%swap3A_953, %swap3A_954, %swap3A_955] {strides = array<i32>} : memref<4x200x64xf32, #tpu.memory_space<vmem>>, vector<1x1x16xf32>,
        %swap3A_957 = vector.shape_cast %swap3A_956 : vector<1x1x16xf32> to vector<16xf32>
        %swap3A_958 = vector.shape_cast %get3A_951 : vector<16xf32> to vector<1x1x16xf32>
        tpu.vector_store %arg8[%swap3A_953, %swap3A_954, %swap3A_955], %swap3A_958 {add = true, strides = array<i32>} : memref<4x200x64xf32, #tpu.memory_space<vmem>>, vector<1x1x16xf32>,
        %get3A_959 = arith.index_cast %scan3A_947 : i32 to index
        %get3A_960 = arith.constant 16 : index
        %get3A_961 = tpu.vector_load %arg7[%get3A_959, %get3A_960] {strides = array<i32>} : memref<200x64xf32, #tpu.memory_space<vmem>>, vector<1x16xf32>,
        %get3A_962 = vector.shape_cast %get3A_961 : vector<1x16xf32> to vector<16xf32>
        %swap3A_963 = arith.constant 0 : i32
        %swap3A_964 = arith.index_cast %swap3A_963 : i32 to index
        %swap3A_965 = arith.index_cast %scan3A_947 : i32 to index
        %swap3A_966 = arith.constant 16 : index
        %swap3A_967 = tpu.vector_load %arg8[%swap3A_964, %swap3A_965, %swap3A_966] {strides = array<i32>} : memref<4x200x64xf32, #tpu.memory_space<vmem>>, vector<1x1x16xf32>,
        %swap3A_968 = vector.shape_cast %swap3A_967 : vector<1x1x16xf32> to vector<16xf32>
        %swap3A_969 = vector.shape_cast %get3A_962 : vector<16xf32> to vector<1x1x16xf32>
        tpu.vector_store %arg8[%swap3A_964, %swap3A_965, %swap3A_966], %swap3A_969 {add = true, strides = array<i32>} : memref<4x200x64xf32, #tpu.memory_space<vmem>>, vector<1x1x16xf32>,
        %get3A_970 = arith.index_cast %scan3A_947 : i32 to index
        %get3A_971 = arith.constant 32 : index
        %get3A_972 = tpu.vector_load %arg7[%get3A_970, %get3A_971] {strides = array<i32>} : memref<200x64xf32, #tpu.memory_space<vmem>>, vector<1x16xf32>,
        %get3A_973 = vector.shape_cast %get3A_972 : vector<1x16xf32> to vector<16xf32>
        %swap3A_974 = arith.constant 0 : i32
        %swap3A_975 = arith.index_cast %swap3A_974 : i32 to index
        %swap3A_976 = arith.index_cast %scan3A_947 : i32 to index
        %swap3A_977 = arith.constant 32 : index
        %swap3A_978 = tpu.vector_load %arg8[%swap3A_975, %swap3A_976, %swap3A_977] {strides = array<i32>} : memref<4x200x64xf32, #tpu.memory_space<vmem>>, vector<1x1x16xf32>,
        %swap3A_979 = vector.shape_cast %swap3A_978 : vector<1x1x16xf32> to vector<16xf32>
        %swap3A_980 = vector.shape_cast %get3A_973 : vector<16xf32> to vector<1x1x16xf32>
        tpu.vector_store %arg8[%swap3A_975, %swap3A_976, %swap3A_977], %swap3A_980 {add = true, strides = array<i32>} : memref<4x200x64xf32, #tpu.memory_space<vmem>>, vector<1x1x16xf32>,
        %get3A_981 = arith.index_cast %scan3A_947 : i32 to index
        %get3A_982 = arith.constant 48 : index
        %get3A_983 = tpu.vector_load %arg7[%get3A_981, %get3A_982] {strides = array<i32>} : memref<200x64xf32, #tpu.memory_space<vmem>>, vector<1x16xf32>,
        %get3A_984 = vector.shape_cast %get3A_983 : vector<1x16xf32> to vector<16xf32>
        %swap3A_985 = arith.constant 0 : i32
        %swap3A_986 = arith.index_cast %swap3A_985 : i32 to index
        %swap3A_987 = arith.index_cast %scan3A_947 : i32 to index
        %swap3A_988 = arith.constant 48 : index
        %swap3A_989 = tpu.vector_load %arg8[%swap3A_986, %swap3A_987, %swap3A_988] {strides = array<i32>} : memref<4x200x64xf32, #tpu.memory_space<vmem>>, vector<1x1x16xf32>,
        %swap3A_990 = vector.shape_cast %swap3A_989 : vector<1x1x16xf32> to vector<16xf32>
        %swap3A_991 = vector.shape_cast %get3A_984 : vector<16xf32> to vector<1x1x16xf32>
        tpu.vector_store %arg8[%swap3A_986, %swap3A_987, %swap3A_988], %swap3A_991 {add = true, strides = array<i32>} : memref<4x200x64xf32, #tpu.memory_space<vmem>>, vector<1x1x16xf32>,
        %scan3A_992 = arith.constant 2 : i32
        %scan3A_993 = arith.addi %scan3A_903, %scan3A_992 : i32
        %get3A_994 = arith.index_cast %scan3A_993 : i32 to index
        %get3A_995 = arith.constant 0 : index
        %get3A_996 = tpu.vector_load %arg7[%get3A_994, %get3A_995] {strides = array<i32>} : memref<200x64xf32, #tpu.memory_space<vmem>>, vector<1x16xf32>,
        %get3A_997 = vector.shape_cast %get3A_996 : vector<1x16xf32> to vector<16xf32>
        %swap3A_998 = arith.constant 0 : i32
        %swap3A_999 = arith.index_cast %swap3A_998 : i32 to index
        %swap3A_1000 = arith.index_cast %scan3A_993 : i32 to index
        %swap3A_1001 = arith.constant 0 : index
        %swap3A_1002 = tpu.vector_load %arg8[%swap3A_999, %swap3A_1000, %swap3A_1001] {strides = array<i32>} : memref<4x200x64xf32, #tpu.memory_space<vmem>>, vector<1x1x16xf32>,
        %swap3A_1003 = vector.shape_cast %swap3A_1002 : vector<1x1x16xf32> to vector<16xf32>
        %swap3A_1004 = vector.shape_cast %get3A_997 : vector<16xf32> to vector<1x1x16xf32>
        tpu.vector_store %arg8[%swap3A_999, %swap3A_1000, %swap3A_1001], %swap3A_1004 {add = true, strides = array<i32>} : memref<4x200x64xf32, #tpu.memory_space<vmem>>, vector<1x1x16xf32>,
        %get3A_1005 = arith.index_cast %scan3A_993 : i32 to index
        %get3A_1006 = arith.constant 16 : index
        %get3A_1007 = tpu.vector_load %arg7[%get3A_1005, %get3A_1006] {strides = array<i32>} : memref<200x64xf32, #tpu.memory_space<vmem>>, vector<1x16xf32>,
        %get3A_1008 = vector.shape_cast %get3A_1007 : vector<1x16xf32> to vector<16xf32>
        %swap3A_1009 = arith.constant 0 : i32
        %swap3A_1010 = arith.index_cast %swap3A_1009 : i32 to index
        %swap3A_1011 = arith.index_cast %scan3A_993 : i32 to index
        %swap3A_1012 = arith.constant 16 : index
        %swap3A_1013 = tpu.vector_load %arg8[%swap3A_1010, %swap3A_1011, %swap3A_1012] {strides = array<i32>} : memref<4x200x64xf32, #tpu.memory_space<vmem>>, vector<1x1x16xf32>,
        %swap3A_1014 = vector.shape_cast %swap3A_1013 : vector<1x1x16xf32> to vector<16xf32>
        %swap3A_1015 = vector.shape_cast %get3A_1008 : vector<16xf32> to vector<1x1x16xf32>
        tpu.vector_store %arg8[%swap3A_1010, %swap3A_1011, %swap3A_1012], %swap3A_1015 {add = true, strides = array<i32>} : memref<4x200x64xf32, #tpu.memory_space<vmem>>, vector<1x1x16xf32>,
        %get3A_1016 = arith.index_cast %scan3A_993 : i32 to index
        %get3A_1017 = arith.constant 32 : index
        %get3A_1018 = tpu.vector_load %arg7[%get3A_1016, %get3A_1017] {strides = array<i32>} : memref<200x64xf32, #tpu.memory_space<vmem>>, vector<1x16xf32>,
        %get3A_1019 = vector.shape_cast %get3A_1018 : vector<1x16xf32> to vector<16xf32>
        %swap3A_1020 = arith.constant 0 : i32
        %swap3A_1021 = arith.index_cast %swap3A_1020 : i32 to index
        %swap3A_1022 = arith.index_cast %scan3A_993 : i32 to index
        %swap3A_1023 = arith.constant 32 : index
        %swap3A_1024 = tpu.vector_load %arg8[%swap3A_1021, %swap3A_1022, %swap3A_1023] {strides = array<i32>} : memref<4x200x64xf32, #tpu.memory_space<vmem>>, vector<1x1x16xf32>,
        %swap3A_1025 = vector.shape_cast %swap3A_1024 : vector<1x1x16xf32> to vector<16xf32>
        %swap3A_1026 = vector.shape_cast %get3A_1019 : vector<16xf32> to vector<1x1x16xf32>
        tpu.vector_store %arg8[%swap3A_1021, %swap3A_1022, %swap3A_1023], %swap3A_1026 {add = true, strides = array<i32>} : memref<4x200x64xf32, #tpu.memory_space<vmem>>, vector<1x1x16xf32>,
        %get3A_1027 = arith.index_cast %scan3A_993 : i32 to index
        %get3A_1028 = arith.constant 48 : index
        %get3A_1029 = tpu.vector_load %arg7[%get3A_1027, %get3A_1028] {strides = array<i32>} : memref<200x64xf32, #tpu.memory_space<vmem>>, vector<1x16xf32>,
        %get3A_1030 = vector.shape_cast %get3A_1029 : vector<1x16xf32> to vector<16xf32>
        %swap3A_1031 = arith.constant 0 : i32
        %swap3A_1032 = arith.index_cast %swap3A_1031 : i32 to index
        %swap3A_1033 = arith.index_cast %scan3A_993 : i32 to index
        %swap3A_1034 = arith.constant 48 : index
        %swap3A_1035 = tpu.vector_load %arg8[%swap3A_1032, %swap3A_1033, %swap3A_1034] {strides = array<i32>} : memref<4x200x64xf32, #tpu.memory_space<vmem>>, vector<1x1x16xf32>,
        %swap3A_1036 = vector.shape_cast %swap3A_1035 : vector<1x1x16xf32> to vector<16xf32>
        %swap3A_1037 = vector.shape_cast %get3A_1030 : vector<16xf32> to vector<1x1x16xf32>
        tpu.vector_store %arg8[%swap3A_1032, %swap3A_1033, %swap3A_1034], %swap3A_1037 {add = true, strides = array<i32>} : memref<4x200x64xf32, #tpu.memory_space<vmem>>, vector<1x1x16xf32>,
        %scan3A_1038 = arith.constant 3 : i32
        %scan3A_1039 = arith.addi %scan3A_903, %scan3A_1038 : i32
        %get3A_1040 = arith.index_cast %scan3A_1039 : i32 to index
        %get3A_1041 = arith.constant 0 : index
        %get3A_1042 = tpu.vector_load %arg7[%get3A_1040, %get3A_1041] {strides = array<i32>} : memref<200x64xf32, #tpu.memory_space<vmem>>, vector<1x16xf32>,
        %get3A_1043 = vector.shape_cast %get3A_1042 : vector<1x16xf32> to vector<16xf32>
        %swap3A_1044 = arith.constant 0 : i32
        %swap3A_1045 = arith.index_cast %swap3A_1044 : i32 to index
        %swap3A_1046 = arith.index_cast %scan3A_1039 : i32 to index
        %swap3A_1047 = arith.constant 0 : index
        %swap3A_1048 = tpu.vector_load %arg8[%swap3A_1045, %swap3A_1046, %swap3A_1047] {strides = array<i32>} : memref<4x200x64xf32, #tpu.memory_space<vmem>>, vector<1x1x16xf32>,
        %swap3A_1049 = vector.shape_cast %swap3A_1048 : vector<1x1x16xf32> to vector<16xf32>
        %swap3A_1050 = vector.shape_cast %get3A_1043 : vector<16xf32> to vector<1x1x16xf32>
        tpu.vector_store %arg8[%swap3A_1045, %swap3A_1046, %swap3A_1047], %swap3A_1050 {add = true, strides = array<i32>} : memref<4x200x64xf32, #tpu.memory_space<vmem>>, vector<1x1x16xf32>,
        %get3A_1051 = arith.index_cast %scan3A_1039 : i32 to index
        %get3A_1052 = arith.constant 16 : index
        %get3A_1053 = tpu.vector_load %arg7[%get3A_1051, %get3A_1052] {strides = array<i32>} : memref<200x64xf32, #tpu.memory_space<vmem>>, vector<1x16xf32>,
        %get3A_1054 = vector.shape_cast %get3A_1053 : vector<1x16xf32> to vector<16xf32>
        %swap3A_1055 = arith.constant 0 : i32
        %swap3A_1056 = arith.index_cast %swap3A_1055 : i32 to index
        %swap3A_1057 = arith.index_cast %scan3A_1039 : i32 to index
        %swap3A_1058 = arith.constant 16 : index
        %swap3A_1059 = tpu.vector_load %arg8[%swap3A_1056, %swap3A_1057, %swap3A_1058] {strides = array<i32>} : memref<4x200x64xf32, #tpu.memory_space<vmem>>, vector<1x1x16xf32>,
        %swap3A_1060 = vector.shape_cast %swap3A_1059 : vector<1x1x16xf32> to vector<16xf32>
        %swap3A_1061 = vector.shape_cast %get3A_1054 : vector<16xf32> to vector<1x1x16xf32>
        tpu.vector_store %arg8[%swap3A_1056, %swap3A_1057, %swap3A_1058], %swap3A_1061 {add = true, strides = array<i32>} : memref<4x200x64xf32, #tpu.memory_space<vmem>>, vector<1x1x16xf32>,
        %get3A_1062 = arith.index_cast %scan3A_1039 : i32 to index
        %get3A_1063 = arith.constant 32 : index
        %get3A_1064 = tpu.vector_load %arg7[%get3A_1062, %get3A_1063] {strides = array<i32>} : memref<200x64xf32, #tpu.memory_space<vmem>>, vector<1x16xf32>,
        %get3A_1065 = vector.shape_cast %get3A_1064 : vector<1x16xf32> to vector<16xf32>
        %swap3A_1066 = arith.constant 0 : i32
        %swap3A_1067 = arith.index_cast %swap3A_1066 : i32 to index
        %swap3A_1068 = arith.index_cast %scan3A_1039 : i32 to index
        %swap3A_1069 = arith.constant 32 : index
        %swap3A_1070 = tpu.vector_load %arg8[%swap3A_1067, %swap3A_1068, %swap3A_1069] {strides = array<i32>} : memref<4x200x64xf32, #tpu.memory_space<vmem>>, vector<1x1x16xf32>,
        %swap3A_1071 = vector.shape_cast %swap3A_1070 : vector<1x1x16xf32> to vector<16xf32>
        %swap3A_1072 = vector.shape_cast %get3A_1065 : vector<16xf32> to vector<1x1x16xf32>
        tpu.vector_store %arg8[%swap3A_1067, %swap3A_1068, %swap3A_1069], %swap3A_1072 {add = true, strides = array<i32>} : memref<4x200x64xf32, #tpu.memory_space<vmem>>, vector<1x1x16xf32>,
        %get3A_1073 = arith.index_cast %scan3A_1039 : i32 to index
        %get3A_1074 = arith.constant 48 : index
        %get3A_1075 = tpu.vector_load %arg7[%get3A_1073, %get3A_1074] {strides = array<i32>} : memref<200x64xf32, #tpu.memory_space<vmem>>, vector<1x16xf32>,
        %get3A_1076 = vector.shape_cast %get3A_1075 : vector<1x16xf32> to vector<16xf32>
        %swap3A_1077 = arith.constant 0 : i32
        %swap3A_1078 = arith.index_cast %swap3A_1077 : i32 to index
        %swap3A_1079 = arith.index_cast %scan3A_1039 : i32 to index
        %swap3A_1080 = arith.constant 48 : index
        %swap3A_1081 = tpu.vector_load %arg8[%swap3A_1078, %swap3A_1079, %swap3A_1080] {strides = array<i32>} : memref<4x200x64xf32, #tpu.memory_space<vmem>>, vector<1x1x16xf32>,
        %swap3A_1082 = vector.shape_cast %swap3A_1081 : vector<1x1x16xf32> to vector<16xf32>
        %swap3A_1083 = vector.shape_cast %get3A_1076 : vector<16xf32> to vector<1x1x16xf32>
        tpu.vector_store %arg8[%swap3A_1078, %swap3A_1079, %swap3A_1080], %swap3A_1083 {add = true, strides = array<i32>} : memref<4x200x64xf32, #tpu.memory_space<vmem>>, vector<1x1x16xf32>,
      }
      %scan3A_672 = arith.constant 200 : i32
      %add3A_673 = arith.addi %mul3A_2, %add3A_638 : i32
      %dma_start3A_674 = arith.constant 0 : i32
      %dma_start3A_675 = arith.constant 0 : i32
      %dma_start3A_676 = arith.constant 0 : i32
      %dma_start3A_677 = arith.constant 0 : i32
      %dma_start3A_678 = tpu.memref_slice %arg8[%dma_start3A_674, %dma_start3A_676, %dma_start3A_677] : memref<4x200x64xf32, #tpu.memory_space<vmem>> -> memref<1x200x64xf32, #tpu.memory_space<vmem>>
      %dma_start3A_679 = tpu.memref_squeeze %dma_start3A_678 : memref<1x200x64xf32, #tpu.memory_space<vmem>> -> memref<200x64xf32, #tpu.memory_space<vmem>>
      %dma_start3A_680 = arith.constant 0 : i32
      %dma_start3A_681 = arith.constant 0 : i32
      %dma_start3A_682 = tpu.memref_slice %arg5[%add3A_673, %dma_start3A_680, %dma_start3A_681] : memref<4096x200x128xf32, #tpu.memory_space<hbm>> -> memref<1x200x64xf32, #tpu.memory_space<hbm>>
      %dma_start3A_683 = tpu.memref_squeeze %dma_start3A_682 : memref<1x200x64xf32, #tpu.memory_space<hbm>> -> memref<200x64xf32, #tpu.memory_space<hbm>>
      %dma_start3A_684 = tpu.memref_slice %arg10[%dma_start3A_675] : memref<4x!tpu.dma_semaphore, #tpu.memory_space<semaphore_mem>> -> memref<1x!tpu.dma_semaphore, #tpu.memory_space<semaphore_mem>>
      %dma_start3A_685 = tpu.memref_squeeze %dma_start3A_684 : memref<1x!tpu.dma_semaphore, #tpu.memory_space<semaphore_mem>> -> memref<!tpu.dma_semaphore, #tpu.memory_space<semaphore_mem>>
      %dma_start3A_686 = arith.constant 0 : i32
      %dma_start3A_687 = arith.constant 0 : i32
      %dma_start3A_688 = tpu.memref_slice %arg5[%add3A_673, %dma_start3A_686, %dma_start3A_687] : memref<4096x200x128xf32, #tpu.memory_space<hbm>> -> memref<1x200x64xf32, #tpu.memory_space<hbm>>
      %dma_start3A_689 = tpu.memref_squeeze %dma_start3A_688 : memref<1x200x64xf32, #tpu.memory_space<hbm>> -> memref<200x64xf32, #tpu.memory_space<hbm>>
      %dma_start3A_690 = arith.constant 0 : i32
      %dma_start3A_691 = arith.constant 0 : i32
      %dma_start3A_692 = tpu.memref_slice %arg8[%dma_start3A_674, %dma_start3A_690, %dma_start3A_691] : memref<4x200x64xf32, #tpu.memory_space<vmem>> -> memref<1x200x64xf32, #tpu.memory_space<vmem>>
      %dma_start3A_693 = tpu.memref_squeeze %dma_start3A_692 : memref<1x200x64xf32, #tpu.memory_space<vmem>> -> memref<200x64xf32, #tpu.memory_space<vmem>>
      tpu.enqueue_dma source(%dma_start3A_693 : memref<200x64xf32, #tpu.memory_space<vmem>>) target(%dma_start3A_689 : memref<200x64xf32, #tpu.memory_space<hbm>>) target_semaphore(%dma_start3A_685 : memref<!tpu.dma_semaphore, #tpu.memory_space<semaphore_mem>>)
      %add3A_694 = arith.constant 4 : i32
      %add3A_695 = arith.addi %add3A_638, %add3A_694 : i32
      %sub3A = arith.constant 1 : i32
      %sub3A_696 = arith.subi %add3A_695, %sub3A : i32
      %lt3A = arith.constant 128 : i32
      %lt3A_697 = arith.cmpi slt, %sub3A_696, %lt3A : i32
      %convert_element_type3A = arith.extui %lt3A_697 : i1 to i32
      %cond3A = arith.constant 0 : i32
      %cond3A_698 = arith.cmpi ne, %convert_element_type3A, %cond3A : i32
      scf.if %cond3A_698 {
        %sub3A_903 = arith.constant 1 : i32
        %sub3A_904 = arith.subi %add3A_638, %sub3A_903 : i32
        %add3A_905 = arith.addi %mul3A_2, %sub3A_904 : i32
        %dma_wait3A_906 = arith.constant 3 : i32
        %dma_wait3A_907 = arith.constant 3 : i32
        %dma_wait3A_908 = arith.constant 0 : i32
        %dma_wait3A_909 = arith.constant 0 : i32
        %dma_wait3A_910 = tpu.memref_slice %arg8[%dma_wait3A_906, %dma_wait3A_908, %dma_wait3A_909] : memref<4x200x64xf32, #tpu.memory_space<vmem>> -> memref<1x200x64xf32, #tpu.memory_space<vmem>>
        %dma_wait3A_911 = tpu.memref_squeeze %dma_wait3A_910 : memref<1x200x64xf32, #tpu.memory_space<vmem>> -> memref<200x64xf32, #tpu.memory_space<vmem>>
        %dma_wait3A_912 = arith.constant 0 : i32
        %dma_wait3A_913 = arith.constant 0 : i32
        %dma_wait3A_914 = tpu.memref_slice %arg5[%add3A_905, %dma_wait3A_912, %dma_wait3A_913] : memref<4096x200x128xf32, #tpu.memory_space<hbm>> -> memref<1x200x64xf32, #tpu.memory_space<hbm>>
        %dma_wait3A_915 = tpu.memref_squeeze %dma_wait3A_914 : memref<1x200x64xf32, #tpu.memory_space<hbm>> -> memref<200x64xf32, #tpu.memory_space<hbm>>
        %dma_wait3A_916 = tpu.memref_slice %arg10[%dma_wait3A_907] : memref<4x!tpu.dma_semaphore, #tpu.memory_space<semaphore_mem>> -> memref<1x!tpu.dma_semaphore, #tpu.memory_space<semaphore_mem>>
        %dma_wait3A_917 = tpu.memref_squeeze %dma_wait3A_916 : memref<1x!tpu.dma_semaphore, #tpu.memory_space<semaphore_mem>> -> memref<!tpu.dma_semaphore, #tpu.memory_space<semaphore_mem>>
        %dma_wait3A_918 = arith.constant 0 : i32
        %dma_wait3A_919 = arith.constant 0 : i32
        %dma_wait3A_920 = tpu.memref_slice %arg5[%add3A_905, %dma_wait3A_918, %dma_wait3A_919] : memref<4096x200x128xf32, #tpu.memory_space<hbm>> -> memref<1x200x64xf32, #tpu.memory_space<hbm>>
        %dma_wait3A_921 = tpu.memref_squeeze %dma_wait3A_920 : memref<1x200x64xf32, #tpu.memory_space<hbm>> -> memref<200x64xf32, #tpu.memory_space<hbm>>
        %dma_wait3A_922 = arith.constant 0 : i32
        %dma_wait3A_923 = arith.constant 0 : i32
        %dma_wait3A_924 = tpu.memref_slice %arg8[%dma_wait3A_906, %dma_wait3A_922, %dma_wait3A_923] : memref<4x200x64xf32, #tpu.memory_space<vmem>> -> memref<1x200x64xf32, #tpu.memory_space<vmem>>
        %dma_wait3A_925 = tpu.memref_squeeze %dma_wait3A_924 : memref<1x200x64xf32, #tpu.memory_space<vmem>> -> memref<200x64xf32, #tpu.memory_space<vmem>>
        tpu.wait_dma2 semaphore(%dma_wait3A_917 : memref<!tpu.dma_semaphore, #tpu.memory_space<semaphore_mem>>) src(%dma_wait3A_925 : memref<200x64xf32, #tpu.memory_space<vmem>>) dst(%dma_wait3A_921 : memref<200x64xf32, #tpu.memory_space<hbm>>)
        %add3A_926 = arith.constant 4 : i32
        %add3A_927 = arith.addi %add3A_638, %add3A_926 : i32
        %sub3A_928 = arith.constant 1 : i32
        %sub3A_929 = arith.subi %add3A_927, %sub3A_928 : i32
        %dma_start3A_930 = arith.constant 3 : i32
        %dma_start3A_931 = arith.constant 3 : i32
        %dma_start3A_932 = arith.constant 0 : i32
        %dma_start3A_933 = arith.constant 0 : i32
        %dma_start3A_934 = tpu.memref_slice %arg8[%dma_start3A_930, %dma_start3A_932, %dma_start3A_933] : memref<4x200x64xf32, #tpu.memory_space<vmem>> -> memref<1x104x64xf32, #tpu.memory_space<vmem>>
        %dma_start3A_935 = tpu.memref_squeeze %dma_start3A_934 : memref<1x104x64xf32, #tpu.memory_space<vmem>> -> memref<104x64xf32, #tpu.memory_space<vmem>>
        %dma_start3A_936 = arith.constant 0 : i32
        %dma_start3A_937 = tpu.memref_slice %arg6[%sub3A_929, %dma_start3A_936] : memref<128x200xi32, #tpu.memory_space<vmem>> -> memref<1x104xi32, #tpu.memory_space<vmem>>
        %dma_start3A_938 = tpu.memref_squeeze %dma_start3A_937 : memref<1x104xi32, #tpu.memory_space<vmem>> -> memref<104xi32, #tpu.memory_space<vmem>>
        %dma_start3A_939 = arith.constant 0 : i32
        %dma_start3A_940 = arith.constant 0 : i32
        %dma_start3A_941 = tpu.memref_slice %arg2[%dma_start3A_939, %dma_start3A_940] : memref<1000000x64xf32, #tpu.memory_space<hbm>> -> memref<1000000x64xf32, #tpu.memory_space<hbm>>
        %dma_start3A_942 = tpu.memref_slice %arg9[%dma_start3A_931] : memref<4x!tpu.dma_semaphore, #tpu.memory_space<semaphore_mem>> -> memref<1x!tpu.dma_semaphore, #tpu.memory_space<semaphore_mem>>
        %dma_start3A_943 = tpu.memref_squeeze %dma_start3A_942 : memref<1x!tpu.dma_semaphore, #tpu.memory_space<semaphore_mem>> -> memref<!tpu.dma_semaphore, #tpu.memory_space<semaphore_mem>>
        tpu.enqueue_indirect_dma source(%dma_start3A_941 : memref<1000000x64xf32, #tpu.memory_space<hbm>>) target(%dma_start3A_935 : memref<104x64xf32, #tpu.memory_space<vmem>>) offsets(%dma_start3A_938 : memref<104xi32, #tpu.memory_space<vmem>>) semaphore(%dma_start3A_943 : memref<!tpu.dma_semaphore, #tpu.memory_space<semaphore_mem>>)
        %dma_start3A_944 = arith.constant 3 : i32
        %dma_start3A_945 = arith.constant 3 : i32
        %dma_start3A_946 = arith.constant 104 : i32
        %dma_start3A_947 = arith.constant 0 : i32
        %dma_start3A_948 = tpu.memref_slice %arg8[%dma_start3A_944, %dma_start3A_946, %dma_start3A_947] : memref<4x200x64xf32, #tpu.memory_space<vmem>> -> memref<1x96x64xf32, #tpu.memory_space<vmem>>
        %dma_start3A_949 = tpu.memref_squeeze %dma_start3A_948 : memref<1x96x64xf32, #tpu.memory_space<vmem>> -> memref<96x64xf32, #tpu.memory_space<vmem>>
        %dma_start3A_950 = arith.constant 104 : i32
        %dma_start3A_951 = tpu.memref_slice %arg6[%sub3A_929, %dma_start3A_950] : memref<128x200xi32, #tpu.memory_space<vmem>> -> memref<1x96xi32, #tpu.memory_space<vmem>>
        %dma_start3A_952 = tpu.memref_squeeze %dma_start3A_951 : memref<1x96xi32, #tpu.memory_space<vmem>> -> memref<96xi32, #tpu.memory_space<vmem>>
        %dma_start3A_953 = arith.constant 0 : i32
        %dma_start3A_954 = arith.constant 0 : i32
        %dma_start3A_955 = tpu.memref_slice %arg2[%dma_start3A_953, %dma_start3A_954] : memref<1000000x64xf32, #tpu.memory_space<hbm>> -> memref<1000000x64xf32, #tpu.memory_space<hbm>>
        %dma_start3A_956 = tpu.memref_slice %arg9[%dma_start3A_945] : memref<4x!tpu.dma_semaphore, #tpu.memory_space<semaphore_mem>> -> memref<1x!tpu.dma_semaphore, #tpu.memory_space<semaphore_mem>>
        %dma_start3A_957 = tpu.memref_squeeze %dma_start3A_956 : memref<1x!tpu.dma_semaphore, #tpu.memory_space<semaphore_mem>> -> memref<!tpu.dma_semaphore, #tpu.memory_space<semaphore_mem>>
        tpu.enqueue_indirect_dma source(%dma_start3A_955 : memref<1000000x64xf32, #tpu.memory_space<hbm>>) target(%dma_start3A_949 : memref<96x64xf32, #tpu.memory_space<vmem>>) offsets(%dma_start3A_952 : memref<96xi32, #tpu.memory_space<vmem>>) semaphore(%dma_start3A_957 : memref<!tpu.dma_semaphore, #tpu.memory_space<semaphore_mem>>)
      } else {
      }
      %mul3A_699 = arith.constant 4 : i32
      %mul3A_700 = arith.muli %scan3A_634, %mul3A_699 : i32
      %add3A_701 = arith.constant 1 : i32
      %add3A_702 = arith.addi %mul3A_700, %add3A_701 : i32
      %dma_wait3A_703 = arith.constant 1 : i32
      %dma_wait3A_704 = arith.constant 1 : i32
      %dma_wait3A_705 = arith.constant 0 : i32
      %dma_wait3A_706 = arith.constant 0 : i32
      %dma_wait3A_707 = tpu.memref_slice %arg8[%dma_wait3A_703, %dma_wait3A_705, %dma_wait3A_706] : memref<4x200x64xf32, #tpu.memory_space<vmem>> -> memref<1x104x64xf32, #tpu.memory_space<vmem>>
      %dma_wait3A_708 = tpu.memref_squeeze %dma_wait3A_707 : memref<1x104x64xf32, #tpu.memory_space<vmem>> -> memref<104x64xf32, #tpu.memory_space<vmem>>
      %dma_wait3A_709 = arith.constant 0 : i32
      %dma_wait3A_710 = tpu.memref_slice %arg6[%add3A_702, %dma_wait3A_709] : memref<128x200xi32, #tpu.memory_space<vmem>> -> memref<1x104xi32, #tpu.memory_space<vmem>>
      %dma_wait3A_711 = tpu.memref_squeeze %dma_wait3A_710 : memref<1x104xi32, #tpu.memory_space<vmem>> -> memref<104xi32, #tpu.memory_space<vmem>>
      %dma_wait3A_712 = arith.constant 0 : i32
      %dma_wait3A_713 = arith.constant 0 : i32
      %dma_wait3A_714 = tpu.memref_slice %arg2[%dma_wait3A_712, %dma_wait3A_713] : memref<1000000x64xf32, #tpu.memory_space<hbm>> -> memref<1000000x64xf32, #tpu.memory_space<hbm>>
      %dma_wait3A_715 = tpu.memref_slice %arg9[%dma_wait3A_704] : memref<4x!tpu.dma_semaphore, #tpu.memory_space<semaphore_mem>> -> memref<1x!tpu.dma_semaphore, #tpu.memory_space<semaphore_mem>>
      %dma_wait3A_716 = tpu.memref_squeeze %dma_wait3A_715 : memref<1x!tpu.dma_semaphore, #tpu.memory_space<semaphore_mem>> -> memref<!tpu.dma_semaphore, #tpu.memory_space<semaphore_mem>>
      tpu.wait_indirect_dma semaphore(%dma_wait3A_716 : memref<!tpu.dma_semaphore, #tpu.memory_space<semaphore_mem>>) src(%dma_wait3A_714 : memref<1000000x64xf32, #tpu.memory_space<hbm>>) dst(%dma_wait3A_708 : memref<104x64xf32, #tpu.memory_space<vmem>>)
      %dma_wait3A_717 = arith.constant 1 : i32
      %dma_wait3A_718 = arith.constant 1 : i32
      %dma_wait3A_719 = arith.constant 104 : i32
      %dma_wait3A_720 = arith.constant 0 : i32
      %dma_wait3A_721 = tpu.memref_slice %arg8[%dma_wait3A_717, %dma_wait3A_719, %dma_wait3A_720] : memref<4x200x64xf32, #tpu.memory_space<vmem>> -> memref<1x96x64xf32, #tpu.memory_space<vmem>>
      %dma_wait3A_722 = tpu.memref_squeeze %dma_wait3A_721 : memref<1x96x64xf32, #tpu.memory_space<vmem>> -> memref<96x64xf32, #tpu.memory_space<vmem>>
      %dma_wait3A_723 = arith.constant 104 : i32
      %dma_wait3A_724 = tpu.memref_slice %arg6[%add3A_702, %dma_wait3A_723] : memref<128x200xi32, #tpu.memory_space<vmem>> -> memref<1x96xi32, #tpu.memory_space<vmem>>
      %dma_wait3A_725 = tpu.memref_squeeze %dma_wait3A_724 : memref<1x96xi32, #tpu.memory_space<vmem>> -> memref<96xi32, #tpu.memory_space<vmem>>
      %dma_wait3A_726 = arith.constant 0 : i32
      %dma_wait3A_727 = arith.constant 0 : i32
      %dma_wait3A_728 = tpu.memref_slice %arg2[%dma_wait3A_726, %dma_wait3A_727] : memref<1000000x64xf32, #tpu.memory_space<hbm>> -> memref<1000000x64xf32, #tpu.memory_space<hbm>>
      %dma_wait3A_729 = tpu.memref_slice %arg9[%dma_wait3A_718] : memref<4x!tpu.dma_semaphore, #tpu.memory_space<semaphore_mem>> -> memref<1x!tpu.dma_semaphore, #tpu.memory_space<semaphore_mem>>
      %dma_wait3A_730 = tpu.memref_squeeze %dma_wait3A_729 : memref<1x!tpu.dma_semaphore, #tpu.memory_space<semaphore_mem>> -> memref<!tpu.dma_semaphore, #tpu.memory_space<semaphore_mem>>
      tpu.wait_indirect_dma semaphore(%dma_wait3A_730 : memref<!tpu.dma_semaphore, #tpu.memory_space<semaphore_mem>>) src(%dma_wait3A_728 : memref<1000000x64xf32, #tpu.memory_space<hbm>>) dst(%dma_wait3A_722 : memref<96x64xf32, #tpu.memory_space<vmem>>)
      %scan3A_731 = arith.constant 0 : i32
      %scan3A_732 = arith.constant 0 : i32
      %scan3A_733 = arith.constant 200 : i32
      %scan3A_734 = arith.addi %scan3A_732, %scan3A_733 : i32
      %scan3A_735 = arith.constant 4 : i32
      scf.for %scan3A_903 = %scan3A_732 to %scan3A_734 step %scan3A_735  : i32 {
        %get3A = arith.index_cast %scan3A_903 : i32 to index
        %get3A_904 = arith.constant 0 : index
        %get3A_905 = tpu.vector_load %arg7[%get3A, %get3A_904] {strides = array<i32>} : memref<200x64xf32, #tpu.memory_space<vmem>>, vector<1x16xf32>,
        %get3A_906 = vector.shape_cast %get3A_905 : vector<1x16xf32> to vector<16xf32>
        %swap3A = arith.constant 1 : i32
        %swap3A_907 = arith.index_cast %swap3A : i32 to index
        %swap3A_908 = arith.index_cast %scan3A_903 : i32 to index
        %swap3A_909 = arith.constant 0 : index
        %swap3A_910 = tpu.vector_load %arg8[%swap3A_907, %swap3A_908, %swap3A_909] {strides = array<i32>} : memref<4x200x64xf32, #tpu.memory_space<vmem>>, vector<1x1x16xf32>,
        %swap3A_911 = vector.shape_cast %swap3A_910 : vector<1x1x16xf32> to vector<16xf32>
        %swap3A_912 = vector.shape_cast %get3A_906 : vector<16xf32> to vector<1x1x16xf32>
        tpu.vector_store %arg8[%swap3A_907, %swap3A_908, %swap3A_909], %swap3A_912 {add = true, strides = array<i32>} : memref<4x200x64xf32, #tpu.memory_space<vmem>>, vector<1x1x16xf32>,
        %get3A_913 = arith.index_cast %scan3A_903 : i32 to index
        %get3A_914 = arith.constant 16 : index
        %get3A_915 = tpu.vector_load %arg7[%get3A_913, %get3A_914] {strides = array<i32>} : memref<200x64xf32, #tpu.memory_space<vmem>>, vector<1x16xf32>,
        %get3A_916 = vector.shape_cast %get3A_915 : vector<1x16xf32> to vector<16xf32>
        %swap3A_917 = arith.constant 1 : i32
        %swap3A_918 = arith.index_cast %swap3A_917 : i32 to index
        %swap3A_919 = arith.index_cast %scan3A_903 : i32 to index
        %swap3A_920 = arith.constant 16 : index
        %swap3A_921 = tpu.vector_load %arg8[%swap3A_918, %swap3A_919, %swap3A_920] {strides = array<i32>} : memref<4x200x64xf32, #tpu.memory_space<vmem>>, vector<1x1x16xf32>,
        %swap3A_922 = vector.shape_cast %swap3A_921 : vector<1x1x16xf32> to vector<16xf32>
        %swap3A_923 = vector.shape_cast %get3A_916 : vector<16xf32> to vector<1x1x16xf32>
        tpu.vector_store %arg8[%swap3A_918, %swap3A_919, %swap3A_920], %swap3A_923 {add = true, strides = array<i32>} : memref<4x200x64xf32, #tpu.memory_space<vmem>>, vector<1x1x16xf32>,
        %get3A_924 = arith.index_cast %scan3A_903 : i32 to index
        %get3A_925 = arith.constant 32 : index
        %get3A_926 = tpu.vector_load %arg7[%get3A_924, %get3A_925] {strides = array<i32>} : memref<200x64xf32, #tpu.memory_space<vmem>>, vector<1x16xf32>,
        %get3A_927 = vector.shape_cast %get3A_926 : vector<1x16xf32> to vector<16xf32>
        %swap3A_928 = arith.constant 1 : i32
        %swap3A_929 = arith.index_cast %swap3A_928 : i32 to index
        %swap3A_930 = arith.index_cast %scan3A_903 : i32 to index
        %swap3A_931 = arith.constant 32 : index
        %swap3A_932 = tpu.vector_load %arg8[%swap3A_929, %swap3A_930, %swap3A_931] {strides = array<i32>} : memref<4x200x64xf32, #tpu.memory_space<vmem>>, vector<1x1x16xf32>,
        %swap3A_933 = vector.shape_cast %swap3A_932 : vector<1x1x16xf32> to vector<16xf32>
        %swap3A_934 = vector.shape_cast %get3A_927 : vector<16xf32> to vector<1x1x16xf32>
        tpu.vector_store %arg8[%swap3A_929, %swap3A_930, %swap3A_931], %swap3A_934 {add = true, strides = array<i32>} : memref<4x200x64xf32, #tpu.memory_space<vmem>>, vector<1x1x16xf32>,
        %get3A_935 = arith.index_cast %scan3A_903 : i32 to index
        %get3A_936 = arith.constant 48 : index
        %get3A_937 = tpu.vector_load %arg7[%get3A_935, %get3A_936] {strides = array<i32>} : memref<200x64xf32, #tpu.memory_space<vmem>>, vector<1x16xf32>,
        %get3A_938 = vector.shape_cast %get3A_937 : vector<1x16xf32> to vector<16xf32>
        %swap3A_939 = arith.constant 1 : i32
        %swap3A_940 = arith.index_cast %swap3A_939 : i32 to index
        %swap3A_941 = arith.index_cast %scan3A_903 : i32 to index
        %swap3A_942 = arith.constant 48 : index
        %swap3A_943 = tpu.vector_load %arg8[%swap3A_940, %swap3A_941, %swap3A_942] {strides = array<i32>} : memref<4x200x64xf32, #tpu.memory_space<vmem>>, vector<1x1x16xf32>,
        %swap3A_944 = vector.shape_cast %swap3A_943 : vector<1x1x16xf32> to vector<16xf32>
        %swap3A_945 = vector.shape_cast %get3A_938 : vector<16xf32> to vector<1x1x16xf32>
        tpu.vector_store %arg8[%swap3A_940, %swap3A_941, %swap3A_942], %swap3A_945 {add = true, strides = array<i32>} : memref<4x200x64xf32, #tpu.memory_space<vmem>>, vector<1x1x16xf32>,
        %scan3A_946 = arith.constant 1 : i32
        %scan3A_947 = arith.addi %scan3A_903, %scan3A_946 : i32
        %get3A_948 = arith.index_cast %scan3A_947 : i32 to index
        %get3A_949 = arith.constant 0 : index
        %get3A_950 = tpu.vector_load %arg7[%get3A_948, %get3A_949] {strides = array<i32>} : memref<200x64xf32, #tpu.memory_space<vmem>>, vector<1x16xf32>,
        %get3A_951 = vector.shape_cast %get3A_950 : vector<1x16xf32> to vector<16xf32>
        %swap3A_952 = arith.constant 1 : i32
        %swap3A_953 = arith.index_cast %swap3A_952 : i32 to index
        %swap3A_954 = arith.index_cast %scan3A_947 : i32 to index
        %swap3A_955 = arith.constant 0 : index
        %swap3A_956 = tpu.vector_load %arg8[%swap3A_953, %swap3A_954, %swap3A_955] {strides = array<i32>} : memref<4x200x64xf32, #tpu.memory_space<vmem>>, vector<1x1x16xf32>,
        %swap3A_957 = vector.shape_cast %swap3A_956 : vector<1x1x16xf32> to vector<16xf32>
        %swap3A_958 = vector.shape_cast %get3A_951 : vector<16xf32> to vector<1x1x16xf32>
        tpu.vector_store %arg8[%swap3A_953, %swap3A_954, %swap3A_955], %swap3A_958 {add = true, strides = array<i32>} : memref<4x200x64xf32, #tpu.memory_space<vmem>>, vector<1x1x16xf32>,
        %get3A_959 = arith.index_cast %scan3A_947 : i32 to index
        %get3A_960 = arith.constant 16 : index
        %get3A_961 = tpu.vector_load %arg7[%get3A_959, %get3A_960] {strides = array<i32>} : memref<200x64xf32, #tpu.memory_space<vmem>>, vector<1x16xf32>,
        %get3A_962 = vector.shape_cast %get3A_961 : vector<1x16xf32> to vector<16xf32>
        %swap3A_963 = arith.constant 1 : i32
        %swap3A_964 = arith.index_cast %swap3A_963 : i32 to index
        %swap3A_965 = arith.index_cast %scan3A_947 : i32 to index
        %swap3A_966 = arith.constant 16 : index
        %swap3A_967 = tpu.vector_load %arg8[%swap3A_964, %swap3A_965, %swap3A_966] {strides = array<i32>} : memref<4x200x64xf32, #tpu.memory_space<vmem>>, vector<1x1x16xf32>,
        %swap3A_968 = vector.shape_cast %swap3A_967 : vector<1x1x16xf32> to vector<16xf32>
        %swap3A_969 = vector.shape_cast %get3A_962 : vector<16xf32> to vector<1x1x16xf32>
        tpu.vector_store %arg8[%swap3A_964, %swap3A_965, %swap3A_966], %swap3A_969 {add = true, strides = array<i32>} : memref<4x200x64xf32, #tpu.memory_space<vmem>>, vector<1x1x16xf32>,
        %get3A_970 = arith.index_cast %scan3A_947 : i32 to index
        %get3A_971 = arith.constant 32 : index
        %get3A_972 = tpu.vector_load %arg7[%get3A_970, %get3A_971] {strides = array<i32>} : memref<200x64xf32, #tpu.memory_space<vmem>>, vector<1x16xf32>,
        %get3A_973 = vector.shape_cast %get3A_972 : vector<1x16xf32> to vector<16xf32>
        %swap3A_974 = arith.constant 1 : i32
        %swap3A_975 = arith.index_cast %swap3A_974 : i32 to index
        %swap3A_976 = arith.index_cast %scan3A_947 : i32 to index
        %swap3A_977 = arith.constant 32 : index
        %swap3A_978 = tpu.vector_load %arg8[%swap3A_975, %swap3A_976, %swap3A_977] {strides = array<i32>} : memref<4x200x64xf32, #tpu.memory_space<vmem>>, vector<1x1x16xf32>,
        %swap3A_979 = vector.shape_cast %swap3A_978 : vector<1x1x16xf32> to vector<16xf32>
        %swap3A_980 = vector.shape_cast %get3A_973 : vector<16xf32> to vector<1x1x16xf32>
        tpu.vector_store %arg8[%swap3A_975, %swap3A_976, %swap3A_977], %swap3A_980 {add = true, strides = array<i32>} : memref<4x200x64xf32, #tpu.memory_space<vmem>>, vector<1x1x16xf32>,
        %get3A_981 = arith.index_cast %scan3A_947 : i32 to index
        %get3A_982 = arith.constant 48 : index
        %get3A_983 = tpu.vector_load %arg7[%get3A_981, %get3A_982] {strides = array<i32>} : memref<200x64xf32, #tpu.memory_space<vmem>>, vector<1x16xf32>,
        %get3A_984 = vector.shape_cast %get3A_983 : vector<1x16xf32> to vector<16xf32>
        %swap3A_985 = arith.constant 1 : i32
        %swap3A_986 = arith.index_cast %swap3A_985 : i32 to index
        %swap3A_987 = arith.index_cast %scan3A_947 : i32 to index
        %swap3A_988 = arith.constant 48 : index
        %swap3A_989 = tpu.vector_load %arg8[%swap3A_986, %swap3A_987, %swap3A_988] {strides = array<i32>} : memref<4x200x64xf32, #tpu.memory_space<vmem>>, vector<1x1x16xf32>,
        %swap3A_990 = vector.shape_cast %swap3A_989 : vector<1x1x16xf32> to vector<16xf32>
        %swap3A_991 = vector.shape_cast %get3A_984 : vector<16xf32> to vector<1x1x16xf32>
        tpu.vector_store %arg8[%swap3A_986, %swap3A_987, %swap3A_988], %swap3A_991 {add = true, strides = array<i32>} : memref<4x200x64xf32, #tpu.memory_space<vmem>>, vector<1x1x16xf32>,
        %scan3A_992 = arith.constant 2 : i32
        %scan3A_993 = arith.addi %scan3A_903, %scan3A_992 : i32
        %get3A_994 = arith.index_cast %scan3A_993 : i32 to index
        %get3A_995 = arith.constant 0 : index
        %get3A_996 = tpu.vector_load %arg7[%get3A_994, %get3A_995] {strides = array<i32>} : memref<200x64xf32, #tpu.memory_space<vmem>>, vector<1x16xf32>,
        %get3A_997 = vector.shape_cast %get3A_996 : vector<1x16xf32> to vector<16xf32>
        %swap3A_998 = arith.constant 1 : i32
        %swap3A_999 = arith.index_cast %swap3A_998 : i32 to index
        %swap3A_1000 = arith.index_cast %scan3A_993 : i32 to index
        %swap3A_1001 = arith.constant 0 : index
        %swap3A_1002 = tpu.vector_load %arg8[%swap3A_999, %swap3A_1000, %swap3A_1001] {strides = array<i32>} : memref<4x200x64xf32, #tpu.memory_space<vmem>>, vector<1x1x16xf32>,
        %swap3A_1003 = vector.shape_cast %swap3A_1002 : vector<1x1x16xf32> to vector<16xf32>
        %swap3A_1004 = vector.shape_cast %get3A_997 : vector<16xf32> to vector<1x1x16xf32>
        tpu.vector_store %arg8[%swap3A_999, %swap3A_1000, %swap3A_1001], %swap3A_1004 {add = true, strides = array<i32>} : memref<4x200x64xf32, #tpu.memory_space<vmem>>, vector<1x1x16xf32>,
        %get3A_1005 = arith.index_cast %scan3A_993 : i32 to index
        %get3A_1006 = arith.constant 16 : index
        %get3A_1007 = tpu.vector_load %arg7[%get3A_1005, %get3A_1006] {strides = array<i32>} : memref<200x64xf32, #tpu.memory_space<vmem>>, vector<1x16xf32>,
        %get3A_1008 = vector.shape_cast %get3A_1007 : vector<1x16xf32> to vector<16xf32>
        %swap3A_1009 = arith.constant 1 : i32
        %swap3A_1010 = arith.index_cast %swap3A_1009 : i32 to index
        %swap3A_1011 = arith.index_cast %scan3A_993 : i32 to index
        %swap3A_1012 = arith.constant 16 : index
        %swap3A_1013 = tpu.vector_load %arg8[%swap3A_1010, %swap3A_1011, %swap3A_1012] {strides = array<i32>} : memref<4x200x64xf32, #tpu.memory_space<vmem>>, vector<1x1x16xf32>,
        %swap3A_1014 = vector.shape_cast %swap3A_1013 : vector<1x1x16xf32> to vector<16xf32>
        %swap3A_1015 = vector.shape_cast %get3A_1008 : vector<16xf32> to vector<1x1x16xf32>
        tpu.vector_store %arg8[%swap3A_1010, %swap3A_1011, %swap3A_1012], %swap3A_1015 {add = true, strides = array<i32>} : memref<4x200x64xf32, #tpu.memory_space<vmem>>, vector<1x1x16xf32>,
        %get3A_1016 = arith.index_cast %scan3A_993 : i32 to index
        %get3A_1017 = arith.constant 32 : index
        %get3A_1018 = tpu.vector_load %arg7[%get3A_1016, %get3A_1017] {strides = array<i32>} : memref<200x64xf32, #tpu.memory_space<vmem>>, vector<1x16xf32>,
        %get3A_1019 = vector.shape_cast %get3A_1018 : vector<1x16xf32> to vector<16xf32>
        %swap3A_1020 = arith.constant 1 : i32
        %swap3A_1021 = arith.index_cast %swap3A_1020 : i32 to index
        %swap3A_1022 = arith.index_cast %scan3A_993 : i32 to index
        %swap3A_1023 = arith.constant 32 : index
        %swap3A_1024 = tpu.vector_load %arg8[%swap3A_1021, %swap3A_1022, %swap3A_1023] {strides = array<i32>} : memref<4x200x64xf32, #tpu.memory_space<vmem>>, vector<1x1x16xf32>,
        %swap3A_1025 = vector.shape_cast %swap3A_1024 : vector<1x1x16xf32> to vector<16xf32>
        %swap3A_1026 = vector.shape_cast %get3A_1019 : vector<16xf32> to vector<1x1x16xf32>
        tpu.vector_store %arg8[%swap3A_1021, %swap3A_1022, %swap3A_1023], %swap3A_1026 {add = true, strides = array<i32>} : memref<4x200x64xf32, #tpu.memory_space<vmem>>, vector<1x1x16xf32>,
        %get3A_1027 = arith.index_cast %scan3A_993 : i32 to index
        %get3A_1028 = arith.constant 48 : index
        %get3A_1029 = tpu.vector_load %arg7[%get3A_1027, %get3A_1028] {strides = array<i32>} : memref<200x64xf32, #tpu.memory_space<vmem>>, vector<1x16xf32>,
        %get3A_1030 = vector.shape_cast %get3A_1029 : vector<1x16xf32> to vector<16xf32>
        %swap3A_1031 = arith.constant 1 : i32
        %swap3A_1032 = arith.index_cast %swap3A_1031 : i32 to index
        %swap3A_1033 = arith.index_cast %scan3A_993 : i32 to index
        %swap3A_1034 = arith.constant 48 : index
        %swap3A_1035 = tpu.vector_load %arg8[%swap3A_1032, %swap3A_1033, %swap3A_1034] {strides = array<i32>} : memref<4x200x64xf32, #tpu.memory_space<vmem>>, vector<1x1x16xf32>,
        %swap3A_1036 = vector.shape_cast %swap3A_1035 : vector<1x1x16xf32> to vector<16xf32>
        %swap3A_1037 = vector.shape_cast %get3A_1030 : vector<16xf32> to vector<1x1x16xf32>
        tpu.vector_store %arg8[%swap3A_1032, %swap3A_1033, %swap3A_1034], %swap3A_1037 {add = true, strides = array<i32>} : memref<4x200x64xf32, #tpu.memory_space<vmem>>, vector<1x1x16xf32>,
        %scan3A_1038 = arith.constant 3 : i32
        %scan3A_1039 = arith.addi %scan3A_903, %scan3A_1038 : i32
        %get3A_1040 = arith.index_cast %scan3A_1039 : i32 to index
        %get3A_1041 = arith.constant 0 : index
        %get3A_1042 = tpu.vector_load %arg7[%get3A_1040, %get3A_1041] {strides = array<i32>} : memref<200x64xf32, #tpu.memory_space<vmem>>, vector<1x16xf32>,
        %get3A_1043 = vector.shape_cast %get3A_1042 : vector<1x16xf32> to vector<16xf32>
        %swap3A_1044 = arith.constant 1 : i32
        %swap3A_1045 = arith.index_cast %swap3A_1044 : i32 to index
        %swap3A_1046 = arith.index_cast %scan3A_1039 : i32 to index
        %swap3A_1047 = arith.constant 0 : index
        %swap3A_1048 = tpu.vector_load %arg8[%swap3A_1045, %swap3A_1046, %swap3A_1047] {strides = array<i32>} : memref<4x200x64xf32, #tpu.memory_space<vmem>>, vector<1x1x16xf32>,
        %swap3A_1049 = vector.shape_cast %swap3A_1048 : vector<1x1x16xf32> to vector<16xf32>
        %swap3A_1050 = vector.shape_cast %get3A_1043 : vector<16xf32> to vector<1x1x16xf32>
        tpu.vector_store %arg8[%swap3A_1045, %swap3A_1046, %swap3A_1047], %swap3A_1050 {add = true, strides = array<i32>} : memref<4x200x64xf32, #tpu.memory_space<vmem>>, vector<1x1x16xf32>,
        %get3A_1051 = arith.index_cast %scan3A_1039 : i32 to index
        %get3A_1052 = arith.constant 16 : index
        %get3A_1053 = tpu.vector_load %arg7[%get3A_1051, %get3A_1052] {strides = array<i32>} : memref<200x64xf32, #tpu.memory_space<vmem>>, vector<1x16xf32>,
        %get3A_1054 = vector.shape_cast %get3A_1053 : vector<1x16xf32> to vector<16xf32>
        %swap3A_1055 = arith.constant 1 : i32
        %swap3A_1056 = arith.index_cast %swap3A_1055 : i32 to index
        %swap3A_1057 = arith.index_cast %scan3A_1039 : i32 to index
        %swap3A_1058 = arith.constant 16 : index
        %swap3A_1059 = tpu.vector_load %arg8[%swap3A_1056, %swap3A_1057, %swap3A_1058] {strides = array<i32>} : memref<4x200x64xf32, #tpu.memory_space<vmem>>, vector<1x1x16xf32>,
        %swap3A_1060 = vector.shape_cast %swap3A_1059 : vector<1x1x16xf32> to vector<16xf32>
        %swap3A_1061 = vector.shape_cast %get3A_1054 : vector<16xf32> to vector<1x1x16xf32>
        tpu.vector_store %arg8[%swap3A_1056, %swap3A_1057, %swap3A_1058], %swap3A_1061 {add = true, strides = array<i32>} : memref<4x200x64xf32, #tpu.memory_space<vmem>>, vector<1x1x16xf32>,
        %get3A_1062 = arith.index_cast %scan3A_1039 : i32 to index
        %get3A_1063 = arith.constant 32 : index
        %get3A_1064 = tpu.vector_load %arg7[%get3A_1062, %get3A_1063] {strides = array<i32>} : memref<200x64xf32, #tpu.memory_space<vmem>>, vector<1x16xf32>,
        %get3A_1065 = vector.shape_cast %get3A_1064 : vector<1x16xf32> to vector<16xf32>
        %swap3A_1066 = arith.constant 1 : i32
        %swap3A_1067 = arith.index_cast %swap3A_1066 : i32 to index
        %swap3A_1068 = arith.index_cast %scan3A_1039 : i32 to index
        %swap3A_1069 = arith.constant 32 : index
        %swap3A_1070 = tpu.vector_load %arg8[%swap3A_1067, %swap3A_1068, %swap3A_1069] {strides = array<i32>} : memref<4x200x64xf32, #tpu.memory_space<vmem>>, vector<1x1x16xf32>,
        %swap3A_1071 = vector.shape_cast %swap3A_1070 : vector<1x1x16xf32> to vector<16xf32>
        %swap3A_1072 = vector.shape_cast %get3A_1065 : vector<16xf32> to vector<1x1x16xf32>
        tpu.vector_store %arg8[%swap3A_1067, %swap3A_1068, %swap3A_1069], %swap3A_1072 {add = true, strides = array<i32>} : memref<4x200x64xf32, #tpu.memory_space<vmem>>, vector<1x1x16xf32>,
        %get3A_1073 = arith.index_cast %scan3A_1039 : i32 to index
        %get3A_1074 = arith.constant 48 : index
        %get3A_1075 = tpu.vector_load %arg7[%get3A_1073, %get3A_1074] {strides = array<i32>} : memref<200x64xf32, #tpu.memory_space<vmem>>, vector<1x16xf32>,
        %get3A_1076 = vector.shape_cast %get3A_1075 : vector<1x16xf32> to vector<16xf32>
        %swap3A_1077 = arith.constant 1 : i32
        %swap3A_1078 = arith.index_cast %swap3A_1077 : i32 to index
        %swap3A_1079 = arith.index_cast %scan3A_1039 : i32 to index
        %swap3A_1080 = arith.constant 48 : index
        %swap3A_1081 = tpu.vector_load %arg8[%swap3A_1078, %swap3A_1079, %swap3A_1080] {strides = array<i32>} : memref<4x200x64xf32, #tpu.memory_space<vmem>>, vector<1x1x16xf32>,
        %swap3A_1082 = vector.shape_cast %swap3A_1081 : vector<1x1x16xf32> to vector<16xf32>
        %swap3A_1083 = vector.shape_cast %get3A_1076 : vector<16xf32> to vector<1x1x16xf32>
        tpu.vector_store %arg8[%swap3A_1078, %swap3A_1079, %swap3A_1080], %swap3A_1083 {add = true, strides = array<i32>} : memref<4x200x64xf32, #tpu.memory_space<vmem>>, vector<1x1x16xf32>,
      }
      %scan3A_736 = arith.constant 200 : i32
      %add3A_737 = arith.addi %mul3A_2, %add3A_702 : i32
      %dma_start3A_738 = arith.constant 1 : i32
      %dma_start3A_739 = arith.constant 1 : i32
      %dma_start3A_740 = arith.constant 0 : i32
      %dma_start3A_741 = arith.constant 0 : i32
      %dma_start3A_742 = tpu.memref_slice %arg8[%dma_start3A_738, %dma_start3A_740, %dma_start3A_741] : memref<4x200x64xf32, #tpu.memory_space<vmem>> -> memref<1x200x64xf32, #tpu.memory_space<vmem>>
      %dma_start3A_743 = tpu.memref_squeeze %dma_start3A_742 : memref<1x200x64xf32, #tpu.memory_space<vmem>> -> memref<200x64xf32, #tpu.memory_space<vmem>>
      %dma_start3A_744 = arith.constant 0 : i32
      %dma_start3A_745 = arith.constant 0 : i32
      %dma_start3A_746 = tpu.memref_slice %arg5[%add3A_737, %dma_start3A_744, %dma_start3A_745] : memref<4096x200x128xf32, #tpu.memory_space<hbm>> -> memref<1x200x64xf32, #tpu.memory_space<hbm>>
      %dma_start3A_747 = tpu.memref_squeeze %dma_start3A_746 : memref<1x200x64xf32, #tpu.memory_space<hbm>> -> memref<200x64xf32, #tpu.memory_space<hbm>>
      %dma_start3A_748 = tpu.memref_slice %arg10[%dma_start3A_739] : memref<4x!tpu.dma_semaphore, #tpu.memory_space<semaphore_mem>> -> memref<1x!tpu.dma_semaphore, #tpu.memory_space<semaphore_mem>>
      %dma_start3A_749 = tpu.memref_squeeze %dma_start3A_748 : memref<1x!tpu.dma_semaphore, #tpu.memory_space<semaphore_mem>> -> memref<!tpu.dma_semaphore, #tpu.memory_space<semaphore_mem>>
      %dma_start3A_750 = arith.constant 0 : i32
      %dma_start3A_751 = arith.constant 0 : i32
      %dma_start3A_752 = tpu.memref_slice %arg5[%add3A_737, %dma_start3A_750, %dma_start3A_751] : memref<4096x200x128xf32, #tpu.memory_space<hbm>> -> memref<1x200x64xf32, #tpu.memory_space<hbm>>
      %dma_start3A_753 = tpu.memref_squeeze %dma_start3A_752 : memref<1x200x64xf32, #tpu.memory_space<hbm>> -> memref<200x64xf32, #tpu.memory_space<hbm>>
      %dma_start3A_754 = arith.constant 0 : i32
      %dma_start3A_755 = arith.constant 0 : i32
      %dma_start3A_756 = tpu.memref_slice %arg8[%dma_start3A_738, %dma_start3A_754, %dma_start3A_755] : memref<4x200x64xf32, #tpu.memory_space<vmem>> -> memref<1x200x64xf32, #tpu.memory_space<vmem>>
      %dma_start3A_757 = tpu.memref_squeeze %dma_start3A_756 : memref<1x200x64xf32, #tpu.memory_space<vmem>> -> memref<200x64xf32, #tpu.memory_space<vmem>>
      tpu.enqueue_dma source(%dma_start3A_757 : memref<200x64xf32, #tpu.memory_space<vmem>>) target(%dma_start3A_753 : memref<200x64xf32, #tpu.memory_space<hbm>>) target_semaphore(%dma_start3A_749 : memref<!tpu.dma_semaphore, #tpu.memory_space<semaphore_mem>>)
      %add3A_758 = arith.constant 4 : i32
      %add3A_759 = arith.addi %add3A_702, %add3A_758 : i32
      %sub3A_760 = arith.constant 1 : i32
      %sub3A_761 = arith.subi %add3A_759, %sub3A_760 : i32
      %lt3A_762 = arith.constant 128 : i32
      %lt3A_763 = arith.cmpi slt, %sub3A_761, %lt3A_762 : i32
      %convert_element_type3A_764 = arith.extui %lt3A_763 : i1 to i32
      %cond3A_765 = arith.constant 0 : i32
      %cond3A_766 = arith.cmpi ne, %convert_element_type3A_764, %cond3A_765 : i32
      scf.if %cond3A_766 {
        %sub3A_903 = arith.constant 1 : i32
        %sub3A_904 = arith.subi %add3A_702, %sub3A_903 : i32
        %add3A_905 = arith.addi %mul3A_2, %sub3A_904 : i32
        %dma_wait3A_906 = arith.constant 0 : i32
        %dma_wait3A_907 = arith.constant 0 : i32
        %dma_wait3A_908 = arith.constant 0 : i32
        %dma_wait3A_909 = arith.constant 0 : i32
        %dma_wait3A_910 = tpu.memref_slice %arg8[%dma_wait3A_906, %dma_wait3A_908, %dma_wait3A_909] : memref<4x200x64xf32, #tpu.memory_space<vmem>> -> memref<1x200x64xf32, #tpu.memory_space<vmem>>
        %dma_wait3A_911 = tpu.memref_squeeze %dma_wait3A_910 : memref<1x200x64xf32, #tpu.memory_space<vmem>> -> memref<200x64xf32, #tpu.memory_space<vmem>>
        %dma_wait3A_912 = arith.constant 0 : i32
        %dma_wait3A_913 = arith.constant 0 : i32
        %dma_wait3A_914 = tpu.memref_slice %arg5[%add3A_905, %dma_wait3A_912, %dma_wait3A_913] : memref<4096x200x128xf32, #tpu.memory_space<hbm>> -> memref<1x200x64xf32, #tpu.memory_space<hbm>>
        %dma_wait3A_915 = tpu.memref_squeeze %dma_wait3A_914 : memref<1x200x64xf32, #tpu.memory_space<hbm>> -> memref<200x64xf32, #tpu.memory_space<hbm>>
        %dma_wait3A_916 = tpu.memref_slice %arg10[%dma_wait3A_907] : memref<4x!tpu.dma_semaphore, #tpu.memory_space<semaphore_mem>> -> memref<1x!tpu.dma_semaphore, #tpu.memory_space<semaphore_mem>>
        %dma_wait3A_917 = tpu.memref_squeeze %dma_wait3A_916 : memref<1x!tpu.dma_semaphore, #tpu.memory_space<semaphore_mem>> -> memref<!tpu.dma_semaphore, #tpu.memory_space<semaphore_mem>>
        %dma_wait3A_918 = arith.constant 0 : i32
        %dma_wait3A_919 = arith.constant 0 : i32
        %dma_wait3A_920 = tpu.memref_slice %arg5[%add3A_905, %dma_wait3A_918, %dma_wait3A_919] : memref<4096x200x128xf32, #tpu.memory_space<hbm>> -> memref<1x200x64xf32, #tpu.memory_space<hbm>>
        %dma_wait3A_921 = tpu.memref_squeeze %dma_wait3A_920 : memref<1x200x64xf32, #tpu.memory_space<hbm>> -> memref<200x64xf32, #tpu.memory_space<hbm>>
        %dma_wait3A_922 = arith.constant 0 : i32
        %dma_wait3A_923 = arith.constant 0 : i32
        %dma_wait3A_924 = tpu.memref_slice %arg8[%dma_wait3A_906, %dma_wait3A_922, %dma_wait3A_923] : memref<4x200x64xf32, #tpu.memory_space<vmem>> -> memref<1x200x64xf32, #tpu.memory_space<vmem>>
        %dma_wait3A_925 = tpu.memref_squeeze %dma_wait3A_924 : memref<1x200x64xf32, #tpu.memory_space<vmem>> -> memref<200x64xf32, #tpu.memory_space<vmem>>
        tpu.wait_dma2 semaphore(%dma_wait3A_917 : memref<!tpu.dma_semaphore, #tpu.memory_space<semaphore_mem>>) src(%dma_wait3A_925 : memref<200x64xf32, #tpu.memory_space<vmem>>) dst(%dma_wait3A_921 : memref<200x64xf32, #tpu.memory_space<hbm>>)
        %add3A_926 = arith.constant 4 : i32
        %add3A_927 = arith.addi %add3A_702, %add3A_926 : i32
        %sub3A_928 = arith.constant 1 : i32
        %sub3A_929 = arith.subi %add3A_927, %sub3A_928 : i32
        %dma_start3A_930 = arith.constant 0 : i32
        %dma_start3A_931 = arith.constant 0 : i32
        %dma_start3A_932 = arith.constant 0 : i32
        %dma_start3A_933 = arith.constant 0 : i32
        %dma_start3A_934 = tpu.memref_slice %arg8[%dma_start3A_930, %dma_start3A_932, %dma_start3A_933] : memref<4x200x64xf32, #tpu.memory_space<vmem>> -> memref<1x104x64xf32, #tpu.memory_space<vmem>>
        %dma_start3A_935 = tpu.memref_squeeze %dma_start3A_934 : memref<1x104x64xf32, #tpu.memory_space<vmem>> -> memref<104x64xf32, #tpu.memory_space<vmem>>
        %dma_start3A_936 = arith.constant 0 : i32
        %dma_start3A_937 = tpu.memref_slice %arg6[%sub3A_929, %dma_start3A_936] : memref<128x200xi32, #tpu.memory_space<vmem>> -> memref<1x104xi32, #tpu.memory_space<vmem>>
        %dma_start3A_938 = tpu.memref_squeeze %dma_start3A_937 : memref<1x104xi32, #tpu.memory_space<vmem>> -> memref<104xi32, #tpu.memory_space<vmem>>
        %dma_start3A_939 = arith.constant 0 : i32
        %dma_start3A_940 = arith.constant 0 : i32
        %dma_start3A_941 = tpu.memref_slice %arg2[%dma_start3A_939, %dma_start3A_940] : memref<1000000x64xf32, #tpu.memory_space<hbm>> -> memref<1000000x64xf32, #tpu.memory_space<hbm>>
        %dma_start3A_942 = tpu.memref_slice %arg9[%dma_start3A_931] : memref<4x!tpu.dma_semaphore, #tpu.memory_space<semaphore_mem>> -> memref<1x!tpu.dma_semaphore, #tpu.memory_space<semaphore_mem>>
        %dma_start3A_943 = tpu.memref_squeeze %dma_start3A_942 : memref<1x!tpu.dma_semaphore, #tpu.memory_space<semaphore_mem>> -> memref<!tpu.dma_semaphore, #tpu.memory_space<semaphore_mem>>
        tpu.enqueue_indirect_dma source(%dma_start3A_941 : memref<1000000x64xf32, #tpu.memory_space<hbm>>) target(%dma_start3A_935 : memref<104x64xf32, #tpu.memory_space<vmem>>) offsets(%dma_start3A_938 : memref<104xi32, #tpu.memory_space<vmem>>) semaphore(%dma_start3A_943 : memref<!tpu.dma_semaphore, #tpu.memory_space<semaphore_mem>>)
        %dma_start3A_944 = arith.constant 0 : i32
        %dma_start3A_945 = arith.constant 0 : i32
        %dma_start3A_946 = arith.constant 104 : i32
        %dma_start3A_947 = arith.constant 0 : i32
        %dma_start3A_948 = tpu.memref_slice %arg8[%dma_start3A_944, %dma_start3A_946, %dma_start3A_947] : memref<4x200x64xf32, #tpu.memory_space<vmem>> -> memref<1x96x64xf32, #tpu.memory_space<vmem>>
        %dma_start3A_949 = tpu.memref_squeeze %dma_start3A_948 : memref<1x96x64xf32, #tpu.memory_space<vmem>> -> memref<96x64xf32, #tpu.memory_space<vmem>>
        %dma_start3A_950 = arith.constant 104 : i32
        %dma_start3A_951 = tpu.memref_slice %arg6[%sub3A_929, %dma_start3A_950] : memref<128x200xi32, #tpu.memory_space<vmem>> -> memref<1x96xi32, #tpu.memory_space<vmem>>
        %dma_start3A_952 = tpu.memref_squeeze %dma_start3A_951 : memref<1x96xi32, #tpu.memory_space<vmem>> -> memref<96xi32, #tpu.memory_space<vmem>>
        %dma_start3A_953 = arith.constant 0 : i32
        %dma_start3A_954 = arith.constant 0 : i32
        %dma_start3A_955 = tpu.memref_slice %arg2[%dma_start3A_953, %dma_start3A_954] : memref<1000000x64xf32, #tpu.memory_space<hbm>> -> memref<1000000x64xf32, #tpu.memory_space<hbm>>
        %dma_start3A_956 = tpu.memref_slice %arg9[%dma_start3A_945] : memref<4x!tpu.dma_semaphore, #tpu.memory_space<semaphore_mem>> -> memref<1x!tpu.dma_semaphore, #tpu.memory_space<semaphore_mem>>
        %dma_start3A_957 = tpu.memref_squeeze %dma_start3A_956 : memref<1x!tpu.dma_semaphore, #tpu.memory_space<semaphore_mem>> -> memref<!tpu.dma_semaphore, #tpu.memory_space<semaphore_mem>>
        tpu.enqueue_indirect_dma source(%dma_start3A_955 : memref<1000000x64xf32, #tpu.memory_space<hbm>>) target(%dma_start3A_949 : memref<96x64xf32, #tpu.memory_space<vmem>>) offsets(%dma_start3A_952 : memref<96xi32, #tpu.memory_space<vmem>>) semaphore(%dma_start3A_957 : memref<!tpu.dma_semaphore, #tpu.memory_space<semaphore_mem>>)
      } else {
      }
      %mul3A_767 = arith.constant 4 : i32
      %mul3A_768 = arith.muli %scan3A_634, %mul3A_767 : i32
      %add3A_769 = arith.constant 2 : i32
      %add3A_770 = arith.addi %mul3A_768, %add3A_769 : i32
      %dma_wait3A_771 = arith.constant 2 : i32
      %dma_wait3A_772 = arith.constant 2 : i32
      %dma_wait3A_773 = arith.constant 0 : i32
      %dma_wait3A_774 = arith.constant 0 : i32
      %dma_wait3A_775 = tpu.memref_slice %arg8[%dma_wait3A_771, %dma_wait3A_773, %dma_wait3A_774] : memref<4x200x64xf32, #tpu.memory_space<vmem>> -> memref<1x104x64xf32, #tpu.memory_space<vmem>>
      %dma_wait3A_776 = tpu.memref_squeeze %dma_wait3A_775 : memref<1x104x64xf32, #tpu.memory_space<vmem>> -> memref<104x64xf32, #tpu.memory_space<vmem>>
      %dma_wait3A_777 = arith.constant 0 : i32
      %dma_wait3A_778 = tpu.memref_slice %arg6[%add3A_770, %dma_wait3A_777] : memref<128x200xi32, #tpu.memory_space<vmem>> -> memref<1x104xi32, #tpu.memory_space<vmem>>
      %dma_wait3A_779 = tpu.memref_squeeze %dma_wait3A_778 : memref<1x104xi32, #tpu.memory_space<vmem>> -> memref<104xi32, #tpu.memory_space<vmem>>
      %dma_wait3A_780 = arith.constant 0 : i32
      %dma_wait3A_781 = arith.constant 0 : i32
      %dma_wait3A_782 = tpu.memref_slice %arg2[%dma_wait3A_780, %dma_wait3A_781] : memref<1000000x64xf32, #tpu.memory_space<hbm>> -> memref<1000000x64xf32, #tpu.memory_space<hbm>>
      %dma_wait3A_783 = tpu.memref_slice %arg9[%dma_wait3A_772] : memref<4x!tpu.dma_semaphore, #tpu.memory_space<semaphore_mem>> -> memref<1x!tpu.dma_semaphore, #tpu.memory_space<semaphore_mem>>
      %dma_wait3A_784 = tpu.memref_squeeze %dma_wait3A_783 : memref<1x!tpu.dma_semaphore, #tpu.memory_space<semaphore_mem>> -> memref<!tpu.dma_semaphore, #tpu.memory_space<semaphore_mem>>
      tpu.wait_indirect_dma semaphore(%dma_wait3A_784 : memref<!tpu.dma_semaphore, #tpu.memory_space<semaphore_mem>>) src(%dma_wait3A_782 : memref<1000000x64xf32, #tpu.memory_space<hbm>>) dst(%dma_wait3A_776 : memref<104x64xf32, #tpu.memory_space<vmem>>)
      %dma_wait3A_785 = arith.constant 2 : i32
      %dma_wait3A_786 = arith.constant 2 : i32
      %dma_wait3A_787 = arith.constant 104 : i32
      %dma_wait3A_788 = arith.constant 0 : i32
      %dma_wait3A_789 = tpu.memref_slice %arg8[%dma_wait3A_785, %dma_wait3A_787, %dma_wait3A_788] : memref<4x200x64xf32, #tpu.memory_space<vmem>> -> memref<1x96x64xf32, #tpu.memory_space<vmem>>
      %dma_wait3A_790 = tpu.memref_squeeze %dma_wait3A_789 : memref<1x96x64xf32, #tpu.memory_space<vmem>> -> memref<96x64xf32, #tpu.memory_space<vmem>>
      %dma_wait3A_791 = arith.constant 104 : i32
      %dma_wait3A_792 = tpu.memref_slice %arg6[%add3A_770, %dma_wait3A_791] : memref<128x200xi32, #tpu.memory_space<vmem>> -> memref<1x96xi32, #tpu.memory_space<vmem>>
      %dma_wait3A_793 = tpu.memref_squeeze %dma_wait3A_792 : memref<1x96xi32, #tpu.memory_space<vmem>> -> memref<96xi32, #tpu.memory_space<vmem>>
      %dma_wait3A_794 = arith.constant 0 : i32
      %dma_wait3A_795 = arith.constant 0 : i32
      %dma_wait3A_796 = tpu.memref_slice %arg2[%dma_wait3A_794, %dma_wait3A_795] : memref<1000000x64xf32, #tpu.memory_space<hbm>> -> memref<1000000x64xf32, #tpu.memory_space<hbm>>
      %dma_wait3A_797 = tpu.memref_slice %arg9[%dma_wait3A_786] : memref<4x!tpu.dma_semaphore, #tpu.memory_space<semaphore_mem>> -> memref<1x!tpu.dma_semaphore, #tpu.memory_space<semaphore_mem>>
      %dma_wait3A_798 = tpu.memref_squeeze %dma_wait3A_797 : memref<1x!tpu.dma_semaphore, #tpu.memory_space<semaphore_mem>> -> memref<!tpu.dma_semaphore, #tpu.memory_space<semaphore_mem>>
      tpu.wait_indirect_dma semaphore(%dma_wait3A_798 : memref<!tpu.dma_semaphore, #tpu.memory_space<semaphore_mem>>) src(%dma_wait3A_796 : memref<1000000x64xf32, #tpu.memory_space<hbm>>) dst(%dma_wait3A_790 : memref<96x64xf32, #tpu.memory_space<vmem>>)
      %scan3A_799 = arith.constant 0 : i32
      %scan3A_800 = arith.constant 0 : i32
      %scan3A_801 = arith.constant 200 : i32
      %scan3A_802 = arith.addi %scan3A_800, %scan3A_801 : i32
      %scan3A_803 = arith.constant 4 : i32
      scf.for %scan3A_903 = %scan3A_800 to %scan3A_802 step %scan3A_803  : i32 {
        %get3A = arith.index_cast %scan3A_903 : i32 to index
        %get3A_904 = arith.constant 0 : index
        %get3A_905 = tpu.vector_load %arg7[%get3A, %get3A_904] {strides = array<i32>} : memref<200x64xf32, #tpu.memory_space<vmem>>, vector<1x16xf32>,
        %get3A_906 = vector.shape_cast %get3A_905 : vector<1x16xf32> to vector<16xf32>
        %swap3A = arith.constant 2 : i32
        %swap3A_907 = arith.index_cast %swap3A : i32 to index
        %swap3A_908 = arith.index_cast %scan3A_903 : i32 to index
        %swap3A_909 = arith.constant 0 : index
        %swap3A_910 = tpu.vector_load %arg8[%swap3A_907, %swap3A_908, %swap3A_909] {strides = array<i32>} : memref<4x200x64xf32, #tpu.memory_space<vmem>>, vector<1x1x16xf32>,
        %swap3A_911 = vector.shape_cast %swap3A_910 : vector<1x1x16xf32> to vector<16xf32>
        %swap3A_912 = vector.shape_cast %get3A_906 : vector<16xf32> to vector<1x1x16xf32>
        tpu.vector_store %arg8[%swap3A_907, %swap3A_908, %swap3A_909], %swap3A_912 {add = true, strides = array<i32>} : memref<4x200x64xf32, #tpu.memory_space<vmem>>, vector<1x1x16xf32>,
        %get3A_913 = arith.index_cast %scan3A_903 : i32 to index
        %get3A_914 = arith.constant 16 : index
        %get3A_915 = tpu.vector_load %arg7[%get3A_913, %get3A_914] {strides = array<i32>} : memref<200x64xf32, #tpu.memory_space<vmem>>, vector<1x16xf32>,
        %get3A_916 = vector.shape_cast %get3A_915 : vector<1x16xf32> to vector<16xf32>
        %swap3A_917 = arith.constant 2 : i32
        %swap3A_918 = arith.index_cast %swap3A_917 : i32 to index
        %swap3A_919 = arith.index_cast %scan3A_903 : i32 to index
        %swap3A_920 = arith.constant 16 : index
        %swap3A_921 = tpu.vector_load %arg8[%swap3A_918, %swap3A_919, %swap3A_920] {strides = array<i32>} : memref<4x200x64xf32, #tpu.memory_space<vmem>>, vector<1x1x16xf32>,
        %swap3A_922 = vector.shape_cast %swap3A_921 : vector<1x1x16xf32> to vector<16xf32>
        %swap3A_923 = vector.shape_cast %get3A_916 : vector<16xf32> to vector<1x1x16xf32>
        tpu.vector_store %arg8[%swap3A_918, %swap3A_919, %swap3A_920], %swap3A_923 {add = true, strides = array<i32>} : memref<4x200x64xf32, #tpu.memory_space<vmem>>, vector<1x1x16xf32>,
        %get3A_924 = arith.index_cast %scan3A_903 : i32 to index
        %get3A_925 = arith.constant 32 : index
        %get3A_926 = tpu.vector_load %arg7[%get3A_924, %get3A_925] {strides = array<i32>} : memref<200x64xf32, #tpu.memory_space<vmem>>, vector<1x16xf32>,
        %get3A_927 = vector.shape_cast %get3A_926 : vector<1x16xf32> to vector<16xf32>
        %swap3A_928 = arith.constant 2 : i32
        %swap3A_929 = arith.index_cast %swap3A_928 : i32 to index
        %swap3A_930 = arith.index_cast %scan3A_903 : i32 to index
        %swap3A_931 = arith.constant 32 : index
        %swap3A_932 = tpu.vector_load %arg8[%swap3A_929, %swap3A_930, %swap3A_931] {strides = array<i32>} : memref<4x200x64xf32, #tpu.memory_space<vmem>>, vector<1x1x16xf32>,
        %swap3A_933 = vector.shape_cast %swap3A_932 : vector<1x1x16xf32> to vector<16xf32>
        %swap3A_934 = vector.shape_cast %get3A_927 : vector<16xf32> to vector<1x1x16xf32>
        tpu.vector_store %arg8[%swap3A_929, %swap3A_930, %swap3A_931], %swap3A_934 {add = true, strides = array<i32>} : memref<4x200x64xf32, #tpu.memory_space<vmem>>, vector<1x1x16xf32>,
        %get3A_935 = arith.index_cast %scan3A_903 : i32 to index
        %get3A_936 = arith.constant 48 : index
        %get3A_937 = tpu.vector_load %arg7[%get3A_935, %get3A_936] {strides = array<i32>} : memref<200x64xf32, #tpu.memory_space<vmem>>, vector<1x16xf32>,
        %get3A_938 = vector.shape_cast %get3A_937 : vector<1x16xf32> to vector<16xf32>
        %swap3A_939 = arith.constant 2 : i32
        %swap3A_940 = arith.index_cast %swap3A_939 : i32 to index
        %swap3A_941 = arith.index_cast %scan3A_903 : i32 to index
        %swap3A_942 = arith.constant 48 : index
        %swap3A_943 = tpu.vector_load %arg8[%swap3A_940, %swap3A_941, %swap3A_942] {strides = array<i32>} : memref<4x200x64xf32, #tpu.memory_space<vmem>>, vector<1x1x16xf32>,
        %swap3A_944 = vector.shape_cast %swap3A_943 : vector<1x1x16xf32> to vector<16xf32>
        %swap3A_945 = vector.shape_cast %get3A_938 : vector<16xf32> to vector<1x1x16xf32>
        tpu.vector_store %arg8[%swap3A_940, %swap3A_941, %swap3A_942], %swap3A_945 {add = true, strides = array<i32>} : memref<4x200x64xf32, #tpu.memory_space<vmem>>, vector<1x1x16xf32>,
        %scan3A_946 = arith.constant 1 : i32
        %scan3A_947 = arith.addi %scan3A_903, %scan3A_946 : i32
        %get3A_948 = arith.index_cast %scan3A_947 : i32 to index
        %get3A_949 = arith.constant 0 : index
        %get3A_950 = tpu.vector_load %arg7[%get3A_948, %get3A_949] {strides = array<i32>} : memref<200x64xf32, #tpu.memory_space<vmem>>, vector<1x16xf32>,
        %get3A_951 = vector.shape_cast %get3A_950 : vector<1x16xf32> to vector<16xf32>
        %swap3A_952 = arith.constant 2 : i32
        %swap3A_953 = arith.index_cast %swap3A_952 : i32 to index
        %swap3A_954 = arith.index_cast %scan3A_947 : i32 to index
        %swap3A_955 = arith.constant 0 : index
        %swap3A_956 = tpu.vector_load %arg8[%swap3A_953, %swap3A_954, %swap3A_955] {strides = array<i32>} : memref<4x200x64xf32, #tpu.memory_space<vmem>>, vector<1x1x16xf32>,
        %swap3A_957 = vector.shape_cast %swap3A_956 : vector<1x1x16xf32> to vector<16xf32>
        %swap3A_958 = vector.shape_cast %get3A_951 : vector<16xf32> to vector<1x1x16xf32>
        tpu.vector_store %arg8[%swap3A_953, %swap3A_954, %swap3A_955], %swap3A_958 {add = true, strides = array<i32>} : memref<4x200x64xf32, #tpu.memory_space<vmem>>, vector<1x1x16xf32>,
        %get3A_959 = arith.index_cast %scan3A_947 : i32 to index
        %get3A_960 = arith.constant 16 : index
        %get3A_961 = tpu.vector_load %arg7[%get3A_959, %get3A_960] {strides = array<i32>} : memref<200x64xf32, #tpu.memory_space<vmem>>, vector<1x16xf32>,
        %get3A_962 = vector.shape_cast %get3A_961 : vector<1x16xf32> to vector<16xf32>
        %swap3A_963 = arith.constant 2 : i32
        %swap3A_964 = arith.index_cast %swap3A_963 : i32 to index
        %swap3A_965 = arith.index_cast %scan3A_947 : i32 to index
        %swap3A_966 = arith.constant 16 : index
        %swap3A_967 = tpu.vector_load %arg8[%swap3A_964, %swap3A_965, %swap3A_966] {strides = array<i32>} : memref<4x200x64xf32, #tpu.memory_space<vmem>>, vector<1x1x16xf32>,
        %swap3A_968 = vector.shape_cast %swap3A_967 : vector<1x1x16xf32> to vector<16xf32>
        %swap3A_969 = vector.shape_cast %get3A_962 : vector<16xf32> to vector<1x1x16xf32>
        tpu.vector_store %arg8[%swap3A_964, %swap3A_965, %swap3A_966], %swap3A_969 {add = true, strides = array<i32>} : memref<4x200x64xf32, #tpu.memory_space<vmem>>, vector<1x1x16xf32>,
        %get3A_970 = arith.index_cast %scan3A_947 : i32 to index
        %get3A_971 = arith.constant 32 : index
        %get3A_972 = tpu.vector_load %arg7[%get3A_970, %get3A_971] {strides = array<i32>} : memref<200x64xf32, #tpu.memory_space<vmem>>, vector<1x16xf32>,
        %get3A_973 = vector.shape_cast %get3A_972 : vector<1x16xf32> to vector<16xf32>
        %swap3A_974 = arith.constant 2 : i32
        %swap3A_975 = arith.index_cast %swap3A_974 : i32 to index
        %swap3A_976 = arith.index_cast %scan3A_947 : i32 to index
        %swap3A_977 = arith.constant 32 : index
        %swap3A_978 = tpu.vector_load %arg8[%swap3A_975, %swap3A_976, %swap3A_977] {strides = array<i32>} : memref<4x200x64xf32, #tpu.memory_space<vmem>>, vector<1x1x16xf32>,
        %swap3A_979 = vector.shape_cast %swap3A_978 : vector<1x1x16xf32> to vector<16xf32>
        %swap3A_980 = vector.shape_cast %get3A_973 : vector<16xf32> to vector<1x1x16xf32>
        tpu.vector_store %arg8[%swap3A_975, %swap3A_976, %swap3A_977], %swap3A_980 {add = true, strides = array<i32>} : memref<4x200x64xf32, #tpu.memory_space<vmem>>, vector<1x1x16xf32>,
        %get3A_981 = arith.index_cast %scan3A_947 : i32 to index
        %get3A_982 = arith.constant 48 : index
        %get3A_983 = tpu.vector_load %arg7[%get3A_981, %get3A_982] {strides = array<i32>} : memref<200x64xf32, #tpu.memory_space<vmem>>, vector<1x16xf32>,
        %get3A_984 = vector.shape_cast %get3A_983 : vector<1x16xf32> to vector<16xf32>
        %swap3A_985 = arith.constant 2 : i32
        %swap3A_986 = arith.index_cast %swap3A_985 : i32 to index
        %swap3A_987 = arith.index_cast %scan3A_947 : i32 to index
        %swap3A_988 = arith.constant 48 : index
        %swap3A_989 = tpu.vector_load %arg8[%swap3A_986, %swap3A_987, %swap3A_988] {strides = array<i32>} : memref<4x200x64xf32, #tpu.memory_space<vmem>>, vector<1x1x16xf32>,
        %swap3A_990 = vector.shape_cast %swap3A_989 : vector<1x1x16xf32> to vector<16xf32>
        %swap3A_991 = vector.shape_cast %get3A_984 : vector<16xf32> to vector<1x1x16xf32>
        tpu.vector_store %arg8[%swap3A_986, %swap3A_987, %swap3A_988], %swap3A_991 {add = true, strides = array<i32>} : memref<4x200x64xf32, #tpu.memory_space<vmem>>, vector<1x1x16xf32>,
        %scan3A_992 = arith.constant 2 : i32
        %scan3A_993 = arith.addi %scan3A_903, %scan3A_992 : i32
        %get3A_994 = arith.index_cast %scan3A_993 : i32 to index
        %get3A_995 = arith.constant 0 : index
        %get3A_996 = tpu.vector_load %arg7[%get3A_994, %get3A_995] {strides = array<i32>} : memref<200x64xf32, #tpu.memory_space<vmem>>, vector<1x16xf32>,
        %get3A_997 = vector.shape_cast %get3A_996 : vector<1x16xf32> to vector<16xf32>
        %swap3A_998 = arith.constant 2 : i32
        %swap3A_999 = arith.index_cast %swap3A_998 : i32 to index
        %swap3A_1000 = arith.index_cast %scan3A_993 : i32 to index
        %swap3A_1001 = arith.constant 0 : index
        %swap3A_1002 = tpu.vector_load %arg8[%swap3A_999, %swap3A_1000, %swap3A_1001] {strides = array<i32>} : memref<4x200x64xf32, #tpu.memory_space<vmem>>, vector<1x1x16xf32>,
        %swap3A_1003 = vector.shape_cast %swap3A_1002 : vector<1x1x16xf32> to vector<16xf32>
        %swap3A_1004 = vector.shape_cast %get3A_997 : vector<16xf32> to vector<1x1x16xf32>
        tpu.vector_store %arg8[%swap3A_999, %swap3A_1000, %swap3A_1001], %swap3A_1004 {add = true, strides = array<i32>} : memref<4x200x64xf32, #tpu.memory_space<vmem>>, vector<1x1x16xf32>,
        %get3A_1005 = arith.index_cast %scan3A_993 : i32 to index
        %get3A_1006 = arith.constant 16 : index
        %get3A_1007 = tpu.vector_load %arg7[%get3A_1005, %get3A_1006] {strides = array<i32>} : memref<200x64xf32, #tpu.memory_space<vmem>>, vector<1x16xf32>,
        %get3A_1008 = vector.shape_cast %get3A_1007 : vector<1x16xf32> to vector<16xf32>
        %swap3A_1009 = arith.constant 2 : i32
        %swap3A_1010 = arith.index_cast %swap3A_1009 : i32 to index
        %swap3A_1011 = arith.index_cast %scan3A_993 : i32 to index
        %swap3A_1012 = arith.constant 16 : index
        %swap3A_1013 = tpu.vector_load %arg8[%swap3A_1010, %swap3A_1011, %swap3A_1012] {strides = array<i32>} : memref<4x200x64xf32, #tpu.memory_space<vmem>>, vector<1x1x16xf32>,
        %swap3A_1014 = vector.shape_cast %swap3A_1013 : vector<1x1x16xf32> to vector<16xf32>
        %swap3A_1015 = vector.shape_cast %get3A_1008 : vector<16xf32> to vector<1x1x16xf32>
        tpu.vector_store %arg8[%swap3A_1010, %swap3A_1011, %swap3A_1012], %swap3A_1015 {add = true, strides = array<i32>} : memref<4x200x64xf32, #tpu.memory_space<vmem>>, vector<1x1x16xf32>,
        %get3A_1016 = arith.index_cast %scan3A_993 : i32 to index
        %get3A_1017 = arith.constant 32 : index
        %get3A_1018 = tpu.vector_load %arg7[%get3A_1016, %get3A_1017] {strides = array<i32>} : memref<200x64xf32, #tpu.memory_space<vmem>>, vector<1x16xf32>,
        %get3A_1019 = vector.shape_cast %get3A_1018 : vector<1x16xf32> to vector<16xf32>
        %swap3A_1020 = arith.constant 2 : i32
        %swap3A_1021 = arith.index_cast %swap3A_1020 : i32 to index
        %swap3A_1022 = arith.index_cast %scan3A_993 : i32 to index
        %swap3A_1023 = arith.constant 32 : index
        %swap3A_1024 = tpu.vector_load %arg8[%swap3A_1021, %swap3A_1022, %swap3A_1023] {strides = array<i32>} : memref<4x200x64xf32, #tpu.memory_space<vmem>>, vector<1x1x16xf32>,
        %swap3A_1025 = vector.shape_cast %swap3A_1024 : vector<1x1x16xf32> to vector<16xf32>
        %swap3A_1026 = vector.shape_cast %get3A_1019 : vector<16xf32> to vector<1x1x16xf32>
        tpu.vector_store %arg8[%swap3A_1021, %swap3A_1022, %swap3A_1023], %swap3A_1026 {add = true, strides = array<i32>} : memref<4x200x64xf32, #tpu.memory_space<vmem>>, vector<1x1x16xf32>,
        %get3A_1027 = arith.index_cast %scan3A_993 : i32 to index
        %get3A_1028 = arith.constant 48 : index
        %get3A_1029 = tpu.vector_load %arg7[%get3A_1027, %get3A_1028] {strides = array<i32>} : memref<200x64xf32, #tpu.memory_space<vmem>>, vector<1x16xf32>,
        %get3A_1030 = vector.shape_cast %get3A_1029 : vector<1x16xf32> to vector<16xf32>
        %swap3A_1031 = arith.constant 2 : i32
        %swap3A_1032 = arith.index_cast %swap3A_1031 : i32 to index
        %swap3A_1033 = arith.index_cast %scan3A_993 : i32 to index
        %swap3A_1034 = arith.constant 48 : index
        %swap3A_1035 = tpu.vector_load %arg8[%swap3A_1032, %swap3A_1033, %swap3A_1034] {strides = array<i32>} : memref<4x200x64xf32, #tpu.memory_space<vmem>>, vector<1x1x16xf32>,
        %swap3A_1036 = vector.shape_cast %swap3A_1035 : vector<1x1x16xf32> to vector<16xf32>
        %swap3A_1037 = vector.shape_cast %get3A_1030 : vector<16xf32> to vector<1x1x16xf32>
        tpu.vector_store %arg8[%swap3A_1032, %swap3A_1033, %swap3A_1034], %swap3A_1037 {add = true, strides = array<i32>} : memref<4x200x64xf32, #tpu.memory_space<vmem>>, vector<1x1x16xf32>,
        %scan3A_1038 = arith.constant 3 : i32
        %scan3A_1039 = arith.addi %scan3A_903, %scan3A_1038 : i32
        %get3A_1040 = arith.index_cast %scan3A_1039 : i32 to index
        %get3A_1041 = arith.constant 0 : index
        %get3A_1042 = tpu.vector_load %arg7[%get3A_1040, %get3A_1041] {strides = array<i32>} : memref<200x64xf32, #tpu.memory_space<vmem>>, vector<1x16xf32>,
        %get3A_1043 = vector.shape_cast %get3A_1042 : vector<1x16xf32> to vector<16xf32>
        %swap3A_1044 = arith.constant 2 : i32
        %swap3A_1045 = arith.index_cast %swap3A_1044 : i32 to index
        %swap3A_1046 = arith.index_cast %scan3A_1039 : i32 to index
        %swap3A_1047 = arith.constant 0 : index
        %swap3A_1048 = tpu.vector_load %arg8[%swap3A_1045, %swap3A_1046, %swap3A_1047] {strides = array<i32>} : memref<4x200x64xf32, #tpu.memory_space<vmem>>, vector<1x1x16xf32>,
        %swap3A_1049 = vector.shape_cast %swap3A_1048 : vector<1x1x16xf32> to vector<16xf32>
        %swap3A_1050 = vector.shape_cast %get3A_1043 : vector<16xf32> to vector<1x1x16xf32>
        tpu.vector_store %arg8[%swap3A_1045, %swap3A_1046, %swap3A_1047], %swap3A_1050 {add = true, strides = array<i32>} : memref<4x200x64xf32, #tpu.memory_space<vmem>>, vector<1x1x16xf32>,
        %get3A_1051 = arith.index_cast %scan3A_1039 : i32 to index
        %get3A_1052 = arith.constant 16 : index
        %get3A_1053 = tpu.vector_load %arg7[%get3A_1051, %get3A_1052] {strides = array<i32>} : memref<200x64xf32, #tpu.memory_space<vmem>>, vector<1x16xf32>,
        %get3A_1054 = vector.shape_cast %get3A_1053 : vector<1x16xf32> to vector<16xf32>
        %swap3A_1055 = arith.constant 2 : i32
        %swap3A_1056 = arith.index_cast %swap3A_1055 : i32 to index
        %swap3A_1057 = arith.index_cast %scan3A_1039 : i32 to index
        %swap3A_1058 = arith.constant 16 : index
        %swap3A_1059 = tpu.vector_load %arg8[%swap3A_1056, %swap3A_1057, %swap3A_1058] {strides = array<i32>} : memref<4x200x64xf32, #tpu.memory_space<vmem>>, vector<1x1x16xf32>,
        %swap3A_1060 = vector.shape_cast %swap3A_1059 : vector<1x1x16xf32> to vector<16xf32>
        %swap3A_1061 = vector.shape_cast %get3A_1054 : vector<16xf32> to vector<1x1x16xf32>
        tpu.vector_store %arg8[%swap3A_1056, %swap3A_1057, %swap3A_1058], %swap3A_1061 {add = true, strides = array<i32>} : memref<4x200x64xf32, #tpu.memory_space<vmem>>, vector<1x1x16xf32>,
        %get3A_1062 = arith.index_cast %scan3A_1039 : i32 to index
        %get3A_1063 = arith.constant 32 : index
        %get3A_1064 = tpu.vector_load %arg7[%get3A_1062, %get3A_1063] {strides = array<i32>} : memref<200x64xf32, #tpu.memory_space<vmem>>, vector<1x16xf32>,
        %get3A_1065 = vector.shape_cast %get3A_1064 : vector<1x16xf32> to vector<16xf32>
        %swap3A_1066 = arith.constant 2 : i32
        %swap3A_1067 = arith.index_cast %swap3A_1066 : i32 to index
        %swap3A_1068 = arith.index_cast %scan3A_1039 : i32 to index
        %swap3A_1069 = arith.constant 32 : index
        %swap3A_1070 = tpu.vector_load %arg8[%swap3A_1067, %swap3A_1068, %swap3A_1069] {strides = array<i32>} : memref<4x200x64xf32, #tpu.memory_space<vmem>>, vector<1x1x16xf32>,
        %swap3A_1071 = vector.shape_cast %swap3A_1070 : vector<1x1x16xf32> to vector<16xf32>
        %swap3A_1072 = vector.shape_cast %get3A_1065 : vector<16xf32> to vector<1x1x16xf32>
        tpu.vector_store %arg8[%swap3A_1067, %swap3A_1068, %swap3A_1069], %swap3A_1072 {add = true, strides = array<i32>} : memref<4x200x64xf32, #tpu.memory_space<vmem>>, vector<1x1x16xf32>,
        %get3A_1073 = arith.index_cast %scan3A_1039 : i32 to index
        %get3A_1074 = arith.constant 48 : index
        %get3A_1075 = tpu.vector_load %arg7[%get3A_1073, %get3A_1074] {strides = array<i32>} : memref<200x64xf32, #tpu.memory_space<vmem>>, vector<1x16xf32>,
        %get3A_1076 = vector.shape_cast %get3A_1075 : vector<1x16xf32> to vector<16xf32>
        %swap3A_1077 = arith.constant 2 : i32
        %swap3A_1078 = arith.index_cast %swap3A_1077 : i32 to index
        %swap3A_1079 = arith.index_cast %scan3A_1039 : i32 to index
        %swap3A_1080 = arith.constant 48 : index
        %swap3A_1081 = tpu.vector_load %arg8[%swap3A_1078, %swap3A_1079, %swap3A_1080] {strides = array<i32>} : memref<4x200x64xf32, #tpu.memory_space<vmem>>, vector<1x1x16xf32>,
        %swap3A_1082 = vector.shape_cast %swap3A_1081 : vector<1x1x16xf32> to vector<16xf32>
        %swap3A_1083 = vector.shape_cast %get3A_1076 : vector<16xf32> to vector<1x1x16xf32>
        tpu.vector_store %arg8[%swap3A_1078, %swap3A_1079, %swap3A_1080], %swap3A_1083 {add = true, strides = array<i32>} : memref<4x200x64xf32, #tpu.memory_space<vmem>>, vector<1x1x16xf32>,
      }
      %scan3A_804 = arith.constant 200 : i32
      %add3A_805 = arith.addi %mul3A_2, %add3A_770 : i32
      %dma_start3A_806 = arith.constant 2 : i32
      %dma_start3A_807 = arith.constant 2 : i32
      %dma_start3A_808 = arith.constant 0 : i32
      %dma_start3A_809 = arith.constant 0 : i32
      %dma_start3A_810 = tpu.memref_slice %arg8[%dma_start3A_806, %dma_start3A_808, %dma_start3A_809] : memref<4x200x64xf32, #tpu.memory_space<vmem>> -> memref<1x200x64xf32, #tpu.memory_space<vmem>>
      %dma_start3A_811 = tpu.memref_squeeze %dma_start3A_810 : memref<1x200x64xf32, #tpu.memory_space<vmem>> -> memref<200x64xf32, #tpu.memory_space<vmem>>
      %dma_start3A_812 = arith.constant 0 : i32
      %dma_start3A_813 = arith.constant 0 : i32
      %dma_start3A_814 = tpu.memref_slice %arg5[%add3A_805, %dma_start3A_812, %dma_start3A_813] : memref<4096x200x128xf32, #tpu.memory_space<hbm>> -> memref<1x200x64xf32, #tpu.memory_space<hbm>>
      %dma_start3A_815 = tpu.memref_squeeze %dma_start3A_814 : memref<1x200x64xf32, #tpu.memory_space<hbm>> -> memref<200x64xf32, #tpu.memory_space<hbm>>
      %dma_start3A_816 = tpu.memref_slice %arg10[%dma_start3A_807] : memref<4x!tpu.dma_semaphore, #tpu.memory_space<semaphore_mem>> -> memref<1x!tpu.dma_semaphore, #tpu.memory_space<semaphore_mem>>
      %dma_start3A_817 = tpu.memref_squeeze %dma_start3A_816 : memref<1x!tpu.dma_semaphore, #tpu.memory_space<semaphore_mem>> -> memref<!tpu.dma_semaphore, #tpu.memory_space<semaphore_mem>>
      %dma_start3A_818 = arith.constant 0 : i32
      %dma_start3A_819 = arith.constant 0 : i32
      %dma_start3A_820 = tpu.memref_slice %arg5[%add3A_805, %dma_start3A_818, %dma_start3A_819] : memref<4096x200x128xf32, #tpu.memory_space<hbm>> -> memref<1x200x64xf32, #tpu.memory_space<hbm>>
      %dma_start3A_821 = tpu.memref_squeeze %dma_start3A_820 : memref<1x200x64xf32, #tpu.memory_space<hbm>> -> memref<200x64xf32, #tpu.memory_space<hbm>>
      %dma_start3A_822 = arith.constant 0 : i32
      %dma_start3A_823 = arith.constant 0 : i32
      %dma_start3A_824 = tpu.memref_slice %arg8[%dma_start3A_806, %dma_start3A_822, %dma_start3A_823] : memref<4x200x64xf32, #tpu.memory_space<vmem>> -> memref<1x200x64xf32, #tpu.memory_space<vmem>>
      %dma_start3A_825 = tpu.memref_squeeze %dma_start3A_824 : memref<1x200x64xf32, #tpu.memory_space<vmem>> -> memref<200x64xf32, #tpu.memory_space<vmem>>
      tpu.enqueue_dma source(%dma_start3A_825 : memref<200x64xf32, #tpu.memory_space<vmem>>) target(%dma_start3A_821 : memref<200x64xf32, #tpu.memory_space<hbm>>) target_semaphore(%dma_start3A_817 : memref<!tpu.dma_semaphore, #tpu.memory_space<semaphore_mem>>)
      %add3A_826 = arith.constant 4 : i32
      %add3A_827 = arith.addi %add3A_770, %add3A_826 : i32
      %sub3A_828 = arith.constant 1 : i32
      %sub3A_829 = arith.subi %add3A_827, %sub3A_828 : i32
      %lt3A_830 = arith.constant 128 : i32
      %lt3A_831 = arith.cmpi slt, %sub3A_829, %lt3A_830 : i32
      %convert_element_type3A_832 = arith.extui %lt3A_831 : i1 to i32
      %cond3A_833 = arith.constant 0 : i32
      %cond3A_834 = arith.cmpi ne, %convert_element_type3A_832, %cond3A_833 : i32
      scf.if %cond3A_834 {
        %sub3A_903 = arith.constant 1 : i32
        %sub3A_904 = arith.subi %add3A_770, %sub3A_903 : i32
        %add3A_905 = arith.addi %mul3A_2, %sub3A_904 : i32
        %dma_wait3A_906 = arith.constant 1 : i32
        %dma_wait3A_907 = arith.constant 1 : i32
        %dma_wait3A_908 = arith.constant 0 : i32
        %dma_wait3A_909 = arith.constant 0 : i32
        %dma_wait3A_910 = tpu.memref_slice %arg8[%dma_wait3A_906, %dma_wait3A_908, %dma_wait3A_909] : memref<4x200x64xf32, #tpu.memory_space<vmem>> -> memref<1x200x64xf32, #tpu.memory_space<vmem>>
        %dma_wait3A_911 = tpu.memref_squeeze %dma_wait3A_910 : memref<1x200x64xf32, #tpu.memory_space<vmem>> -> memref<200x64xf32, #tpu.memory_space<vmem>>
        %dma_wait3A_912 = arith.constant 0 : i32
        %dma_wait3A_913 = arith.constant 0 : i32
        %dma_wait3A_914 = tpu.memref_slice %arg5[%add3A_905, %dma_wait3A_912, %dma_wait3A_913] : memref<4096x200x128xf32, #tpu.memory_space<hbm>> -> memref<1x200x64xf32, #tpu.memory_space<hbm>>
        %dma_wait3A_915 = tpu.memref_squeeze %dma_wait3A_914 : memref<1x200x64xf32, #tpu.memory_space<hbm>> -> memref<200x64xf32, #tpu.memory_space<hbm>>
        %dma_wait3A_916 = tpu.memref_slice %arg10[%dma_wait3A_907] : memref<4x!tpu.dma_semaphore, #tpu.memory_space<semaphore_mem>> -> memref<1x!tpu.dma_semaphore, #tpu.memory_space<semaphore_mem>>
        %dma_wait3A_917 = tpu.memref_squeeze %dma_wait3A_916 : memref<1x!tpu.dma_semaphore, #tpu.memory_space<semaphore_mem>> -> memref<!tpu.dma_semaphore, #tpu.memory_space<semaphore_mem>>
        %dma_wait3A_918 = arith.constant 0 : i32
        %dma_wait3A_919 = arith.constant 0 : i32
        %dma_wait3A_920 = tpu.memref_slice %arg5[%add3A_905, %dma_wait3A_918, %dma_wait3A_919] : memref<4096x200x128xf32, #tpu.memory_space<hbm>> -> memref<1x200x64xf32, #tpu.memory_space<hbm>>
        %dma_wait3A_921 = tpu.memref_squeeze %dma_wait3A_920 : memref<1x200x64xf32, #tpu.memory_space<hbm>> -> memref<200x64xf32, #tpu.memory_space<hbm>>
        %dma_wait3A_922 = arith.constant 0 : i32
        %dma_wait3A_923 = arith.constant 0 : i32
        %dma_wait3A_924 = tpu.memref_slice %arg8[%dma_wait3A_906, %dma_wait3A_922, %dma_wait3A_923] : memref<4x200x64xf32, #tpu.memory_space<vmem>> -> memref<1x200x64xf32, #tpu.memory_space<vmem>>
        %dma_wait3A_925 = tpu.memref_squeeze %dma_wait3A_924 : memref<1x200x64xf32, #tpu.memory_space<vmem>> -> memref<200x64xf32, #tpu.memory_space<vmem>>
        tpu.wait_dma2 semaphore(%dma_wait3A_917 : memref<!tpu.dma_semaphore, #tpu.memory_space<semaphore_mem>>) src(%dma_wait3A_925 : memref<200x64xf32, #tpu.memory_space<vmem>>) dst(%dma_wait3A_921 : memref<200x64xf32, #tpu.memory_space<hbm>>)
        %add3A_926 = arith.constant 4 : i32
        %add3A_927 = arith.addi %add3A_770, %add3A_926 : i32
        %sub3A_928 = arith.constant 1 : i32
        %sub3A_929 = arith.subi %add3A_927, %sub3A_928 : i32
        %dma_start3A_930 = arith.constant 1 : i32
        %dma_start3A_931 = arith.constant 1 : i32
        %dma_start3A_932 = arith.constant 0 : i32
        %dma_start3A_933 = arith.constant 0 : i32
        %dma_start3A_934 = tpu.memref_slice %arg8[%dma_start3A_930, %dma_start3A_932, %dma_start3A_933] : memref<4x200x64xf32, #tpu.memory_space<vmem>> -> memref<1x104x64xf32, #tpu.memory_space<vmem>>
        %dma_start3A_935 = tpu.memref_squeeze %dma_start3A_934 : memref<1x104x64xf32, #tpu.memory_space<vmem>> -> memref<104x64xf32, #tpu.memory_space<vmem>>
        %dma_start3A_936 = arith.constant 0 : i32
        %dma_start3A_937 = tpu.memref_slice %arg6[%sub3A_929, %dma_start3A_936] : memref<128x200xi32, #tpu.memory_space<vmem>> -> memref<1x104xi32, #tpu.memory_space<vmem>>
        %dma_start3A_938 = tpu.memref_squeeze %dma_start3A_937 : memref<1x104xi32, #tpu.memory_space<vmem>> -> memref<104xi32, #tpu.memory_space<vmem>>
        %dma_start3A_939 = arith.constant 0 : i32
        %dma_start3A_940 = arith.constant 0 : i32
        %dma_start3A_941 = tpu.memref_slice %arg2[%dma_start3A_939, %dma_start3A_940] : memref<1000000x64xf32, #tpu.memory_space<hbm>> -> memref<1000000x64xf32, #tpu.memory_space<hbm>>
        %dma_start3A_942 = tpu.memref_slice %arg9[%dma_start3A_931] : memref<4x!tpu.dma_semaphore, #tpu.memory_space<semaphore_mem>> -> memref<1x!tpu.dma_semaphore, #tpu.memory_space<semaphore_mem>>
        %dma_start3A_943 = tpu.memref_squeeze %dma_start3A_942 : memref<1x!tpu.dma_semaphore, #tpu.memory_space<semaphore_mem>> -> memref<!tpu.dma_semaphore, #tpu.memory_space<semaphore_mem>>
        tpu.enqueue_indirect_dma source(%dma_start3A_941 : memref<1000000x64xf32, #tpu.memory_space<hbm>>) target(%dma_start3A_935 : memref<104x64xf32, #tpu.memory_space<vmem>>) offsets(%dma_start3A_938 : memref<104xi32, #tpu.memory_space<vmem>>) semaphore(%dma_start3A_943 : memref<!tpu.dma_semaphore, #tpu.memory_space<semaphore_mem>>)
        %dma_start3A_944 = arith.constant 1 : i32
        %dma_start3A_945 = arith.constant 1 : i32
        %dma_start3A_946 = arith.constant 104 : i32
        %dma_start3A_947 = arith.constant 0 : i32
        %dma_start3A_948 = tpu.memref_slice %arg8[%dma_start3A_944, %dma_start3A_946, %dma_start3A_947] : memref<4x200x64xf32, #tpu.memory_space<vmem>> -> memref<1x96x64xf32, #tpu.memory_space<vmem>>
        %dma_start3A_949 = tpu.memref_squeeze %dma_start3A_948 : memref<1x96x64xf32, #tpu.memory_space<vmem>> -> memref<96x64xf32, #tpu.memory_space<vmem>>
        %dma_start3A_950 = arith.constant 104 : i32
        %dma_start3A_951 = tpu.memref_slice %arg6[%sub3A_929, %dma_start3A_950] : memref<128x200xi32, #tpu.memory_space<vmem>> -> memref<1x96xi32, #tpu.memory_space<vmem>>
        %dma_start3A_952 = tpu.memref_squeeze %dma_start3A_951 : memref<1x96xi32, #tpu.memory_space<vmem>> -> memref<96xi32, #tpu.memory_space<vmem>>
        %dma_start3A_953 = arith.constant 0 : i32
        %dma_start3A_954 = arith.constant 0 : i32
        %dma_start3A_955 = tpu.memref_slice %arg2[%dma_start3A_953, %dma_start3A_954] : memref<1000000x64xf32, #tpu.memory_space<hbm>> -> memref<1000000x64xf32, #tpu.memory_space<hbm>>
        %dma_start3A_956 = tpu.memref_slice %arg9[%dma_start3A_945] : memref<4x!tpu.dma_semaphore, #tpu.memory_space<semaphore_mem>> -> memref<1x!tpu.dma_semaphore, #tpu.memory_space<semaphore_mem>>
        %dma_start3A_957 = tpu.memref_squeeze %dma_start3A_956 : memref<1x!tpu.dma_semaphore, #tpu.memory_space<semaphore_mem>> -> memref<!tpu.dma_semaphore, #tpu.memory_space<semaphore_mem>>
        tpu.enqueue_indirect_dma source(%dma_start3A_955 : memref<1000000x64xf32, #tpu.memory_space<hbm>>) target(%dma_start3A_949 : memref<96x64xf32, #tpu.memory_space<vmem>>) offsets(%dma_start3A_952 : memref<96xi32, #tpu.memory_space<vmem>>) semaphore(%dma_start3A_957 : memref<!tpu.dma_semaphore, #tpu.memory_space<semaphore_mem>>)
      } else {
      }
      %mul3A_835 = arith.constant 4 : i32
      %mul3A_836 = arith.muli %scan3A_634, %mul3A_835 : i32
      %add3A_837 = arith.constant 3 : i32
      %add3A_838 = arith.addi %mul3A_836, %add3A_837 : i32
      %dma_wait3A_839 = arith.constant 3 : i32
      %dma_wait3A_840 = arith.constant 3 : i32
      %dma_wait3A_841 = arith.constant 0 : i32
      %dma_wait3A_842 = arith.constant 0 : i32
      %dma_wait3A_843 = tpu.memref_slice %arg8[%dma_wait3A_839, %dma_wait3A_841, %dma_wait3A_842] : memref<4x200x64xf32, #tpu.memory_space<vmem>> -> memref<1x104x64xf32, #tpu.memory_space<vmem>>
      %dma_wait3A_844 = tpu.memref_squeeze %dma_wait3A_843 : memref<1x104x64xf32, #tpu.memory_space<vmem>> -> memref<104x64xf32, #tpu.memory_space<vmem>>
      %dma_wait3A_845 = arith.constant 0 : i32
      %dma_wait3A_846 = tpu.memref_slice %arg6[%add3A_838, %dma_wait3A_845] : memref<128x200xi32, #tpu.memory_space<vmem>> -> memref<1x104xi32, #tpu.memory_space<vmem>>
      %dma_wait3A_847 = tpu.memref_squeeze %dma_wait3A_846 : memref<1x104xi32, #tpu.memory_space<vmem>> -> memref<104xi32, #tpu.memory_space<vmem>>
      %dma_wait3A_848 = arith.constant 0 : i32
      %dma_wait3A_849 = arith.constant 0 : i32
      %dma_wait3A_850 = tpu.memref_slice %arg2[%dma_wait3A_848, %dma_wait3A_849] : memref<1000000x64xf32, #tpu.memory_space<hbm>> -> memref<1000000x64xf32, #tpu.memory_space<hbm>>
      %dma_wait3A_851 = tpu.memref_slice %arg9[%dma_wait3A_840] : memref<4x!tpu.dma_semaphore, #tpu.memory_space<semaphore_mem>> -> memref<1x!tpu.dma_semaphore, #tpu.memory_space<semaphore_mem>>
      %dma_wait3A_852 = tpu.memref_squeeze %dma_wait3A_851 : memref<1x!tpu.dma_semaphore, #tpu.memory_space<semaphore_mem>> -> memref<!tpu.dma_semaphore, #tpu.memory_space<semaphore_mem>>
      tpu.wait_indirect_dma semaphore(%dma_wait3A_852 : memref<!tpu.dma_semaphore, #tpu.memory_space<semaphore_mem>>) src(%dma_wait3A_850 : memref<1000000x64xf32, #tpu.memory_space<hbm>>) dst(%dma_wait3A_844 : memref<104x64xf32, #tpu.memory_space<vmem>>)
      %dma_wait3A_853 = arith.constant 3 : i32
      %dma_wait3A_854 = arith.constant 3 : i32
      %dma_wait3A_855 = arith.constant 104 : i32
      %dma_wait3A_856 = arith.constant 0 : i32
      %dma_wait3A_857 = tpu.memref_slice %arg8[%dma_wait3A_853, %dma_wait3A_855, %dma_wait3A_856] : memref<4x200x64xf32, #tpu.memory_space<vmem>> -> memref<1x96x64xf32, #tpu.memory_space<vmem>>
      %dma_wait3A_858 = tpu.memref_squeeze %dma_wait3A_857 : memref<1x96x64xf32, #tpu.memory_space<vmem>> -> memref<96x64xf32, #tpu.memory_space<vmem>>
      %dma_wait3A_859 = arith.constant 104 : i32
      %dma_wait3A_860 = tpu.memref_slice %arg6[%add3A_838, %dma_wait3A_859] : memref<128x200xi32, #tpu.memory_space<vmem>> -> memref<1x96xi32, #tpu.memory_space<vmem>>
      %dma_wait3A_861 = tpu.memref_squeeze %dma_wait3A_860 : memref<1x96xi32, #tpu.memory_space<vmem>> -> memref<96xi32, #tpu.memory_space<vmem>>
      %dma_wait3A_862 = arith.constant 0 : i32
      %dma_wait3A_863 = arith.constant 0 : i32
      %dma_wait3A_864 = tpu.memref_slice %arg2[%dma_wait3A_862, %dma_wait3A_863] : memref<1000000x64xf32, #tpu.memory_space<hbm>> -> memref<1000000x64xf32, #tpu.memory_space<hbm>>
      %dma_wait3A_865 = tpu.memref_slice %arg9[%dma_wait3A_854] : memref<4x!tpu.dma_semaphore, #tpu.memory_space<semaphore_mem>> -> memref<1x!tpu.dma_semaphore, #tpu.memory_space<semaphore_mem>>
      %dma_wait3A_866 = tpu.memref_squeeze %dma_wait3A_865 : memref<1x!tpu.dma_semaphore, #tpu.memory_space<semaphore_mem>> -> memref<!tpu.dma_semaphore, #tpu.memory_space<semaphore_mem>>
      tpu.wait_indirect_dma semaphore(%dma_wait3A_866 : memref<!tpu.dma_semaphore, #tpu.memory_space<semaphore_mem>>) src(%dma_wait3A_864 : memref<1000000x64xf32, #tpu.memory_space<hbm>>) dst(%dma_wait3A_858 : memref<96x64xf32, #tpu.memory_space<vmem>>)
      %scan3A_867 = arith.constant 0 : i32
      %scan3A_868 = arith.constant 0 : i32
      %scan3A_869 = arith.constant 200 : i32
      %scan3A_870 = arith.addi %scan3A_868, %scan3A_869 : i32
      %scan3A_871 = arith.constant 4 : i32
      scf.for %scan3A_903 = %scan3A_868 to %scan3A_870 step %scan3A_871  : i32 {
        %get3A = arith.index_cast %scan3A_903 : i32 to index
        %get3A_904 = arith.constant 0 : index
        %get3A_905 = tpu.vector_load %arg7[%get3A, %get3A_904] {strides = array<i32>} : memref<200x64xf32, #tpu.memory_space<vmem>>, vector<1x16xf32>,
        %get3A_906 = vector.shape_cast %get3A_905 : vector<1x16xf32> to vector<16xf32>
        %swap3A = arith.constant 3 : i32
        %swap3A_907 = arith.index_cast %swap3A : i32 to index
        %swap3A_908 = arith.index_cast %scan3A_903 : i32 to index
        %swap3A_909 = arith.constant 0 : index
        %swap3A_910 = tpu.vector_load %arg8[%swap3A_907, %swap3A_908, %swap3A_909] {strides = array<i32>} : memref<4x200x64xf32, #tpu.memory_space<vmem>>, vector<1x1x16xf32>,
        %swap3A_911 = vector.shape_cast %swap3A_910 : vector<1x1x16xf32> to vector<16xf32>
        %swap3A_912 = vector.shape_cast %get3A_906 : vector<16xf32> to vector<1x1x16xf32>
        tpu.vector_store %arg8[%swap3A_907, %swap3A_908, %swap3A_909], %swap3A_912 {add = true, strides = array<i32>} : memref<4x200x64xf32, #tpu.memory_space<vmem>>, vector<1x1x16xf32>,
        %get3A_913 = arith.index_cast %scan3A_903 : i32 to index
        %get3A_914 = arith.constant 16 : index
        %get3A_915 = tpu.vector_load %arg7[%get3A_913, %get3A_914] {strides = array<i32>} : memref<200x64xf32, #tpu.memory_space<vmem>>, vector<1x16xf32>,
        %get3A_916 = vector.shape_cast %get3A_915 : vector<1x16xf32> to vector<16xf32>
        %swap3A_917 = arith.constant 3 : i32
        %swap3A_918 = arith.index_cast %swap3A_917 : i32 to index
        %swap3A_919 = arith.index_cast %scan3A_903 : i32 to index
        %swap3A_920 = arith.constant 16 : index
        %swap3A_921 = tpu.vector_load %arg8[%swap3A_918, %swap3A_919, %swap3A_920] {strides = array<i32>} : memref<4x200x64xf32, #tpu.memory_space<vmem>>, vector<1x1x16xf32>,
        %swap3A_922 = vector.shape_cast %swap3A_921 : vector<1x1x16xf32> to vector<16xf32>
        %swap3A_923 = vector.shape_cast %get3A_916 : vector<16xf32> to vector<1x1x16xf32>
        tpu.vector_store %arg8[%swap3A_918, %swap3A_919, %swap3A_920], %swap3A_923 {add = true, strides = array<i32>} : memref<4x200x64xf32, #tpu.memory_space<vmem>>, vector<1x1x16xf32>,
        %get3A_924 = arith.index_cast %scan3A_903 : i32 to index
        %get3A_925 = arith.constant 32 : index
        %get3A_926 = tpu.vector_load %arg7[%get3A_924, %get3A_925] {strides = array<i32>} : memref<200x64xf32, #tpu.memory_space<vmem>>, vector<1x16xf32>,
        %get3A_927 = vector.shape_cast %get3A_926 : vector<1x16xf32> to vector<16xf32>
        %swap3A_928 = arith.constant 3 : i32
        %swap3A_929 = arith.index_cast %swap3A_928 : i32 to index
        %swap3A_930 = arith.index_cast %scan3A_903 : i32 to index
        %swap3A_931 = arith.constant 32 : index
        %swap3A_932 = tpu.vector_load %arg8[%swap3A_929, %swap3A_930, %swap3A_931] {strides = array<i32>} : memref<4x200x64xf32, #tpu.memory_space<vmem>>, vector<1x1x16xf32>,
        %swap3A_933 = vector.shape_cast %swap3A_932 : vector<1x1x16xf32> to vector<16xf32>
        %swap3A_934 = vector.shape_cast %get3A_927 : vector<16xf32> to vector<1x1x16xf32>
        tpu.vector_store %arg8[%swap3A_929, %swap3A_930, %swap3A_931], %swap3A_934 {add = true, strides = array<i32>} : memref<4x200x64xf32, #tpu.memory_space<vmem>>, vector<1x1x16xf32>,
        %get3A_935 = arith.index_cast %scan3A_903 : i32 to index
        %get3A_936 = arith.constant 48 : index
        %get3A_937 = tpu.vector_load %arg7[%get3A_935, %get3A_936] {strides = array<i32>} : memref<200x64xf32, #tpu.memory_space<vmem>>, vector<1x16xf32>,
        %get3A_938 = vector.shape_cast %get3A_937 : vector<1x16xf32> to vector<16xf32>
        %swap3A_939 = arith.constant 3 : i32
        %swap3A_940 = arith.index_cast %swap3A_939 : i32 to index
        %swap3A_941 = arith.index_cast %scan3A_903 : i32 to index
        %swap3A_942 = arith.constant 48 : index
        %swap3A_943 = tpu.vector_load %arg8[%swap3A_940, %swap3A_941, %swap3A_942] {strides = array<i32>} : memref<4x200x64xf32, #tpu.memory_space<vmem>>, vector<1x1x16xf32>,
        %swap3A_944 = vector.shape_cast %swap3A_943 : vector<1x1x16xf32> to vector<16xf32>
        %swap3A_945 = vector.shape_cast %get3A_938 : vector<16xf32> to vector<1x1x16xf32>
        tpu.vector_store %arg8[%swap3A_940, %swap3A_941, %swap3A_942], %swap3A_945 {add = true, strides = array<i32>} : memref<4x200x64xf32, #tpu.memory_space<vmem>>, vector<1x1x16xf32>,
        %scan3A_946 = arith.constant 1 : i32
        %scan3A_947 = arith.addi %scan3A_903, %scan3A_946 : i32
        %get3A_948 = arith.index_cast %scan3A_947 : i32 to index
        %get3A_949 = arith.constant 0 : index
        %get3A_950 = tpu.vector_load %arg7[%get3A_948, %get3A_949] {strides = array<i32>} : memref<200x64xf32, #tpu.memory_space<vmem>>, vector<1x16xf32>,
        %get3A_951 = vector.shape_cast %get3A_950 : vector<1x16xf32> to vector<16xf32>
        %swap3A_952 = arith.constant 3 : i32
        %swap3A_953 = arith.index_cast %swap3A_952 : i32 to index
        %swap3A_954 = arith.index_cast %scan3A_947 : i32 to index
        %swap3A_955 = arith.constant 0 : index
        %swap3A_956 = tpu.vector_load %arg8[%swap3A_953, %swap3A_954, %swap3A_955] {strides = array<i32>} : memref<4x200x64xf32, #tpu.memory_space<vmem>>, vector<1x1x16xf32>,
        %swap3A_957 = vector.shape_cast %swap3A_956 : vector<1x1x16xf32> to vector<16xf32>
        %swap3A_958 = vector.shape_cast %get3A_951 : vector<16xf32> to vector<1x1x16xf32>
        tpu.vector_store %arg8[%swap3A_953, %swap3A_954, %swap3A_955], %swap3A_958 {add = true, strides = array<i32>} : memref<4x200x64xf32, #tpu.memory_space<vmem>>, vector<1x1x16xf32>,
        %get3A_959 = arith.index_cast %scan3A_947 : i32 to index
        %get3A_960 = arith.constant 16 : index
        %get3A_961 = tpu.vector_load %arg7[%get3A_959, %get3A_960] {strides = array<i32>} : memref<200x64xf32, #tpu.memory_space<vmem>>, vector<1x16xf32>,
        %get3A_962 = vector.shape_cast %get3A_961 : vector<1x16xf32> to vector<16xf32>
        %swap3A_963 = arith.constant 3 : i32
        %swap3A_964 = arith.index_cast %swap3A_963 : i32 to index
        %swap3A_965 = arith.index_cast %scan3A_947 : i32 to index
        %swap3A_966 = arith.constant 16 : index
        %swap3A_967 = tpu.vector_load %arg8[%swap3A_964, %swap3A_965, %swap3A_966] {strides = array<i32>} : memref<4x200x64xf32, #tpu.memory_space<vmem>>, vector<1x1x16xf32>,
        %swap3A_968 = vector.shape_cast %swap3A_967 : vector<1x1x16xf32> to vector<16xf32>
        %swap3A_969 = vector.shape_cast %get3A_962 : vector<16xf32> to vector<1x1x16xf32>
        tpu.vector_store %arg8[%swap3A_964, %swap3A_965, %swap3A_966], %swap3A_969 {add = true, strides = array<i32>} : memref<4x200x64xf32, #tpu.memory_space<vmem>>, vector<1x1x16xf32>,
        %get3A_970 = arith.index_cast %scan3A_947 : i32 to index
        %get3A_971 = arith.constant 32 : index
        %get3A_972 = tpu.vector_load %arg7[%get3A_970, %get3A_971] {strides = array<i32>} : memref<200x64xf32, #tpu.memory_space<vmem>>, vector<1x16xf32>,
        %get3A_973 = vector.shape_cast %get3A_972 : vector<1x16xf32> to vector<16xf32>
        %swap3A_974 = arith.constant 3 : i32
        %swap3A_975 = arith.index_cast %swap3A_974 : i32 to index
        %swap3A_976 = arith.index_cast %scan3A_947 : i32 to index
        %swap3A_977 = arith.constant 32 : index
        %swap3A_978 = tpu.vector_load %arg8[%swap3A_975, %swap3A_976, %swap3A_977] {strides = array<i32>} : memref<4x200x64xf32, #tpu.memory_space<vmem>>, vector<1x1x16xf32>,
        %swap3A_979 = vector.shape_cast %swap3A_978 : vector<1x1x16xf32> to vector<16xf32>
        %swap3A_980 = vector.shape_cast %get3A_973 : vector<16xf32> to vector<1x1x16xf32>
        tpu.vector_store %arg8[%swap3A_975, %swap3A_976, %swap3A_977], %swap3A_980 {add = true, strides = array<i32>} : memref<4x200x64xf32, #tpu.memory_space<vmem>>, vector<1x1x16xf32>,
        %get3A_981 = arith.index_cast %scan3A_947 : i32 to index
        %get3A_982 = arith.constant 48 : index
        %get3A_983 = tpu.vector_load %arg7[%get3A_981, %get3A_982] {strides = array<i32>} : memref<200x64xf32, #tpu.memory_space<vmem>>, vector<1x16xf32>,
        %get3A_984 = vector.shape_cast %get3A_983 : vector<1x16xf32> to vector<16xf32>
        %swap3A_985 = arith.constant 3 : i32
        %swap3A_986 = arith.index_cast %swap3A_985 : i32 to index
        %swap3A_987 = arith.index_cast %scan3A_947 : i32 to index
        %swap3A_988 = arith.constant 48 : index
        %swap3A_989 = tpu.vector_load %arg8[%swap3A_986, %swap3A_987, %swap3A_988] {strides = array<i32>} : memref<4x200x64xf32, #tpu.memory_space<vmem>>, vector<1x1x16xf32>,
        %swap3A_990 = vector.shape_cast %swap3A_989 : vector<1x1x16xf32> to vector<16xf32>
        %swap3A_991 = vector.shape_cast %get3A_984 : vector<16xf32> to vector<1x1x16xf32>
        tpu.vector_store %arg8[%swap3A_986, %swap3A_987, %swap3A_988], %swap3A_991 {add = true, strides = array<i32>} : memref<4x200x64xf32, #tpu.memory_space<vmem>>, vector<1x1x16xf32>,
        %scan3A_992 = arith.constant 2 : i32
        %scan3A_993 = arith.addi %scan3A_903, %scan3A_992 : i32
        %get3A_994 = arith.index_cast %scan3A_993 : i32 to index
        %get3A_995 = arith.constant 0 : index
        %get3A_996 = tpu.vector_load %arg7[%get3A_994, %get3A_995] {strides = array<i32>} : memref<200x64xf32, #tpu.memory_space<vmem>>, vector<1x16xf32>,
        %get3A_997 = vector.shape_cast %get3A_996 : vector<1x16xf32> to vector<16xf32>
        %swap3A_998 = arith.constant 3 : i32
        %swap3A_999 = arith.index_cast %swap3A_998 : i32 to index
        %swap3A_1000 = arith.index_cast %scan3A_993 : i32 to index
        %swap3A_1001 = arith.constant 0 : index
        %swap3A_1002 = tpu.vector_load %arg8[%swap3A_999, %swap3A_1000, %swap3A_1001] {strides = array<i32>} : memref<4x200x64xf32, #tpu.memory_space<vmem>>, vector<1x1x16xf32>,
        %swap3A_1003 = vector.shape_cast %swap3A_1002 : vector<1x1x16xf32> to vector<16xf32>
        %swap3A_1004 = vector.shape_cast %get3A_997 : vector<16xf32> to vector<1x1x16xf32>
        tpu.vector_store %arg8[%swap3A_999, %swap3A_1000, %swap3A_1001], %swap3A_1004 {add = true, strides = array<i32>} : memref<4x200x64xf32, #tpu.memory_space<vmem>>, vector<1x1x16xf32>,
        %get3A_1005 = arith.index_cast %scan3A_993 : i32 to index
        %get3A_1006 = arith.constant 16 : index
        %get3A_1007 = tpu.vector_load %arg7[%get3A_1005, %get3A_1006] {strides = array<i32>} : memref<200x64xf32, #tpu.memory_space<vmem>>, vector<1x16xf32>,
        %get3A_1008 = vector.shape_cast %get3A_1007 : vector<1x16xf32> to vector<16xf32>
        %swap3A_1009 = arith.constant 3 : i32
        %swap3A_1010 = arith.index_cast %swap3A_1009 : i32 to index
        %swap3A_1011 = arith.index_cast %scan3A_993 : i32 to index
        %swap3A_1012 = arith.constant 16 : index
        %swap3A_1013 = tpu.vector_load %arg8[%swap3A_1010, %swap3A_1011, %swap3A_1012] {strides = array<i32>} : memref<4x200x64xf32, #tpu.memory_space<vmem>>, vector<1x1x16xf32>,
        %swap3A_1014 = vector.shape_cast %swap3A_1013 : vector<1x1x16xf32> to vector<16xf32>
        %swap3A_1015 = vector.shape_cast %get3A_1008 : vector<16xf32> to vector<1x1x16xf32>
        tpu.vector_store %arg8[%swap3A_1010, %swap3A_1011, %swap3A_1012], %swap3A_1015 {add = true, strides = array<i32>} : memref<4x200x64xf32, #tpu.memory_space<vmem>>, vector<1x1x16xf32>,
        %get3A_1016 = arith.index_cast %scan3A_993 : i32 to index
        %get3A_1017 = arith.constant 32 : index
        %get3A_1018 = tpu.vector_load %arg7[%get3A_1016, %get3A_1017] {strides = array<i32>} : memref<200x64xf32, #tpu.memory_space<vmem>>, vector<1x16xf32>,
        %get3A_1019 = vector.shape_cast %get3A_1018 : vector<1x16xf32> to vector<16xf32>
        %swap3A_1020 = arith.constant 3 : i32
        %swap3A_1021 = arith.index_cast %swap3A_1020 : i32 to index
        %swap3A_1022 = arith.index_cast %scan3A_993 : i32 to index
        %swap3A_1023 = arith.constant 32 : index
        %swap3A_1024 = tpu.vector_load %arg8[%swap3A_1021, %swap3A_1022, %swap3A_1023] {strides = array<i32>} : memref<4x200x64xf32, #tpu.memory_space<vmem>>, vector<1x1x16xf32>,
        %swap3A_1025 = vector.shape_cast %swap3A_1024 : vector<1x1x16xf32> to vector<16xf32>
        %swap3A_1026 = vector.shape_cast %get3A_1019 : vector<16xf32> to vector<1x1x16xf32>
        tpu.vector_store %arg8[%swap3A_1021, %swap3A_1022, %swap3A_1023], %swap3A_1026 {add = true, strides = array<i32>} : memref<4x200x64xf32, #tpu.memory_space<vmem>>, vector<1x1x16xf32>,
        %get3A_1027 = arith.index_cast %scan3A_993 : i32 to index
        %get3A_1028 = arith.constant 48 : index
        %get3A_1029 = tpu.vector_load %arg7[%get3A_1027, %get3A_1028] {strides = array<i32>} : memref<200x64xf32, #tpu.memory_space<vmem>>, vector<1x16xf32>,
        %get3A_1030 = vector.shape_cast %get3A_1029 : vector<1x16xf32> to vector<16xf32>
        %swap3A_1031 = arith.constant 3 : i32
        %swap3A_1032 = arith.index_cast %swap3A_1031 : i32 to index
        %swap3A_1033 = arith.index_cast %scan3A_993 : i32 to index
        %swap3A_1034 = arith.constant 48 : index
        %swap3A_1035 = tpu.vector_load %arg8[%swap3A_1032, %swap3A_1033, %swap3A_1034] {strides = array<i32>} : memref<4x200x64xf32, #tpu.memory_space<vmem>>, vector<1x1x16xf32>,
        %swap3A_1036 = vector.shape_cast %swap3A_1035 : vector<1x1x16xf32> to vector<16xf32>
        %swap3A_1037 = vector.shape_cast %get3A_1030 : vector<16xf32> to vector<1x1x16xf32>
        tpu.vector_store %arg8[%swap3A_1032, %swap3A_1033, %swap3A_1034], %swap3A_1037 {add = true, strides = array<i32>} : memref<4x200x64xf32, #tpu.memory_space<vmem>>, vector<1x1x16xf32>,
        %scan3A_1038 = arith.constant 3 : i32
        %scan3A_1039 = arith.addi %scan3A_903, %scan3A_1038 : i32
        %get3A_1040 = arith.index_cast %scan3A_1039 : i32 to index
        %get3A_1041 = arith.constant 0 : index
        %get3A_1042 = tpu.vector_load %arg7[%get3A_1040, %get3A_1041] {strides = array<i32>} : memref<200x64xf32, #tpu.memory_space<vmem>>, vector<1x16xf32>,
        %get3A_1043 = vector.shape_cast %get3A_1042 : vector<1x16xf32> to vector<16xf32>
        %swap3A_1044 = arith.constant 3 : i32
        %swap3A_1045 = arith.index_cast %swap3A_1044 : i32 to index
        %swap3A_1046 = arith.index_cast %scan3A_1039 : i32 to index
        %swap3A_1047 = arith.constant 0 : index
        %swap3A_1048 = tpu.vector_load %arg8[%swap3A_1045, %swap3A_1046, %swap3A_1047] {strides = array<i32>} : memref<4x200x64xf32, #tpu.memory_space<vmem>>, vector<1x1x16xf32>,
        %swap3A_1049 = vector.shape_cast %swap3A_1048 : vector<1x1x16xf32> to vector<16xf32>
        %swap3A_1050 = vector.shape_cast %get3A_1043 : vector<16xf32> to vector<1x1x16xf32>
        tpu.vector_store %arg8[%swap3A_1045, %swap3A_1046, %swap3A_1047], %swap3A_1050 {add = true, strides = array<i32>} : memref<4x200x64xf32, #tpu.memory_space<vmem>>, vector<1x1x16xf32>,
        %get3A_1051 = arith.index_cast %scan3A_1039 : i32 to index
        %get3A_1052 = arith.constant 16 : index
        %get3A_1053 = tpu.vector_load %arg7[%get3A_1051, %get3A_1052] {strides = array<i32>} : memref<200x64xf32, #tpu.memory_space<vmem>>, vector<1x16xf32>,
        %get3A_1054 = vector.shape_cast %get3A_1053 : vector<1x16xf32> to vector<16xf32>
        %swap3A_1055 = arith.constant 3 : i32
        %swap3A_1056 = arith.index_cast %swap3A_1055 : i32 to index
        %swap3A_1057 = arith.index_cast %scan3A_1039 : i32 to index
        %swap3A_1058 = arith.constant 16 : index
        %swap3A_1059 = tpu.vector_load %arg8[%swap3A_1056, %swap3A_1057, %swap3A_1058] {strides = array<i32>} : memref<4x200x64xf32, #tpu.memory_space<vmem>>, vector<1x1x16xf32>,
        %swap3A_1060 = vector.shape_cast %swap3A_1059 : vector<1x1x16xf32> to vector<16xf32>
        %swap3A_1061 = vector.shape_cast %get3A_1054 : vector<16xf32> to vector<1x1x16xf32>
        tpu.vector_store %arg8[%swap3A_1056, %swap3A_1057, %swap3A_1058], %swap3A_1061 {add = true, strides = array<i32>} : memref<4x200x64xf32, #tpu.memory_space<vmem>>, vector<1x1x16xf32>,
        %get3A_1062 = arith.index_cast %scan3A_1039 : i32 to index
        %get3A_1063 = arith.constant 32 : index
        %get3A_1064 = tpu.vector_load %arg7[%get3A_1062, %get3A_1063] {strides = array<i32>} : memref<200x64xf32, #tpu.memory_space<vmem>>, vector<1x16xf32>,
        %get3A_1065 = vector.shape_cast %get3A_1064 : vector<1x16xf32> to vector<16xf32>
        %swap3A_1066 = arith.constant 3 : i32
        %swap3A_1067 = arith.index_cast %swap3A_1066 : i32 to index
        %swap3A_1068 = arith.index_cast %scan3A_1039 : i32 to index
        %swap3A_1069 = arith.constant 32 : index
        %swap3A_1070 = tpu.vector_load %arg8[%swap3A_1067, %swap3A_1068, %swap3A_1069] {strides = array<i32>} : memref<4x200x64xf32, #tpu.memory_space<vmem>>, vector<1x1x16xf32>,
        %swap3A_1071 = vector.shape_cast %swap3A_1070 : vector<1x1x16xf32> to vector<16xf32>
        %swap3A_1072 = vector.shape_cast %get3A_1065 : vector<16xf32> to vector<1x1x16xf32>
        tpu.vector_store %arg8[%swap3A_1067, %swap3A_1068, %swap3A_1069], %swap3A_1072 {add = true, strides = array<i32>} : memref<4x200x64xf32, #tpu.memory_space<vmem>>, vector<1x1x16xf32>,
        %get3A_1073 = arith.index_cast %scan3A_1039 : i32 to index
        %get3A_1074 = arith.constant 48 : index
        %get3A_1075 = tpu.vector_load %arg7[%get3A_1073, %get3A_1074] {strides = array<i32>} : memref<200x64xf32, #tpu.memory_space<vmem>>, vector<1x16xf32>,
        %get3A_1076 = vector.shape_cast %get3A_1075 : vector<1x16xf32> to vector<16xf32>
        %swap3A_1077 = arith.constant 3 : i32
        %swap3A_1078 = arith.index_cast %swap3A_1077 : i32 to index
        %swap3A_1079 = arith.index_cast %scan3A_1039 : i32 to index
        %swap3A_1080 = arith.constant 48 : index
        %swap3A_1081 = tpu.vector_load %arg8[%swap3A_1078, %swap3A_1079, %swap3A_1080] {strides = array<i32>} : memref<4x200x64xf32, #tpu.memory_space<vmem>>, vector<1x1x16xf32>,
        %swap3A_1082 = vector.shape_cast %swap3A_1081 : vector<1x1x16xf32> to vector<16xf32>
        %swap3A_1083 = vector.shape_cast %get3A_1076 : vector<16xf32> to vector<1x1x16xf32>
        tpu.vector_store %arg8[%swap3A_1078, %swap3A_1079, %swap3A_1080], %swap3A_1083 {add = true, strides = array<i32>} : memref<4x200x64xf32, #tpu.memory_space<vmem>>, vector<1x1x16xf32>,
      }
      %scan3A_872 = arith.constant 200 : i32
      %add3A_873 = arith.addi %mul3A_2, %add3A_838 : i32
      %dma_start3A_874 = arith.constant 3 : i32
      %dma_start3A_875 = arith.constant 3 : i32
      %dma_start3A_876 = arith.constant 0 : i32
      %dma_start3A_877 = arith.constant 0 : i32
      %dma_start3A_878 = tpu.memref_slice %arg8[%dma_start3A_874, %dma_start3A_876, %dma_start3A_877] : memref<4x200x64xf32, #tpu.memory_space<vmem>> -> memref<1x200x64xf32, #tpu.memory_space<vmem>>
      %dma_start3A_879 = tpu.memref_squeeze %dma_start3A_878 : memref<1x200x64xf32, #tpu.memory_space<vmem>> -> memref<200x64xf32, #tpu.memory_space<vmem>>
      %dma_start3A_880 = arith.constant 0 : i32
      %dma_start3A_881 = arith.constant 0 : i32
      %dma_start3A_882 = tpu.memref_slice %arg5[%add3A_873, %dma_start3A_880, %dma_start3A_881] : memref<4096x200x128xf32, #tpu.memory_space<hbm>> -> memref<1x200x64xf32, #tpu.memory_space<hbm>>
      %dma_start3A_883 = tpu.memref_squeeze %dma_start3A_882 : memref<1x200x64xf32, #tpu.memory_space<hbm>> -> memref<200x64xf32, #tpu.memory_space<hbm>>
      %dma_start3A_884 = tpu.memref_slice %arg10[%dma_start3A_875] : memref<4x!tpu.dma_semaphore, #tpu.memory_space<semaphore_mem>> -> memref<1x!tpu.dma_semaphore, #tpu.memory_space<semaphore_mem>>
      %dma_start3A_885 = tpu.memref_squeeze %dma_start3A_884 : memref<1x!tpu.dma_semaphore, #tpu.memory_space<semaphore_mem>> -> memref<!tpu.dma_semaphore, #tpu.memory_space<semaphore_mem>>
      %dma_start3A_886 = arith.constant 0 : i32
      %dma_start3A_887 = arith.constant 0 : i32
      %dma_start3A_888 = tpu.memref_slice %arg5[%add3A_873, %dma_start3A_886, %dma_start3A_887] : memref<4096x200x128xf32, #tpu.memory_space<hbm>> -> memref<1x200x64xf32, #tpu.memory_space<hbm>>
      %dma_start3A_889 = tpu.memref_squeeze %dma_start3A_888 : memref<1x200x64xf32, #tpu.memory_space<hbm>> -> memref<200x64xf32, #tpu.memory_space<hbm>>
      %dma_start3A_890 = arith.constant 0 : i32
      %dma_start3A_891 = arith.constant 0 : i32
      %dma_start3A_892 = tpu.memref_slice %arg8[%dma_start3A_874, %dma_start3A_890, %dma_start3A_891] : memref<4x200x64xf32, #tpu.memory_space<vmem>> -> memref<1x200x64xf32, #tpu.memory_space<vmem>>
      %dma_start3A_893 = tpu.memref_squeeze %dma_start3A_892 : memref<1x200x64xf32, #tpu.memory_space<vmem>> -> memref<200x64xf32, #tpu.memory_space<vmem>>
      tpu.enqueue_dma source(%dma_start3A_893 : memref<200x64xf32, #tpu.memory_space<vmem>>) target(%dma_start3A_889 : memref<200x64xf32, #tpu.memory_space<hbm>>) target_semaphore(%dma_start3A_885 : memref<!tpu.dma_semaphore, #tpu.memory_space<semaphore_mem>>)
      %add3A_894 = arith.constant 4 : i32
      %add3A_895 = arith.addi %add3A_838, %add3A_894 : i32
      %sub3A_896 = arith.constant 1 : i32
      %sub3A_897 = arith.subi %add3A_895, %sub3A_896 : i32
      %lt3A_898 = arith.constant 128 : i32
      %lt3A_899 = arith.cmpi slt, %sub3A_897, %lt3A_898 : i32
      %convert_element_type3A_900 = arith.extui %lt3A_899 : i1 to i32
      %cond3A_901 = arith.constant 0 : i32
      %cond3A_902 = arith.cmpi ne, %convert_element_type3A_900, %cond3A_901 : i32
      scf.if %cond3A_902 {
        %sub3A_903 = arith.constant 1 : i32
        %sub3A_904 = arith.subi %add3A_838, %sub3A_903 : i32
        %add3A_905 = arith.addi %mul3A_2, %sub3A_904 : i32
        %dma_wait3A_906 = arith.constant 2 : i32
        %dma_wait3A_907 = arith.constant 2 : i32
        %dma_wait3A_908 = arith.constant 0 : i32
        %dma_wait3A_909 = arith.constant 0 : i32
        %dma_wait3A_910 = tpu.memref_slice %arg8[%dma_wait3A_906, %dma_wait3A_908, %dma_wait3A_909] : memref<4x200x64xf32, #tpu.memory_space<vmem>> -> memref<1x200x64xf32, #tpu.memory_space<vmem>>
        %dma_wait3A_911 = tpu.memref_squeeze %dma_wait3A_910 : memref<1x200x64xf32, #tpu.memory_space<vmem>> -> memref<200x64xf32, #tpu.memory_space<vmem>>
        %dma_wait3A_912 = arith.constant 0 : i32
        %dma_wait3A_913 = arith.constant 0 : i32
        %dma_wait3A_914 = tpu.memref_slice %arg5[%add3A_905, %dma_wait3A_912, %dma_wait3A_913] : memref<4096x200x128xf32, #tpu.memory_space<hbm>> -> memref<1x200x64xf32, #tpu.memory_space<hbm>>
        %dma_wait3A_915 = tpu.memref_squeeze %dma_wait3A_914 : memref<1x200x64xf32, #tpu.memory_space<hbm>> -> memref<200x64xf32, #tpu.memory_space<hbm>>
        %dma_wait3A_916 = tpu.memref_slice %arg10[%dma_wait3A_907] : memref<4x!tpu.dma_semaphore, #tpu.memory_space<semaphore_mem>> -> memref<1x!tpu.dma_semaphore, #tpu.memory_space<semaphore_mem>>
        %dma_wait3A_917 = tpu.memref_squeeze %dma_wait3A_916 : memref<1x!tpu.dma_semaphore, #tpu.memory_space<semaphore_mem>> -> memref<!tpu.dma_semaphore, #tpu.memory_space<semaphore_mem>>
        %dma_wait3A_918 = arith.constant 0 : i32
        %dma_wait3A_919 = arith.constant 0 : i32
        %dma_wait3A_920 = tpu.memref_slice %arg5[%add3A_905, %dma_wait3A_918, %dma_wait3A_919] : memref<4096x200x128xf32, #tpu.memory_space<hbm>> -> memref<1x200x64xf32, #tpu.memory_space<hbm>>
        %dma_wait3A_921 = tpu.memref_squeeze %dma_wait3A_920 : memref<1x200x64xf32, #tpu.memory_space<hbm>> -> memref<200x64xf32, #tpu.memory_space<hbm>>
        %dma_wait3A_922 = arith.constant 0 : i32
        %dma_wait3A_923 = arith.constant 0 : i32
        %dma_wait3A_924 = tpu.memref_slice %arg8[%dma_wait3A_906, %dma_wait3A_922, %dma_wait3A_923] : memref<4x200x64xf32, #tpu.memory_space<vmem>> -> memref<1x200x64xf32, #tpu.memory_space<vmem>>
        %dma_wait3A_925 = tpu.memref_squeeze %dma_wait3A_924 : memref<1x200x64xf32, #tpu.memory_space<vmem>> -> memref<200x64xf32, #tpu.memory_space<vmem>>
        tpu.wait_dma2 semaphore(%dma_wait3A_917 : memref<!tpu.dma_semaphore, #tpu.memory_space<semaphore_mem>>) src(%dma_wait3A_925 : memref<200x64xf32, #tpu.memory_space<vmem>>) dst(%dma_wait3A_921 : memref<200x64xf32, #tpu.memory_space<hbm>>)
        %add3A_926 = arith.constant 4 : i32
        %add3A_927 = arith.addi %add3A_838, %add3A_926 : i32
        %sub3A_928 = arith.constant 1 : i32
        %sub3A_929 = arith.subi %add3A_927, %sub3A_928 : i32
        %dma_start3A_930 = arith.constant 2 : i32
        %dma_start3A_931 = arith.constant 2 : i32
        %dma_start3A_932 = arith.constant 0 : i32
        %dma_start3A_933 = arith.constant 0 : i32
        %dma_start3A_934 = tpu.memref_slice %arg8[%dma_start3A_930, %dma_start3A_932, %dma_start3A_933] : memref<4x200x64xf32, #tpu.memory_space<vmem>> -> memref<1x104x64xf32, #tpu.memory_space<vmem>>
        %dma_start3A_935 = tpu.memref_squeeze %dma_start3A_934 : memref<1x104x64xf32, #tpu.memory_space<vmem>> -> memref<104x64xf32, #tpu.memory_space<vmem>>
        %dma_start3A_936 = arith.constant 0 : i32
        %dma_start3A_937 = tpu.memref_slice %arg6[%sub3A_929, %dma_start3A_936] : memref<128x200xi32, #tpu.memory_space<vmem>> -> memref<1x104xi32, #tpu.memory_space<vmem>>
        %dma_start3A_938 = tpu.memref_squeeze %dma_start3A_937 : memref<1x104xi32, #tpu.memory_space<vmem>> -> memref<104xi32, #tpu.memory_space<vmem>>
        %dma_start3A_939 = arith.constant 0 : i32
        %dma_start3A_940 = arith.constant 0 : i32
        %dma_start3A_941 = tpu.memref_slice %arg2[%dma_start3A_939, %dma_start3A_940] : memref<1000000x64xf32, #tpu.memory_space<hbm>> -> memref<1000000x64xf32, #tpu.memory_space<hbm>>
        %dma_start3A_942 = tpu.memref_slice %arg9[%dma_start3A_931] : memref<4x!tpu.dma_semaphore, #tpu.memory_space<semaphore_mem>> -> memref<1x!tpu.dma_semaphore, #tpu.memory_space<semaphore_mem>>
        %dma_start3A_943 = tpu.memref_squeeze %dma_start3A_942 : memref<1x!tpu.dma_semaphore, #tpu.memory_space<semaphore_mem>> -> memref<!tpu.dma_semaphore, #tpu.memory_space<semaphore_mem>>
        tpu.enqueue_indirect_dma source(%dma_start3A_941 : memref<1000000x64xf32, #tpu.memory_space<hbm>>) target(%dma_start3A_935 : memref<104x64xf32, #tpu.memory_space<vmem>>) offsets(%dma_start3A_938 : memref<104xi32, #tpu.memory_space<vmem>>) semaphore(%dma_start3A_943 : memref<!tpu.dma_semaphore, #tpu.memory_space<semaphore_mem>>)
        %dma_start3A_944 = arith.constant 2 : i32
        %dma_start3A_945 = arith.constant 2 : i32
        %dma_start3A_946 = arith.constant 104 : i32
        %dma_start3A_947 = arith.constant 0 : i32
        %dma_start3A_948 = tpu.memref_slice %arg8[%dma_start3A_944, %dma_start3A_946, %dma_start3A_947] : memref<4x200x64xf32, #tpu.memory_space<vmem>> -> memref<1x96x64xf32, #tpu.memory_space<vmem>>
        %dma_start3A_949 = tpu.memref_squeeze %dma_start3A_948 : memref<1x96x64xf32, #tpu.memory_space<vmem>> -> memref<96x64xf32, #tpu.memory_space<vmem>>
        %dma_start3A_950 = arith.constant 104 : i32
        %dma_start3A_951 = tpu.memref_slice %arg6[%sub3A_929, %dma_start3A_950] : memref<128x200xi32, #tpu.memory_space<vmem>> -> memref<1x96xi32, #tpu.memory_space<vmem>>
        %dma_start3A_952 = tpu.memref_squeeze %dma_start3A_951 : memref<1x96xi32, #tpu.memory_space<vmem>> -> memref<96xi32, #tpu.memory_space<vmem>>
        %dma_start3A_953 = arith.constant 0 : i32
        %dma_start3A_954 = arith.constant 0 : i32
        %dma_start3A_955 = tpu.memref_slice %arg2[%dma_start3A_953, %dma_start3A_954] : memref<1000000x64xf32, #tpu.memory_space<hbm>> -> memref<1000000x64xf32, #tpu.memory_space<hbm>>
        %dma_start3A_956 = tpu.memref_slice %arg9[%dma_start3A_945] : memref<4x!tpu.dma_semaphore, #tpu.memory_space<semaphore_mem>> -> memref<1x!tpu.dma_semaphore, #tpu.memory_space<semaphore_mem>>
        %dma_start3A_957 = tpu.memref_squeeze %dma_start3A_956 : memref<1x!tpu.dma_semaphore, #tpu.memory_space<semaphore_mem>> -> memref<!tpu.dma_semaphore, #tpu.memory_space<semaphore_mem>>
        tpu.enqueue_indirect_dma source(%dma_start3A_955 : memref<1000000x64xf32, #tpu.memory_space<hbm>>) target(%dma_start3A_949 : memref<96x64xf32, #tpu.memory_space<vmem>>) offsets(%dma_start3A_952 : memref<96xi32, #tpu.memory_space<vmem>>) semaphore(%dma_start3A_957 : memref<!tpu.dma_semaphore, #tpu.memory_space<semaphore_mem>>)
      } else {
      }
    }
    %scan3A_545 = arith.constant 31 : i32
    %add3A_546 = arith.constant 124 : i32
    %add3A_547 = arith.addi %mul3A_2, %add3A_546 : i32
    %dma_wait3A_548 = arith.constant 0 : i32
    %dma_wait3A_549 = arith.constant 0 : i32
    %dma_wait3A_550 = arith.constant 0 : i32
    %dma_wait3A_551 = arith.constant 0 : i32
    %dma_wait3A_552 = tpu.memref_slice %arg8[%dma_wait3A_548, %dma_wait3A_550, %dma_wait3A_551] : memref<4x200x64xf32, #tpu.memory_space<vmem>> -> memref<1x200x64xf32, #tpu.memory_space<vmem>>
    %dma_wait3A_553 = tpu.memref_squeeze %dma_wait3A_552 : memref<1x200x64xf32, #tpu.memory_space<vmem>> -> memref<200x64xf32, #tpu.memory_space<vmem>>
    %dma_wait3A_554 = arith.constant 0 : i32
    %dma_wait3A_555 = arith.constant 0 : i32
    %dma_wait3A_556 = tpu.memref_slice %arg5[%add3A_547, %dma_wait3A_554, %dma_wait3A_555] : memref<4096x200x128xf32, #tpu.memory_space<hbm>> -> memref<1x200x64xf32, #tpu.memory_space<hbm>>
    %dma_wait3A_557 = tpu.memref_squeeze %dma_wait3A_556 : memref<1x200x64xf32, #tpu.memory_space<hbm>> -> memref<200x64xf32, #tpu.memory_space<hbm>>
    %dma_wait3A_558 = tpu.memref_slice %arg10[%dma_wait3A_549] : memref<4x!tpu.dma_semaphore, #tpu.memory_space<semaphore_mem>> -> memref<1x!tpu.dma_semaphore, #tpu.memory_space<semaphore_mem>>
    %dma_wait3A_559 = tpu.memref_squeeze %dma_wait3A_558 : memref<1x!tpu.dma_semaphore, #tpu.memory_space<semaphore_mem>> -> memref<!tpu.dma_semaphore, #tpu.memory_space<semaphore_mem>>
    %dma_wait3A_560 = arith.constant 0 : i32
    %dma_wait3A_561 = arith.constant 0 : i32
    %dma_wait3A_562 = tpu.memref_slice %arg5[%add3A_547, %dma_wait3A_560, %dma_wait3A_561] : memref<4096x200x128xf32, #tpu.memory_space<hbm>> -> memref<1x200x64xf32, #tpu.memory_space<hbm>>
    %dma_wait3A_563 = tpu.memref_squeeze %dma_wait3A_562 : memref<1x200x64xf32, #tpu.memory_space<hbm>> -> memref<200x64xf32, #tpu.memory_space<hbm>>
    %dma_wait3A_564 = arith.constant 0 : i32
    %dma_wait3A_565 = arith.constant 0 : i32
    %dma_wait3A_566 = tpu.memref_slice %arg8[%dma_wait3A_548, %dma_wait3A_564, %dma_wait3A_565] : memref<4x200x64xf32, #tpu.memory_space<vmem>> -> memref<1x200x64xf32, #tpu.memory_space<vmem>>
    %dma_wait3A_567 = tpu.memref_squeeze %dma_wait3A_566 : memref<1x200x64xf32, #tpu.memory_space<vmem>> -> memref<200x64xf32, #tpu.memory_space<vmem>>
    tpu.wait_dma2 semaphore(%dma_wait3A_559 : memref<!tpu.dma_semaphore, #tpu.memory_space<semaphore_mem>>) src(%dma_wait3A_567 : memref<200x64xf32, #tpu.memory_space<vmem>>) dst(%dma_wait3A_563 : memref<200x64xf32, #tpu.memory_space<hbm>>)
    %add3A_568 = arith.constant 125 : i32
    %add3A_569 = arith.addi %mul3A_2, %add3A_568 : i32
    %dma_wait3A_570 = arith.constant 1 : i32
    %dma_wait3A_571 = arith.constant 1 : i32
    %dma_wait3A_572 = arith.constant 0 : i32
    %dma_wait3A_573 = arith.constant 0 : i32
    %dma_wait3A_574 = tpu.memref_slice %arg8[%dma_wait3A_570, %dma_wait3A_572, %dma_wait3A_573] : memref<4x200x64xf32, #tpu.memory_space<vmem>> -> memref<1x200x64xf32, #tpu.memory_space<vmem>>
    %dma_wait3A_575 = tpu.memref_squeeze %dma_wait3A_574 : memref<1x200x64xf32, #tpu.memory_space<vmem>> -> memref<200x64xf32, #tpu.memory_space<vmem>>
    %dma_wait3A_576 = arith.constant 0 : i32
    %dma_wait3A_577 = arith.constant 0 : i32
    %dma_wait3A_578 = tpu.memref_slice %arg5[%add3A_569, %dma_wait3A_576, %dma_wait3A_577] : memref<4096x200x128xf32, #tpu.memory_space<hbm>> -> memref<1x200x64xf32, #tpu.memory_space<hbm>>
    %dma_wait3A_579 = tpu.memref_squeeze %dma_wait3A_578 : memref<1x200x64xf32, #tpu.memory_space<hbm>> -> memref<200x64xf32, #tpu.memory_space<hbm>>
    %dma_wait3A_580 = tpu.memref_slice %arg10[%dma_wait3A_571] : memref<4x!tpu.dma_semaphore, #tpu.memory_space<semaphore_mem>> -> memref<1x!tpu.dma_semaphore, #tpu.memory_space<semaphore_mem>>
    %dma_wait3A_581 = tpu.memref_squeeze %dma_wait3A_580 : memref<1x!tpu.dma_semaphore, #tpu.memory_space<semaphore_mem>> -> memref<!tpu.dma_semaphore, #tpu.memory_space<semaphore_mem>>
    %dma_wait3A_582 = arith.constant 0 : i32
    %dma_wait3A_583 = arith.constant 0 : i32
    %dma_wait3A_584 = tpu.memref_slice %arg5[%add3A_569, %dma_wait3A_582, %dma_wait3A_583] : memref<4096x200x128xf32, #tpu.memory_space<hbm>> -> memref<1x200x64xf32, #tpu.memory_space<hbm>>
    %dma_wait3A_585 = tpu.memref_squeeze %dma_wait3A_584 : memref<1x200x64xf32, #tpu.memory_space<hbm>> -> memref<200x64xf32, #tpu.memory_space<hbm>>
    %dma_wait3A_586 = arith.constant 0 : i32
    %dma_wait3A_587 = arith.constant 0 : i32
    %dma_wait3A_588 = tpu.memref_slice %arg8[%dma_wait3A_570, %dma_wait3A_586, %dma_wait3A_587] : memref<4x200x64xf32, #tpu.memory_space<vmem>> -> memref<1x200x64xf32, #tpu.memory_space<vmem>>
    %dma_wait3A_589 = tpu.memref_squeeze %dma_wait3A_588 : memref<1x200x64xf32, #tpu.memory_space<vmem>> -> memref<200x64xf32, #tpu.memory_space<vmem>>
    tpu.wait_dma2 semaphore(%dma_wait3A_581 : memref<!tpu.dma_semaphore, #tpu.memory_space<semaphore_mem>>) src(%dma_wait3A_589 : memref<200x64xf32, #tpu.memory_space<vmem>>) dst(%dma_wait3A_585 : memref<200x64xf32, #tpu.memory_space<hbm>>)
    %add3A_590 = arith.constant 126 : i32
    %add3A_591 = arith.addi %mul3A_2, %add3A_590 : i32
    %dma_wait3A_592 = arith.constant 2 : i32
    %dma_wait3A_593 = arith.constant 2 : i32
    %dma_wait3A_594 = arith.constant 0 : i32
    %dma_wait3A_595 = arith.constant 0 : i32
    %dma_wait3A_596 = tpu.memref_slice %arg8[%dma_wait3A_592, %dma_wait3A_594, %dma_wait3A_595] : memref<4x200x64xf32, #tpu.memory_space<vmem>> -> memref<1x200x64xf32, #tpu.memory_space<vmem>>
    %dma_wait3A_597 = tpu.memref_squeeze %dma_wait3A_596 : memref<1x200x64xf32, #tpu.memory_space<vmem>> -> memref<200x64xf32, #tpu.memory_space<vmem>>
    %dma_wait3A_598 = arith.constant 0 : i32
    %dma_wait3A_599 = arith.constant 0 : i32
    %dma_wait3A_600 = tpu.memref_slice %arg5[%add3A_591, %dma_wait3A_598, %dma_wait3A_599] : memref<4096x200x128xf32, #tpu.memory_space<hbm>> -> memref<1x200x64xf32, #tpu.memory_space<hbm>>
    %dma_wait3A_601 = tpu.memref_squeeze %dma_wait3A_600 : memref<1x200x64xf32, #tpu.memory_space<hbm>> -> memref<200x64xf32, #tpu.memory_space<hbm>>
    %dma_wait3A_602 = tpu.memref_slice %arg10[%dma_wait3A_593] : memref<4x!tpu.dma_semaphore, #tpu.memory_space<semaphore_mem>> -> memref<1x!tpu.dma_semaphore, #tpu.memory_space<semaphore_mem>>
    %dma_wait3A_603 = tpu.memref_squeeze %dma_wait3A_602 : memref<1x!tpu.dma_semaphore, #tpu.memory_space<semaphore_mem>> -> memref<!tpu.dma_semaphore, #tpu.memory_space<semaphore_mem>>
    %dma_wait3A_604 = arith.constant 0 : i32
    %dma_wait3A_605 = arith.constant 0 : i32
    %dma_wait3A_606 = tpu.memref_slice %arg5[%add3A_591, %dma_wait3A_604, %dma_wait3A_605] : memref<4096x200x128xf32, #tpu.memory_space<hbm>> -> memref<1x200x64xf32, #tpu.memory_space<hbm>>
    %dma_wait3A_607 = tpu.memref_squeeze %dma_wait3A_606 : memref<1x200x64xf32, #tpu.memory_space<hbm>> -> memref<200x64xf32, #tpu.memory_space<hbm>>
    %dma_wait3A_608 = arith.constant 0 : i32
    %dma_wait3A_609 = arith.constant 0 : i32
    %dma_wait3A_610 = tpu.memref_slice %arg8[%dma_wait3A_592, %dma_wait3A_608, %dma_wait3A_609] : memref<4x200x64xf32, #tpu.memory_space<vmem>> -> memref<1x200x64xf32, #tpu.memory_space<vmem>>
    %dma_wait3A_611 = tpu.memref_squeeze %dma_wait3A_610 : memref<1x200x64xf32, #tpu.memory_space<vmem>> -> memref<200x64xf32, #tpu.memory_space<vmem>>
    tpu.wait_dma2 semaphore(%dma_wait3A_603 : memref<!tpu.dma_semaphore, #tpu.memory_space<semaphore_mem>>) src(%dma_wait3A_611 : memref<200x64xf32, #tpu.memory_space<vmem>>) dst(%dma_wait3A_607 : memref<200x64xf32, #tpu.memory_space<hbm>>)
    %add3A_612 = arith.constant 127 : i32
    %add3A_613 = arith.addi %mul3A_2, %add3A_612 : i32
    %dma_wait3A_614 = arith.constant 3 : i32
    %dma_wait3A_615 = arith.constant 3 : i32
    %dma_wait3A_616 = arith.constant 0 : i32
    %dma_wait3A_617 = arith.constant 0 : i32
    %dma_wait3A_618 = tpu.memref_slice %arg8[%dma_wait3A_614, %dma_wait3A_616, %dma_wait3A_617] : memref<4x200x64xf32, #tpu.memory_space<vmem>> -> memref<1x200x64xf32, #tpu.memory_space<vmem>>
    %dma_wait3A_619 = tpu.memref_squeeze %dma_wait3A_618 : memref<1x200x64xf32, #tpu.memory_space<vmem>> -> memref<200x64xf32, #tpu.memory_space<vmem>>
    %dma_wait3A_620 = arith.constant 0 : i32
    %dma_wait3A_621 = arith.constant 0 : i32
    %dma_wait3A_622 = tpu.memref_slice %arg5[%add3A_613, %dma_wait3A_620, %dma_wait3A_621] : memref<4096x200x128xf32, #tpu.memory_space<hbm>> -> memref<1x200x64xf32, #tpu.memory_space<hbm>>
    %dma_wait3A_623 = tpu.memref_squeeze %dma_wait3A_622 : memref<1x200x64xf32, #tpu.memory_space<hbm>> -> memref<200x64xf32, #tpu.memory_space<hbm>>
    %dma_wait3A_624 = tpu.memref_slice %arg10[%dma_wait3A_615] : memref<4x!tpu.dma_semaphore, #tpu.memory_space<semaphore_mem>> -> memref<1x!tpu.dma_semaphore, #tpu.memory_space<semaphore_mem>>
    %dma_wait3A_625 = tpu.memref_squeeze %dma_wait3A_624 : memref<1x!tpu.dma_semaphore, #tpu.memory_space<semaphore_mem>> -> memref<!tpu.dma_semaphore, #tpu.memory_space<semaphore_mem>>
    %dma_wait3A_626 = arith.constant 0 : i32
    %dma_wait3A_627 = arith.constant 0 : i32
    %dma_wait3A_628 = tpu.memref_slice %arg5[%add3A_613, %dma_wait3A_626, %dma_wait3A_627] : memref<4096x200x128xf32, #tpu.memory_space<hbm>> -> memref<1x200x64xf32, #tpu.memory_space<hbm>>
    %dma_wait3A_629 = tpu.memref_squeeze %dma_wait3A_628 : memref<1x200x64xf32, #tpu.memory_space<hbm>> -> memref<200x64xf32, #tpu.memory_space<hbm>>
    %dma_wait3A_630 = arith.constant 0 : i32
    %dma_wait3A_631 = arith.constant 0 : i32
    %dma_wait3A_632 = tpu.memref_slice %arg8[%dma_wait3A_614, %dma_wait3A_630, %dma_wait3A_631] : memref<4x200x64xf32, #tpu.memory_space<vmem>> -> memref<1x200x64xf32, #tpu.memory_space<vmem>>
    %dma_wait3A_633 = tpu.memref_squeeze %dma_wait3A_632 : memref<1x200x64xf32, #tpu.memory_space<vmem>> -> memref<200x64xf32, #tpu.memory_space<vmem>>
    tpu.wait_dma2 semaphore(%dma_wait3A_625 : memref<!tpu.dma_semaphore, #tpu.memory_space<semaphore_mem>>) src(%dma_wait3A_633 : memref<200x64xf32, #tpu.memory_space<vmem>>) dst(%dma_wait3A_629 : memref<200x64xf32, #tpu.memory_space<hbm>>)
    return
  }
}

</mosaic_0001>

<sc_bundles>
// kernel: kernel.3.cloned.1.call-start
scs
__scs_entry_jumppad:
0x0: {  	(pc) =	sbr.rel $0x88, $3  }
0x1: {  	(tag) =	ssettag $0x0;
	lr =	simm.s32 $0x1  }
0x2: {  	[smem:$0x3F9E] =	sst lr;
	_ =	strace $0xD0000000  }
0x3: {  	_ = 	snop  }
0x4: {  	_ = 	snop  }
0x5: {  	_ = 	snop  }
0x6: {  	_ = 	snop  }
0x7: {  	_ = 	snop  }
__scs_overlays_trampoline_lowered:
0x8: {  	[smem:$0x3FAD] =	sst s0  }
0x9: {  	[smem:$0x3FAE] =	sst s1  }
0xa: {  	[smem:$0x3FAF] =	sst s2  }
0xb: {  	[smem:$0x3FB0] =	sst s3  }
0xc: {  	[smem:$0x3FB1] =	sst s4  }
0xd: {  	[smem:$0x3FB2] =	sst s5  }
0xe: {  	[smem:$0x3FB3] =	sst s6  }
0xf: {  	[smem:$0x3FB4] =	sst s7  }
0x10: {  	[smem:$0x3FB5] =	sst s8  }
0x11: {  	[smem:$0x3FB6] =	sst s9;
	s0 =	simm.s32 @!p0 $0x0  }
0x12: {  	s1 =	sld [smem:$0x3F9C];
	s0 =	simm.s32 @p0 $0x1  }
0x13: {  	[smem:$0x3FB7] =	sst s0;
	s0 =	simm.s32 @!p1 $0x0  }
0x14: {  	s2 =	sld [smem:$0x3F9B];
	s0 =	simm.s32 @p1 $0x1  }
0x15: {  	[smem:$0x3FB8] =	sst s0;
	s0 =	simm.s32 @!p2 $0x0  }
0x16: {  	s3 =	sld [smem:$0x3FDB];
	s0 =	simm.s32 @p2 $0x1  }
0x17: {  	s4 =	simm.s32 $0x1BF5;
	[smem:$0x3FBA] =	sst s0  }
0x18: {  	s0 =	sld [smem:$0x3F9D];
	_ =	swait.ge [sflag:s4], $0x0  }
0x19: {  	s7 =	sld [smem:$0x3F9E]  }
0x1a: {  	s8 =	sadd.s32 $0xFFFFE003, lr  }
0x1b: {  	s9 =	sadd.s32 $0xFFFFFEF7, lr;
	s5 =	simm.s32 $0xFFFFFFFF;
	p2 =	slt.u32 s8, $0xFFFFF086  }
0x1c: {  	p1 =	slt.u32 s9, $0xF7A;
	s5 =	simm.s32 @!p2 $0x0  }
0x1d: {  	s5 =	simm.s32 @p1 $0x1;
	p0 =	seq.s32 s7, s2  }
0x1e: {  	s7 =	smul.u32 @!p0 $0xF7A, s2;
	p2 =	seq.s32 @!p0 s5, $0x0  }
0x1f: {  	s9 =	smul.u32 $0xF7A, s1;
	s8 =	simm.s32 @!p0 $0x1BF5;
	p2 =	por !p2, p0  }
0x20: {  	[sflag:s8] =	ssyncset.s32 @!p0 $0xFFFFF086;
	s6 =	sadd.s32 @!p0 s3, s7;
	s7 =	simm.s32 @!p0 $0x108  }
0x21: {  	s3 =	sadd.s32 s3, s9;
	s6 =	sadd.s32 @!p0 $0x88, s6;
	s7 =	simm.s32 @p2 $0x1082  }
0x22: {  	[simem:s7], [sflag:s8] =	dma.local @!p0 [hbm:s6], $0xF7A  }
0x23: {  	s9 =	sor.u32 $0xD0000000, s2;
	s6 =	simm.s32 $0x108;
	_ =	swait.ge @!p0 [sflag:s8], $0x0  }
0x24: {  	s3 =	sadd.s32 $0x88, s3;
	s6 =	simm.s32 @!p1 $0x1082;
	[sflag:s4] =	ssyncset.s32 $0xFFFFF086  }
0x25: {  	[simem:s6], [sflag:s4] =	dma.local [hbm:s3], $0xF7A  }
0x26: {  	[smem:$0x3F9E] =	sst s1;
	(tag) =	ssettag s2;
	_ =	strace s9  }
0x27: {  	s1 =	sld [smem:$0x3FAE]  }
0x28: {  	s2 =	sld [smem:$0x3FAF]  }
0x29: {  	s4 =	sld [smem:$0x3FB1]  }
0x2a: {  	p0 =	seq.s32 s5, $0x0;
	s5 =	sld [smem:$0x3FB2]  }
0x2b: {  	s6 =	sld [smem:$0x3FB3]  }
0x2c: {  	s7 =	sld [smem:$0x3FB4]  }
0x2d: {  	s3 =	simm.s32 $0x108;
	s8 =	sld [smem:$0x3FB5]  }
0x2e: {  	s3 =	simm.s32 @!p0 $0x1082;
	s9 =	sld [smem:$0x3FB6]  }
0x2f: {  	lr =	sadd.s32 s0, s3;
	s0 =	sld [smem:$0x3FAD]  }
0x30: {  	s3 =	sld [smem:$0x3FB0]  }
0x31: {  	[smem:$0x3FB9] =	sst s10  }
0x32: {  	s10 =	sld [smem:$0x3FB7];
	_ =	sdelay $0x3  }
0x33: {  	p0 =	seq.s32 s10, $0x1;
	s10 =	sld [smem:$0x3FB9];
	_ =	sdelay $0x3  }
0x34: {  	[smem:$0x3FB9] =	sst s10  }
0x35: {  	s10 =	sld [smem:$0x3FB8];
	_ =	sdelay $0x3  }
0x36: {  	p1 =	seq.s32 s10, $0x1;
	s10 =	sld [smem:$0x3FB9];
	_ =	sdelay $0x3  }
0x37: {  	[smem:$0x3FB9] =	sst s10  }
0x38: {  	s10 =	sld [smem:$0x3FBA]  }
0x39: {  	_ = 	snop;
	(pc) =	sbr.ind lr, $3  }
0x3a: {  	_ = 	snop  }
0x3b: {  	_ = 	snop  }
0x3c: {  	p2 =	seq.s32 s10, $0x1;
	s10 =	sld [smem:$0x3FB9]  }
0x3d: {  	_ =	shalt  }
0x3e: {  	_ =	shalt  }
0x3f: {  	_ =	shalt  }
0x40: {  	_ =	shalt  }
0x41: {  	_ =	shalt  }
0x42: {  	_ =	shalt  }
0x43: {  	_ =	shalt  }
0x44: {  	_ =	shalt  }
0x45: {  	_ =	shalt  }
0x46: {  	_ =	shalt  }
0x47: {  	_ =	shalt  }
0x48: {  	_ =	shalt  }
0x49: {  	_ =	shalt  }
0x4a: {  	_ =	shalt  }
0x4b: {  	_ =	shalt  }
0x4c: {  	_ =	shalt  }
0x4d: {  	_ =	shalt  }
0x4e: {  	_ =	shalt  }
0x4f: {  	_ =	shalt  }
0x50: {  	_ =	shalt  }
0x51: {  	_ =	shalt  }
0x52: {  	_ =	shalt  }
0x53: {  	_ =	shalt  }
0x54: {  	_ =	shalt  }
0x55: {  	_ =	shalt  }
0x56: {  	_ =	shalt  }
0x57: {  	_ =	shalt  }
0x58: {  	_ =	shalt  }
0x59: {  	_ =	shalt  }
0x5a: {  	_ =	shalt  }
0x5b: {  	_ =	shalt  }
0x5c: {  	_ =	shalt  }
0x5d: {  	_ =	shalt  }
0x5e: {  	_ =	shalt  }
0x5f: {  	_ =	shalt  }
0x60: {  	_ =	shalt  }
0x61: {  	_ =	shalt  }
0x62: {  	_ =	shalt  }
0x63: {  	_ =	shalt  }
0x64: {  	_ =	shalt  }
0x65: {  	_ =	shalt  }
0x66: {  	_ =	shalt  }
0x67: {  	_ =	shalt  }
0x68: {  	_ =	shalt  }
0x69: {  	_ =	shalt  }
0x6a: {  	_ =	shalt  }
0x6b: {  	_ =	shalt  }
0x6c: {  	_ =	shalt  }
0x6d: {  	_ =	shalt  }
0x6e: {  	_ =	shalt  }
0x6f: {  	_ =	shalt  }
0x70: {  	_ =	shalt  }
0x71: {  	_ =	shalt  }
0x72: {  	_ =	shalt  }
0x73: {  	_ =	shalt  }
0x74: {  	_ =	shalt  }
0x75: {  	_ =	shalt  }
0x76: {  	_ =	shalt  }
0x77: {  	_ =	shalt  }
0x78: {  	_ =	shalt  }
0x79: {  	_ =	shalt  }
0x7a: {  	_ =	shalt  }
0x7b: {  	_ =	shalt  }
0x7c: {  	_ =	shalt  }
0x7d: {  	_ =	shalt  }
0x7e: {  	_ =	shalt  }
0x7f: {  	_ =	shalt  }
0x80: {  	_ =	shalt  }
0x81: {  	_ =	shalt  }
0x82: {  	_ =	shalt  }
0x83: {  	_ =	shalt  }
0x84: {  	_ =	shalt  }
0x85: {  	_ =	shalt  }
0x86: {  	_ =	shalt  }
0x87: {  	_ =	shalt  }
.Lfunc_end0:
.L_simem_size_0:
called_computation.1_lowered:
.L_overlay_start_0:
0x88: {  	s2 =	sld [smem:$0x3FD9]  }
0x89: {  	s3 =	sld [smem:$0x3FFE];
	_ =	sdelay $0x1  }
0x8a: {  	s1 =	srdreg.scid  }
0x8b: {  	s0 =	sand.u32 $0x1, s1  }
0x8c: {  	s17 =	sshll.u32 s0, $0xA;
	s2 =	sadd.s32 s3, s2  }
0x8d: {  	s2 =	sadd.s32 s2, s17  }
0x8e: {  	[smem:$0x3FC5] =	sst s2  }
0x8f: {  	_ = 	snop  }
0x90: {  	s2 =	sld [smem:$0x3FD0];
	(tm) =	ssettm $0x1  }
0x91: {  	s18 =	sld [smem:$0x3FFB];
	_ =	sdelay $0x3  }
0x92: {  	_ =	strace s18  }
0x93: {  	s3 =	sld [smem:$0x3FFC];
	_ =	sdelay $0x3  }
0x94: {  	_ =	strace s3  }
0x95: {  	s3 =	sld [smem:$0x3FFD];
	_ =	sdelay $0x3  }
0x96: {  	_ =	strace s3  }
0x97: {  	_ =	strace $0x8FFFFFFF  }
0x98: {  	s19 =	sld [smem:$0x3FDB];
	_ =	sdelay $0x1  }
0x99: {  	s4 =	simm.s32 $_scs_section_size  }
0x9a: {  	s5 =	simm.s32 $_size__tile_overlayer_lowered;
	s6 =	simm.s32 $_tile_overlayer_lowered  }
0x9b: {  	s22 =	simm.s32 $0x1BFF;
	s21 =	sshll.u32 s6, $0x1;
	s3 =	sadd.s32 s4, s19  }
0x9c: {  	s7 =	simm.s32 $0x0;
	s20 =	sshll.u32 s5, $0x1;
	s5 =	sadd.s32 s21, s3  }
0x9d: {  	[timem:s7], [sflag:s22] =	dma.local [hbm:s5], s20  }
0x9e: {  	_ =	swait.ge [sflag:s22], s20  }
0x9f: {  	s4 =	ssub.s32 $0x0, s20;
	[sflag:s22] =	ssyncset.done $0x0  }
0xa0: {  	[sflag:s22] =	ssyncadd.s32 s4;
	_ =	sdelay $0x1  }
0xa1: {  	s23 =	simm.s32 $0x1B8B  }
0xa2: {  	_ =	swait.ge [sflag:s23], $0x1  }
0xa3: {  	[sflag:s23] =	ssyncset.done $0x0  }
0xa4: {  	s25 =	simm.s32 $0x1B8E;
	s24 =	sld [smem:$0x3FFE];
	[sflag:s23] =	ssyncadd.s32 $0xFFFFFFFF  }
0xa5: {  	s26 =	simm.s32 $execute0_lowered;
	[smem:$0x3FD2] =	sst s25  }
0xa6: {  	s5 =	sshll.u32 s26, $0x1;
	_ =	strace $0x80000046;
	[dreg:$0x1] =	wrdreg $0xFFFFFFFF  }
0xa7: {  	s28 =	simm.s32 $_size_execute0_lowered;
	s3 =	sadd.s32 s3, s5;
	[dreg:$0x0] =	wrdreg $0x0  }
0xa8: {  	s5 =	sshll.u32 s28, $0x1;
	[dreg:$0x2] =	wrdreg s3  }
0xa9: {  	[dreg:$0x3] =	wrdreg s5  }
0xaa: {  	[dreg:$0x4] =	wrdreg $0xC0  }
0xab: {  	_ =	task [dreg:s7], $0x5FFFF  }
0xac: {  	[dreg:$0x1] =	wrdreg $0xFFFFFFFF  }
0xad: {  	[dreg:$0x0] =	wrdreg $0x60  }
0xae: {  	[dreg:$0x2] =	wrdreg s24  }
0xaf: {  	[dreg:$0x3] =	wrdreg s2  }
0xb0: {  	[dreg:$0x4] =	wrdreg $0x9  }
0xb1: {  	_ =	task.clear_ibuf [dreg:s7], $0x5FFFF;
	_ =	strace $0x90000046  }
0xb2: {  	s29 =	simm.s32 $0x9;
	_ =	strace $0x80000048  }
0xb3: {  	_ =	swait.ge [sflag:s29], $0x1  }
0xb4: {  	[sflag:s29] =	ssyncadd.s32 $0xFFFFFFFF  }
0xb5: {  	_ =	strace $0x90000048  }
0xb6: {  	_ =	sfence  }
0xb7: {  	s30 =	sld [smem:$0x0];
	_ =	sdelay $0x2  }
0xb8: {  	s31 =	sshll.u32 s1, $0xD;
	s1 =	sshrl.u32 s1, $0x2  }
0xb9: {  	s3 =	sand.u32 $0x4000, s31;
	s1 =	sadd.s32 s1, s30  }
0xba: {  	s0 =	sor.u32 s3, s0;
	s1 =	sshll.u32 s1, $0x11  }
0xbb: {  	s0 =	sor.u32 s1, s0  }
0xbc: {  	s0 =	sadd.s32 $0x8F2B, s0  }
0xbd: {  	[sflag:s0] =	ssyncadd.remote.s32 $0x1  }
0xbe: {  	_ =	sfence.sel $0xFFFF  }
0xbf: {  	[dreg:$0x0] =	wrdreg $0xFFFFFFFF;
	(pc) =	sbr.abs _section_cstart, $3  }
0xc0: {  	[dreg:$0x1] =	wrdreg $0xFFFFFFFF  }
0xc1: {  	_ =	task.clear_ibuf [dreg:s7], $0x2FFFF;
	_ =	strace $0x9FFFFFFF  }
0xc2: {  	(tm) =	ssettm $0x7FFFFFFF  }
0xc3: {  	_ =	shalt  }
tec
execute0_lowered:
.L_overlay_start_1:
0x0: {  	(tag) =	ssettag $0x1  }
0x1: {  	s0 =	rddreg [dreg:$0x0]  }
0x2: {  	s1 =	rddreg [dreg:$0x1];
	s3 =	srdreg.scid;
	s2 =	simm.s32 $0x0  }
0x3: {  	s4 =	stileid.u32;
	s14 =	simm.s32 $0x1;
	s15 =	simm.s32 $0x5  }
0x4: {  	s16 =	simm.s32 $0x68;
	s17 =	simm.s32 $0x9600;
	s18 =	simm.s32 $0x60  }
0x5: {  	s10 =	simm.s32 $0xB000;
	s28 =	simm.s32 $0x11400;
	s29 =	simm.s32 $0x40  }
0x6: {  	s30 =	simm.s32 $0x80;
	s13 =	simm.s32 $0x14600;
	s20 =	simm.s32 $0x2  }
0x7: {  	s31 =	simm.s32 $0x6;
	s19 =	simm.s32 $0x0;
	s5 =	sand.u32 $0x1, s3  }
0x8: {  	[smem:$0x7FF] =	sst s2;
	s21 =	sshll.u32 s4, $0x8;
	s22 =	sshll.u32 s5, $0x7  }
0x9: {  	s4 =	sadd.s32 $0xF43000, s0;
	s6 =	ssub.s32 $0x2, s5;
	s3 =	sor.u32 s22, s21  }
0xa: {  	s5 =	sadd.s32 $0x1C00, s0;
	s8 =	sshrl.u32 s6, $0x1;
	s7 =	smul.u32 $0xC80, s3  }
0xb: {  	s0 =	sadd.s32 $0xC00, s0;
	s9 =	smul.u32 $0x19, s3;
	s23 =	ssub.s32 s6, s8  }
0xc: {  	_ =	strace $0x80000047;
	[dreg:$0x3] =	wrdreg s0;
	s0 =	smax.u32 s23, $0x1  }
0xd: {  	s7 =	sadd.s32 s5, s7;
	s1 =	sadd.s32 s1, s9;
	[dreg:$0x8] =	wrdreg s0  }
.Ltmp0:
0xe: {  	[dreg:$0x4] =	wrdreg s1;
	s24 =	sadd.s32 $0xC80, s7;
	(pc) =	sbr.rel .LBB2_1-.Ltmp0, $4  }
0xf: {  	s21 =	simm.s32 $0xC800;
	s25 =	sadd.s32 $0x1900, s7;
	[dreg:$0x5] =	wrdreg s24  }
0x10: {  	s22 =	simm.s32 $0x8;
	s26 =	sadd.s32 $0x2580, s7;
	[dreg:$0x6] =	wrdreg s25  }
0x11: {  	s0 =	simm.s32 $0x12C00;
	s1 =	simm.s32 $0x7;
	[dreg:$0x7] =	wrdreg s26  }
0x12: {  	s25 =	simm.s32 $0xFA00;
	s26 =	simm.s32 $0x3;
	s24 =	simm.s32 $0x4  }
.LBB2_20:
0x13: {  	_ =	swait.ge [sflag:s15], $0x3200  }
0x14: {  	[sflag:s15] =	ssyncset.done $0x0  }
0x15: {  	[sflag:s15] =	ssyncadd.s32 $0xFFFFCE00  }
0x16: {  	_ =	swait.ge [sflag:s31], $0x3200  }
0x17: {  	[sflag:s31] =	ssyncset.done $0x0  }
0x18: {  	[sflag:s31] =	ssyncadd.s32 $0xFFFFCE00  }
0x19: {  	_ =	swait.ge [sflag:s1], $0x3200  }
0x1a: {  	[sflag:s1] =	ssyncset.done $0x0  }
0x1b: {  	[sflag:s1] =	ssyncadd.s32 $0xFFFFCE00  }
0x1c: {  	_ =	swait.ge [sflag:s22], $0x3200  }
0x1d: {  	s19 =	sadd.s32 $0x1, s19;
	s6 =	rddreg [dreg:$0x8]  }
0x1e: {  	p0 =	sne.s32 s19, s6  }
.Ltmp1:
0x1f: {  	_ = 	snop;
	(pc) =	sbr.rel @!p0 .LBB2_21-.Ltmp1, $3  }
0x20: {  	_ =	sdelay $0x1  }
0x21: {  	[sflag:s22] =	ssyncset.done $0x0  }
0x22: {  	s10 =	simm.s32 $0xB000;
	[sflag:s22] =	ssyncadd.s32 $0xFFFFCE00  }
.LBB2_1:
0x23: {  	s6 =	rddreg [dreg:$0x4]  }
0x24: {  	[tilespmem:s2], [sflag:$0x1] =	stream.linear.gather [hbm4b:s6+s2], $0x6400, $0x38;
	[tilespmem:$0x15E00] =	vst v63  }
0x25: {  	s23 =	rddreg [dreg:$0x3];
	s8 =	simm.s32 $0x6400  }
0x26: {  	[tilespmem:s8], [sflag:$0x5] =	stream.linear.gather [hbm4b:s23+s2], $0x3200, $0x38;
	[tilespmem:$0x15E00] =	vst v63  }
0x27: {  	_ =	swait.ge [sflag:s14], $0x6400  }
0x28: {  	[sflag:s14] =	ssyncset.done $0x0  }
0x29: {  	[sflag:s14] =	ssyncadd.s32 $0xFFFF9C00  }
0x2a: {  	_ =	swait.ge [sflag:s15], $0x3200  }
0x2b: {  	[sflag:s15] =	ssyncset.done $0x0  }
0x2c: {  	[sflag:s15] =	ssyncadd.s32 $0xFFFFCE00  }
0x2d: {  	[tilespmem:s17], [sflag:$0x1] =	stream.indirect.gather [hbm4b:s4+s16], $0x40, s2, s16, $0xb8;
	[tilespmem:$0x15E00] =	vst v63  }
0x2e: {  	_ = 	snop  }
0x2f: {  	[tilespmem:s10], [sflag:$0x1] =	stream.indirect.gather [hbm4b:s4+s18], $0x40, s16, s18, $0xb8;
	[tilespmem:$0x15E00] =	vst v63  }
0x30: {  	s8 =	simm.s32 $0xC8  }
0x31: {  	[tilespmem:s21], [sflag:$0x2] =	stream.indirect.gather [hbm4b:s4+s16], $0x40, s8, s16, $0xb8;
	[tilespmem:$0x15E00] =	vst v63  }
0x32: {  	s9 =	simm.s32 $0x130;
	s11 =	simm.s32 $0xE200  }
0x33: {  	[tilespmem:s11], [sflag:$0x2] =	stream.indirect.gather [hbm4b:s4+s18], $0x40, s9, s18, $0xb8;
	[tilespmem:$0x15E00] =	vst v63  }
0x34: {  	s12 =	simm.s32 $0x190  }
0x35: {  	[tilespmem:s25], [sflag:$0x3] =	stream.indirect.gather [hbm4b:s4+s16], $0x40, s12, s16, $0xb8;
	[tilespmem:$0x15E00] =	vst v63  }
0x36: {  	s23 =	simm.s32 $0x1F8  }
0x37: {  	[tilespmem:s28], [sflag:$0x3] =	stream.indirect.gather [hbm4b:s4+s18], $0x40, s23, s18, $0xb8;
	[tilespmem:$0x15E00] =	vst v63  }
0x38: {  	_ =	swait.ge [sflag:s14], $0x1A00  }
0x39: {  	[sflag:s14] =	ssyncset.done $0x0  }
0x3a: {  	[sflag:s14] =	ssyncadd.s32 $0xFFFFE600  }
0x3b: {  	_ =	swait.ge [sflag:s14], $0x1800  }
0x3c: {  	[sflag:s14] =	ssyncset.done $0x0  }
0x3d: {  	s6 =	simm.s32 $0x0;
	[sflag:s14] =	ssyncadd.s32 $0xFFFFE800  }
0x3e: {  	v0 =	vld [tilespmem:s6+$0x64F0]  }
0x3f: {  	v1 =	vld [tilespmem:s6+$0x6400]  }
0x40: {  	v2 =	vld [tilespmem:s6+$0x6410]  }
0x41: {  	v3 =	vld [tilespmem:s6+$0x6420]  }
0x42: {  	v4 =	vld [tilespmem:s6+$0x6430]  }
0x43: {  	v5 =	vld [tilespmem:s6+$0x6440]  }
0x44: {  	v6 =	vld [tilespmem:s6+$0x6450]  }
0x45: {  	v7 =	vld [tilespmem:s6+$0x6460]  }
0x46: {  	v8 =	vld [tilespmem:s6+$0x6470]  }
0x47: {  	v9 =	vld [tilespmem:s6+$0x6480]  }
0x48: {  	v10 =	vld [tilespmem:s6+$0x6490]  }
0x49: {  	v11 =	vld [tilespmem:s6+$0x64A0]  }
0x4a: {  	v12 =	vld [tilespmem:s6+$0x64B0]  }
0x4b: {  	v13 =	vld [tilespmem:s6+$0x64C0]  }
0x4c: {  	v14 =	vld [tilespmem:s6+$0x64D0]  }
0x4d: {  	[tilespmem:s6+$0x96F0] =	vst.add.f32.msk $0xffff, v0  }
0x4e: {  	v0 =	vld [tilespmem:s6+$0x64E0]  }
0x4f: {  	[tilespmem:s6+$0x9600] =	vst.add.f32.msk $0xffff, v1  }
0x50: {  	[tilespmem:s6+$0x9610] =	vst.add.f32.msk $0xffff, v2  }
0x51: {  	[tilespmem:s6+$0x9620] =	vst.add.f32.msk $0xffff, v3  }
0x52: {  	[tilespmem:s6+$0x9630] =	vst.add.f32.msk $0xffff, v4  }
0x53: {  	[tilespmem:s6+$0x9640] =	vst.add.f32.msk $0xffff, v5  }
0x54: {  	[tilespmem:s6+$0x9650] =	vst.add.f32.msk $0xffff, v6  }
0x55: {  	[tilespmem:s6+$0x9660] =	vst.add.f32.msk $0xffff, v7  }
0x56: {  	[tilespmem:s6+$0x9670] =	vst.add.f32.msk $0xffff, v8  }
0x57: {  	[tilespmem:s6+$0x9680] =	vst.add.f32.msk $0xffff, v9  }
0x58: {  	[tilespmem:s6+$0x9690] =	vst.add.f32.msk $0xffff, v10  }
0x59: {  	[tilespmem:s6+$0x96A0] =	vst.add.f32.msk $0xffff, v11  }
0x5a: {  	[tilespmem:s6+$0x96B0] =	vst.add.f32.msk $0xffff, v12  }
0x5b: {  	[tilespmem:s6+$0x96C0] =	vst.add.f32.msk $0xffff, v13  }
0x5c: {  	s8 =	simm.s32 $0x0;
	s9 =	simm.s32 $0x400;
	[tilespmem:s6+$0x96D0] =	vst.add.f32.msk $0xffff, v14  }
.LBB2_2:
0x5d: {  	s8 =	sadd.s32 $0x4, s8;
	[tilespmem:s6+$0x96E0] =	vst.add.f32.msk $0xffff, v0;
	s6 =	sshra.s32 s9, $0x2  }
0x5e: {  	v0 =	vld [tilespmem:s6+$0x64F0];
	p0 =	slt.u32 s8, $0xC4  }
0x5f: {  	v1 =	vld [tilespmem:s6+$0x6400]  }
0x60: {  	v2 =	vld [tilespmem:s6+$0x6410]  }
0x61: {  	v3 =	vld [tilespmem:s6+$0x6420]  }
0x62: {  	v4 =	vld [tilespmem:s6+$0x6430]  }
0x63: {  	[tilespmem:s6+$0x96F0] =	vst.add.f32.msk $0xffff, v0  }
0x64: {  	v5 =	vld [tilespmem:s6+$0x6440]  }
0x65: {  	v6 =	vld [tilespmem:s6+$0x6450]  }
0x66: {  	v7 =	vld [tilespmem:s6+$0x6460]  }
0x67: {  	v8 =	vld [tilespmem:s6+$0x6470]  }
0x68: {  	v9 =	vld [tilespmem:s6+$0x6480]  }
0x69: {  	v10 =	vld [tilespmem:s6+$0x6490]  }
0x6a: {  	v11 =	vld [tilespmem:s6+$0x64A0]  }
0x6b: {  	v12 =	vld [tilespmem:s6+$0x64B0]  }
0x6c: {  	v13 =	vld [tilespmem:s6+$0x64C0]  }
0x6d: {  	v14 =	vld [tilespmem:s6+$0x64D0]  }
0x6e: {  	v0 =	vld [tilespmem:s6+$0x64E0]  }
0x6f: {  	[tilespmem:s6+$0x9600] =	vst.add.f32.msk $0xffff, v1  }
0x70: {  	[tilespmem:s6+$0x9610] =	vst.add.f32.msk $0xffff, v2  }
0x71: {  	[tilespmem:s6+$0x9620] =	vst.add.f32.msk $0xffff, v3  }
0x72: {  	[tilespmem:s6+$0x9630] =	vst.add.f32.msk $0xffff, v4  }
0x73: {  	[tilespmem:s6+$0x9640] =	vst.add.f32.msk $0xffff, v5  }
0x74: {  	[tilespmem:s6+$0x9650] =	vst.add.f32.msk $0xffff, v6  }
0x75: {  	[tilespmem:s6+$0x9660] =	vst.add.f32.msk $0xffff, v7  }
0x76: {  	[tilespmem:s6+$0x9670] =	vst.add.f32.msk $0xffff, v8  }
0x77: {  	[tilespmem:s6+$0x9680] =	vst.add.f32.msk $0xffff, v9  }
.Ltmp2:
0x78: {  	[tilespmem:s6+$0x9690] =	vst.add.f32.msk $0xffff, v10;
	(pc) =	sbr.rel @p0 .LBB2_2-.Ltmp2, $4  }
0x79: {  	[tilespmem:s6+$0x96A0] =	vst.add.f32.msk $0xffff, v11  }
0x7a: {  	[tilespmem:s6+$0x96B0] =	vst.add.f32.msk $0xffff, v12  }
0x7b: {  	[tilespmem:s6+$0x96C0] =	vst.add.f32.msk $0xffff, v13  }
0x7c: {  	s9 =	sadd.s32 $0x400, s9;
	[tilespmem:s6+$0x96D0] =	vst.add.f32.msk $0xffff, v14  }
0x7d: {  	[tilespmem:s6+$0x96E0] =	vst.add.f32.msk $0xffff, v0  }
0x7e: {  	[hbm4b:s7+s29] =	stream.strided.scatter [tilespmem:s17], [sflag:$0x5], $0x3200, s30, s29, $0x38;
	[tilespmem:$0x15E00] =	vst v63  }
0x7f: {  	s12 =	simm.s32 $0x258  }
0x80: {  	[tilespmem:s0], [sflag:$0x4] =	stream.indirect.gather [hbm4b:s4+s16], $0x40, s12, s16, $0xb8;
	[tilespmem:$0x15E00] =	vst v63  }
0x81: {  	s23 =	simm.s32 $0x2C0  }
0x82: {  	[tilespmem:s13], [sflag:$0x4] =	stream.indirect.gather [hbm4b:s4+s18], $0x40, s23, s18, $0xb8;
	[tilespmem:$0x15E00] =	vst v63  }
0x83: {  	_ =	swait.ge [sflag:s20], $0x1A00  }
0x84: {  	[sflag:s20] =	ssyncset.done $0x0  }
0x85: {  	[sflag:s20] =	ssyncadd.s32 $0xFFFFE600  }
0x86: {  	_ =	swait.ge [sflag:s20], $0x1800  }
0x87: {  	[sflag:s20] =	ssyncset.done $0x0  }
0x88: {  	s6 =	simm.s32 $0x0;
	[sflag:s20] =	ssyncadd.s32 $0xFFFFE800  }
0x89: {  	v0 =	vld [tilespmem:s6+$0x64F0]  }
0x8a: {  	v1 =	vld [tilespmem:s6+$0x6400]  }
0x8b: {  	v2 =	vld [tilespmem:s6+$0x6410]  }
0x8c: {  	v3 =	vld [tilespmem:s6+$0x6420]  }
0x8d: {  	v4 =	vld [tilespmem:s6+$0x6430]  }
0x8e: {  	v5 =	vld [tilespmem:s6+$0x6440]  }
0x8f: {  	v6 =	vld [tilespmem:s6+$0x6450]  }
0x90: {  	v7 =	vld [tilespmem:s6+$0x6460]  }
0x91: {  	v8 =	vld [tilespmem:s6+$0x6470]  }
0x92: {  	v9 =	vld [tilespmem:s6+$0x6480]  }
0x93: {  	v10 =	vld [tilespmem:s6+$0x6490]  }
0x94: {  	v11 =	vld [tilespmem:s6+$0x64A0]  }
0x95: {  	v12 =	vld [tilespmem:s6+$0x64B0]  }
0x96: {  	v13 =	vld [tilespmem:s6+$0x64C0]  }
0x97: {  	v14 =	vld [tilespmem:s6+$0x64D0]  }
0x98: {  	[tilespmem:s6+$0xC8F0] =	vst.add.f32.msk $0xffff, v0  }
0x99: {  	v0 =	vld [tilespmem:s6+$0x64E0]  }
0x9a: {  	[tilespmem:s6+$0xC800] =	vst.add.f32.msk $0xffff, v1  }
0x9b: {  	[tilespmem:s6+$0xC810] =	vst.add.f32.msk $0xffff, v2  }
0x9c: {  	[tilespmem:s6+$0xC820] =	vst.add.f32.msk $0xffff, v3  }
0x9d: {  	[tilespmem:s6+$0xC830] =	vst.add.f32.msk $0xffff, v4  }
0x9e: {  	[tilespmem:s6+$0xC840] =	vst.add.f32.msk $0xffff, v5  }
0x9f: {  	[tilespmem:s6+$0xC850] =	vst.add.f32.msk $0xffff, v6  }
0xa0: {  	[tilespmem:s6+$0xC860] =	vst.add.f32.msk $0xffff, v7  }
0xa1: {  	[tilespmem:s6+$0xC870] =	vst.add.f32.msk $0xffff, v8  }
0xa2: {  	[tilespmem:s6+$0xC880] =	vst.add.f32.msk $0xffff, v9  }
0xa3: {  	[tilespmem:s6+$0xC890] =	vst.add.f32.msk $0xffff, v10  }
0xa4: {  	[tilespmem:s6+$0xC8A0] =	vst.add.f32.msk $0xffff, v11  }
0xa5: {  	[tilespmem:s6+$0xC8B0] =	vst.add.f32.msk $0xffff, v12  }
0xa6: {  	[tilespmem:s6+$0xC8C0] =	vst.add.f32.msk $0xffff, v13  }
0xa7: {  	s8 =	simm.s32 $0x0;
	s9 =	simm.s32 $0x400;
	[tilespmem:s6+$0xC8D0] =	vst.add.f32.msk $0xffff, v14  }
.LBB2_4:
0xa8: {  	s8 =	sadd.s32 $0x4, s8;
	[tilespmem:s6+$0xC8E0] =	vst.add.f32.msk $0xffff, v0;
	s6 =	sshra.s32 s9, $0x2  }
0xa9: {  	v0 =	vld [tilespmem:s6+$0x64F0];
	p0 =	slt.u32 s8, $0xC4  }
0xaa: {  	v1 =	vld [tilespmem:s6+$0x6400]  }
0xab: {  	v2 =	vld [tilespmem:s6+$0x6410]  }
0xac: {  	v3 =	vld [tilespmem:s6+$0x6420]  }
0xad: {  	v4 =	vld [tilespmem:s6+$0x6430]  }
0xae: {  	[tilespmem:s6+$0xC8F0] =	vst.add.f32.msk $0xffff, v0  }
0xaf: {  	v5 =	vld [tilespmem:s6+$0x6440]  }
0xb0: {  	v6 =	vld [tilespmem:s6+$0x6450]  }
0xb1: {  	v7 =	vld [tilespmem:s6+$0x6460]  }
0xb2: {  	v8 =	vld [tilespmem:s6+$0x6470]  }
0xb3: {  	v9 =	vld [tilespmem:s6+$0x6480]  }
0xb4: {  	v10 =	vld [tilespmem:s6+$0x6490]  }
0xb5: {  	v11 =	vld [tilespmem:s6+$0x64A0]  }
0xb6: {  	v12 =	vld [tilespmem:s6+$0x64B0]  }
0xb7: {  	v13 =	vld [tilespmem:s6+$0x64C0]  }
0xb8: {  	v14 =	vld [tilespmem:s6+$0x64D0]  }
0xb9: {  	v0 =	vld [tilespmem:s6+$0x64E0]  }
0xba: {  	[tilespmem:s6+$0xC800] =	vst.add.f32.msk $0xffff, v1  }
0xbb: {  	[tilespmem:s6+$0xC810] =	vst.add.f32.msk $0xffff, v2  }
0xbc: {  	[tilespmem:s6+$0xC820] =	vst.add.f32.msk $0xffff, v3  }
0xbd: {  	[tilespmem:s6+$0xC830] =	vst.add.f32.msk $0xffff, v4  }
0xbe: {  	[tilespmem:s6+$0xC840] =	vst.add.f32.msk $0xffff, v5  }
0xbf: {  	[tilespmem:s6+$0xC850] =	vst.add.f32.msk $0xffff, v6  }
0xc0: {  	[tilespmem:s6+$0xC860] =	vst.add.f32.msk $0xffff, v7  }
0xc1: {  	[tilespmem:s6+$0xC870] =	vst.add.f32.msk $0xffff, v8  }
0xc2: {  	[tilespmem:s6+$0xC880] =	vst.add.f32.msk $0xffff, v9  }
.Ltmp3:
0xc3: {  	[tilespmem:s6+$0xC890] =	vst.add.f32.msk $0xffff, v10;
	(pc) =	sbr.rel @p0 .LBB2_4-.Ltmp3, $4  }
0xc4: {  	[tilespmem:s6+$0xC8A0] =	vst.add.f32.msk $0xffff, v11  }
0xc5: {  	[tilespmem:s6+$0xC8B0] =	vst.add.f32.msk $0xffff, v12  }
0xc6: {  	[tilespmem:s6+$0xC8C0] =	vst.add.f32.msk $0xffff, v13  }
0xc7: {  	s9 =	sadd.s32 $0x400, s9;
	[tilespmem:s6+$0xC8D0] =	vst.add.f32.msk $0xffff, v14  }
0xc8: {  	[tilespmem:s6+$0xC8E0] =	vst.add.f32.msk $0xffff, v0;
	s11 =	rddreg [dreg:$0x5]  }
0xc9: {  	[hbm4b:s11+s29] =	stream.strided.scatter [tilespmem:s21], [sflag:$0x6], $0x3200, s30, s29, $0x38;
	[tilespmem:$0x15E00] =	vst v63  }
0xca: {  	_ =	swait.ge [sflag:s15], $0x3200  }
0xcb: {  	[sflag:s15] =	ssyncset.done $0x0  }
0xcc: {  	s12 =	simm.s32 $0x320;
	[sflag:s15] =	ssyncadd.s32 $0xFFFFCE00  }
0xcd: {  	[tilespmem:s17], [sflag:$0x1] =	stream.indirect.gather [hbm4b:s4+s16], $0x40, s12, s16, $0xb8;
	[tilespmem:$0x15E00] =	vst v63  }
0xce: {  	s23 =	simm.s32 $0x388  }
0xcf: {  	[tilespmem:s10], [sflag:$0x1] =	stream.indirect.gather [hbm4b:s4+s18], $0x40, s23, s18, $0xb8;
	[tilespmem:$0x15E00] =	vst v63  }
0xd0: {  	_ =	swait.ge [sflag:s26], $0x1A00  }
0xd1: {  	[sflag:s26] =	ssyncset.done $0x0  }
0xd2: {  	[sflag:s26] =	ssyncadd.s32 $0xFFFFE600  }
0xd3: {  	_ =	swait.ge [sflag:s26], $0x1800  }
0xd4: {  	[sflag:s26] =	ssyncset.done $0x0  }
0xd5: {  	s6 =	simm.s32 $0x0;
	[sflag:s26] =	ssyncadd.s32 $0xFFFFE800  }
0xd6: {  	v0 =	vld [tilespmem:s6+$0x64F0]  }
0xd7: {  	v1 =	vld [tilespmem:s6+$0x6400]  }
0xd8: {  	v2 =	vld [tilespmem:s6+$0x6410]  }
0xd9: {  	v3 =	vld [tilespmem:s6+$0x6420]  }
0xda: {  	v4 =	vld [tilespmem:s6+$0x6430]  }
0xdb: {  	v5 =	vld [tilespmem:s6+$0x6440]  }
0xdc: {  	v6 =	vld [tilespmem:s6+$0x6450]  }
0xdd: {  	v7 =	vld [tilespmem:s6+$0x6460]  }
0xde: {  	v8 =	vld [tilespmem:s6+$0x6470]  }
0xdf: {  	v9 =	vld [tilespmem:s6+$0x6480]  }
0xe0: {  	v10 =	vld [tilespmem:s6+$0x6490]  }
0xe1: {  	v11 =	vld [tilespmem:s6+$0x64A0]  }
0xe2: {  	v12 =	vld [tilespmem:s6+$0x64B0]  }
0xe3: {  	v13 =	vld [tilespmem:s6+$0x64C0]  }
0xe4: {  	v14 =	vld [tilespmem:s6+$0x64D0]  }
0xe5: {  	[tilespmem:s6+$0xFAF0] =	vst.add.f32.msk $0xffff, v0  }
0xe6: {  	v0 =	vld [tilespmem:s6+$0x64E0]  }
0xe7: {  	[tilespmem:s6+$0xFA00] =	vst.add.f32.msk $0xffff, v1  }
0xe8: {  	[tilespmem:s6+$0xFA10] =	vst.add.f32.msk $0xffff, v2  }
0xe9: {  	[tilespmem:s6+$0xFA20] =	vst.add.f32.msk $0xffff, v3  }
0xea: {  	[tilespmem:s6+$0xFA30] =	vst.add.f32.msk $0xffff, v4  }
0xeb: {  	[tilespmem:s6+$0xFA40] =	vst.add.f32.msk $0xffff, v5  }
0xec: {  	[tilespmem:s6+$0xFA50] =	vst.add.f32.msk $0xffff, v6  }
0xed: {  	[tilespmem:s6+$0xFA60] =	vst.add.f32.msk $0xffff, v7  }
0xee: {  	[tilespmem:s6+$0xFA70] =	vst.add.f32.msk $0xffff, v8  }
0xef: {  	[tilespmem:s6+$0xFA80] =	vst.add.f32.msk $0xffff, v9  }
0xf0: {  	[tilespmem:s6+$0xFA90] =	vst.add.f32.msk $0xffff, v10  }
0xf1: {  	[tilespmem:s6+$0xFAA0] =	vst.add.f32.msk $0xffff, v11  }
0xf2: {  	[tilespmem:s6+$0xFAB0] =	vst.add.f32.msk $0xffff, v12  }
0xf3: {  	[tilespmem:s6+$0xFAC0] =	vst.add.f32.msk $0xffff, v13  }
0xf4: {  	s8 =	simm.s32 $0x0;
	s9 =	simm.s32 $0x400;
	[tilespmem:s6+$0xFAD0] =	vst.add.f32.msk $0xffff, v14  }
.LBB2_6:
0xf5: {  	s8 =	sadd.s32 $0x4, s8;
	[tilespmem:s6+$0xFAE0] =	vst.add.f32.msk $0xffff, v0;
	s6 =	sshra.s32 s9, $0x2  }
0xf6: {  	v0 =	vld [tilespmem:s6+$0x64F0];
	p0 =	slt.u32 s8, $0xC4  }
0xf7: {  	v1 =	vld [tilespmem:s6+$0x6400]  }
0xf8: {  	v2 =	vld [tilespmem:s6+$0x6410]  }
0xf9: {  	v3 =	vld [tilespmem:s6+$0x6420]  }
0xfa: {  	v4 =	vld [tilespmem:s6+$0x6430]  }
0xfb: {  	[tilespmem:s6+$0xFAF0] =	vst.add.f32.msk $0xffff, v0  }
0xfc: {  	v5 =	vld [tilespmem:s6+$0x6440]  }
0xfd: {  	v6 =	vld [tilespmem:s6+$0x6450]  }
0xfe: {  	v7 =	vld [tilespmem:s6+$0x6460]  }
0xff: {  	v8 =	vld [tilespmem:s6+$0x6470]  }
0x100: {  	v9 =	vld [tilespmem:s6+$0x6480]  }
0x101: {  	v10 =	vld [tilespmem:s6+$0x6490]  }
0x102: {  	v11 =	vld [tilespmem:s6+$0x64A0]  }
0x103: {  	v12 =	vld [tilespmem:s6+$0x64B0]  }
0x104: {  	v13 =	vld [tilespmem:s6+$0x64C0]  }
0x105: {  	v14 =	vld [tilespmem:s6+$0x64D0]  }
0x106: {  	v0 =	vld [tilespmem:s6+$0x64E0]  }
0x107: {  	[tilespmem:s6+$0xFA00] =	vst.add.f32.msk $0xffff, v1  }
0x108: {  	[tilespmem:s6+$0xFA10] =	vst.add.f32.msk $0xffff, v2  }
0x109: {  	[tilespmem:s6+$0xFA20] =	vst.add.f32.msk $0xffff, v3  }
0x10a: {  	[tilespmem:s6+$0xFA30] =	vst.add.f32.msk $0xffff, v4  }
0x10b: {  	[tilespmem:s6+$0xFA40] =	vst.add.f32.msk $0xffff, v5  }
0x10c: {  	[tilespmem:s6+$0xFA50] =	vst.add.f32.msk $0xffff, v6  }
0x10d: {  	[tilespmem:s6+$0xFA60] =	vst.add.f32.msk $0xffff, v7  }
0x10e: {  	[tilespmem:s6+$0xFA70] =	vst.add.f32.msk $0xffff, v8  }
0x10f: {  	[tilespmem:s6+$0xFA80] =	vst.add.f32.msk $0xffff, v9  }
.Ltmp4:
0x110: {  	[tilespmem:s6+$0xFA90] =	vst.add.f32.msk $0xffff, v10;
	(pc) =	sbr.rel @p0 .LBB2_6-.Ltmp4, $4  }
0x111: {  	[tilespmem:s6+$0xFAA0] =	vst.add.f32.msk $0xffff, v11  }
0x112: {  	[tilespmem:s6+$0xFAB0] =	vst.add.f32.msk $0xffff, v12  }
0x113: {  	[tilespmem:s6+$0xFAC0] =	vst.add.f32.msk $0xffff, v13  }
0x114: {  	s9 =	sadd.s32 $0x400, s9;
	[tilespmem:s6+$0xFAD0] =	vst.add.f32.msk $0xffff, v14  }
0x115: {  	[tilespmem:s6+$0xFAE0] =	vst.add.f32.msk $0xffff, v0;
	s11 =	rddreg [dreg:$0x6]  }
0x116: {  	[hbm4b:s11+s29] =	stream.strided.scatter [tilespmem:s25], [sflag:$0x7], $0x3200, s30, s29, $0x38;
	[tilespmem:$0x15E00] =	vst v63  }
0x117: {  	_ =	swait.ge [sflag:s31], $0x3200  }
0x118: {  	[sflag:s31] =	ssyncset.done $0x0  }
0x119: {  	s12 =	simm.s32 $0x3E8;
	[sflag:s31] =	ssyncadd.s32 $0xFFFFCE00  }
0x11a: {  	[tilespmem:s21], [sflag:$0x2] =	stream.indirect.gather [hbm4b:s4+s16], $0x40, s12, s16, $0xb8;
	[tilespmem:$0x15E00] =	vst v63  }
0x11b: {  	s23 =	simm.s32 $0xE200;
	s8 =	simm.s32 $0x450  }
0x11c: {  	[tilespmem:s23], [sflag:$0x2] =	stream.indirect.gather [hbm4b:s4+s18], $0x40, s8, s18, $0xb8;
	[tilespmem:$0x15E00] =	vst v63  }
0x11d: {  	_ =	swait.ge [sflag:s24], $0x1A00  }
0x11e: {  	[sflag:s24] =	ssyncset.done $0x0  }
0x11f: {  	[sflag:s24] =	ssyncadd.s32 $0xFFFFE600  }
0x120: {  	_ =	swait.ge [sflag:s24], $0x1800  }
0x121: {  	[sflag:s24] =	ssyncset.done $0x0  }
0x122: {  	s6 =	simm.s32 $0x0;
	[sflag:s24] =	ssyncadd.s32 $0xFFFFE800  }
0x123: {  	v0 =	vld [tilespmem:s6+$0x64F0]  }
0x124: {  	v1 =	vld [tilespmem:s6+$0x6400]  }
0x125: {  	v2 =	vld [tilespmem:s6+$0x6410]  }
0x126: {  	v3 =	vld [tilespmem:s6+$0x6420]  }
0x127: {  	v4 =	vld [tilespmem:s6+$0x6430]  }
0x128: {  	v5 =	vld [tilespmem:s6+$0x6440]  }
0x129: {  	v6 =	vld [tilespmem:s6+$0x6450]  }
0x12a: {  	v7 =	vld [tilespmem:s6+$0x6460]  }
0x12b: {  	v8 =	vld [tilespmem:s6+$0x6470]  }
0x12c: {  	v9 =	vld [tilespmem:s6+$0x6480]  }
0x12d: {  	v10 =	vld [tilespmem:s6+$0x6490]  }
0x12e: {  	v11 =	vld [tilespmem:s6+$0x64A0]  }
0x12f: {  	v12 =	vld [tilespmem:s6+$0x64B0]  }
0x130: {  	v13 =	vld [tilespmem:s6+$0x64C0]  }
0x131: {  	v14 =	vld [tilespmem:s6+$0x64D0]  }
0x132: {  	[tilespmem:s6+$0x12CF0] =	vst.add.f32.msk $0xffff, v0  }
0x133: {  	v0 =	vld [tilespmem:s6+$0x64E0]  }
0x134: {  	[tilespmem:s6+$0x12C00] =	vst.add.f32.msk $0xffff, v1  }
0x135: {  	[tilespmem:s6+$0x12C10] =	vst.add.f32.msk $0xffff, v2  }
0x136: {  	[tilespmem:s6+$0x12C20] =	vst.add.f32.msk $0xffff, v3  }
0x137: {  	[tilespmem:s6+$0x12C30] =	vst.add.f32.msk $0xffff, v4  }
0x138: {  	[tilespmem:s6+$0x12C40] =	vst.add.f32.msk $0xffff, v5  }
0x139: {  	[tilespmem:s6+$0x12C50] =	vst.add.f32.msk $0xffff, v6  }
0x13a: {  	[tilespmem:s6+$0x12C60] =	vst.add.f32.msk $0xffff, v7  }
0x13b: {  	[tilespmem:s6+$0x12C70] =	vst.add.f32.msk $0xffff, v8  }
0x13c: {  	[tilespmem:s6+$0x12C80] =	vst.add.f32.msk $0xffff, v9  }
0x13d: {  	[tilespmem:s6+$0x12C90] =	vst.add.f32.msk $0xffff, v10  }
0x13e: {  	[tilespmem:s6+$0x12CA0] =	vst.add.f32.msk $0xffff, v11  }
0x13f: {  	[tilespmem:s6+$0x12CB0] =	vst.add.f32.msk $0xffff, v12  }
0x140: {  	[tilespmem:s6+$0x12CC0] =	vst.add.f32.msk $0xffff, v13  }
0x141: {  	s9 =	simm.s32 $0x400;
	s8 =	simm.s32 $0x0;
	[tilespmem:s6+$0x12CD0] =	vst.add.f32.msk $0xffff, v14  }
.LBB2_8:
0x142: {  	s8 =	sadd.s32 $0x4, s8;
	[tilespmem:s6+$0x12CE0] =	vst.add.f32.msk $0xffff, v0;
	s6 =	sshra.s32 s9, $0x2  }
0x143: {  	v0 =	vld [tilespmem:s6+$0x64F0];
	p0 =	slt.u32 s8, $0xC4  }
0x144: {  	v1 =	vld [tilespmem:s6+$0x6400]  }
0x145: {  	v2 =	vld [tilespmem:s6+$0x6410]  }
0x146: {  	v3 =	vld [tilespmem:s6+$0x6420]  }
0x147: {  	v4 =	vld [tilespmem:s6+$0x6430]  }
0x148: {  	[tilespmem:s6+$0x12CF0] =	vst.add.f32.msk $0xffff, v0  }
0x149: {  	v5 =	vld [tilespmem:s6+$0x6440]  }
0x14a: {  	v6 =	vld [tilespmem:s6+$0x6450]  }
0x14b: {  	v7 =	vld [tilespmem:s6+$0x6460]  }
0x14c: {  	v8 =	vld [tilespmem:s6+$0x6470]  }
0x14d: {  	v9 =	vld [tilespmem:s6+$0x6480]  }
0x14e: {  	v10 =	vld [tilespmem:s6+$0x6490]  }
0x14f: {  	v11 =	vld [tilespmem:s6+$0x64A0]  }
0x150: {  	v12 =	vld [tilespmem:s6+$0x64B0]  }
0x151: {  	v13 =	vld [tilespmem:s6+$0x64C0]  }
0x152: {  	v14 =	vld [tilespmem:s6+$0x64D0]  }
0x153: {  	v0 =	vld [tilespmem:s6+$0x64E0]  }
0x154: {  	[tilespmem:s6+$0x12C00] =	vst.add.f32.msk $0xffff, v1  }
0x155: {  	[tilespmem:s6+$0x12C10] =	vst.add.f32.msk $0xffff, v2  }
0x156: {  	[tilespmem:s6+$0x12C20] =	vst.add.f32.msk $0xffff, v3  }
0x157: {  	[tilespmem:s6+$0x12C30] =	vst.add.f32.msk $0xffff, v4  }
0x158: {  	[tilespmem:s6+$0x12C40] =	vst.add.f32.msk $0xffff, v5  }
0x159: {  	[tilespmem:s6+$0x12C50] =	vst.add.f32.msk $0xffff, v6  }
0x15a: {  	[tilespmem:s6+$0x12C60] =	vst.add.f32.msk $0xffff, v7  }
0x15b: {  	[tilespmem:s6+$0x12C70] =	vst.add.f32.msk $0xffff, v8  }
0x15c: {  	[tilespmem:s6+$0x12C80] =	vst.add.f32.msk $0xffff, v9  }
.Ltmp5:
0x15d: {  	[tilespmem:s6+$0x12C90] =	vst.add.f32.msk $0xffff, v10;
	(pc) =	sbr.rel @p0 .LBB2_8-.Ltmp5, $4  }
0x15e: {  	[tilespmem:s6+$0x12CA0] =	vst.add.f32.msk $0xffff, v11  }
0x15f: {  	[tilespmem:s6+$0x12CB0] =	vst.add.f32.msk $0xffff, v12  }
0x160: {  	[tilespmem:s6+$0x12CC0] =	vst.add.f32.msk $0xffff, v13  }
0x161: {  	s9 =	sadd.s32 $0x400, s9;
	[tilespmem:s6+$0x12CD0] =	vst.add.f32.msk $0xffff, v14  }
0x162: {  	[tilespmem:s6+$0x12CE0] =	vst.add.f32.msk $0xffff, v0;
	s11 =	rddreg [dreg:$0x7]  }
0x163: {  	[hbm4b:s11+s29] =	stream.strided.scatter [tilespmem:s0], [sflag:$0x8], $0x3200, s30, s29, $0x38;
	[tilespmem:$0x15E00] =	vst v63  }
0x164: {  	_ =	swait.ge [sflag:s1], $0x3200  }
0x165: {  	[sflag:s1] =	ssyncset.done $0x0  }
0x166: {  	s12 =	simm.s32 $0x4B0;
	[sflag:s1] =	ssyncadd.s32 $0xFFFFCE00  }
0x167: {  	[tilespmem:s25], [sflag:$0x3] =	stream.indirect.gather [hbm4b:s4+s16], $0x40, s12, s16, $0xb8;
	[tilespmem:$0x15E00] =	vst v63  }
0x168: {  	s23 =	simm.s32 $0x518;
	s6 =	simm.s32 $0x1  }
0x169: {  	[tilespmem:s28], [sflag:$0x3] =	stream.indirect.gather [hbm4b:s4+s18], $0x40, s23, s18, $0xb8;
	[tilespmem:$0x15E00] =	vst v63  }
.LBB2_10:
0x16a: {  	_ =	swait.ge [sflag:s14], $0x1A00  }
0x16b: {  	[sflag:s14] =	ssyncset.done $0x0  }
0x16c: {  	[sflag:s14] =	ssyncadd.s32 $0xFFFFE600  }
0x16d: {  	_ =	swait.ge [sflag:s14], $0x1800  }
0x16e: {  	[sflag:s14] =	ssyncset.done $0x0  }
0x16f: {  	s9 =	simm.s32 $0x0;
	[sflag:s14] =	ssyncadd.s32 $0xFFFFE800  }
0x170: {  	v0 =	vld [tilespmem:s9+$0x64F0]  }
0x171: {  	v1 =	vld [tilespmem:s9+$0x6400]  }
0x172: {  	v2 =	vld [tilespmem:s9+$0x6410]  }
0x173: {  	v3 =	vld [tilespmem:s9+$0x6420]  }
0x174: {  	v4 =	vld [tilespmem:s9+$0x6430]  }
0x175: {  	v5 =	vld [tilespmem:s9+$0x6440]  }
0x176: {  	v6 =	vld [tilespmem:s9+$0x6450]  }
0x177: {  	v7 =	vld [tilespmem:s9+$0x6460]  }
0x178: {  	v8 =	vld [tilespmem:s9+$0x6470]  }
0x179: {  	v9 =	vld [tilespmem:s9+$0x6480]  }
0x17a: {  	v10 =	vld [tilespmem:s9+$0x6490]  }
0x17b: {  	v11 =	vld [tilespmem:s9+$0x64A0]  }
0x17c: {  	v12 =	vld [tilespmem:s9+$0x64B0]  }
0x17d: {  	v13 =	vld [tilespmem:s9+$0x64C0]  }
0x17e: {  	v14 =	vld [tilespmem:s9+$0x64D0]  }
0x17f: {  	[tilespmem:s9+$0x96F0] =	vst.add.f32.msk $0xffff, v0  }
0x180: {  	v0 =	vld [tilespmem:s9+$0x64E0]  }
0x181: {  	[tilespmem:s9+$0x9600] =	vst.add.f32.msk $0xffff, v1  }
0x182: {  	[tilespmem:s9+$0x9610] =	vst.add.f32.msk $0xffff, v2  }
0x183: {  	[tilespmem:s9+$0x9620] =	vst.add.f32.msk $0xffff, v3  }
0x184: {  	[tilespmem:s9+$0x9630] =	vst.add.f32.msk $0xffff, v4  }
0x185: {  	[tilespmem:s9+$0x9640] =	vst.add.f32.msk $0xffff, v5  }
0x186: {  	[tilespmem:s9+$0x9650] =	vst.add.f32.msk $0xffff, v6  }
0x187: {  	[tilespmem:s9+$0x9660] =	vst.add.f32.msk $0xffff, v7  }
0x188: {  	[tilespmem:s9+$0x9670] =	vst.add.f32.msk $0xffff, v8  }
0x189: {  	[tilespmem:s9+$0x9680] =	vst.add.f32.msk $0xffff, v9  }
0x18a: {  	[tilespmem:s9+$0x9690] =	vst.add.f32.msk $0xffff, v10  }
0x18b: {  	[tilespmem:s9+$0x96A0] =	vst.add.f32.msk $0xffff, v11  }
0x18c: {  	[tilespmem:s9+$0x96B0] =	vst.add.f32.msk $0xffff, v12  }
0x18d: {  	[tilespmem:s9+$0x96C0] =	vst.add.f32.msk $0xffff, v13  }
0x18e: {  	s8 =	simm.s32 $0x0;
	s10 =	simm.s32 $0x400;
	[tilespmem:s9+$0x96D0] =	vst.add.f32.msk $0xffff, v14  }
.LBB2_11:
0x18f: {  	s8 =	sadd.s32 $0x4, s8;
	[tilespmem:s9+$0x96E0] =	vst.add.f32.msk $0xffff, v0;
	s9 =	sshra.s32 s10, $0x2  }
0x190: {  	v0 =	vld [tilespmem:s9+$0x64F0];
	p0 =	slt.u32 s8, $0xC4  }
0x191: {  	v1 =	vld [tilespmem:s9+$0x6400]  }
0x192: {  	v2 =	vld [tilespmem:s9+$0x6410]  }
0x193: {  	v3 =	vld [tilespmem:s9+$0x6420]  }
0x194: {  	v4 =	vld [tilespmem:s9+$0x6430]  }
0x195: {  	[tilespmem:s9+$0x96F0] =	vst.add.f32.msk $0xffff, v0  }
0x196: {  	v5 =	vld [tilespmem:s9+$0x6440]  }
0x197: {  	v6 =	vld [tilespmem:s9+$0x6450]  }
0x198: {  	v7 =	vld [tilespmem:s9+$0x6460]  }
0x199: {  	v8 =	vld [tilespmem:s9+$0x6470]  }
0x19a: {  	v9 =	vld [tilespmem:s9+$0x6480]  }
0x19b: {  	v10 =	vld [tilespmem:s9+$0x6490]  }
0x19c: {  	v11 =	vld [tilespmem:s9+$0x64A0]  }
0x19d: {  	v12 =	vld [tilespmem:s9+$0x64B0]  }
0x19e: {  	v13 =	vld [tilespmem:s9+$0x64C0]  }
0x19f: {  	v14 =	vld [tilespmem:s9+$0x64D0]  }
0x1a0: {  	v0 =	vld [tilespmem:s9+$0x64E0]  }
0x1a1: {  	[tilespmem:s9+$0x9600] =	vst.add.f32.msk $0xffff, v1  }
0x1a2: {  	[tilespmem:s9+$0x9610] =	vst.add.f32.msk $0xffff, v2  }
0x1a3: {  	[tilespmem:s9+$0x9620] =	vst.add.f32.msk $0xffff, v3  }
0x1a4: {  	[tilespmem:s9+$0x9630] =	vst.add.f32.msk $0xffff, v4  }
0x1a5: {  	[tilespmem:s9+$0x9640] =	vst.add.f32.msk $0xffff, v5  }
0x1a6: {  	[tilespmem:s9+$0x9650] =	vst.add.f32.msk $0xffff, v6  }
0x1a7: {  	[tilespmem:s9+$0x9660] =	vst.add.f32.msk $0xffff, v7  }
0x1a8: {  	[tilespmem:s9+$0x9670] =	vst.add.f32.msk $0xffff, v8  }
0x1a9: {  	[tilespmem:s9+$0x9680] =	vst.add.f32.msk $0xffff, v9  }
.Ltmp6:
0x1aa: {  	[tilespmem:s9+$0x9690] =	vst.add.f32.msk $0xffff, v10;
	(pc) =	sbr.rel @p0 .LBB2_11-.Ltmp6, $4  }
0x1ab: {  	[tilespmem:s9+$0x96A0] =	vst.add.f32.msk $0xffff, v11  }
0x1ac: {  	[tilespmem:s9+$0x96B0] =	vst.add.f32.msk $0xffff, v12  }
0x1ad: {  	[tilespmem:s9+$0x96C0] =	vst.add.f32.msk $0xffff, v13  }
0x1ae: {  	s10 =	sadd.s32 $0x400, s10;
	[tilespmem:s9+$0x96D0] =	vst.add.f32.msk $0xffff, v14  }
0x1af: {  	s8 =	sshll.u32 s6, $0x2  }
0x1b0: {  	s10 =	sadd.s32 s3, s8  }
0x1b1: {  	s10 =	smul.u32 $0xC80, s10;
	_ =	sdelay $0x1  }
0x1b2: {  	[tilespmem:s9+$0x96E0] =	vst.add.f32.msk $0xffff, v0;
	s23 =	sshllo.u32 s6, $0x2;
	s11 =	sadd.s32 s5, s10  }
0x1b3: {  	[hbm4b:s11+s29] =	stream.strided.scatter [tilespmem:s17], [sflag:$0x5], $0x3200, s30, s29, $0x38;
	[tilespmem:$0x15E00] =	vst v63  }
0x1b4: {  	s12 =	smul.u32 $0x320, s23;
	_ =	swait.ge [sflag:s22], $0x3200  }
0x1b5: {  	[sflag:s22] =	ssyncset.done $0x0  }
0x1b6: {  	s9 =	sshra.s32 s12, $0x2;
	[sflag:s22] =	ssyncadd.s32 $0xFFFFCE00  }
0x1b7: {  	[tilespmem:s0], [sflag:$0x4] =	stream.indirect.gather [hbm4b:s4+s16], $0x40, s9, s16, $0xb8;
	[tilespmem:$0x15E00] =	vst v63  }
0x1b8: {  	s9 =	sadd.s32 $0x68, s9  }
0x1b9: {  	[tilespmem:s13], [sflag:$0x4] =	stream.indirect.gather [hbm4b:s4+s18], $0x40, s9, s18, $0xb8;
	[tilespmem:$0x15E00] =	vst v63  }
0x1ba: {  	_ =	swait.ge [sflag:s20], $0x1A00  }
0x1bb: {  	[sflag:s20] =	ssyncset.done $0x0  }
0x1bc: {  	[sflag:s20] =	ssyncadd.s32 $0xFFFFE600  }
0x1bd: {  	_ =	swait.ge [sflag:s20], $0x1800  }
0x1be: {  	[sflag:s20] =	ssyncset.done $0x0  }
0x1bf: {  	s9 =	simm.s32 $0x0;
	[sflag:s20] =	ssyncadd.s32 $0xFFFFE800  }
0x1c0: {  	v0 =	vld [tilespmem:s9+$0x64F0]  }
0x1c1: {  	v1 =	vld [tilespmem:s9+$0x6400]  }
0x1c2: {  	v2 =	vld [tilespmem:s9+$0x6410]  }
0x1c3: {  	v3 =	vld [tilespmem:s9+$0x6420]  }
0x1c4: {  	v4 =	vld [tilespmem:s9+$0x6430]  }
0x1c5: {  	v5 =	vld [tilespmem:s9+$0x6440]  }
0x1c6: {  	v6 =	vld [tilespmem:s9+$0x6450]  }
0x1c7: {  	v7 =	vld [tilespmem:s9+$0x6460]  }
0x1c8: {  	v8 =	vld [tilespmem:s9+$0x6470]  }
0x1c9: {  	v9 =	vld [tilespmem:s9+$0x6480]  }
0x1ca: {  	v10 =	vld [tilespmem:s9+$0x6490]  }
0x1cb: {  	v11 =	vld [tilespmem:s9+$0x64A0]  }
0x1cc: {  	v12 =	vld [tilespmem:s9+$0x64B0]  }
0x1cd: {  	v13 =	vld [tilespmem:s9+$0x64C0]  }
0x1ce: {  	v14 =	vld [tilespmem:s9+$0x64D0]  }
0x1cf: {  	[tilespmem:s9+$0xC8F0] =	vst.add.f32.msk $0xffff, v0  }
0x1d0: {  	v0 =	vld [tilespmem:s9+$0x64E0]  }
0x1d1: {  	[tilespmem:s9+$0xC800] =	vst.add.f32.msk $0xffff, v1  }
0x1d2: {  	[tilespmem:s9+$0xC810] =	vst.add.f32.msk $0xffff, v2  }
0x1d3: {  	[tilespmem:s9+$0xC820] =	vst.add.f32.msk $0xffff, v3  }
0x1d4: {  	[tilespmem:s9+$0xC830] =	vst.add.f32.msk $0xffff, v4  }
0x1d5: {  	[tilespmem:s9+$0xC840] =	vst.add.f32.msk $0xffff, v5  }
0x1d6: {  	[tilespmem:s9+$0xC850] =	vst.add.f32.msk $0xffff, v6  }
0x1d7: {  	[tilespmem:s9+$0xC860] =	vst.add.f32.msk $0xffff, v7  }
0x1d8: {  	[tilespmem:s9+$0xC870] =	vst.add.f32.msk $0xffff, v8  }
0x1d9: {  	[tilespmem:s9+$0xC880] =	vst.add.f32.msk $0xffff, v9  }
0x1da: {  	[tilespmem:s9+$0xC890] =	vst.add.f32.msk $0xffff, v10  }
0x1db: {  	[tilespmem:s9+$0xC8A0] =	vst.add.f32.msk $0xffff, v11  }
0x1dc: {  	[tilespmem:s9+$0xC8B0] =	vst.add.f32.msk $0xffff, v12  }
0x1dd: {  	[tilespmem:s9+$0xC8C0] =	vst.add.f32.msk $0xffff, v13  }
0x1de: {  	s10 =	simm.s32 $0x0;
	s11 =	simm.s32 $0x400;
	[tilespmem:s9+$0xC8D0] =	vst.add.f32.msk $0xffff, v14  }
.LBB2_13:
0x1df: {  	s10 =	sadd.s32 $0x4, s10;
	[tilespmem:s9+$0xC8E0] =	vst.add.f32.msk $0xffff, v0;
	s9 =	sshra.s32 s11, $0x2  }
0x1e0: {  	v0 =	vld [tilespmem:s9+$0x64F0];
	p0 =	slt.u32 s10, $0xC4  }
0x1e1: {  	v1 =	vld [tilespmem:s9+$0x6400]  }
0x1e2: {  	v2 =	vld [tilespmem:s9+$0x6410]  }
0x1e3: {  	v3 =	vld [tilespmem:s9+$0x6420]  }
0x1e4: {  	v4 =	vld [tilespmem:s9+$0x6430]  }
0x1e5: {  	[tilespmem:s9+$0xC8F0] =	vst.add.f32.msk $0xffff, v0  }
0x1e6: {  	v5 =	vld [tilespmem:s9+$0x6440]  }
0x1e7: {  	v6 =	vld [tilespmem:s9+$0x6450]  }
0x1e8: {  	v7 =	vld [tilespmem:s9+$0x6460]  }
0x1e9: {  	v8 =	vld [tilespmem:s9+$0x6470]  }
0x1ea: {  	v9 =	vld [tilespmem:s9+$0x6480]  }
0x1eb: {  	v10 =	vld [tilespmem:s9+$0x6490]  }
0x1ec: {  	v11 =	vld [tilespmem:s9+$0x64A0]  }
0x1ed: {  	v12 =	vld [tilespmem:s9+$0x64B0]  }
0x1ee: {  	v13 =	vld [tilespmem:s9+$0x64C0]  }
0x1ef: {  	v14 =	vld [tilespmem:s9+$0x64D0]  }
0x1f0: {  	v0 =	vld [tilespmem:s9+$0x64E0]  }
0x1f1: {  	[tilespmem:s9+$0xC800] =	vst.add.f32.msk $0xffff, v1  }
0x1f2: {  	[tilespmem:s9+$0xC810] =	vst.add.f32.msk $0xffff, v2  }
0x1f3: {  	[tilespmem:s9+$0xC820] =	vst.add.f32.msk $0xffff, v3  }
0x1f4: {  	[tilespmem:s9+$0xC830] =	vst.add.f32.msk $0xffff, v4  }
0x1f5: {  	[tilespmem:s9+$0xC840] =	vst.add.f32.msk $0xffff, v5  }
0x1f6: {  	[tilespmem:s9+$0xC850] =	vst.add.f32.msk $0xffff, v6  }
0x1f7: {  	[tilespmem:s9+$0xC860] =	vst.add.f32.msk $0xffff, v7  }
0x1f8: {  	[tilespmem:s9+$0xC870] =	vst.add.f32.msk $0xffff, v8  }
0x1f9: {  	[tilespmem:s9+$0xC880] =	vst.add.f32.msk $0xffff, v9  }
.Ltmp7:
0x1fa: {  	[tilespmem:s9+$0xC890] =	vst.add.f32.msk $0xffff, v10;
	(pc) =	sbr.rel @p0 .LBB2_13-.Ltmp7, $4  }
0x1fb: {  	[tilespmem:s9+$0xC8A0] =	vst.add.f32.msk $0xffff, v11  }
0x1fc: {  	[tilespmem:s9+$0xC8B0] =	vst.add.f32.msk $0xffff, v12  }
0x1fd: {  	[tilespmem:s9+$0xC8C0] =	vst.add.f32.msk $0xffff, v13  }
0x1fe: {  	s11 =	sadd.s32 $0x400, s11;
	[tilespmem:s9+$0xC8D0] =	vst.add.f32.msk $0xffff, v14  }
0x1ff: {  	s8 =	sadd.s32 s8, s3  }
0x200: {  	s8 =	smul.u32 $0xC80, s8;
	_ =	sdelay $0x1  }
0x201: {  	p0 =	seq.s32 s6, $0x1F;
	s8 =	sadd.s32 s5, s8  }
0x202: {  	[tilespmem:s9+$0xC8E0] =	vst.add.f32.msk $0xffff, v0;
	s9 =	simm.s32 @!p0 $0x5;
	s12 =	sadd.s32 $0xC80, s8  }
0x203: {  	[hbm4b:s12+s29] =	stream.strided.scatter [tilespmem:s21], [sflag:$0x6], $0x3200, s30, s29, $0x38;
	[tilespmem:$0x15E00] =	vst v63  }
0x204: {  	s10 =	smul.u32 @!p0 $0xC80, s6;
	_ =	swait.ge @!p0 [sflag:s9], $0x3200  }
0x205: {  	[sflag:s9] =	ssyncset.done @!p0 $0x0  }
0x206: {  	[sflag:s9] =	ssyncadd.s32 @!p0 $0xFFFFCE00;
	s9 =	sshra.s32 @!p0 s10, $0x2  }
0x207: {  	s11 =	simm.s32 @!p0 $0x68;
	s12 =	simm.s32 @!p0 $0x9600;
	s10 =	sadd.s32 @!p0 $0x320, s9  }
0x208: {  	[tilespmem:s12], [sflag:$0x1] =	stream.indirect.gather @!p0 [hbm4b:s4+s11], $0x40, s10, s11, $0xb8;
	[tilespmem:$0x15E00] =	vst v63  }
0x209: {  	s10 =	sadd.s32 @!p0 $0x388, s9;
	s11 =	simm.s32 @!p0 $0x60;
	s12 =	simm.s32 @!p0 $0xB000  }
0x20a: {  	[tilespmem:s12], [sflag:$0x1] =	stream.indirect.gather @!p0 [hbm4b:s4+s11], $0x40, s10, s11, $0xb8;
	[tilespmem:$0x15E00] =	vst v63  }
0x20b: {  	_ =	swait.ge [sflag:s26], $0x1A00  }
0x20c: {  	[sflag:s26] =	ssyncset.done $0x0  }
0x20d: {  	[sflag:s26] =	ssyncadd.s32 $0xFFFFE600  }
0x20e: {  	_ =	swait.ge [sflag:s26], $0x1800  }
0x20f: {  	[sflag:s26] =	ssyncset.done $0x0  }
0x210: {  	s10 =	simm.s32 $0x0;
	[sflag:s26] =	ssyncadd.s32 $0xFFFFE800  }
0x211: {  	v0 =	vld [tilespmem:s10+$0x64F0]  }
0x212: {  	v1 =	vld [tilespmem:s10+$0x6400]  }
0x213: {  	v2 =	vld [tilespmem:s10+$0x6410]  }
0x214: {  	v3 =	vld [tilespmem:s10+$0x6420]  }
0x215: {  	v4 =	vld [tilespmem:s10+$0x6430]  }
0x216: {  	v5 =	vld [tilespmem:s10+$0x6440]  }
0x217: {  	v6 =	vld [tilespmem:s10+$0x6450]  }
0x218: {  	v7 =	vld [tilespmem:s10+$0x6460]  }
0x219: {  	v8 =	vld [tilespmem:s10+$0x6470]  }
0x21a: {  	v9 =	vld [tilespmem:s10+$0x6480]  }
0x21b: {  	v10 =	vld [tilespmem:s10+$0x6490]  }
0x21c: {  	v11 =	vld [tilespmem:s10+$0x64A0]  }
0x21d: {  	v12 =	vld [tilespmem:s10+$0x64B0]  }
0x21e: {  	v13 =	vld [tilespmem:s10+$0x64C0]  }
0x21f: {  	v14 =	vld [tilespmem:s10+$0x64D0]  }
0x220: {  	[tilespmem:s10+$0xFAF0] =	vst.add.f32.msk $0xffff, v0  }
0x221: {  	v0 =	vld [tilespmem:s10+$0x64E0]  }
0x222: {  	[tilespmem:s10+$0xFA00] =	vst.add.f32.msk $0xffff, v1  }
0x223: {  	[tilespmem:s10+$0xFA10] =	vst.add.f32.msk $0xffff, v2  }
0x224: {  	[tilespmem:s10+$0xFA20] =	vst.add.f32.msk $0xffff, v3  }
0x225: {  	[tilespmem:s10+$0xFA30] =	vst.add.f32.msk $0xffff, v4  }
0x226: {  	[tilespmem:s10+$0xFA40] =	vst.add.f32.msk $0xffff, v5  }
0x227: {  	[tilespmem:s10+$0xFA50] =	vst.add.f32.msk $0xffff, v6  }
0x228: {  	[tilespmem:s10+$0xFA60] =	vst.add.f32.msk $0xffff, v7  }
0x229: {  	[tilespmem:s10+$0xFA70] =	vst.add.f32.msk $0xffff, v8  }
0x22a: {  	[tilespmem:s10+$0xFA80] =	vst.add.f32.msk $0xffff, v9  }
0x22b: {  	[tilespmem:s10+$0xFA90] =	vst.add.f32.msk $0xffff, v10  }
0x22c: {  	[tilespmem:s10+$0xFAA0] =	vst.add.f32.msk $0xffff, v11  }
0x22d: {  	[tilespmem:s10+$0xFAB0] =	vst.add.f32.msk $0xffff, v12  }
0x22e: {  	[tilespmem:s10+$0xFAC0] =	vst.add.f32.msk $0xffff, v13  }
0x22f: {  	s11 =	simm.s32 $0x0;
	s12 =	simm.s32 $0x400;
	[tilespmem:s10+$0xFAD0] =	vst.add.f32.msk $0xffff, v14  }
.LBB2_15:
0x230: {  	s11 =	sadd.s32 $0x4, s11;
	[tilespmem:s10+$0xFAE0] =	vst.add.f32.msk $0xffff, v0;
	s10 =	sshra.s32 s12, $0x2  }
0x231: {  	v0 =	vld [tilespmem:s10+$0x64F0];
	p1 =	slt.u32 s11, $0xC4  }
0x232: {  	v1 =	vld [tilespmem:s10+$0x6400]  }
0x233: {  	v2 =	vld [tilespmem:s10+$0x6410]  }
0x234: {  	v3 =	vld [tilespmem:s10+$0x6420]  }
0x235: {  	v4 =	vld [tilespmem:s10+$0x6430]  }
0x236: {  	[tilespmem:s10+$0xFAF0] =	vst.add.f32.msk $0xffff, v0  }
0x237: {  	v5 =	vld [tilespmem:s10+$0x6440]  }
0x238: {  	v6 =	vld [tilespmem:s10+$0x6450]  }
0x239: {  	v7 =	vld [tilespmem:s10+$0x6460]  }
0x23a: {  	v8 =	vld [tilespmem:s10+$0x6470]  }
0x23b: {  	v9 =	vld [tilespmem:s10+$0x6480]  }
0x23c: {  	v10 =	vld [tilespmem:s10+$0x6490]  }
0x23d: {  	v11 =	vld [tilespmem:s10+$0x64A0]  }
0x23e: {  	v12 =	vld [tilespmem:s10+$0x64B0]  }
0x23f: {  	v13 =	vld [tilespmem:s10+$0x64C0]  }
0x240: {  	v14 =	vld [tilespmem:s10+$0x64D0]  }
0x241: {  	v0 =	vld [tilespmem:s10+$0x64E0]  }
0x242: {  	[tilespmem:s10+$0xFA00] =	vst.add.f32.msk $0xffff, v1  }
0x243: {  	[tilespmem:s10+$0xFA10] =	vst.add.f32.msk $0xffff, v2  }
0x244: {  	[tilespmem:s10+$0xFA20] =	vst.add.f32.msk $0xffff, v3  }
0x245: {  	[tilespmem:s10+$0xFA30] =	vst.add.f32.msk $0xffff, v4  }
0x246: {  	[tilespmem:s10+$0xFA40] =	vst.add.f32.msk $0xffff, v5  }
0x247: {  	[tilespmem:s10+$0xFA50] =	vst.add.f32.msk $0xffff, v6  }
0x248: {  	[tilespmem:s10+$0xFA60] =	vst.add.f32.msk $0xffff, v7  }
0x249: {  	[tilespmem:s10+$0xFA70] =	vst.add.f32.msk $0xffff, v8  }
0x24a: {  	[tilespmem:s10+$0xFA80] =	vst.add.f32.msk $0xffff, v9  }
.Ltmp8:
0x24b: {  	[tilespmem:s10+$0xFA90] =	vst.add.f32.msk $0xffff, v10;
	(pc) =	sbr.rel @p1 .LBB2_15-.Ltmp8, $4  }
0x24c: {  	[tilespmem:s10+$0xFAA0] =	vst.add.f32.msk $0xffff, v11  }
0x24d: {  	[tilespmem:s10+$0xFAB0] =	vst.add.f32.msk $0xffff, v12  }
0x24e: {  	[tilespmem:s10+$0xFAC0] =	vst.add.f32.msk $0xffff, v13  }
0x24f: {  	s12 =	sadd.s32 $0x400, s12;
	[tilespmem:s10+$0xFAD0] =	vst.add.f32.msk $0xffff, v14  }
0x250: {  	[tilespmem:s10+$0xFAE0] =	vst.add.f32.msk $0xffff, v0;
	s8 =	sadd.s32 $0x1900, s8  }
0x251: {  	[hbm4b:s8+s29] =	stream.strided.scatter [tilespmem:s25], [sflag:$0x7], $0x3200, s30, s29, $0x38;
	[tilespmem:$0x15E00] =	vst v63  }
0x252: {  	s8 =	simm.s32 @!p0 $0x6  }
0x253: {  	_ =	swait.ge @!p0 [sflag:s8], $0x3200  }
0x254: {  	s10 =	simm.s32 @!p0 $0x68;
	[sflag:s8] =	ssyncset.done @!p0 $0x0  }
0x255: {  	s11 =	simm.s32 @!p0 $0xC800;
	[sflag:s8] =	ssyncadd.s32 @!p0 $0xFFFFCE00;
	s8 =	sadd.s32 @!p0 $0x3E8, s9  }
0x256: {  	[tilespmem:s11], [sflag:$0x2] =	stream.indirect.gather @!p0 [hbm4b:s4+s10], $0x40, s8, s10, $0xb8;
	[tilespmem:$0x15E00] =	vst v63  }
0x257: {  	s8 =	sadd.s32 @!p0 $0x450, s9;
	s9 =	simm.s32 @!p0 $0x60;
	s10 =	simm.s32 @!p0 $0xE200  }
0x258: {  	[tilespmem:s10], [sflag:$0x2] =	stream.indirect.gather @!p0 [hbm4b:s4+s9], $0x40, s8, s9, $0xb8;
	[tilespmem:$0x15E00] =	vst v63  }
0x259: {  	_ =	swait.ge [sflag:s24], $0x1A00  }
0x25a: {  	[sflag:s24] =	ssyncset.done $0x0  }
0x25b: {  	[sflag:s24] =	ssyncadd.s32 $0xFFFFE600  }
0x25c: {  	_ =	swait.ge [sflag:s24], $0x1800  }
0x25d: {  	[sflag:s24] =	ssyncset.done $0x0  }
0x25e: {  	s8 =	simm.s32 $0x0;
	[sflag:s24] =	ssyncadd.s32 $0xFFFFE800  }
0x25f: {  	v0 =	vld [tilespmem:s8+$0x64F0]  }
0x260: {  	v1 =	vld [tilespmem:s8+$0x6400]  }
0x261: {  	v2 =	vld [tilespmem:s8+$0x6410]  }
0x262: {  	v3 =	vld [tilespmem:s8+$0x6420]  }
0x263: {  	v4 =	vld [tilespmem:s8+$0x6430]  }
0x264: {  	v5 =	vld [tilespmem:s8+$0x6440]  }
0x265: {  	v6 =	vld [tilespmem:s8+$0x6450]  }
0x266: {  	v7 =	vld [tilespmem:s8+$0x6460]  }
0x267: {  	v8 =	vld [tilespmem:s8+$0x6470]  }
0x268: {  	v9 =	vld [tilespmem:s8+$0x6480]  }
0x269: {  	v10 =	vld [tilespmem:s8+$0x6490]  }
0x26a: {  	v11 =	vld [tilespmem:s8+$0x64A0]  }
0x26b: {  	v12 =	vld [tilespmem:s8+$0x64B0]  }
0x26c: {  	v13 =	vld [tilespmem:s8+$0x64C0]  }
0x26d: {  	v14 =	vld [tilespmem:s8+$0x64D0]  }
0x26e: {  	[tilespmem:s8+$0x12CF0] =	vst.add.f32.msk $0xffff, v0  }
0x26f: {  	v0 =	vld [tilespmem:s8+$0x64E0]  }
0x270: {  	[tilespmem:s8+$0x12C00] =	vst.add.f32.msk $0xffff, v1  }
0x271: {  	[tilespmem:s8+$0x12C10] =	vst.add.f32.msk $0xffff, v2  }
0x272: {  	[tilespmem:s8+$0x12C20] =	vst.add.f32.msk $0xffff, v3  }
0x273: {  	[tilespmem:s8+$0x12C30] =	vst.add.f32.msk $0xffff, v4  }
0x274: {  	[tilespmem:s8+$0x12C40] =	vst.add.f32.msk $0xffff, v5  }
0x275: {  	[tilespmem:s8+$0x12C50] =	vst.add.f32.msk $0xffff, v6  }
0x276: {  	[tilespmem:s8+$0x12C60] =	vst.add.f32.msk $0xffff, v7  }
0x277: {  	[tilespmem:s8+$0x12C70] =	vst.add.f32.msk $0xffff, v8  }
0x278: {  	[tilespmem:s8+$0x12C80] =	vst.add.f32.msk $0xffff, v9  }
0x279: {  	[tilespmem:s8+$0x12C90] =	vst.add.f32.msk $0xffff, v10  }
0x27a: {  	[tilespmem:s8+$0x12CA0] =	vst.add.f32.msk $0xffff, v11  }
0x27b: {  	[tilespmem:s8+$0x12CB0] =	vst.add.f32.msk $0xffff, v12  }
0x27c: {  	[tilespmem:s8+$0x12CC0] =	vst.add.f32.msk $0xffff, v13  }
0x27d: {  	s9 =	simm.s32 $0x0;
	s10 =	simm.s32 $0x400;
	[tilespmem:s8+$0x12CD0] =	vst.add.f32.msk $0xffff, v14  }
.LBB2_17:
0x27e: {  	s9 =	sadd.s32 $0x4, s9;
	[tilespmem:s8+$0x12CE0] =	vst.add.f32.msk $0xffff, v0;
	s8 =	sshra.s32 s10, $0x2  }
0x27f: {  	v0 =	vld [tilespmem:s8+$0x64F0];
	p1 =	slt.u32 s9, $0xC4  }
0x280: {  	v1 =	vld [tilespmem:s8+$0x6400]  }
0x281: {  	v2 =	vld [tilespmem:s8+$0x6410]  }
0x282: {  	v3 =	vld [tilespmem:s8+$0x6420]  }
0x283: {  	v4 =	vld [tilespmem:s8+$0x6430]  }
0x284: {  	[tilespmem:s8+$0x12CF0] =	vst.add.f32.msk $0xffff, v0  }
0x285: {  	v5 =	vld [tilespmem:s8+$0x6440]  }
0x286: {  	v6 =	vld [tilespmem:s8+$0x6450]  }
0x287: {  	v7 =	vld [tilespmem:s8+$0x6460]  }
0x288: {  	v8 =	vld [tilespmem:s8+$0x6470]  }
0x289: {  	v9 =	vld [tilespmem:s8+$0x6480]  }
0x28a: {  	v10 =	vld [tilespmem:s8+$0x6490]  }
0x28b: {  	v11 =	vld [tilespmem:s8+$0x64A0]  }
0x28c: {  	v12 =	vld [tilespmem:s8+$0x64B0]  }
0x28d: {  	v13 =	vld [tilespmem:s8+$0x64C0]  }
0x28e: {  	v14 =	vld [tilespmem:s8+$0x64D0]  }
0x28f: {  	v0 =	vld [tilespmem:s8+$0x64E0]  }
0x290: {  	[tilespmem:s8+$0x12C00] =	vst.add.f32.msk $0xffff, v1  }
0x291: {  	[tilespmem:s8+$0x12C10] =	vst.add.f32.msk $0xffff, v2  }
0x292: {  	[tilespmem:s8+$0x12C20] =	vst.add.f32.msk $0xffff, v3  }
0x293: {  	[tilespmem:s8+$0x12C30] =	vst.add.f32.msk $0xffff, v4  }
0x294: {  	[tilespmem:s8+$0x12C40] =	vst.add.f32.msk $0xffff, v5  }
0x295: {  	[tilespmem:s8+$0x12C50] =	vst.add.f32.msk $0xffff, v6  }
0x296: {  	[tilespmem:s8+$0x12C60] =	vst.add.f32.msk $0xffff, v7  }
0x297: {  	[tilespmem:s8+$0x12C70] =	vst.add.f32.msk $0xffff, v8  }
0x298: {  	[tilespmem:s8+$0x12C80] =	vst.add.f32.msk $0xffff, v9  }
.Ltmp9:
0x299: {  	[tilespmem:s8+$0x12C90] =	vst.add.f32.msk $0xffff, v10;
	(pc) =	sbr.rel @p1 .LBB2_17-.Ltmp9, $4  }
0x29a: {  	[tilespmem:s8+$0x12CA0] =	vst.add.f32.msk $0xffff, v11  }
0x29b: {  	[tilespmem:s8+$0x12CB0] =	vst.add.f32.msk $0xffff, v12  }
0x29c: {  	[tilespmem:s8+$0x12CC0] =	vst.add.f32.msk $0xffff, v13  }
0x29d: {  	s10 =	sadd.s32 $0x400, s10;
	[tilespmem:s8+$0x12CD0] =	vst.add.f32.msk $0xffff, v14  }
.Ltmp10:
0x29e: {  	s9 =	sadd.s32 s3, s23;
	(pc) =	sbr.rel @p0 .LBB2_20-.Ltmp10, $3  }
0x29f: {  	s9 =	smul.u32 $0xC80, s9;
	_ =	sdelay $0x1  }
0x2a0: {  	[tilespmem:s8+$0x12CE0] =	vst.add.f32.msk $0xffff, v0;
	s23 =	sadd.s32 s5, s9  }
0x2a1: {  	[hbm4b:s23+s29] =	stream.strided.scatter [tilespmem:s0], [sflag:$0x8], $0x3200, s30, s29, $0x38;
	[tilespmem:$0x15E00] =	vst v63  }
0x2a2: {  	s8 =	smul.u32 $0xC80, s6  }
0x2a3: {  	_ =	swait.ge [sflag:s1], $0x3200  }
.Ltmp11:
0x2a4: {  	[sflag:s1] =	ssyncset.done $0x0;
	s8 =	sshra.s32 s8, $0x2;
	(pc) =	sbr.rel .LBB2_10-.Ltmp11, $4  }
0x2a5: {  	[sflag:s1] =	ssyncadd.s32 $0xFFFFCE00;
	s9 =	sadd.s32 $0x4B0, s8  }
0x2a6: {  	[tilespmem:s25], [sflag:$0x3] =	stream.indirect.gather [hbm4b:s4+s16], $0x40, s9, s16, $0xb8;
	[tilespmem:$0x15E00] =	vst v63  }
0x2a7: {  	s6 =	sadd.s32 $0x1, s6;
	s8 =	sadd.s32 $0x518, s8  }
0x2a8: {  	[tilespmem:s28], [sflag:$0x3] =	stream.indirect.gather [hbm4b:s4+s18], $0x40, s8, s18, $0xb8;
	[tilespmem:$0x15E00] =	vst v63  }
.LBB2_21:
0x2a9: {  	_ =	sfence.sel $0x180000  }
0x2aa: {  	[bflag:$0x0] =	sbarrier.arrive $0xFFFF  }
0x2ab: {  	_ =	strace $0x90000047  }
0x2ac: {  	s0 =	stileid.u32;
	[bflag:$0x2] =	sbarrier.arrive $0xFFFF  }
0x2ad: {  	p0 =	sne.s32 s0, $0x0;
	s0 =	rddreg [dreg:$0x2]  }
0x2ae: {  	s0 =	sadd.s32 @!p0 $0x100000, s0  }
0x2af: {  	[sflag:s0] =	ssyncadd.tile.s32 @!p0 $0x1;
	_ =	shalt  }
.Lfunc_end2:
_tile_overlayer_lowered:
.L_overlay_start_2:
0x2b0: {  	(tag) =	ssettag $0x2  }
0x2b1: {  	s0 =	rddreg [dreg:$0x0];
	s2 =	stileid.u32  }
0x2b2: {  	s1 =	rddreg [dreg:$0x1];
	p0 =	sne.s32 s2, $0x0  }
0x2b3: {  	s3 =	rddreg [dreg:$0x2];
	[bflag:$0x3] =	sbarrier.arrive $0xFFFF;
	s2 =	simm.s32 @!p0 $0x1C09  }
0x2b4: {  	[timem:s3], [sflag:s2] =	dma.local @!p0 [hbm:s0], s1  }
0x2b5: {  	s0 =	simm.s32 @!p0 $0x9  }
0x2b6: {  	_ =	swait.ge @!p0 [sflag:s0], s1  }
0x2b7: {  	s1 =	ssub.s32 @!p0 $0x0, s1;
	[sflag:s0] =	ssyncset.done @!p0 $0x0  }
0x2b8: {  	[sflag:s0] =	ssyncadd.s32 @!p0 s1  }
0x2b9: {  	[bflag:$0x3] =	sbarrier.arrive $0xFFFF  }
0x2ba: {  	_ =	shalt  }

// kernel: sparse-core-data-format-call.cloned.1.call-start
scs
called_computation_lowered:
.L_overlay_start_0:
0x0: {  	s2 =	sld [smem:$0x3FD9]  }
0x1: {  	s3 =	sld [smem:$0x3FFE];
	_ =	sdelay $0x1  }
0x2: {  	s1 =	srdreg.scid  }
0x3: {  	s0 =	sand.u32 $0x1, s1  }
0x4: {  	s18 =	sshll.u32 s0, $0xA;
	s2 =	sadd.s32 s3, s2  }
0x5: {  	s2 =	sadd.s32 s2, s18  }
0x6: {  	[smem:$0x3FC5] =	sst s2  }
0x7: {  	_ = 	snop  }
0x8: {  	s2 =	sld [smem:$0x3FD0];
	(tm) =	ssettm $0x1  }
0x9: {  	s19 =	sld [smem:$0x3FFB];
	_ =	sdelay $0x3  }
0xa: {  	_ =	strace s19  }
0xb: {  	s3 =	sld [smem:$0x3FFC];
	_ =	sdelay $0x3  }
0xc: {  	_ =	strace s3  }
0xd: {  	s3 =	sld [smem:$0x3FFD];
	_ =	sdelay $0x3  }
0xe: {  	_ =	strace s3  }
0xf: {  	_ =	strace $0x8FFFFFFF  }
0x10: {  	s20 =	sld [smem:$0x3FDB];
	_ =	sdelay $0x1  }
0x11: {  	s4 =	simm.s32 $_scs_section_size  }
0x12: {  	s5 =	simm.s32 $_size__tile_overlayer_lowered;
	s6 =	simm.s32 $_tile_overlayer_lowered  }
0x13: {  	s23 =	simm.s32 $0x1BFF;
	s22 =	sshll.u32 s6, $0x1;
	s3 =	sadd.s32 s4, s20  }
0x14: {  	s7 =	simm.s32 $0x0;
	s21 =	sshll.u32 s5, $0x1;
	s5 =	sadd.s32 s22, s3  }
0x15: {  	[timem:s7], [sflag:s23] =	dma.local [hbm:s5], s21  }
0x16: {  	_ =	swait.ge [sflag:s23], s21  }
0x17: {  	s4 =	ssub.s32 $0x0, s21;
	[sflag:s23] =	ssyncset.done $0x0  }
0x18: {  	[sflag:s23] =	ssyncadd.s32 s4;
	_ =	sdelay $0x1  }
0x19: {  	s24 =	simm.s32 $0x1B8B  }
0x1a: {  	_ =	swait.ge [sflag:s24], $0x1  }
0x1b: {  	[sflag:s24] =	ssyncset.done $0x0  }
0x1c: {  	s26 =	simm.s32 $0x1B8E;
	s25 =	sld [smem:$0x3FFE];
	[sflag:s24] =	ssyncadd.s32 $0xFFFFFFFF  }
0x1d: {  	s27 =	simm.s32 $execute0_lowered;
	[smem:$0x3FD2] =	sst s26  }
0x1e: {  	s5 =	sshll.u32 s27, $0x1;
	_ =	strace $0x80000049;
	[dreg:$0x1] =	wrdreg $0xFFFFFFFF  }
0x1f: {  	s28 =	simm.s32 $_size_execute0_lowered;
	s3 =	sadd.s32 s3, s5;
	[dreg:$0x0] =	wrdreg $0x0  }
0x20: {  	s5 =	sshll.u32 s28, $0x1;
	[dreg:$0x2] =	wrdreg s3  }
0x21: {  	[dreg:$0x3] =	wrdreg s5  }
0x22: {  	[dreg:$0x4] =	wrdreg $0xC0  }
0x23: {  	_ =	task [dreg:s7], $0x5FFFF  }
0x24: {  	[dreg:$0x1] =	wrdreg $0xFFFFFFFF  }
0x25: {  	[dreg:$0x0] =	wrdreg $0x60  }
0x26: {  	[dreg:$0x2] =	wrdreg s25  }
0x27: {  	[dreg:$0x3] =	wrdreg s2  }
0x28: {  	[dreg:$0x4] =	wrdreg $0x9  }
0x29: {  	_ =	task.clear_ibuf [dreg:s7], $0x5FFFF;
	_ =	strace $0x90000049  }
0x2a: {  	s29 =	simm.s32 $0x9;
	_ =	strace $0x8000004B  }
0x2b: {  	_ =	swait.ge [sflag:s29], $0x1  }
0x2c: {  	[sflag:s29] =	ssyncadd.s32 $0xFFFFFFFF  }
0x2d: {  	_ =	strace $0x9000004B  }
0x2e: {  	_ =	sfence  }
0x2f: {  	s30 =	sld [smem:$0x0];
	_ =	sdelay $0x2  }
0x30: {  	s31 =	sshll.u32 s1, $0xD;
	s1 =	sshrl.u32 s1, $0x2  }
0x31: {  	s3 =	sand.u32 $0x4000, s31;
	s1 =	sadd.s32 s1, s30  }
0x32: {  	s0 =	sor.u32 s3, s0;
	s1 =	sshll.u32 s1, $0x11  }
0x33: {  	s0 =	sor.u32 s1, s0  }
0x34: {  	s0 =	sadd.s32 $0x8F2B, s0  }
0x35: {  	[sflag:s0] =	ssyncadd.remote.s32 $0x1  }
0x36: {  	_ =	sfence.sel $0xFFFF  }
0x37: {  	[dreg:$0x0] =	wrdreg $0xFFFFFFFF;
	(pc) =	sbr.abs _section_cstart, $3  }
0x38: {  	[dreg:$0x1] =	wrdreg $0xFFFFFFFF  }
0x39: {  	_ =	task.clear_ibuf [dreg:s7], $0x2FFFF;
	_ =	strace $0x9FFFFFFF  }
0x3a: {  	(tm) =	ssettm $0x7FFFFFFF  }
0x3b: {  	_ =	shalt  }
tec
execute0_lowered:
.L_overlay_start_1:
0x0: {  	(tag) =	ssettag $0x1  }
0x1: {  	s0 =	srdreg.scid  }
0x2: {  	s1 =	sshll.u32 s0, $0x4  }
0x3: {  	s0 =	stileid.u32;
	s1 =	sand.u32 $0x10, s1  }
0x4: {  	s1 =	sor.u32 s0, s1  }
0x5: {  	s6 =	rddreg [dreg:$0x0];
	s4 =	simm.s32 $0x1;
	s2 =	sshll.u32 s1, $0x7  }
0x6: {  	s7 =	simm.s32 $0x2;
	s12 =	simm.s32 $0x0;
	s1 =	ssub.s32 $0x1000, s2  }
0x7: {  	s8 =	simm.s32 $0x8000;
	s13 =	simm.s32 $0x0;
	s3 =	sand.u32 $0xF80, s1  }
0x8: {  	s9 =	simm.s32 $0x0;
	s5 =	sshrl.u32 s1, $0xC;
	p0 =	sne.s32 s3, $0x0  }
.Ltmp0:
0x9: {  	s1 =	rddreg [dreg:$0x2];
	s4 =	simm.s32 @!p0 $0x0;
	(pc) =	sbr.rel .LBB1_1-.Ltmp0, $4  }
0xa: {  	s11 =	simm.s32 $0x0;
	s3 =	rddreg [dreg:$0x1];
	s5 =	sadd.s32 s4, s5  }
0xb: {  	_ =	strace $0x8000004A;
	s4 =	simm.s32 $0x1;
	s5 =	smul.u32 $0xC8, s5  }
0xc: {  	s6 =	sadd.s32 $0x1C00, s6;
	s10 =	smov.u32 s2;
	[sflag:s4] =	ssyncpa.u1 $0x0  }
0xd: {  	p0 =	por $0x0, $0x0;
	[sflag:s7] =	ssyncpa.u1 $0x0;
	s7 =	sor.u32 $0x1, s5  }
.LBB1_4:
0xe: {  	s16 =	sshll.u32 s13, $0x3;
	s17 =	sand.u32 $0x78, s13  }
0xf: {  	s30 =	sand.u32 $0x7E00, s13;
	s12 =	sshll.u32 s12, $0xF;
	s16 =	sand.u32 $0xC00, s16  }
0x10: {  	[tilespmem:s15+$0x810 ss:$0x81] =	vst.msk $0xffff, v2;
	s31 =	sand.u32 $0x7, s13;
	s16 =	sor.u32 s17, s16;
	s17 =	sadd.s32 s3, s30  }
0x11: {  	[tilespmem:s15+$0x1020 ss:$0x81] =	vst.msk $0xffff, v0;
	s13 =	sshll.u32 s31, $0x12;
	s12 =	sadd.s32 s12, s17;
	s16 =	sshrl.u32 s16, $0x3  }
0x12: {  	[tilespmem:s15+$0x0 ss:$0x81] =	vst.msk $0xffff, v1;
	s13 =	sor.u32 $0x400, s13;
	s12 =	sadd.s32 s16, s12  }
0x13: {  	[hbm4b:s12+s13] =	stream.strided.scatter [tilespmem:s14], [sflag:$0x2], $0x2000, s8, s13, $0x20;
	[tilespmem:$0x8080] =	vst v63  }
.LBB1_5:
0x14: {  	s14 =	sadd.s32 $0x1, s9  }
0x15: {  	s12 =	sadd.s32 $0x1000, s10;
	s16 =	smov.u32 s10;
	p2 =	sgt.s32 s14, $0xC7  }
0x16: {  	s16 =	smov.u32 @p2 s12  }
0x17: {  	s14 =	simm.s32 @p2 $0x0;
	p2 =	sgt.s32 s16, $0xFFF  }
0x18: {  	s16 =	smov.u32 @p2 s2;
	p2 =	sne.s32 s11, s7  }
.Ltmp1:
0x19: {  	p1 =	slt.u32 s11, $0x2;
	(pc) =	sbr.rel @!p2 .LBB1_6-.Ltmp1, $4  }
0x1a: {  	s15 =	simm.s32 @!p1 $0x2  }
0x1b: {  	s13 =	smov.u32 s10;
	p0 =	por !p0, !p0;
	_ =	swait.ge @!p1 [sflag:s15], $0x2000  }
0x1c: {  	s12 =	smov.u32 s9;
	[sflag:s15] =	ssyncset.done @!p1 $0x0;
	s9 =	smov.u32 s14  }
0x1d: {  	s11 =	sadd.s32 $0x1, s11;
	[sflag:s15] =	ssyncadd.s32 @!p1 $0xFFFFE000;
	s10 =	smov.u32 s16  }
.LBB1_1:
0x1e: {  	p1 =	sge.u32 s11, s5  }
0x1f: {  	s14 =	sand.u32 @!p1 $0x1FFFFFF, s9  }
0x20: {  	s15 =	smulhi.u32 @!p1 $0x147AE15, s14;
	_ =	sdelay $0x1  }
0x21: {  	s15 =	smul.u32 @!p1 $0xC8, s15  }
0x22: {  	s16 =	sxor.u32 @!p1 $0xFFFFFFFF, s11;
	s17 =	smul.u32 @!p1 $0xC80, s10  }
0x23: {  	s31 =	sadd.s32 $0xFFFFFFFF, s11;
	s16 =	sshll.u32 @!p1 s16, $0xD;
	s14 =	ssub.s32 @!p1 s14, s15  }
0x24: {  	s15 =	sand.u32 @!p1 $0x2000, s16;
	s16 =	sadd.s32 @!p1 s6, s17;
	s14 =	sshll.u32 @!p1 s14, $0x4  }
0x25: {  	s17 =	simm.s32 @!p1 $0x6400;
	s14 =	sadd.s32 @!p1 s14, s16;
	s16 =	simm.s32 @!p1 $0x40  }
0x26: {  	[tilespmem:s15], [sflag:$0x1] =	stream.strided.gather @!p1 [hbm4b:s14+s16], $0x2000, s17, s16, $0x38;
	[tilespmem:$0x8080] =	vst v63  }
0x27: {  	p1 =	sge.u32 s31, s5  }
.Ltmp2:
0x28: {  	_ = 	snop;
	(pc) =	sbr.rel @p1 .LBB1_5-.Ltmp2, $1  }
0x29: {  	_ =	sdelay $0x3  }
0x2a: {  	s14 =	simm.s32 $0x1  }
0x2b: {  	_ =	swait.ge [sflag:s4], $0x2000;
	s14 =	simm.s32 @!p0 $0x0  }
0x2c: {  	[sflag:s4] =	ssyncset.done $0x0;
	s15 =	sshll.u32 s14, $0xD  }
0x2d: {  	[sflag:s4] =	ssyncadd.s32 $0xFFFFE000;
	s18 =	sor.u32 $0x20, s15  }
0x2e: {  	s14 =	smul.u32 $0x8100, s14;
	v3 =	vld [tilespmem:s18+$0x10]  }
0x2f: {  	s30 =	sand.u32 $0x1, s11;
	v2 =	vld [tilespmem:s18+$0xFFFFFFF0]  }
0x30: {  	s15 =	smul.u32 $0x8100, s30;
	s14 =	sshrl.u32 s14, $0x2;
	v0 =	vld [tilespmem:s18+$0x0]  }
0x31: {  	v1 =	vld [tilespmem:s18+$0xFFFFFFE0];
	s16 =	sor.u32 $0x4000, s14  }
0x32: {  	s31 =	sshrl.u32 s15, $0x2;
	s15 =	sadd.s32 $0x0, s16  }
0x33: {  	s17 =	simm.s32 $0x4;
	s18 =	sadd.s32 $0x40, s18;
	s14 =	sor.u32 $0x4000, s31;
	[tilespmem:s15+$0x1830 ss:$0x81] =	vst.msk $0xffff, v3  }
.LBB1_3:
0x34: {  	v3 =	vld [tilespmem:s18+$0x10];
	p1 =	sne.s32 s17, $0x1FC;
	[tilespmem:s15+$0x810 ss:$0x81] =	vst.msk $0xffff, v2;
	s19 =	smov.u32 s17;
	s17 =	sadd.s32 $0x4, s17  }
.Ltmp3:
0x35: {  	v2 =	vld [tilespmem:s18+$0xFFFFFFF0];
	[tilespmem:s15+$0x1020 ss:$0x81] =	vst.msk $0xffff, v0;
	(pc) =	sbr.rel @p1 .LBB1_3-.Ltmp3, $4  }
0x36: {  	v0 =	vld [tilespmem:s18+$0x0];
	[tilespmem:s15+$0x0 ss:$0x81] =	vst.msk $0xffff, v1  }
0x37: {  	s15 =	sshra.s32 s19, $0x2;
	v1 =	vld [tilespmem:s18+$0xFFFFFFE0]  }
0x38: {  	s15 =	sadd.s32 s15, s16  }
0x39: {  	s18 =	sadd.s32 $0x40, s18;
	[tilespmem:s15+$0x1830 ss:$0x81] =	vst.msk $0xffff, v3  }
.Ltmp4:
0x3a: {  	_ = 	snop;
	(pc) =	sbr.rel .LBB1_4-.Ltmp4, $1  }
0x3b: {  	_ =	sdelay $0x3  }
.LBB1_6:
0x3c: {  	_ =	sfence.sel $0x180000  }
0x3d: {  	s2 =	simm.s32 $0x1;
	[bflag:$0x0] =	sbarrier.arrive $0xFFFF  }
0x3e: {  	s31 =	simm.s32 $0x2;
	[sflag:s2] =	ssyncpa.u1 $0x1  }
0x3f: {  	[sflag:s31] =	ssyncpa.u1 $0x1  }
0x40: {  	p0 =	sne.s32 s0, $0x0;
	_ =	strace $0x9000004A  }
0x41: {  	s0 =	sadd.s32 @!p0 $0x100000, s1;
	[bflag:$0x2] =	sbarrier.arrive $0xFFFF  }
0x42: {  	[sflag:s0] =	ssyncadd.tile.s32 @!p0 $0x1;
	_ =	shalt  }
.Lfunc_end1:
_tile_overlayer_lowered:
.L_overlay_start_2:
0x43: {  	(tag) =	ssettag $0x2  }
0x44: {  	s0 =	rddreg [dreg:$0x0];
	s2 =	stileid.u32  }
0x45: {  	s1 =	rddreg [dreg:$0x1];
	p0 =	sne.s32 s2, $0x0  }
0x46: {  	s3 =	rddreg [dreg:$0x2];
	[bflag:$0x3] =	sbarrier.arrive $0xFFFF;
	s2 =	simm.s32 @!p0 $0x1C01  }
0x47: {  	[timem:s3], [sflag:s2] =	dma.local @!p0 [hbm:s0], s1  }
0x48: {  	s0 =	simm.s32 @!p0 $0x1  }
0x49: {  	_ =	swait.ge @!p0 [sflag:s0], s1  }
0x4a: {  	s1 =	ssub.s32 @!p0 $0x0, s1;
	[sflag:s0] =	ssyncset.done @!p0 $0x0  }
0x4b: {  	[sflag:s0] =	ssyncadd.s32 @!p0 s1  }
0x4c: {  	[bflag:$0x3] =	sbarrier.arrive $0xFFFF  }
0x4d: {  	_ =	shalt  }

</sc_bundles>
